<compile_context>
chip_gen: v7x
topology: tpu7x:2x2x1
jax: 0.10.2.dev20260603
libtpu: 0.0.44.dev20260713+nightly
codegen_flags: <defaults>
</compile_context>

<pallas_src>
import functools

import jax
import jax.numpy as jnp
import numpy as np
from jax import lax
from jax.experimental import pallas as pl
from jax.experimental.pallas import tpu as pltpu
from jax.experimental.pallas import tpu_sc as plsc

ANGSTROM_TO_BOHR = 1.8897261258369282
N_NODES = 100000
N_EDGES = 3200000
NUM_ELEMENTS = 100
EMBED_DIM = 16
NUM_RBF = 16
R_MAX_BOHR = 7.56

NC = 2
NS = 16
NW = NC * NS

N_PAD = 102400
ROWS_W = N_PAD // NW
NGROUP_W = ROWS_W // 128
E_PAD = 3211264
EDGES_W = E_PAD // NW
EBLK = 16384
CHUNK = 512
GPC = CHUNK // 128
NCHUNK = EDGES_W // CHUNK

ROWS_TILE = N_PAD // NS
SPAN_PIECES = [(i * CHUNK, CHUNK) for i in range(12)] + [(6144, 256)]


def _mesh():
    return plsc.VectorSubcoreMesh(core_axis_name="c", subcore_axis_name="s",
                                  num_cores=NC, num_subcores=NS)


_SC_PARAMS = pltpu.CompilerParams(use_tc_tiling_on_sc=False)


def _h_gather_body(elem_hbm, table_hbm, h_hbm, idx_a, idx_b, rows_v, sem):
    c = lax.axis_index("c")
    s = lax.axis_index("s")
    wid = c * NS + s
    base = pl.multiple_of(wid * ROWS_W, 128)
    idx = [idx_a, idx_b]
    pltpu.sync_copy(elem_hbm.at[pl.ds(base, 128)], idx_a)
    descs = [None, None]
    for g in range(NGROUP_W):
        nb = (g + 1) % 2
        if g + 1 < NGROUP_W:
            if descs[nb] is not None:
                descs[nb].wait()
                descs[nb] = None
            pltpu.sync_copy(elem_hbm.at[pl.ds(base + (g + 1) * 128, 128)],
                            idx[nb])
        descs[g % 2] = pltpu.async_copy(
            table_hbm.at[idx[g % 2]],
            rows_v.at[pl.ds(g * 128, 128), :], sem)
    for d in descs:
        if d is not None:
            d.wait()
    pltpu.sync_copy(rows_v, h_hbm.at[pl.ds(base, ROWS_W), :])


def _h_gather(elem_pad, table):
    return pl.kernel(
        _h_gather_body,
        out_type=jax.ShapeDtypeStruct((N_PAD, EMBED_DIM), jnp.float32),
        mesh=_mesh(),
        scratch_types=[
            pltpu.VMEM((128,), jnp.int32),
            pltpu.VMEM((128,), jnp.int32),
            pltpu.VMEM((ROWS_W, EMBED_DIM), jnp.float32),
            pltpu.SemaphoreType.DMA,
        ],
        compiler_params=_SC_PARAMS,
    )(elem_pad, table)


_R_MIN = 0.5 * ANGSTROM_TO_BOHR
_WIDTH = (R_MAX_BOHR - _R_MIN) / NUM_RBF
_CENTERS = np.linspace(_R_MIN, R_MAX_BOHR, NUM_RBF, dtype=np.float32)


def _filter_body(d_ref, w1_ref, b1_ref, w2_ref, b2_ref, out_ref):
    d = d_ref[0, 0, :]
    step = np.float32((R_MAX_BOHR - _R_MIN) / (NUM_RBF - 1))
    k = lax.broadcasted_iota(jnp.int32, (EBLK, NUM_RBF), 1).astype(jnp.float32)
    centers = np.float32(_R_MIN) + k * step
    t = (d[:, None] - centers) * np.float32(1.0 / _WIDTH)
    rbf = jnp.exp(np.float32(-0.5) * t * t)
    z = jnp.dot(rbf, w1_ref[...],
                preferred_element_type=jnp.float32) + b1_ref[0, :]
    zs = z * (np.float32(1.0) / (np.float32(1.0) + jnp.exp(-z)))
    out_ref[...] = jnp.dot(zs, w2_ref[...],
                           preferred_element_type=jnp.float32) + b2_ref[0, :]


def _filter_net(d2, W1, b1, W2, b2):
    nblk = E_PAD // EBLK
    return pl.pallas_call(
        _filter_body,
        grid=(nblk,),
        in_specs=[
            pl.BlockSpec((1, 1, EBLK), lambda i: (i, 0, 0)),
            pl.BlockSpec((NUM_RBF, EMBED_DIM), lambda i: (0, 0)),
            pl.BlockSpec((1, EMBED_DIM), lambda i: (0, 0)),
            pl.BlockSpec((EMBED_DIM, EMBED_DIM), lambda i: (0, 0)),
            pl.BlockSpec((1, EMBED_DIM), lambda i: (0, 0)),
        ],
        out_specs=pl.BlockSpec((EBLK, EMBED_DIM), lambda i: (i, 0)),
        out_shape=jax.ShapeDtypeStruct((E_PAD, EMBED_DIM), jnp.float32),
    )(d2, W1, b1.reshape(1, EMBED_DIM), W2, b2.reshape(1, EMBED_DIM))


def _edge_body(src_hbm, tgt_hbm, wf_hbm, h_hbm, p_hbm,
               idx_t, idx_s, rows, wfv, acc, sem, sem2):
    c = lax.axis_index("c")
    s = lax.axis_index("s")
    wid = c * NS + s

    def zero_row(i, carry):
        rows[i, :] = jnp.zeros((EMBED_DIM,), jnp.float32)
        return carry
    lax.fori_loop(0, CHUNK, zero_row, 0)
    for off, size in SPAN_PIECES:
        pltpu.sync_copy(rows.at[pl.ds(0, size), :],
                        acc.at[pl.ds(s * ROWS_TILE + off, size), :])
    plsc.subcore_barrier()

    base_group = wid * (EDGES_W // 128)

    @pl.loop(0, NCHUNK)
    def chunk_body(ch):
        grow = base_group + ch * GPC
        ebase = grow * 128
        pltpu.sync_copy(tgt_hbm.at[pl.ds(grow, GPC), :], idx_t)
        pltpu.sync_copy(src_hbm.at[pl.ds(grow, GPC), :], idx_s)
        pltpu.sync_copy(wf_hbm.at[pl.ds(ebase, CHUNK), :], wfv)
        descs = []
        for g in range(GPC):
            descs.append(pltpu.async_copy(
                h_hbm.at[idx_t.at[g]],
                rows.at[pl.ds(g * 128, 128), :], sem))
        sdescs = []
        for g in range(GPC):
            descs[g].wait()

            @pl.loop(0, 128, unroll=8)
            def mul_row(e):
                rows[g * 128 + e, :] = rows[g * 128 + e, :] * wfv[g * 128 + e, :]

            sdescs.append(pltpu.async_copy(
                rows.at[pl.ds(g * 128, 128), :],
                acc.at[idx_s.at[g]], sem2, add=True))
        for d in sdescs:
            d.wait()

    plsc.subcore_barrier()

    for off, size in SPAN_PIECES:
        pltpu.sync_copy(acc.at[pl.ds(s * ROWS_TILE + off, size), :],
                        rows.at[pl.ds(0, size), :])
        pltpu.sync_copy(rows.at[pl.ds(0, size), :],
                        p_hbm.at[c, pl.ds(s * ROWS_TILE + off, size), :])


def _edge_aggregate(src2d, tgt2d, wf, h_pad):
    return pl.kernel(
        _edge_body,
        out_type=jax.ShapeDtypeStruct((NC, N_PAD, EMBED_DIM), jnp.float32),
        mesh=_mesh(),
        scratch_types=[
            pltpu.VMEM((GPC, 128), jnp.int32),
            pltpu.VMEM((GPC, 128), jnp.int32),
            pltpu.VMEM((CHUNK, EMBED_DIM), jnp.float32),
            pltpu.VMEM((CHUNK, EMBED_DIM), jnp.float32),
            pltpu.VMEM_SHARED((N_PAD, EMBED_DIM), jnp.float32),
            pltpu.SemaphoreType.DMA,
            pltpu.SemaphoreType.DMA,
        ],
        compiler_params=_SC_PARAMS,
    )(src2d, tgt2d, wf, h_pad)


def _combine_body(h_ref, p_ref, out_ref):
    out_ref[...] = h_ref[...] + p_ref[0] + p_ref[1]


def _combine(h_pad, partials):
    h2 = h_pad.reshape(N_PAD // 8, 128)
    p2 = partials.reshape(NC, N_PAD // 8, 128)
    nrow = N_PAD // 8
    blk = 1280
    out = pl.pallas_call(
        _combine_body,
        grid=(nrow // blk,),
        in_specs=[
            pl.BlockSpec((blk, 128), lambda i: (i, 0)),
            pl.BlockSpec((NC, blk, 128), lambda i: (0, i, 0)),
        ],
        out_specs=pl.BlockSpec((blk, 128), lambda i: (i, 0)),
        out_shape=jax.ShapeDtypeStruct((nrow, 128), jnp.float32),
    )(h2, p2)
    return out.reshape(N_PAD, EMBED_DIM)[:N_NODES]


@jax.jit
def kernel(elem_idx, edge_index, distances, embed_table, W1, b1, W2, b2):
    elem_pad = jnp.pad(elem_idx, (0, N_PAD - N_NODES))

    src = edge_index[0]
    tgt = edge_index[1]
    epad = E_PAD - N_EDGES
    src_pad = jnp.pad(src, (0, epad), constant_values=N_NODES)
    tgt_pad = jnp.pad(tgt, (0, epad))
    d_pad = jnp.pad(distances, (0, epad))
    src2d = src_pad.reshape(E_PAD // 128, 128)
    tgt2d = tgt_pad.reshape(E_PAD // 128, 128)
    d2 = d_pad.reshape(E_PAD // EBLK, 1, EBLK)

    h_pad = _h_gather(elem_pad, embed_table)
    wf = _filter_net(d2, W1, b1, W2, b2)
    partials = _edge_aggregate(src2d, tgt2d, wf, h_pad)
    return _combine(h_pad, partials)

# --- scband reference (transcript-rebuilt; emitter-appended) ---
"""Pipeline reference for scband-environment-encoder-68582037783107 (READ-ONLY COPY).

The authoritative reference and input builder live on the scoring server;
editing this copy changes nothing except your own understanding.
"""

import jax, jax.numpy as jnp
import numpy as np

ANGSTROM_TO_BOHR = 1.8897261258369282
N_NODES = 100000
N_EDGES = 3200000
NUM_ELEMENTS = 100
EMBED_DIM = 16
NUM_RBF = 16
R_MAX_BOHR = 7.56


def setup_inputs(seed: int = 0) -> dict:
    key = jax.random.key(seed)
    k1, k2, k3, k4, k5, k6, k7, k8 = jax.random.split(key, 8)
    elem_idx = jax.random.randint(k1, (N_NODES,), 0, NUM_ELEMENTS, dtype=jnp.int32)
    edge_index = jax.random.randint(k2, (2, N_EDGES), 0, N_NODES, dtype=jnp.int32)
    distances = jax.random.uniform(k3, (N_EDGES,), dtype=jnp.float32)
    embed_table = jax.random.normal(k4, (NUM_ELEMENTS, EMBED_DIM), dtype=jnp.float32)
    W1 = jax.random.normal(k5, (NUM_RBF, EMBED_DIM), dtype=jnp.float32) * (1.0 / np.sqrt(NUM_RBF))
    b1 = jnp.zeros((EMBED_DIM,), dtype=jnp.float32)
    W2 = jax.random.normal(k6, (EMBED_DIM, EMBED_DIM), dtype=jnp.float32) * (1.0 / np.sqrt(EMBED_DIM))
    b2 = jnp.zeros((EMBED_DIM,), dtype=jnp.float32)
    return {
        "elem_idx": elem_idx,
        "edge_index": edge_index,
        "distances": distances,
        "embed_table": embed_table,
        "W1": W1,
        "b1": b1,
        "W2": W2,
        "b2": b2,
    }


def reference(elem_idx, edge_index, distances, embed_table, W1, b1, W2, b2):
    r_min_bohr = 0.5 * ANGSTROM_TO_BOHR
    centers = jnp.linspace(r_min_bohr, R_MAX_BOHR, NUM_RBF, dtype=jnp.float32)
    width = jnp.asarray((R_MAX_BOHR - r_min_bohr) / NUM_RBF, dtype=jnp.float32)
    # node embeddings via gather
    h = jnp.take(embed_table, elem_idx, axis=0)
    # radial basis expansion of edge distances
    rbf = jnp.exp(-0.5 * ((distances[:, None] - centers[None, :]) / width) ** 2)
    # filter net: Linear -> SiLU -> Linear
    Wf = jax.nn.silu(rbf @ W1 + b1) @ W2 + b2
    src = edge_index[0]
    tgt = edge_index[1]
    # gather target-node features, modulate by edge filter
    messages = jnp.take(h, tgt, axis=0) * Wf
    # scatter-add aggregation onto source nodes
    agg = jax.ops.segment_sum(messages, src, num_segments=N_NODES)
    return h + agg

if __name__ == "__main__":
    import jax
    _d = setup_inputs()
    print(jax.jit(kernel)(*tuple(_d.values())))

</pallas_src>

<mosaic_0001>
#map = affine_map<(d0, d1) -> (0, 0)>
#map1 = affine_map<(d0, d1) -> (0, 0, 0)>
module attributes {stable_mosaic.version = 14 : i64} {
  func.func @_edge_body(%arg0: i32, %arg1: i32, %arg2: memref<25088x128xi32, #tpu.memory_space<hbm>>, %arg3: memref<25088x128xi32, #tpu.memory_space<hbm>>, %arg4: memref<3211264x16xf32, #tpu.memory_space<hbm>>, %arg5: memref<102400x16xf32, #tpu.memory_space<hbm>>, %arg6: memref<2x102400x16xf32, #tpu.memory_space<hbm>>, %arg7: memref<4x128xi32, #tpu.memory_space<vmem>>, %arg8: memref<4x128xi32, #tpu.memory_space<vmem>>, %arg9: memref<512x16xf32, #tpu.memory_space<vmem>>, %arg10: memref<512x16xf32, #tpu.memory_space<vmem>>, %arg11: memref<102400x16xf32, #tpu.memory_space<vmem_shared>>, %arg12: memref<!tpu.dma_semaphore, #tpu.memory_space<semaphore_mem>>, %arg13: memref<!tpu.dma_semaphore, #tpu.memory_space<semaphore_mem>>) attributes {dimension_semantics = [#tpu.dimension_semantics<core_parallel>, #tpu.dimension_semantics<subcore_parallel>], iteration_bounds = array<i64: 2, 16>, scalar_prefetch = 0 : i64, scratch_operands = 7 : i64, tpu.core_type = #tpu.core_type<sc_vector_subcore>, window_params = [{transform_indices = #map}, {transform_indices = #map}, {transform_indices = #map}, {transform_indices = #map}, {transform_indices = #map1}]} {
    %mul3A = arith.constant 16 : i32
    %mul3A_0 = arith.muli %arg0, %mul3A : i32
    %add3A = arith.addi %mul3A_0, %arg1 : i32
    %scan3A = arith.constant 0 : i32
    %scan3A_1 = arith.constant 0 : i32
    %scan3A_2 = arith.constant 512 : i32
    %scan3A_3 = arith.addi %scan3A_1, %scan3A_2 : i32
    %scan3A_4 = arith.constant 1 : i32
    scf.for %scan3A_170 = %scan3A_1 to %scan3A_3 step %scan3A_4  : i32 {
      %broadcast_in_dim3A = arith.constant 0.000000e+00 : f32
      %broadcast_in_dim3A_171 = vector.broadcast %broadcast_in_dim3A : f32 to vector<16xf32>
      %swap3A = arith.index_cast %scan3A_170 : i32 to index
      %swap3A_172 = arith.constant 0 : index
      %swap3A_173 = tpu.vector_load %arg9[%swap3A, %swap3A_172] {strides = array<i32>} : memref<512x16xf32, #tpu.memory_space<vmem>>, vector<1x16xf32>,
      %swap3A_174 = vector.shape_cast %swap3A_173 : vector<1x16xf32> to vector<16xf32>
      %swap3A_175 = vector.shape_cast %broadcast_in_dim3A_171 : vector<16xf32> to vector<1x16xf32>
      tpu.vector_store %arg9[%swap3A, %swap3A_172], %swap3A_175 {strides = array<i32>} : memref<512x16xf32, #tpu.memory_space<vmem>>, vector<1x16xf32>,
    }
    %scan3A_5 = arith.constant 512 : i32
    %mul3A_6 = arith.constant 6400 : i32
    %mul3A_7 = arith.muli %arg1, %mul3A_6 : i32
    %add3A_8 = arith.constant 0 : i32
    %add3A_9 = arith.addi %mul3A_7, %add3A_8 : i32
    "tpu.region"() ({
      %run_scoped3A = tpu.sem_alloc : memref<!tpu.dma_semaphore, #tpu.memory_space<semaphore_mem>>
      %dma_start3A = arith.constant 0 : i32
      %dma_start3A_170 = arith.constant 0 : i32
      %dma_start3A_171 = tpu.memref_slice %arg9[%dma_start3A, %dma_start3A_170] : memref<512x16xf32, #tpu.memory_space<vmem>> -> memref<512x16xf32, #tpu.memory_space<vmem>>
      %dma_start3A_172 = arith.constant 0 : i32
      %dma_start3A_173 = tpu.memref_slice %arg11[%add3A_9, %dma_start3A_172] : memref<102400x16xf32, #tpu.memory_space<vmem_shared>> -> memref<512x16xf32, #tpu.memory_space<vmem_shared>>
      %dma_start3A_174 = arith.constant 0 : i32
      %dma_start3A_175 = tpu.memref_slice %arg11[%add3A_9, %dma_start3A_174] : memref<102400x16xf32, #tpu.memory_space<vmem_shared>> -> memref<512x16xf32, #tpu.memory_space<vmem_shared>>
      %dma_start3A_176 = arith.constant 0 : i32
      %dma_start3A_177 = arith.constant 0 : i32
      %dma_start3A_178 = tpu.memref_slice %arg9[%dma_start3A_176, %dma_start3A_177] : memref<512x16xf32, #tpu.memory_space<vmem>> -> memref<512x16xf32, #tpu.memory_space<vmem>>
      tpu.enqueue_dma source(%dma_start3A_178 : memref<512x16xf32, #tpu.memory_space<vmem>>) target(%dma_start3A_175 : memref<512x16xf32, #tpu.memory_space<vmem_shared>>) target_semaphore(%run_scoped3A : memref<!tpu.dma_semaphore, #tpu.memory_space<semaphore_mem>>)
      %dma_wait3A = arith.constant 0 : i32
      %dma_wait3A_179 = arith.constant 0 : i32
      %dma_wait3A_180 = tpu.memref_slice %arg9[%dma_wait3A, %dma_wait3A_179] : memref<512x16xf32, #tpu.memory_space<vmem>> -> memref<512x16xf32, #tpu.memory_space<vmem>>
      %dma_wait3A_181 = arith.constant 0 : i32
      %dma_wait3A_182 = tpu.memref_slice %arg11[%add3A_9, %dma_wait3A_181] : memref<102400x16xf32, #tpu.memory_space<vmem_shared>> -> memref<512x16xf32, #tpu.memory_space<vmem_shared>>
      %dma_wait3A_183 = arith.constant 0 : i32
      %dma_wait3A_184 = tpu.memref_slice %arg11[%add3A_9, %dma_wait3A_183] : memref<102400x16xf32, #tpu.memory_space<vmem_shared>> -> memref<512x16xf32, #tpu.memory_space<vmem_shared>>
      %dma_wait3A_185 = arith.constant 0 : i32
      %dma_wait3A_186 = arith.constant 0 : i32
      %dma_wait3A_187 = tpu.memref_slice %arg9[%dma_wait3A_185, %dma_wait3A_186] : memref<512x16xf32, #tpu.memory_space<vmem>> -> memref<512x16xf32, #tpu.memory_space<vmem>>
      tpu.wait_dma2 semaphore(%run_scoped3A : memref<!tpu.dma_semaphore, #tpu.memory_space<semaphore_mem>>) src(%dma_wait3A_187 : memref<512x16xf32, #tpu.memory_space<vmem>>) dst(%dma_wait3A_184 : memref<512x16xf32, #tpu.memory_space<vmem_shared>>)
      tpu.yield
    }) : () -> ()
    %mul3A_10 = arith.constant 6400 : i32
    %mul3A_11 = arith.muli %arg1, %mul3A_10 : i32
    %add3A_12 = arith.constant 512 : i32
    %add3A_13 = arith.addi %mul3A_11, %add3A_12 : i32
    "tpu.region"() ({
      %run_scoped3A = tpu.sem_alloc : memref<!tpu.dma_semaphore, #tpu.memory_space<semaphore_mem>>
      %dma_start3A = arith.constant 0 : i32
      %dma_start3A_170 = arith.constant 0 : i32
      %dma_start3A_171 = tpu.memref_slice %arg9[%dma_start3A, %dma_start3A_170] : memref<512x16xf32, #tpu.memory_space<vmem>> -> memref<512x16xf32, #tpu.memory_space<vmem>>
      %dma_start3A_172 = arith.constant 0 : i32
      %dma_start3A_173 = tpu.memref_slice %arg11[%add3A_13, %dma_start3A_172] : memref<102400x16xf32, #tpu.memory_space<vmem_shared>> -> memref<512x16xf32, #tpu.memory_space<vmem_shared>>
      %dma_start3A_174 = arith.constant 0 : i32
      %dma_start3A_175 = tpu.memref_slice %arg11[%add3A_13, %dma_start3A_174] : memref<102400x16xf32, #tpu.memory_space<vmem_shared>> -> memref<512x16xf32, #tpu.memory_space<vmem_shared>>
      %dma_start3A_176 = arith.constant 0 : i32
      %dma_start3A_177 = arith.constant 0 : i32
      %dma_start3A_178 = tpu.memref_slice %arg9[%dma_start3A_176, %dma_start3A_177] : memref<512x16xf32, #tpu.memory_space<vmem>> -> memref<512x16xf32, #tpu.memory_space<vmem>>
      tpu.enqueue_dma source(%dma_start3A_178 : memref<512x16xf32, #tpu.memory_space<vmem>>) target(%dma_start3A_175 : memref<512x16xf32, #tpu.memory_space<vmem_shared>>) target_semaphore(%run_scoped3A : memref<!tpu.dma_semaphore, #tpu.memory_space<semaphore_mem>>)
      %dma_wait3A = arith.constant 0 : i32
      %dma_wait3A_179 = arith.constant 0 : i32
      %dma_wait3A_180 = tpu.memref_slice %arg9[%dma_wait3A, %dma_wait3A_179] : memref<512x16xf32, #tpu.memory_space<vmem>> -> memref<512x16xf32, #tpu.memory_space<vmem>>
      %dma_wait3A_181 = arith.constant 0 : i32
      %dma_wait3A_182 = tpu.memref_slice %arg11[%add3A_13, %dma_wait3A_181] : memref<102400x16xf32, #tpu.memory_space<vmem_shared>> -> memref<512x16xf32, #tpu.memory_space<vmem_shared>>
      %dma_wait3A_183 = arith.constant 0 : i32
      %dma_wait3A_184 = tpu.memref_slice %arg11[%add3A_13, %dma_wait3A_183] : memref<102400x16xf32, #tpu.memory_space<vmem_shared>> -> memref<512x16xf32, #tpu.memory_space<vmem_shared>>
      %dma_wait3A_185 = arith.constant 0 : i32
      %dma_wait3A_186 = arith.constant 0 : i32
      %dma_wait3A_187 = tpu.memref_slice %arg9[%dma_wait3A_185, %dma_wait3A_186] : memref<512x16xf32, #tpu.memory_space<vmem>> -> memref<512x16xf32, #tpu.memory_space<vmem>>
      tpu.wait_dma2 semaphore(%run_scoped3A : memref<!tpu.dma_semaphore, #tpu.memory_space<semaphore_mem>>) src(%dma_wait3A_187 : memref<512x16xf32, #tpu.memory_space<vmem>>) dst(%dma_wait3A_184 : memref<512x16xf32, #tpu.memory_space<vmem_shared>>)
      tpu.yield
    }) : () -> ()
    %mul3A_14 = arith.constant 6400 : i32
    %mul3A_15 = arith.muli %arg1, %mul3A_14 : i32
    %add3A_16 = arith.constant 1024 : i32
    %add3A_17 = arith.addi %mul3A_15, %add3A_16 : i32
    "tpu.region"() ({
      %run_scoped3A = tpu.sem_alloc : memref<!tpu.dma_semaphore, #tpu.memory_space<semaphore_mem>>
      %dma_start3A = arith.constant 0 : i32
      %dma_start3A_170 = arith.constant 0 : i32
      %dma_start3A_171 = tpu.memref_slice %arg9[%dma_start3A, %dma_start3A_170] : memref<512x16xf32, #tpu.memory_space<vmem>> -> memref<512x16xf32, #tpu.memory_space<vmem>>
      %dma_start3A_172 = arith.constant 0 : i32
      %dma_start3A_173 = tpu.memref_slice %arg11[%add3A_17, %dma_start3A_172] : memref<102400x16xf32, #tpu.memory_space<vmem_shared>> -> memref<512x16xf32, #tpu.memory_space<vmem_shared>>
      %dma_start3A_174 = arith.constant 0 : i32
      %dma_start3A_175 = tpu.memref_slice %arg11[%add3A_17, %dma_start3A_174] : memref<102400x16xf32, #tpu.memory_space<vmem_shared>> -> memref<512x16xf32, #tpu.memory_space<vmem_shared>>
      %dma_start3A_176 = arith.constant 0 : i32
      %dma_start3A_177 = arith.constant 0 : i32
      %dma_start3A_178 = tpu.memref_slice %arg9[%dma_start3A_176, %dma_start3A_177] : memref<512x16xf32, #tpu.memory_space<vmem>> -> memref<512x16xf32, #tpu.memory_space<vmem>>
      tpu.enqueue_dma source(%dma_start3A_178 : memref<512x16xf32, #tpu.memory_space<vmem>>) target(%dma_start3A_175 : memref<512x16xf32, #tpu.memory_space<vmem_shared>>) target_semaphore(%run_scoped3A : memref<!tpu.dma_semaphore, #tpu.memory_space<semaphore_mem>>)
      %dma_wait3A = arith.constant 0 : i32
      %dma_wait3A_179 = arith.constant 0 : i32
      %dma_wait3A_180 = tpu.memref_slice %arg9[%dma_wait3A, %dma_wait3A_179] : memref<512x16xf32, #tpu.memory_space<vmem>> -> memref<512x16xf32, #tpu.memory_space<vmem>>
      %dma_wait3A_181 = arith.constant 0 : i32
      %dma_wait3A_182 = tpu.memref_slice %arg11[%add3A_17, %dma_wait3A_181] : memref<102400x16xf32, #tpu.memory_space<vmem_shared>> -> memref<512x16xf32, #tpu.memory_space<vmem_shared>>
      %dma_wait3A_183 = arith.constant 0 : i32
      %dma_wait3A_184 = tpu.memref_slice %arg11[%add3A_17, %dma_wait3A_183] : memref<102400x16xf32, #tpu.memory_space<vmem_shared>> -> memref<512x16xf32, #tpu.memory_space<vmem_shared>>
      %dma_wait3A_185 = arith.constant 0 : i32
      %dma_wait3A_186 = arith.constant 0 : i32
      %dma_wait3A_187 = tpu.memref_slice %arg9[%dma_wait3A_185, %dma_wait3A_186] : memref<512x16xf32, #tpu.memory_space<vmem>> -> memref<512x16xf32, #tpu.memory_space<vmem>>
      tpu.wait_dma2 semaphore(%run_scoped3A : memref<!tpu.dma_semaphore, #tpu.memory_space<semaphore_mem>>) src(%dma_wait3A_187 : memref<512x16xf32, #tpu.memory_space<vmem>>) dst(%dma_wait3A_184 : memref<512x16xf32, #tpu.memory_space<vmem_shared>>)
      tpu.yield
    }) : () -> ()
    %mul3A_18 = arith.constant 6400 : i32
    %mul3A_19 = arith.muli %arg1, %mul3A_18 : i32
    %add3A_20 = arith.constant 1536 : i32
    %add3A_21 = arith.addi %mul3A_19, %add3A_20 : i32
    "tpu.region"() ({
      %run_scoped3A = tpu.sem_alloc : memref<!tpu.dma_semaphore, #tpu.memory_space<semaphore_mem>>
      %dma_start3A = arith.constant 0 : i32
      %dma_start3A_170 = arith.constant 0 : i32
      %dma_start3A_171 = tpu.memref_slice %arg9[%dma_start3A, %dma_start3A_170] : memref<512x16xf32, #tpu.memory_space<vmem>> -> memref<512x16xf32, #tpu.memory_space<vmem>>
      %dma_start3A_172 = arith.constant 0 : i32
      %dma_start3A_173 = tpu.memref_slice %arg11[%add3A_21, %dma_start3A_172] : memref<102400x16xf32, #tpu.memory_space<vmem_shared>> -> memref<512x16xf32, #tpu.memory_space<vmem_shared>>
      %dma_start3A_174 = arith.constant 0 : i32
      %dma_start3A_175 = tpu.memref_slice %arg11[%add3A_21, %dma_start3A_174] : memref<102400x16xf32, #tpu.memory_space<vmem_shared>> -> memref<512x16xf32, #tpu.memory_space<vmem_shared>>
      %dma_start3A_176 = arith.constant 0 : i32
      %dma_start3A_177 = arith.constant 0 : i32
      %dma_start3A_178 = tpu.memref_slice %arg9[%dma_start3A_176, %dma_start3A_177] : memref<512x16xf32, #tpu.memory_space<vmem>> -> memref<512x16xf32, #tpu.memory_space<vmem>>
      tpu.enqueue_dma source(%dma_start3A_178 : memref<512x16xf32, #tpu.memory_space<vmem>>) target(%dma_start3A_175 : memref<512x16xf32, #tpu.memory_space<vmem_shared>>) target_semaphore(%run_scoped3A : memref<!tpu.dma_semaphore, #tpu.memory_space<semaphore_mem>>)
      %dma_wait3A = arith.constant 0 : i32
      %dma_wait3A_179 = arith.constant 0 : i32
      %dma_wait3A_180 = tpu.memref_slice %arg9[%dma_wait3A, %dma_wait3A_179] : memref<512x16xf32, #tpu.memory_space<vmem>> -> memref<512x16xf32, #tpu.memory_space<vmem>>
      %dma_wait3A_181 = arith.constant 0 : i32
      %dma_wait3A_182 = tpu.memref_slice %arg11[%add3A_21, %dma_wait3A_181] : memref<102400x16xf32, #tpu.memory_space<vmem_shared>> -> memref<512x16xf32, #tpu.memory_space<vmem_shared>>
      %dma_wait3A_183 = arith.constant 0 : i32
      %dma_wait3A_184 = tpu.memref_slice %arg11[%add3A_21, %dma_wait3A_183] : memref<102400x16xf32, #tpu.memory_space<vmem_shared>> -> memref<512x16xf32, #tpu.memory_space<vmem_shared>>
      %dma_wait3A_185 = arith.constant 0 : i32
      %dma_wait3A_186 = arith.constant 0 : i32
      %dma_wait3A_187 = tpu.memref_slice %arg9[%dma_wait3A_185, %dma_wait3A_186] : memref<512x16xf32, #tpu.memory_space<vmem>> -> memref<512x16xf32, #tpu.memory_space<vmem>>
      tpu.wait_dma2 semaphore(%run_scoped3A : memref<!tpu.dma_semaphore, #tpu.memory_space<semaphore_mem>>) src(%dma_wait3A_187 : memref<512x16xf32, #tpu.memory_space<vmem>>) dst(%dma_wait3A_184 : memref<512x16xf32, #tpu.memory_space<vmem_shared>>)
      tpu.yield
    }) : () -> ()
    %mul3A_22 = arith.constant 6400 : i32
    %mul3A_23 = arith.muli %arg1, %mul3A_22 : i32
    %add3A_24 = arith.constant 2048 : i32
    %add3A_25 = arith.addi %mul3A_23, %add3A_24 : i32
    "tpu.region"() ({
      %run_scoped3A = tpu.sem_alloc : memref<!tpu.dma_semaphore, #tpu.memory_space<semaphore_mem>>
      %dma_start3A = arith.constant 0 : i32
      %dma_start3A_170 = arith.constant 0 : i32
      %dma_start3A_171 = tpu.memref_slice %arg9[%dma_start3A, %dma_start3A_170] : memref<512x16xf32, #tpu.memory_space<vmem>> -> memref<512x16xf32, #tpu.memory_space<vmem>>
      %dma_start3A_172 = arith.constant 0 : i32
      %dma_start3A_173 = tpu.memref_slice %arg11[%add3A_25, %dma_start3A_172] : memref<102400x16xf32, #tpu.memory_space<vmem_shared>> -> memref<512x16xf32, #tpu.memory_space<vmem_shared>>
      %dma_start3A_174 = arith.constant 0 : i32
      %dma_start3A_175 = tpu.memref_slice %arg11[%add3A_25, %dma_start3A_174] : memref<102400x16xf32, #tpu.memory_space<vmem_shared>> -> memref<512x16xf32, #tpu.memory_space<vmem_shared>>
      %dma_start3A_176 = arith.constant 0 : i32
      %dma_start3A_177 = arith.constant 0 : i32
      %dma_start3A_178 = tpu.memref_slice %arg9[%dma_start3A_176, %dma_start3A_177] : memref<512x16xf32, #tpu.memory_space<vmem>> -> memref<512x16xf32, #tpu.memory_space<vmem>>
      tpu.enqueue_dma source(%dma_start3A_178 : memref<512x16xf32, #tpu.memory_space<vmem>>) target(%dma_start3A_175 : memref<512x16xf32, #tpu.memory_space<vmem_shared>>) target_semaphore(%run_scoped3A : memref<!tpu.dma_semaphore, #tpu.memory_space<semaphore_mem>>)
      %dma_wait3A = arith.constant 0 : i32
      %dma_wait3A_179 = arith.constant 0 : i32
      %dma_wait3A_180 = tpu.memref_slice %arg9[%dma_wait3A, %dma_wait3A_179] : memref<512x16xf32, #tpu.memory_space<vmem>> -> memref<512x16xf32, #tpu.memory_space<vmem>>
      %dma_wait3A_181 = arith.constant 0 : i32
      %dma_wait3A_182 = tpu.memref_slice %arg11[%add3A_25, %dma_wait3A_181] : memref<102400x16xf32, #tpu.memory_space<vmem_shared>> -> memref<512x16xf32, #tpu.memory_space<vmem_shared>>
      %dma_wait3A_183 = arith.constant 0 : i32
      %dma_wait3A_184 = tpu.memref_slice %arg11[%add3A_25, %dma_wait3A_183] : memref<102400x16xf32, #tpu.memory_space<vmem_shared>> -> memref<512x16xf32, #tpu.memory_space<vmem_shared>>
      %dma_wait3A_185 = arith.constant 0 : i32
      %dma_wait3A_186 = arith.constant 0 : i32
      %dma_wait3A_187 = tpu.memref_slice %arg9[%dma_wait3A_185, %dma_wait3A_186] : memref<512x16xf32, #tpu.memory_space<vmem>> -> memref<512x16xf32, #tpu.memory_space<vmem>>
      tpu.wait_dma2 semaphore(%run_scoped3A : memref<!tpu.dma_semaphore, #tpu.memory_space<semaphore_mem>>) src(%dma_wait3A_187 : memref<512x16xf32, #tpu.memory_space<vmem>>) dst(%dma_wait3A_184 : memref<512x16xf32, #tpu.memory_space<vmem_shared>>)
      tpu.yield
    }) : () -> ()
    %mul3A_26 = arith.constant 6400 : i32
    %mul3A_27 = arith.muli %arg1, %mul3A_26 : i32
    %add3A_28 = arith.constant 2560 : i32
    %add3A_29 = arith.addi %mul3A_27, %add3A_28 : i32
    "tpu.region"() ({
      %run_scoped3A = tpu.sem_alloc : memref<!tpu.dma_semaphore, #tpu.memory_space<semaphore_mem>>
      %dma_start3A = arith.constant 0 : i32
      %dma_start3A_170 = arith.constant 0 : i32
      %dma_start3A_171 = tpu.memref_slice %arg9[%dma_start3A, %dma_start3A_170] : memref<512x16xf32, #tpu.memory_space<vmem>> -> memref<512x16xf32, #tpu.memory_space<vmem>>
      %dma_start3A_172 = arith.constant 0 : i32
      %dma_start3A_173 = tpu.memref_slice %arg11[%add3A_29, %dma_start3A_172] : memref<102400x16xf32, #tpu.memory_space<vmem_shared>> -> memref<512x16xf32, #tpu.memory_space<vmem_shared>>
      %dma_start3A_174 = arith.constant 0 : i32
      %dma_start3A_175 = tpu.memref_slice %arg11[%add3A_29, %dma_start3A_174] : memref<102400x16xf32, #tpu.memory_space<vmem_shared>> -> memref<512x16xf32, #tpu.memory_space<vmem_shared>>
      %dma_start3A_176 = arith.constant 0 : i32
      %dma_start3A_177 = arith.constant 0 : i32
      %dma_start3A_178 = tpu.memref_slice %arg9[%dma_start3A_176, %dma_start3A_177] : memref<512x16xf32, #tpu.memory_space<vmem>> -> memref<512x16xf32, #tpu.memory_space<vmem>>
      tpu.enqueue_dma source(%dma_start3A_178 : memref<512x16xf32, #tpu.memory_space<vmem>>) target(%dma_start3A_175 : memref<512x16xf32, #tpu.memory_space<vmem_shared>>) target_semaphore(%run_scoped3A : memref<!tpu.dma_semaphore, #tpu.memory_space<semaphore_mem>>)
      %dma_wait3A = arith.constant 0 : i32
      %dma_wait3A_179 = arith.constant 0 : i32
      %dma_wait3A_180 = tpu.memref_slice %arg9[%dma_wait3A, %dma_wait3A_179] : memref<512x16xf32, #tpu.memory_space<vmem>> -> memref<512x16xf32, #tpu.memory_space<vmem>>
      %dma_wait3A_181 = arith.constant 0 : i32
      %dma_wait3A_182 = tpu.memref_slice %arg11[%add3A_29, %dma_wait3A_181] : memref<102400x16xf32, #tpu.memory_space<vmem_shared>> -> memref<512x16xf32, #tpu.memory_space<vmem_shared>>
      %dma_wait3A_183 = arith.constant 0 : i32
      %dma_wait3A_184 = tpu.memref_slice %arg11[%add3A_29, %dma_wait3A_183] : memref<102400x16xf32, #tpu.memory_space<vmem_shared>> -> memref<512x16xf32, #tpu.memory_space<vmem_shared>>
      %dma_wait3A_185 = arith.constant 0 : i32
      %dma_wait3A_186 = arith.constant 0 : i32
      %dma_wait3A_187 = tpu.memref_slice %arg9[%dma_wait3A_185, %dma_wait3A_186] : memref<512x16xf32, #tpu.memory_space<vmem>> -> memref<512x16xf32, #tpu.memory_space<vmem>>
      tpu.wait_dma2 semaphore(%run_scoped3A : memref<!tpu.dma_semaphore, #tpu.memory_space<semaphore_mem>>) src(%dma_wait3A_187 : memref<512x16xf32, #tpu.memory_space<vmem>>) dst(%dma_wait3A_184 : memref<512x16xf32, #tpu.memory_space<vmem_shared>>)
      tpu.yield
    }) : () -> ()
    %mul3A_30 = arith.constant 6400 : i32
    %mul3A_31 = arith.muli %arg1, %mul3A_30 : i32
    %add3A_32 = arith.constant 3072 : i32
    %add3A_33 = arith.addi %mul3A_31, %add3A_32 : i32
    "tpu.region"() ({
      %run_scoped3A = tpu.sem_alloc : memref<!tpu.dma_semaphore, #tpu.memory_space<semaphore_mem>>
      %dma_start3A = arith.constant 0 : i32
      %dma_start3A_170 = arith.constant 0 : i32
      %dma_start3A_171 = tpu.memref_slice %arg9[%dma_start3A, %dma_start3A_170] : memref<512x16xf32, #tpu.memory_space<vmem>> -> memref<512x16xf32, #tpu.memory_space<vmem>>
      %dma_start3A_172 = arith.constant 0 : i32
      %dma_start3A_173 = tpu.memref_slice %arg11[%add3A_33, %dma_start3A_172] : memref<102400x16xf32, #tpu.memory_space<vmem_shared>> -> memref<512x16xf32, #tpu.memory_space<vmem_shared>>
      %dma_start3A_174 = arith.constant 0 : i32
      %dma_start3A_175 = tpu.memref_slice %arg11[%add3A_33, %dma_start3A_174] : memref<102400x16xf32, #tpu.memory_space<vmem_shared>> -> memref<512x16xf32, #tpu.memory_space<vmem_shared>>
      %dma_start3A_176 = arith.constant 0 : i32
      %dma_start3A_177 = arith.constant 0 : i32
      %dma_start3A_178 = tpu.memref_slice %arg9[%dma_start3A_176, %dma_start3A_177] : memref<512x16xf32, #tpu.memory_space<vmem>> -> memref<512x16xf32, #tpu.memory_space<vmem>>
      tpu.enqueue_dma source(%dma_start3A_178 : memref<512x16xf32, #tpu.memory_space<vmem>>) target(%dma_start3A_175 : memref<512x16xf32, #tpu.memory_space<vmem_shared>>) target_semaphore(%run_scoped3A : memref<!tpu.dma_semaphore, #tpu.memory_space<semaphore_mem>>)
      %dma_wait3A = arith.constant 0 : i32
      %dma_wait3A_179 = arith.constant 0 : i32
      %dma_wait3A_180 = tpu.memref_slice %arg9[%dma_wait3A, %dma_wait3A_179] : memref<512x16xf32, #tpu.memory_space<vmem>> -> memref<512x16xf32, #tpu.memory_space<vmem>>
      %dma_wait3A_181 = arith.constant 0 : i32
      %dma_wait3A_182 = tpu.memref_slice %arg11[%add3A_33, %dma_wait3A_181] : memref<102400x16xf32, #tpu.memory_space<vmem_shared>> -> memref<512x16xf32, #tpu.memory_space<vmem_shared>>
      %dma_wait3A_183 = arith.constant 0 : i32
      %dma_wait3A_184 = tpu.memref_slice %arg11[%add3A_33, %dma_wait3A_183] : memref<102400x16xf32, #tpu.memory_space<vmem_shared>> -> memref<512x16xf32, #tpu.memory_space<vmem_shared>>
      %dma_wait3A_185 = arith.constant 0 : i32
      %dma_wait3A_186 = arith.constant 0 : i32
      %dma_wait3A_187 = tpu.memref_slice %arg9[%dma_wait3A_185, %dma_wait3A_186] : memref<512x16xf32, #tpu.memory_space<vmem>> -> memref<512x16xf32, #tpu.memory_space<vmem>>
      tpu.wait_dma2 semaphore(%run_scoped3A : memref<!tpu.dma_semaphore, #tpu.memory_space<semaphore_mem>>) src(%dma_wait3A_187 : memref<512x16xf32, #tpu.memory_space<vmem>>) dst(%dma_wait3A_184 : memref<512x16xf32, #tpu.memory_space<vmem_shared>>)
      tpu.yield
    }) : () -> ()
    %mul3A_34 = arith.constant 6400 : i32
    %mul3A_35 = arith.muli %arg1, %mul3A_34 : i32
    %add3A_36 = arith.constant 3584 : i32
    %add3A_37 = arith.addi %mul3A_35, %add3A_36 : i32
    "tpu.region"() ({
      %run_scoped3A = tpu.sem_alloc : memref<!tpu.dma_semaphore, #tpu.memory_space<semaphore_mem>>
      %dma_start3A = arith.constant 0 : i32
      %dma_start3A_170 = arith.constant 0 : i32
      %dma_start3A_171 = tpu.memref_slice %arg9[%dma_start3A, %dma_start3A_170] : memref<512x16xf32, #tpu.memory_space<vmem>> -> memref<512x16xf32, #tpu.memory_space<vmem>>
      %dma_start3A_172 = arith.constant 0 : i32
      %dma_start3A_173 = tpu.memref_slice %arg11[%add3A_37, %dma_start3A_172] : memref<102400x16xf32, #tpu.memory_space<vmem_shared>> -> memref<512x16xf32, #tpu.memory_space<vmem_shared>>
      %dma_start3A_174 = arith.constant 0 : i32
      %dma_start3A_175 = tpu.memref_slice %arg11[%add3A_37, %dma_start3A_174] : memref<102400x16xf32, #tpu.memory_space<vmem_shared>> -> memref<512x16xf32, #tpu.memory_space<vmem_shared>>
      %dma_start3A_176 = arith.constant 0 : i32
      %dma_start3A_177 = arith.constant 0 : i32
      %dma_start3A_178 = tpu.memref_slice %arg9[%dma_start3A_176, %dma_start3A_177] : memref<512x16xf32, #tpu.memory_space<vmem>> -> memref<512x16xf32, #tpu.memory_space<vmem>>
      tpu.enqueue_dma source(%dma_start3A_178 : memref<512x16xf32, #tpu.memory_space<vmem>>) target(%dma_start3A_175 : memref<512x16xf32, #tpu.memory_space<vmem_shared>>) target_semaphore(%run_scoped3A : memref<!tpu.dma_semaphore, #tpu.memory_space<semaphore_mem>>)
      %dma_wait3A = arith.constant 0 : i32
      %dma_wait3A_179 = arith.constant 0 : i32
      %dma_wait3A_180 = tpu.memref_slice %arg9[%dma_wait3A, %dma_wait3A_179] : memref<512x16xf32, #tpu.memory_space<vmem>> -> memref<512x16xf32, #tpu.memory_space<vmem>>
      %dma_wait3A_181 = arith.constant 0 : i32
      %dma_wait3A_182 = tpu.memref_slice %arg11[%add3A_37, %dma_wait3A_181] : memref<102400x16xf32, #tpu.memory_space<vmem_shared>> -> memref<512x16xf32, #tpu.memory_space<vmem_shared>>
      %dma_wait3A_183 = arith.constant 0 : i32
      %dma_wait3A_184 = tpu.memref_slice %arg11[%add3A_37, %dma_wait3A_183] : memref<102400x16xf32, #tpu.memory_space<vmem_shared>> -> memref<512x16xf32, #tpu.memory_space<vmem_shared>>
      %dma_wait3A_185 = arith.constant 0 : i32
      %dma_wait3A_186 = arith.constant 0 : i32
      %dma_wait3A_187 = tpu.memref_slice %arg9[%dma_wait3A_185, %dma_wait3A_186] : memref<512x16xf32, #tpu.memory_space<vmem>> -> memref<512x16xf32, #tpu.memory_space<vmem>>
      tpu.wait_dma2 semaphore(%run_scoped3A : memref<!tpu.dma_semaphore, #tpu.memory_space<semaphore_mem>>) src(%dma_wait3A_187 : memref<512x16xf32, #tpu.memory_space<vmem>>) dst(%dma_wait3A_184 : memref<512x16xf32, #tpu.memory_space<vmem_shared>>)
      tpu.yield
    }) : () -> ()
    %mul3A_38 = arith.constant 6400 : i32
    %mul3A_39 = arith.muli %arg1, %mul3A_38 : i32
    %add3A_40 = arith.constant 4096 : i32
    %add3A_41 = arith.addi %mul3A_39, %add3A_40 : i32
    "tpu.region"() ({
      %run_scoped3A = tpu.sem_alloc : memref<!tpu.dma_semaphore, #tpu.memory_space<semaphore_mem>>
      %dma_start3A = arith.constant 0 : i32
      %dma_start3A_170 = arith.constant 0 : i32
      %dma_start3A_171 = tpu.memref_slice %arg9[%dma_start3A, %dma_start3A_170] : memref<512x16xf32, #tpu.memory_space<vmem>> -> memref<512x16xf32, #tpu.memory_space<vmem>>
      %dma_start3A_172 = arith.constant 0 : i32
      %dma_start3A_173 = tpu.memref_slice %arg11[%add3A_41, %dma_start3A_172] : memref<102400x16xf32, #tpu.memory_space<vmem_shared>> -> memref<512x16xf32, #tpu.memory_space<vmem_shared>>
      %dma_start3A_174 = arith.constant 0 : i32
      %dma_start3A_175 = tpu.memref_slice %arg11[%add3A_41, %dma_start3A_174] : memref<102400x16xf32, #tpu.memory_space<vmem_shared>> -> memref<512x16xf32, #tpu.memory_space<vmem_shared>>
      %dma_start3A_176 = arith.constant 0 : i32
      %dma_start3A_177 = arith.constant 0 : i32
      %dma_start3A_178 = tpu.memref_slice %arg9[%dma_start3A_176, %dma_start3A_177] : memref<512x16xf32, #tpu.memory_space<vmem>> -> memref<512x16xf32, #tpu.memory_space<vmem>>
      tpu.enqueue_dma source(%dma_start3A_178 : memref<512x16xf32, #tpu.memory_space<vmem>>) target(%dma_start3A_175 : memref<512x16xf32, #tpu.memory_space<vmem_shared>>) target_semaphore(%run_scoped3A : memref<!tpu.dma_semaphore, #tpu.memory_space<semaphore_mem>>)
      %dma_wait3A = arith.constant 0 : i32
      %dma_wait3A_179 = arith.constant 0 : i32
      %dma_wait3A_180 = tpu.memref_slice %arg9[%dma_wait3A, %dma_wait3A_179] : memref<512x16xf32, #tpu.memory_space<vmem>> -> memref<512x16xf32, #tpu.memory_space<vmem>>
      %dma_wait3A_181 = arith.constant 0 : i32
      %dma_wait3A_182 = tpu.memref_slice %arg11[%add3A_41, %dma_wait3A_181] : memref<102400x16xf32, #tpu.memory_space<vmem_shared>> -> memref<512x16xf32, #tpu.memory_space<vmem_shared>>
      %dma_wait3A_183 = arith.constant 0 : i32
      %dma_wait3A_184 = tpu.memref_slice %arg11[%add3A_41, %dma_wait3A_183] : memref<102400x16xf32, #tpu.memory_space<vmem_shared>> -> memref<512x16xf32, #tpu.memory_space<vmem_shared>>
      %dma_wait3A_185 = arith.constant 0 : i32
      %dma_wait3A_186 = arith.constant 0 : i32
      %dma_wait3A_187 = tpu.memref_slice %arg9[%dma_wait3A_185, %dma_wait3A_186] : memref<512x16xf32, #tpu.memory_space<vmem>> -> memref<512x16xf32, #tpu.memory_space<vmem>>
      tpu.wait_dma2 semaphore(%run_scoped3A : memref<!tpu.dma_semaphore, #tpu.memory_space<semaphore_mem>>) src(%dma_wait3A_187 : memref<512x16xf32, #tpu.memory_space<vmem>>) dst(%dma_wait3A_184 : memref<512x16xf32, #tpu.memory_space<vmem_shared>>)
      tpu.yield
    }) : () -> ()
    %mul3A_42 = arith.constant 6400 : i32
    %mul3A_43 = arith.muli %arg1, %mul3A_42 : i32
    %add3A_44 = arith.constant 4608 : i32
    %add3A_45 = arith.addi %mul3A_43, %add3A_44 : i32
    "tpu.region"() ({
      %run_scoped3A = tpu.sem_alloc : memref<!tpu.dma_semaphore, #tpu.memory_space<semaphore_mem>>
      %dma_start3A = arith.constant 0 : i32
      %dma_start3A_170 = arith.constant 0 : i32
      %dma_start3A_171 = tpu.memref_slice %arg9[%dma_start3A, %dma_start3A_170] : memref<512x16xf32, #tpu.memory_space<vmem>> -> memref<512x16xf32, #tpu.memory_space<vmem>>
      %dma_start3A_172 = arith.constant 0 : i32
      %dma_start3A_173 = tpu.memref_slice %arg11[%add3A_45, %dma_start3A_172] : memref<102400x16xf32, #tpu.memory_space<vmem_shared>> -> memref<512x16xf32, #tpu.memory_space<vmem_shared>>
      %dma_start3A_174 = arith.constant 0 : i32
      %dma_start3A_175 = tpu.memref_slice %arg11[%add3A_45, %dma_start3A_174] : memref<102400x16xf32, #tpu.memory_space<vmem_shared>> -> memref<512x16xf32, #tpu.memory_space<vmem_shared>>
      %dma_start3A_176 = arith.constant 0 : i32
      %dma_start3A_177 = arith.constant 0 : i32
      %dma_start3A_178 = tpu.memref_slice %arg9[%dma_start3A_176, %dma_start3A_177] : memref<512x16xf32, #tpu.memory_space<vmem>> -> memref<512x16xf32, #tpu.memory_space<vmem>>
      tpu.enqueue_dma source(%dma_start3A_178 : memref<512x16xf32, #tpu.memory_space<vmem>>) target(%dma_start3A_175 : memref<512x16xf32, #tpu.memory_space<vmem_shared>>) target_semaphore(%run_scoped3A : memref<!tpu.dma_semaphore, #tpu.memory_space<semaphore_mem>>)
      %dma_wait3A = arith.constant 0 : i32
      %dma_wait3A_179 = arith.constant 0 : i32
      %dma_wait3A_180 = tpu.memref_slice %arg9[%dma_wait3A, %dma_wait3A_179] : memref<512x16xf32, #tpu.memory_space<vmem>> -> memref<512x16xf32, #tpu.memory_space<vmem>>
      %dma_wait3A_181 = arith.constant 0 : i32
      %dma_wait3A_182 = tpu.memref_slice %arg11[%add3A_45, %dma_wait3A_181] : memref<102400x16xf32, #tpu.memory_space<vmem_shared>> -> memref<512x16xf32, #tpu.memory_space<vmem_shared>>
      %dma_wait3A_183 = arith.constant 0 : i32
      %dma_wait3A_184 = tpu.memref_slice %arg11[%add3A_45, %dma_wait3A_183] : memref<102400x16xf32, #tpu.memory_space<vmem_shared>> -> memref<512x16xf32, #tpu.memory_space<vmem_shared>>
      %dma_wait3A_185 = arith.constant 0 : i32
      %dma_wait3A_186 = arith.constant 0 : i32
      %dma_wait3A_187 = tpu.memref_slice %arg9[%dma_wait3A_185, %dma_wait3A_186] : memref<512x16xf32, #tpu.memory_space<vmem>> -> memref<512x16xf32, #tpu.memory_space<vmem>>
      tpu.wait_dma2 semaphore(%run_scoped3A : memref<!tpu.dma_semaphore, #tpu.memory_space<semaphore_mem>>) src(%dma_wait3A_187 : memref<512x16xf32, #tpu.memory_space<vmem>>) dst(%dma_wait3A_184 : memref<512x16xf32, #tpu.memory_space<vmem_shared>>)
      tpu.yield
    }) : () -> ()
    %mul3A_46 = arith.constant 6400 : i32
    %mul3A_47 = arith.muli %arg1, %mul3A_46 : i32
    %add3A_48 = arith.constant 5120 : i32
    %add3A_49 = arith.addi %mul3A_47, %add3A_48 : i32
    "tpu.region"() ({
      %run_scoped3A = tpu.sem_alloc : memref<!tpu.dma_semaphore, #tpu.memory_space<semaphore_mem>>
      %dma_start3A = arith.constant 0 : i32
      %dma_start3A_170 = arith.constant 0 : i32
      %dma_start3A_171 = tpu.memref_slice %arg9[%dma_start3A, %dma_start3A_170] : memref<512x16xf32, #tpu.memory_space<vmem>> -> memref<512x16xf32, #tpu.memory_space<vmem>>
      %dma_start3A_172 = arith.constant 0 : i32
      %dma_start3A_173 = tpu.memref_slice %arg11[%add3A_49, %dma_start3A_172] : memref<102400x16xf32, #tpu.memory_space<vmem_shared>> -> memref<512x16xf32, #tpu.memory_space<vmem_shared>>
      %dma_start3A_174 = arith.constant 0 : i32
      %dma_start3A_175 = tpu.memref_slice %arg11[%add3A_49, %dma_start3A_174] : memref<102400x16xf32, #tpu.memory_space<vmem_shared>> -> memref<512x16xf32, #tpu.memory_space<vmem_shared>>
      %dma_start3A_176 = arith.constant 0 : i32
      %dma_start3A_177 = arith.constant 0 : i32
      %dma_start3A_178 = tpu.memref_slice %arg9[%dma_start3A_176, %dma_start3A_177] : memref<512x16xf32, #tpu.memory_space<vmem>> -> memref<512x16xf32, #tpu.memory_space<vmem>>
      tpu.enqueue_dma source(%dma_start3A_178 : memref<512x16xf32, #tpu.memory_space<vmem>>) target(%dma_start3A_175 : memref<512x16xf32, #tpu.memory_space<vmem_shared>>) target_semaphore(%run_scoped3A : memref<!tpu.dma_semaphore, #tpu.memory_space<semaphore_mem>>)
      %dma_wait3A = arith.constant 0 : i32
      %dma_wait3A_179 = arith.constant 0 : i32
      %dma_wait3A_180 = tpu.memref_slice %arg9[%dma_wait3A, %dma_wait3A_179] : memref<512x16xf32, #tpu.memory_space<vmem>> -> memref<512x16xf32, #tpu.memory_space<vmem>>
      %dma_wait3A_181 = arith.constant 0 : i32
      %dma_wait3A_182 = tpu.memref_slice %arg11[%add3A_49, %dma_wait3A_181] : memref<102400x16xf32, #tpu.memory_space<vmem_shared>> -> memref<512x16xf32, #tpu.memory_space<vmem_shared>>
      %dma_wait3A_183 = arith.constant 0 : i32
      %dma_wait3A_184 = tpu.memref_slice %arg11[%add3A_49, %dma_wait3A_183] : memref<102400x16xf32, #tpu.memory_space<vmem_shared>> -> memref<512x16xf32, #tpu.memory_space<vmem_shared>>
      %dma_wait3A_185 = arith.constant 0 : i32
      %dma_wait3A_186 = arith.constant 0 : i32
      %dma_wait3A_187 = tpu.memref_slice %arg9[%dma_wait3A_185, %dma_wait3A_186] : memref<512x16xf32, #tpu.memory_space<vmem>> -> memref<512x16xf32, #tpu.memory_space<vmem>>
      tpu.wait_dma2 semaphore(%run_scoped3A : memref<!tpu.dma_semaphore, #tpu.memory_space<semaphore_mem>>) src(%dma_wait3A_187 : memref<512x16xf32, #tpu.memory_space<vmem>>) dst(%dma_wait3A_184 : memref<512x16xf32, #tpu.memory_space<vmem_shared>>)
      tpu.yield
    }) : () -> ()
    %mul3A_50 = arith.constant 6400 : i32
    %mul3A_51 = arith.muli %arg1, %mul3A_50 : i32
    %add3A_52 = arith.constant 5632 : i32
    %add3A_53 = arith.addi %mul3A_51, %add3A_52 : i32
    "tpu.region"() ({
      %run_scoped3A = tpu.sem_alloc : memref<!tpu.dma_semaphore, #tpu.memory_space<semaphore_mem>>
      %dma_start3A = arith.constant 0 : i32
      %dma_start3A_170 = arith.constant 0 : i32
      %dma_start3A_171 = tpu.memref_slice %arg9[%dma_start3A, %dma_start3A_170] : memref<512x16xf32, #tpu.memory_space<vmem>> -> memref<512x16xf32, #tpu.memory_space<vmem>>
      %dma_start3A_172 = arith.constant 0 : i32
      %dma_start3A_173 = tpu.memref_slice %arg11[%add3A_53, %dma_start3A_172] : memref<102400x16xf32, #tpu.memory_space<vmem_shared>> -> memref<512x16xf32, #tpu.memory_space<vmem_shared>>
      %dma_start3A_174 = arith.constant 0 : i32
      %dma_start3A_175 = tpu.memref_slice %arg11[%add3A_53, %dma_start3A_174] : memref<102400x16xf32, #tpu.memory_space<vmem_shared>> -> memref<512x16xf32, #tpu.memory_space<vmem_shared>>
      %dma_start3A_176 = arith.constant 0 : i32
      %dma_start3A_177 = arith.constant 0 : i32
      %dma_start3A_178 = tpu.memref_slice %arg9[%dma_start3A_176, %dma_start3A_177] : memref<512x16xf32, #tpu.memory_space<vmem>> -> memref<512x16xf32, #tpu.memory_space<vmem>>
      tpu.enqueue_dma source(%dma_start3A_178 : memref<512x16xf32, #tpu.memory_space<vmem>>) target(%dma_start3A_175 : memref<512x16xf32, #tpu.memory_space<vmem_shared>>) target_semaphore(%run_scoped3A : memref<!tpu.dma_semaphore, #tpu.memory_space<semaphore_mem>>)
      %dma_wait3A = arith.constant 0 : i32
      %dma_wait3A_179 = arith.constant 0 : i32
      %dma_wait3A_180 = tpu.memref_slice %arg9[%dma_wait3A, %dma_wait3A_179] : memref<512x16xf32, #tpu.memory_space<vmem>> -> memref<512x16xf32, #tpu.memory_space<vmem>>
      %dma_wait3A_181 = arith.constant 0 : i32
      %dma_wait3A_182 = tpu.memref_slice %arg11[%add3A_53, %dma_wait3A_181] : memref<102400x16xf32, #tpu.memory_space<vmem_shared>> -> memref<512x16xf32, #tpu.memory_space<vmem_shared>>
      %dma_wait3A_183 = arith.constant 0 : i32
      %dma_wait3A_184 = tpu.memref_slice %arg11[%add3A_53, %dma_wait3A_183] : memref<102400x16xf32, #tpu.memory_space<vmem_shared>> -> memref<512x16xf32, #tpu.memory_space<vmem_shared>>
      %dma_wait3A_185 = arith.constant 0 : i32
      %dma_wait3A_186 = arith.constant 0 : i32
      %dma_wait3A_187 = tpu.memref_slice %arg9[%dma_wait3A_185, %dma_wait3A_186] : memref<512x16xf32, #tpu.memory_space<vmem>> -> memref<512x16xf32, #tpu.memory_space<vmem>>
      tpu.wait_dma2 semaphore(%run_scoped3A : memref<!tpu.dma_semaphore, #tpu.memory_space<semaphore_mem>>) src(%dma_wait3A_187 : memref<512x16xf32, #tpu.memory_space<vmem>>) dst(%dma_wait3A_184 : memref<512x16xf32, #tpu.memory_space<vmem_shared>>)
      tpu.yield
    }) : () -> ()
    %mul3A_54 = arith.constant 6400 : i32
    %mul3A_55 = arith.muli %arg1, %mul3A_54 : i32
    %add3A_56 = arith.constant 6144 : i32
    %add3A_57 = arith.addi %mul3A_55, %add3A_56 : i32
    "tpu.region"() ({
      %run_scoped3A = tpu.sem_alloc : memref<!tpu.dma_semaphore, #tpu.memory_space<semaphore_mem>>
      %dma_start3A = arith.constant 0 : i32
      %dma_start3A_170 = arith.constant 0 : i32
      %dma_start3A_171 = tpu.memref_slice %arg9[%dma_start3A, %dma_start3A_170] : memref<512x16xf32, #tpu.memory_space<vmem>> -> memref<256x16xf32, #tpu.memory_space<vmem>>
      %dma_start3A_172 = arith.constant 0 : i32
      %dma_start3A_173 = tpu.memref_slice %arg11[%add3A_57, %dma_start3A_172] : memref<102400x16xf32, #tpu.memory_space<vmem_shared>> -> memref<256x16xf32, #tpu.memory_space<vmem_shared>>
      %dma_start3A_174 = arith.constant 0 : i32
      %dma_start3A_175 = tpu.memref_slice %arg11[%add3A_57, %dma_start3A_174] : memref<102400x16xf32, #tpu.memory_space<vmem_shared>> -> memref<256x16xf32, #tpu.memory_space<vmem_shared>>
      %dma_start3A_176 = arith.constant 0 : i32
      %dma_start3A_177 = arith.constant 0 : i32
      %dma_start3A_178 = tpu.memref_slice %arg9[%dma_start3A_176, %dma_start3A_177] : memref<512x16xf32, #tpu.memory_space<vmem>> -> memref<256x16xf32, #tpu.memory_space<vmem>>
      tpu.enqueue_dma source(%dma_start3A_178 : memref<256x16xf32, #tpu.memory_space<vmem>>) target(%dma_start3A_175 : memref<256x16xf32, #tpu.memory_space<vmem_shared>>) target_semaphore(%run_scoped3A : memref<!tpu.dma_semaphore, #tpu.memory_space<semaphore_mem>>)
      %dma_wait3A = arith.constant 0 : i32
      %dma_wait3A_179 = arith.constant 0 : i32
      %dma_wait3A_180 = tpu.memref_slice %arg9[%dma_wait3A, %dma_wait3A_179] : memref<512x16xf32, #tpu.memory_space<vmem>> -> memref<256x16xf32, #tpu.memory_space<vmem>>
      %dma_wait3A_181 = arith.constant 0 : i32
      %dma_wait3A_182 = tpu.memref_slice %arg11[%add3A_57, %dma_wait3A_181] : memref<102400x16xf32, #tpu.memory_space<vmem_shared>> -> memref<256x16xf32, #tpu.memory_space<vmem_shared>>
      %dma_wait3A_183 = arith.constant 0 : i32
      %dma_wait3A_184 = tpu.memref_slice %arg11[%add3A_57, %dma_wait3A_183] : memref<102400x16xf32, #tpu.memory_space<vmem_shared>> -> memref<256x16xf32, #tpu.memory_space<vmem_shared>>
      %dma_wait3A_185 = arith.constant 0 : i32
      %dma_wait3A_186 = arith.constant 0 : i32
      %dma_wait3A_187 = tpu.memref_slice %arg9[%dma_wait3A_185, %dma_wait3A_186] : memref<512x16xf32, #tpu.memory_space<vmem>> -> memref<256x16xf32, #tpu.memory_space<vmem>>
      tpu.wait_dma2 semaphore(%run_scoped3A : memref<!tpu.dma_semaphore, #tpu.memory_space<semaphore_mem>>) src(%dma_wait3A_187 : memref<256x16xf32, #tpu.memory_space<vmem>>) dst(%dma_wait3A_184 : memref<256x16xf32, #tpu.memory_space<vmem_shared>>)
      tpu.yield
    }) : () -> ()
    %barrier3A = arith.constant 0 : index
    tpu.barrier barrier_id(%barrier3A)
    %mul3A_58 = arith.constant 784 : i32
    %mul3A_59 = arith.muli %add3A, %mul3A_58 : i32
    %scan3A_60 = arith.constant 0 : i32
    %scan3A_61 = arith.constant 196 : i32
    %scan3A_62 = arith.addi %scan3A_60, %scan3A_61 : i32
    %scan3A_63 = arith.constant 1 : i32
    scf.for %scan3A_170 = %scan3A_60 to %scan3A_62 step %scan3A_63  : i32 {
      %mul3A_171 = arith.constant 1 : i32
      %mul3A_172 = arith.muli %scan3A_170, %mul3A_171 : i32
      %add3A_173 = arith.constant 0 : i32
      %add3A_174 = arith.addi %add3A_173, %mul3A_172 : i32
      %mul3A_175 = arith.constant 4 : i32
      %mul3A_176 = arith.muli %add3A_174, %mul3A_175 : i32
      %add3A_177 = arith.addi %mul3A_59, %mul3A_176 : i32
      %mul3A_178 = arith.constant 128 : i32
      %mul3A_179 = arith.muli %add3A_177, %mul3A_178 : i32
      "tpu.region"() ({
        %run_scoped3A = tpu.sem_alloc : memref<!tpu.dma_semaphore, #tpu.memory_space<semaphore_mem>>
        %dma_start3A_358 = arith.constant 0 : i32
        %dma_start3A_359 = tpu.memref_slice %arg3[%add3A_177, %dma_start3A_358] : memref<25088x128xi32, #tpu.memory_space<hbm>> -> memref<4x128xi32, #tpu.memory_space<hbm>>
        %dma_start3A_360 = arith.constant 0 : i32
        %dma_start3A_361 = tpu.memref_slice %arg3[%add3A_177, %dma_start3A_360] : memref<25088x128xi32, #tpu.memory_space<hbm>> -> memref<4x128xi32, #tpu.memory_space<hbm>>
        tpu.enqueue_dma source(%dma_start3A_361 : memref<4x128xi32, #tpu.memory_space<hbm>>) target(%arg7 : memref<4x128xi32, #tpu.memory_space<vmem>>) target_semaphore(%run_scoped3A : memref<!tpu.dma_semaphore, #tpu.memory_space<semaphore_mem>>)
        %dma_wait3A_362 = arith.constant 0 : i32
        %dma_wait3A_363 = tpu.memref_slice %arg3[%add3A_177, %dma_wait3A_362] : memref<25088x128xi32, #tpu.memory_space<hbm>> -> memref<4x128xi32, #tpu.memory_space<hbm>>
        %dma_wait3A_364 = arith.constant 0 : i32
        %dma_wait3A_365 = tpu.memref_slice %arg3[%add3A_177, %dma_wait3A_364] : memref<25088x128xi32, #tpu.memory_space<hbm>> -> memref<4x128xi32, #tpu.memory_space<hbm>>
        tpu.wait_dma2 semaphore(%run_scoped3A : memref<!tpu.dma_semaphore, #tpu.memory_space<semaphore_mem>>) src(%dma_wait3A_365 : memref<4x128xi32, #tpu.memory_space<hbm>>) dst(%arg7 : memref<4x128xi32, #tpu.memory_space<vmem>>)
        tpu.yield
      }) : () -> ()
      "tpu.region"() ({
        %run_scoped3A = tpu.sem_alloc : memref<!tpu.dma_semaphore, #tpu.memory_space<semaphore_mem>>
        %dma_start3A_358 = arith.constant 0 : i32
        %dma_start3A_359 = tpu.memref_slice %arg2[%add3A_177, %dma_start3A_358] : memref<25088x128xi32, #tpu.memory_space<hbm>> -> memref<4x128xi32, #tpu.memory_space<hbm>>
        %dma_start3A_360 = arith.constant 0 : i32
        %dma_start3A_361 = tpu.memref_slice %arg2[%add3A_177, %dma_start3A_360] : memref<25088x128xi32, #tpu.memory_space<hbm>> -> memref<4x128xi32, #tpu.memory_space<hbm>>
        tpu.enqueue_dma source(%dma_start3A_361 : memref<4x128xi32, #tpu.memory_space<hbm>>) target(%arg8 : memref<4x128xi32, #tpu.memory_space<vmem>>) target_semaphore(%run_scoped3A : memref<!tpu.dma_semaphore, #tpu.memory_space<semaphore_mem>>)
        %dma_wait3A_362 = arith.constant 0 : i32
        %dma_wait3A_363 = tpu.memref_slice %arg2[%add3A_177, %dma_wait3A_362] : memref<25088x128xi32, #tpu.memory_space<hbm>> -> memref<4x128xi32, #tpu.memory_space<hbm>>
        %dma_wait3A_364 = arith.constant 0 : i32
        %dma_wait3A_365 = tpu.memref_slice %arg2[%add3A_177, %dma_wait3A_364] : memref<25088x128xi32, #tpu.memory_space<hbm>> -> memref<4x128xi32, #tpu.memory_space<hbm>>
        tpu.wait_dma2 semaphore(%run_scoped3A : memref<!tpu.dma_semaphore, #tpu.memory_space<semaphore_mem>>) src(%dma_wait3A_365 : memref<4x128xi32, #tpu.memory_space<hbm>>) dst(%arg8 : memref<4x128xi32, #tpu.memory_space<vmem>>)
        tpu.yield
      }) : () -> ()
      "tpu.region"() ({
        %run_scoped3A = tpu.sem_alloc : memref<!tpu.dma_semaphore, #tpu.memory_space<semaphore_mem>>
        %dma_start3A_358 = arith.constant 0 : i32
        %dma_start3A_359 = tpu.memref_slice %arg4[%mul3A_179, %dma_start3A_358] : memref<3211264x16xf32, #tpu.memory_space<hbm>> -> memref<512x16xf32, #tpu.memory_space<hbm>>
        %dma_start3A_360 = arith.constant 0 : i32
        %dma_start3A_361 = tpu.memref_slice %arg4[%mul3A_179, %dma_start3A_360] : memref<3211264x16xf32, #tpu.memory_space<hbm>> -> memref<512x16xf32, #tpu.memory_space<hbm>>
        tpu.enqueue_dma source(%dma_start3A_361 : memref<512x16xf32, #tpu.memory_space<hbm>>) target(%arg10 : memref<512x16xf32, #tpu.memory_space<vmem>>) target_semaphore(%run_scoped3A : memref<!tpu.dma_semaphore, #tpu.memory_space<semaphore_mem>>)
        %dma_wait3A_362 = arith.constant 0 : i32
        %dma_wait3A_363 = tpu.memref_slice %arg4[%mul3A_179, %dma_wait3A_362] : memref<3211264x16xf32, #tpu.memory_space<hbm>> -> memref<512x16xf32, #tpu.memory_space<hbm>>
        %dma_wait3A_364 = arith.constant 0 : i32
        %dma_wait3A_365 = tpu.memref_slice %arg4[%mul3A_179, %dma_wait3A_364] : memref<3211264x16xf32, #tpu.memory_space<hbm>> -> memref<512x16xf32, #tpu.memory_space<hbm>>
        tpu.wait_dma2 semaphore(%run_scoped3A : memref<!tpu.dma_semaphore, #tpu.memory_space<semaphore_mem>>) src(%dma_wait3A_365 : memref<512x16xf32, #tpu.memory_space<hbm>>) dst(%arg10 : memref<512x16xf32, #tpu.memory_space<vmem>>)
        tpu.yield
      }) : () -> ()
      %dma_start3A = arith.constant 0 : i32
      %dma_start3A_180 = arith.constant 0 : i32
      %dma_start3A_181 = arith.constant 0 : i32
      %dma_start3A_182 = tpu.memref_slice %arg9[%dma_start3A_180, %dma_start3A_181] : memref<512x16xf32, #tpu.memory_space<vmem>> -> memref<128x16xf32, #tpu.memory_space<vmem>>
      %dma_start3A_183 = arith.constant 0 : i32
      %dma_start3A_184 = tpu.memref_slice %arg7[%dma_start3A, %dma_start3A_183] : memref<4x128xi32, #tpu.memory_space<vmem>> -> memref<1x128xi32, #tpu.memory_space<vmem>>
      %dma_start3A_185 = tpu.memref_squeeze %dma_start3A_184 : memref<1x128xi32, #tpu.memory_space<vmem>> -> memref<128xi32, #tpu.memory_space<vmem>>
      %dma_start3A_186 = arith.constant 0 : i32
      %dma_start3A_187 = arith.constant 0 : i32
      %dma_start3A_188 = tpu.memref_slice %arg5[%dma_start3A_186, %dma_start3A_187] : memref<102400x16xf32, #tpu.memory_space<hbm>> -> memref<102400x16xf32, #tpu.memory_space<hbm>>
      tpu.enqueue_indirect_dma source(%dma_start3A_188 : memref<102400x16xf32, #tpu.memory_space<hbm>>) target(%dma_start3A_182 : memref<128x16xf32, #tpu.memory_space<vmem>>) offsets(%dma_start3A_185 : memref<128xi32, #tpu.memory_space<vmem>>) semaphore(%arg12 : memref<!tpu.dma_semaphore, #tpu.memory_space<semaphore_mem>>)
      %dma_start3A_189 = arith.constant 1 : i32
      %dma_start3A_190 = arith.constant 128 : i32
      %dma_start3A_191 = arith.constant 0 : i32
      %dma_start3A_192 = tpu.memref_slice %arg9[%dma_start3A_190, %dma_start3A_191] : memref<512x16xf32, #tpu.memory_space<vmem>> -> memref<128x16xf32, #tpu.memory_space<vmem>>
      %dma_start3A_193 = arith.constant 0 : i32
      %dma_start3A_194 = tpu.memref_slice %arg7[%dma_start3A_189, %dma_start3A_193] : memref<4x128xi32, #tpu.memory_space<vmem>> -> memref<1x128xi32, #tpu.memory_space<vmem>>
      %dma_start3A_195 = tpu.memref_squeeze %dma_start3A_194 : memref<1x128xi32, #tpu.memory_space<vmem>> -> memref<128xi32, #tpu.memory_space<vmem>>
      %dma_start3A_196 = arith.constant 0 : i32
      %dma_start3A_197 = arith.constant 0 : i32
      %dma_start3A_198 = tpu.memref_slice %arg5[%dma_start3A_196, %dma_start3A_197] : memref<102400x16xf32, #tpu.memory_space<hbm>> -> memref<102400x16xf32, #tpu.memory_space<hbm>>
      tpu.enqueue_indirect_dma source(%dma_start3A_198 : memref<102400x16xf32, #tpu.memory_space<hbm>>) target(%dma_start3A_192 : memref<128x16xf32, #tpu.memory_space<vmem>>) offsets(%dma_start3A_195 : memref<128xi32, #tpu.memory_space<vmem>>) semaphore(%arg12 : memref<!tpu.dma_semaphore, #tpu.memory_space<semaphore_mem>>)
      %dma_start3A_199 = arith.constant 2 : i32
      %dma_start3A_200 = arith.constant 256 : i32
      %dma_start3A_201 = arith.constant 0 : i32
      %dma_start3A_202 = tpu.memref_slice %arg9[%dma_start3A_200, %dma_start3A_201] : memref<512x16xf32, #tpu.memory_space<vmem>> -> memref<128x16xf32, #tpu.memory_space<vmem>>
      %dma_start3A_203 = arith.constant 0 : i32
      %dma_start3A_204 = tpu.memref_slice %arg7[%dma_start3A_199, %dma_start3A_203] : memref<4x128xi32, #tpu.memory_space<vmem>> -> memref<1x128xi32, #tpu.memory_space<vmem>>
      %dma_start3A_205 = tpu.memref_squeeze %dma_start3A_204 : memref<1x128xi32, #tpu.memory_space<vmem>> -> memref<128xi32, #tpu.memory_space<vmem>>
      %dma_start3A_206 = arith.constant 0 : i32
      %dma_start3A_207 = arith.constant 0 : i32
      %dma_start3A_208 = tpu.memref_slice %arg5[%dma_start3A_206, %dma_start3A_207] : memref<102400x16xf32, #tpu.memory_space<hbm>> -> memref<102400x16xf32, #tpu.memory_space<hbm>>
      tpu.enqueue_indirect_dma source(%dma_start3A_208 : memref<102400x16xf32, #tpu.memory_space<hbm>>) target(%dma_start3A_202 : memref<128x16xf32, #tpu.memory_space<vmem>>) offsets(%dma_start3A_205 : memref<128xi32, #tpu.memory_space<vmem>>) semaphore(%arg12 : memref<!tpu.dma_semaphore, #tpu.memory_space<semaphore_mem>>)
      %dma_start3A_209 = arith.constant 3 : i32
      %dma_start3A_210 = arith.constant 384 : i32
      %dma_start3A_211 = arith.constant 0 : i32
      %dma_start3A_212 = tpu.memref_slice %arg9[%dma_start3A_210, %dma_start3A_211] : memref<512x16xf32, #tpu.memory_space<vmem>> -> memref<128x16xf32, #tpu.memory_space<vmem>>
      %dma_start3A_213 = arith.constant 0 : i32
      %dma_start3A_214 = tpu.memref_slice %arg7[%dma_start3A_209, %dma_start3A_213] : memref<4x128xi32, #tpu.memory_space<vmem>> -> memref<1x128xi32, #tpu.memory_space<vmem>>
      %dma_start3A_215 = tpu.memref_squeeze %dma_start3A_214 : memref<1x128xi32, #tpu.memory_space<vmem>> -> memref<128xi32, #tpu.memory_space<vmem>>
      %dma_start3A_216 = arith.constant 0 : i32
      %dma_start3A_217 = arith.constant 0 : i32
      %dma_start3A_218 = tpu.memref_slice %arg5[%dma_start3A_216, %dma_start3A_217] : memref<102400x16xf32, #tpu.memory_space<hbm>> -> memref<102400x16xf32, #tpu.memory_space<hbm>>
      tpu.enqueue_indirect_dma source(%dma_start3A_218 : memref<102400x16xf32, #tpu.memory_space<hbm>>) target(%dma_start3A_212 : memref<128x16xf32, #tpu.memory_space<vmem>>) offsets(%dma_start3A_215 : memref<128xi32, #tpu.memory_space<vmem>>) semaphore(%arg12 : memref<!tpu.dma_semaphore, #tpu.memory_space<semaphore_mem>>)
      %dma_wait3A = arith.constant 0 : i32
      %dma_wait3A_219 = arith.constant 0 : i32
      %dma_wait3A_220 = arith.constant 0 : i32
      %dma_wait3A_221 = tpu.memref_slice %arg9[%dma_wait3A_219, %dma_wait3A_220] : memref<512x16xf32, #tpu.memory_space<vmem>> -> memref<128x16xf32, #tpu.memory_space<vmem>>
      %dma_wait3A_222 = arith.constant 0 : i32
      %dma_wait3A_223 = tpu.memref_slice %arg7[%dma_wait3A, %dma_wait3A_222] : memref<4x128xi32, #tpu.memory_space<vmem>> -> memref<1x128xi32, #tpu.memory_space<vmem>>
      %dma_wait3A_224 = tpu.memref_squeeze %dma_wait3A_223 : memref<1x128xi32, #tpu.memory_space<vmem>> -> memref<128xi32, #tpu.memory_space<vmem>>
      %dma_wait3A_225 = arith.constant 0 : i32
      %dma_wait3A_226 = arith.constant 0 : i32
      %dma_wait3A_227 = tpu.memref_slice %arg5[%dma_wait3A_225, %dma_wait3A_226] : memref<102400x16xf32, #tpu.memory_space<hbm>> -> memref<102400x16xf32, #tpu.memory_space<hbm>>
      tpu.wait_indirect_dma semaphore(%arg12 : memref<!tpu.dma_semaphore, #tpu.memory_space<semaphore_mem>>) src(%dma_wait3A_227 : memref<102400x16xf32, #tpu.memory_space<hbm>>) dst(%dma_wait3A_221 : memref<128x16xf32, #tpu.memory_space<vmem>>)
      %scan3A_228 = arith.constant 0 : i32
      %scan3A_229 = arith.constant 128 : i32
      %scan3A_230 = arith.addi %scan3A_228, %scan3A_229 : i32
      %scan3A_231 = arith.constant 8 : i32
      scf.for %scan3A_358 = %scan3A_228 to %scan3A_230 step %scan3A_231  : i32 {
        %mul3A_359 = arith.constant 1 : i32
        %mul3A_360 = arith.muli %scan3A_358, %mul3A_359 : i32
        %add3A_361 = arith.constant 0 : i32
        %add3A_362 = arith.addi %add3A_361, %mul3A_360 : i32
        %add3A_363 = arith.constant 0 : i32
        %add3A_364 = arith.addi %add3A_363, %add3A_362 : i32
        %get3A = arith.index_cast %add3A_364 : i32 to index
        %get3A_365 = arith.constant 0 : index
        %get3A_366 = tpu.vector_load %arg9[%get3A, %get3A_365] {strides = array<i32>} : memref<512x16xf32, #tpu.memory_space<vmem>>, vector<1x16xf32>,
        %get3A_367 = vector.shape_cast %get3A_366 : vector<1x16xf32> to vector<16xf32>
        %add3A_368 = arith.constant 0 : i32
        %add3A_369 = arith.addi %add3A_368, %add3A_362 : i32
        %get3A_370 = arith.index_cast %add3A_369 : i32 to index
        %get3A_371 = arith.constant 0 : index
        %get3A_372 = tpu.vector_load %arg10[%get3A_370, %get3A_371] {strides = array<i32>} : memref<512x16xf32, #tpu.memory_space<vmem>>, vector<1x16xf32>,
        %get3A_373 = vector.shape_cast %get3A_372 : vector<1x16xf32> to vector<16xf32>
        %mul3A_374 = arith.mulf %get3A_367, %get3A_373 : vector<16xf32>
        %add3A_375 = arith.constant 0 : i32
        %add3A_376 = arith.addi %add3A_375, %add3A_362 : i32
        %swap3A = arith.index_cast %add3A_376 : i32 to index
        %swap3A_377 = arith.constant 0 : index
        %swap3A_378 = tpu.vector_load %arg9[%swap3A, %swap3A_377] {strides = array<i32>} : memref<512x16xf32, #tpu.memory_space<vmem>>, vector<1x16xf32>,
        %swap3A_379 = vector.shape_cast %swap3A_378 : vector<1x16xf32> to vector<16xf32>
        %swap3A_380 = vector.shape_cast %mul3A_374 : vector<16xf32> to vector<1x16xf32>
        tpu.vector_store %arg9[%swap3A, %swap3A_377], %swap3A_380 {strides = array<i32>} : memref<512x16xf32, #tpu.memory_space<vmem>>, vector<1x16xf32>,
        %scan3A_381 = arith.constant 1 : i32
        %scan3A_382 = arith.addi %scan3A_358, %scan3A_381 : i32
        %mul3A_383 = arith.constant 1 : i32
        %mul3A_384 = arith.muli %scan3A_382, %mul3A_383 : i32
        %add3A_385 = arith.constant 0 : i32
        %add3A_386 = arith.addi %add3A_385, %mul3A_384 : i32
        %add3A_387 = arith.constant 0 : i32
        %add3A_388 = arith.addi %add3A_387, %add3A_386 : i32
        %get3A_389 = arith.index_cast %add3A_388 : i32 to index
        %get3A_390 = arith.constant 0 : index
        %get3A_391 = tpu.vector_load %arg9[%get3A_389, %get3A_390] {strides = array<i32>} : memref<512x16xf32, #tpu.memory_space<vmem>>, vector<1x16xf32>,
        %get3A_392 = vector.shape_cast %get3A_391 : vector<1x16xf32> to vector<16xf32>
        %add3A_393 = arith.constant 0 : i32
        %add3A_394 = arith.addi %add3A_393, %add3A_386 : i32
        %get3A_395 = arith.index_cast %add3A_394 : i32 to index
        %get3A_396 = arith.constant 0 : index
        %get3A_397 = tpu.vector_load %arg10[%get3A_395, %get3A_396] {strides = array<i32>} : memref<512x16xf32, #tpu.memory_space<vmem>>, vector<1x16xf32>,
        %get3A_398 = vector.shape_cast %get3A_397 : vector<1x16xf32> to vector<16xf32>
        %mul3A_399 = arith.mulf %get3A_392, %get3A_398 : vector<16xf32>
        %add3A_400 = arith.constant 0 : i32
        %add3A_401 = arith.addi %add3A_400, %add3A_386 : i32
        %swap3A_402 = arith.index_cast %add3A_401 : i32 to index
        %swap3A_403 = arith.constant 0 : index
        %swap3A_404 = tpu.vector_load %arg9[%swap3A_402, %swap3A_403] {strides = array<i32>} : memref<512x16xf32, #tpu.memory_space<vmem>>, vector<1x16xf32>,
        %swap3A_405 = vector.shape_cast %swap3A_404 : vector<1x16xf32> to vector<16xf32>
        %swap3A_406 = vector.shape_cast %mul3A_399 : vector<16xf32> to vector<1x16xf32>
        tpu.vector_store %arg9[%swap3A_402, %swap3A_403], %swap3A_406 {strides = array<i32>} : memref<512x16xf32, #tpu.memory_space<vmem>>, vector<1x16xf32>,
        %scan3A_407 = arith.constant 2 : i32
        %scan3A_408 = arith.addi %scan3A_358, %scan3A_407 : i32
        %mul3A_409 = arith.constant 1 : i32
        %mul3A_410 = arith.muli %scan3A_408, %mul3A_409 : i32
        %add3A_411 = arith.constant 0 : i32
        %add3A_412 = arith.addi %add3A_411, %mul3A_410 : i32
        %add3A_413 = arith.constant 0 : i32
        %add3A_414 = arith.addi %add3A_413, %add3A_412 : i32
        %get3A_415 = arith.index_cast %add3A_414 : i32 to index
        %get3A_416 = arith.constant 0 : index
        %get3A_417 = tpu.vector_load %arg9[%get3A_415, %get3A_416] {strides = array<i32>} : memref<512x16xf32, #tpu.memory_space<vmem>>, vector<1x16xf32>,
        %get3A_418 = vector.shape_cast %get3A_417 : vector<1x16xf32> to vector<16xf32>
        %add3A_419 = arith.constant 0 : i32
        %add3A_420 = arith.addi %add3A_419, %add3A_412 : i32
        %get3A_421 = arith.index_cast %add3A_420 : i32 to index
        %get3A_422 = arith.constant 0 : index
        %get3A_423 = tpu.vector_load %arg10[%get3A_421, %get3A_422] {strides = array<i32>} : memref<512x16xf32, #tpu.memory_space<vmem>>, vector<1x16xf32>,
        %get3A_424 = vector.shape_cast %get3A_423 : vector<1x16xf32> to vector<16xf32>
        %mul3A_425 = arith.mulf %get3A_418, %get3A_424 : vector<16xf32>
        %add3A_426 = arith.constant 0 : i32
        %add3A_427 = arith.addi %add3A_426, %add3A_412 : i32
        %swap3A_428 = arith.index_cast %add3A_427 : i32 to index
        %swap3A_429 = arith.constant 0 : index
        %swap3A_430 = tpu.vector_load %arg9[%swap3A_428, %swap3A_429] {strides = array<i32>} : memref<512x16xf32, #tpu.memory_space<vmem>>, vector<1x16xf32>,
        %swap3A_431 = vector.shape_cast %swap3A_430 : vector<1x16xf32> to vector<16xf32>
        %swap3A_432 = vector.shape_cast %mul3A_425 : vector<16xf32> to vector<1x16xf32>
        tpu.vector_store %arg9[%swap3A_428, %swap3A_429], %swap3A_432 {strides = array<i32>} : memref<512x16xf32, #tpu.memory_space<vmem>>, vector<1x16xf32>,
        %scan3A_433 = arith.constant 3 : i32
        %scan3A_434 = arith.addi %scan3A_358, %scan3A_433 : i32
        %mul3A_435 = arith.constant 1 : i32
        %mul3A_436 = arith.muli %scan3A_434, %mul3A_435 : i32
        %add3A_437 = arith.constant 0 : i32
        %add3A_438 = arith.addi %add3A_437, %mul3A_436 : i32
        %add3A_439 = arith.constant 0 : i32
        %add3A_440 = arith.addi %add3A_439, %add3A_438 : i32
        %get3A_441 = arith.index_cast %add3A_440 : i32 to index
        %get3A_442 = arith.constant 0 : index
        %get3A_443 = tpu.vector_load %arg9[%get3A_441, %get3A_442] {strides = array<i32>} : memref<512x16xf32, #tpu.memory_space<vmem>>, vector<1x16xf32>,
        %get3A_444 = vector.shape_cast %get3A_443 : vector<1x16xf32> to vector<16xf32>
        %add3A_445 = arith.constant 0 : i32
        %add3A_446 = arith.addi %add3A_445, %add3A_438 : i32
        %get3A_447 = arith.index_cast %add3A_446 : i32 to index
        %get3A_448 = arith.constant 0 : index
        %get3A_449 = tpu.vector_load %arg10[%get3A_447, %get3A_448] {strides = array<i32>} : memref<512x16xf32, #tpu.memory_space<vmem>>, vector<1x16xf32>,
        %get3A_450 = vector.shape_cast %get3A_449 : vector<1x16xf32> to vector<16xf32>
        %mul3A_451 = arith.mulf %get3A_444, %get3A_450 : vector<16xf32>
        %add3A_452 = arith.constant 0 : i32
        %add3A_453 = arith.addi %add3A_452, %add3A_438 : i32
        %swap3A_454 = arith.index_cast %add3A_453 : i32 to index
        %swap3A_455 = arith.constant 0 : index
        %swap3A_456 = tpu.vector_load %arg9[%swap3A_454, %swap3A_455] {strides = array<i32>} : memref<512x16xf32, #tpu.memory_space<vmem>>, vector<1x16xf32>,
        %swap3A_457 = vector.shape_cast %swap3A_456 : vector<1x16xf32> to vector<16xf32>
        %swap3A_458 = vector.shape_cast %mul3A_451 : vector<16xf32> to vector<1x16xf32>
        tpu.vector_store %arg9[%swap3A_454, %swap3A_455], %swap3A_458 {strides = array<i32>} : memref<512x16xf32, #tpu.memory_space<vmem>>, vector<1x16xf32>,
        %scan3A_459 = arith.constant 4 : i32
        %scan3A_460 = arith.addi %scan3A_358, %scan3A_459 : i32
        %mul3A_461 = arith.constant 1 : i32
        %mul3A_462 = arith.muli %scan3A_460, %mul3A_461 : i32
        %add3A_463 = arith.constant 0 : i32
        %add3A_464 = arith.addi %add3A_463, %mul3A_462 : i32
        %add3A_465 = arith.constant 0 : i32
        %add3A_466 = arith.addi %add3A_465, %add3A_464 : i32
        %get3A_467 = arith.index_cast %add3A_466 : i32 to index
        %get3A_468 = arith.constant 0 : index
        %get3A_469 = tpu.vector_load %arg9[%get3A_467, %get3A_468] {strides = array<i32>} : memref<512x16xf32, #tpu.memory_space<vmem>>, vector<1x16xf32>,
        %get3A_470 = vector.shape_cast %get3A_469 : vector<1x16xf32> to vector<16xf32>
        %add3A_471 = arith.constant 0 : i32
        %add3A_472 = arith.addi %add3A_471, %add3A_464 : i32
        %get3A_473 = arith.index_cast %add3A_472 : i32 to index
        %get3A_474 = arith.constant 0 : index
        %get3A_475 = tpu.vector_load %arg10[%get3A_473, %get3A_474] {strides = array<i32>} : memref<512x16xf32, #tpu.memory_space<vmem>>, vector<1x16xf32>,
        %get3A_476 = vector.shape_cast %get3A_475 : vector<1x16xf32> to vector<16xf32>
        %mul3A_477 = arith.mulf %get3A_470, %get3A_476 : vector<16xf32>
        %add3A_478 = arith.constant 0 : i32
        %add3A_479 = arith.addi %add3A_478, %add3A_464 : i32
        %swap3A_480 = arith.index_cast %add3A_479 : i32 to index
        %swap3A_481 = arith.constant 0 : index
        %swap3A_482 = tpu.vector_load %arg9[%swap3A_480, %swap3A_481] {strides = array<i32>} : memref<512x16xf32, #tpu.memory_space<vmem>>, vector<1x16xf32>,
        %swap3A_483 = vector.shape_cast %swap3A_482 : vector<1x16xf32> to vector<16xf32>
        %swap3A_484 = vector.shape_cast %mul3A_477 : vector<16xf32> to vector<1x16xf32>
        tpu.vector_store %arg9[%swap3A_480, %swap3A_481], %swap3A_484 {strides = array<i32>} : memref<512x16xf32, #tpu.memory_space<vmem>>, vector<1x16xf32>,
        %scan3A_485 = arith.constant 5 : i32
        %scan3A_486 = arith.addi %scan3A_358, %scan3A_485 : i32
        %mul3A_487 = arith.constant 1 : i32
        %mul3A_488 = arith.muli %scan3A_486, %mul3A_487 : i32
        %add3A_489 = arith.constant 0 : i32
        %add3A_490 = arith.addi %add3A_489, %mul3A_488 : i32
        %add3A_491 = arith.constant 0 : i32
        %add3A_492 = arith.addi %add3A_491, %add3A_490 : i32
        %get3A_493 = arith.index_cast %add3A_492 : i32 to index
        %get3A_494 = arith.constant 0 : index
        %get3A_495 = tpu.vector_load %arg9[%get3A_493, %get3A_494] {strides = array<i32>} : memref<512x16xf32, #tpu.memory_space<vmem>>, vector<1x16xf32>,
        %get3A_496 = vector.shape_cast %get3A_495 : vector<1x16xf32> to vector<16xf32>
        %add3A_497 = arith.constant 0 : i32
        %add3A_498 = arith.addi %add3A_497, %add3A_490 : i32
        %get3A_499 = arith.index_cast %add3A_498 : i32 to index
        %get3A_500 = arith.constant 0 : index
        %get3A_501 = tpu.vector_load %arg10[%get3A_499, %get3A_500] {strides = array<i32>} : memref<512x16xf32, #tpu.memory_space<vmem>>, vector<1x16xf32>,
        %get3A_502 = vector.shape_cast %get3A_501 : vector<1x16xf32> to vector<16xf32>
        %mul3A_503 = arith.mulf %get3A_496, %get3A_502 : vector<16xf32>
        %add3A_504 = arith.constant 0 : i32
        %add3A_505 = arith.addi %add3A_504, %add3A_490 : i32
        %swap3A_506 = arith.index_cast %add3A_505 : i32 to index
        %swap3A_507 = arith.constant 0 : index
        %swap3A_508 = tpu.vector_load %arg9[%swap3A_506, %swap3A_507] {strides = array<i32>} : memref<512x16xf32, #tpu.memory_space<vmem>>, vector<1x16xf32>,
        %swap3A_509 = vector.shape_cast %swap3A_508 : vector<1x16xf32> to vector<16xf32>
        %swap3A_510 = vector.shape_cast %mul3A_503 : vector<16xf32> to vector<1x16xf32>
        tpu.vector_store %arg9[%swap3A_506, %swap3A_507], %swap3A_510 {strides = array<i32>} : memref<512x16xf32, #tpu.memory_space<vmem>>, vector<1x16xf32>,
        %scan3A_511 = arith.constant 6 : i32
        %scan3A_512 = arith.addi %scan3A_358, %scan3A_511 : i32
        %mul3A_513 = arith.constant 1 : i32
        %mul3A_514 = arith.muli %scan3A_512, %mul3A_513 : i32
        %add3A_515 = arith.constant 0 : i32
        %add3A_516 = arith.addi %add3A_515, %mul3A_514 : i32
        %add3A_517 = arith.constant 0 : i32
        %add3A_518 = arith.addi %add3A_517, %add3A_516 : i32
        %get3A_519 = arith.index_cast %add3A_518 : i32 to index
        %get3A_520 = arith.constant 0 : index
        %get3A_521 = tpu.vector_load %arg9[%get3A_519, %get3A_520] {strides = array<i32>} : memref<512x16xf32, #tpu.memory_space<vmem>>, vector<1x16xf32>,
        %get3A_522 = vector.shape_cast %get3A_521 : vector<1x16xf32> to vector<16xf32>
        %add3A_523 = arith.constant 0 : i32
        %add3A_524 = arith.addi %add3A_523, %add3A_516 : i32
        %get3A_525 = arith.index_cast %add3A_524 : i32 to index
        %get3A_526 = arith.constant 0 : index
        %get3A_527 = tpu.vector_load %arg10[%get3A_525, %get3A_526] {strides = array<i32>} : memref<512x16xf32, #tpu.memory_space<vmem>>, vector<1x16xf32>,
        %get3A_528 = vector.shape_cast %get3A_527 : vector<1x16xf32> to vector<16xf32>
        %mul3A_529 = arith.mulf %get3A_522, %get3A_528 : vector<16xf32>
        %add3A_530 = arith.constant 0 : i32
        %add3A_531 = arith.addi %add3A_530, %add3A_516 : i32
        %swap3A_532 = arith.index_cast %add3A_531 : i32 to index
        %swap3A_533 = arith.constant 0 : index
        %swap3A_534 = tpu.vector_load %arg9[%swap3A_532, %swap3A_533] {strides = array<i32>} : memref<512x16xf32, #tpu.memory_space<vmem>>, vector<1x16xf32>,
        %swap3A_535 = vector.shape_cast %swap3A_534 : vector<1x16xf32> to vector<16xf32>
        %swap3A_536 = vector.shape_cast %mul3A_529 : vector<16xf32> to vector<1x16xf32>
        tpu.vector_store %arg9[%swap3A_532, %swap3A_533], %swap3A_536 {strides = array<i32>} : memref<512x16xf32, #tpu.memory_space<vmem>>, vector<1x16xf32>,
        %scan3A_537 = arith.constant 7 : i32
        %scan3A_538 = arith.addi %scan3A_358, %scan3A_537 : i32
        %mul3A_539 = arith.constant 1 : i32
        %mul3A_540 = arith.muli %scan3A_538, %mul3A_539 : i32
        %add3A_541 = arith.constant 0 : i32
        %add3A_542 = arith.addi %add3A_541, %mul3A_540 : i32
        %add3A_543 = arith.constant 0 : i32
        %add3A_544 = arith.addi %add3A_543, %add3A_542 : i32
        %get3A_545 = arith.index_cast %add3A_544 : i32 to index
        %get3A_546 = arith.constant 0 : index
        %get3A_547 = tpu.vector_load %arg9[%get3A_545, %get3A_546] {strides = array<i32>} : memref<512x16xf32, #tpu.memory_space<vmem>>, vector<1x16xf32>,
        %get3A_548 = vector.shape_cast %get3A_547 : vector<1x16xf32> to vector<16xf32>
        %add3A_549 = arith.constant 0 : i32
        %add3A_550 = arith.addi %add3A_549, %add3A_542 : i32
        %get3A_551 = arith.index_cast %add3A_550 : i32 to index
        %get3A_552 = arith.constant 0 : index
        %get3A_553 = tpu.vector_load %arg10[%get3A_551, %get3A_552] {strides = array<i32>} : memref<512x16xf32, #tpu.memory_space<vmem>>, vector<1x16xf32>,
        %get3A_554 = vector.shape_cast %get3A_553 : vector<1x16xf32> to vector<16xf32>
        %mul3A_555 = arith.mulf %get3A_548, %get3A_554 : vector<16xf32>
        %add3A_556 = arith.constant 0 : i32
        %add3A_557 = arith.addi %add3A_556, %add3A_542 : i32
        %swap3A_558 = arith.index_cast %add3A_557 : i32 to index
        %swap3A_559 = arith.constant 0 : index
        %swap3A_560 = tpu.vector_load %arg9[%swap3A_558, %swap3A_559] {strides = array<i32>} : memref<512x16xf32, #tpu.memory_space<vmem>>, vector<1x16xf32>,
        %swap3A_561 = vector.shape_cast %swap3A_560 : vector<1x16xf32> to vector<16xf32>
        %swap3A_562 = vector.shape_cast %mul3A_555 : vector<16xf32> to vector<1x16xf32>
        tpu.vector_store %arg9[%swap3A_558, %swap3A_559], %swap3A_562 {strides = array<i32>} : memref<512x16xf32, #tpu.memory_space<vmem>>, vector<1x16xf32>,
      }
      %scan3A_232 = arith.constant 128 : i32
      %dma_start3A_233 = arith.constant 0 : i32
      %dma_start3A_234 = arith.constant 0 : i32
      %dma_start3A_235 = arith.constant 0 : i32
      %dma_start3A_236 = tpu.memref_slice %arg9[%dma_start3A_234, %dma_start3A_235] : memref<512x16xf32, #tpu.memory_space<vmem>> -> memref<128x16xf32, #tpu.memory_space<vmem>>
      %dma_start3A_237 = arith.constant 0 : i32
      %dma_start3A_238 = tpu.memref_slice %arg8[%dma_start3A_233, %dma_start3A_237] : memref<4x128xi32, #tpu.memory_space<vmem>> -> memref<1x128xi32, #tpu.memory_space<vmem>>
      %dma_start3A_239 = tpu.memref_squeeze %dma_start3A_238 : memref<1x128xi32, #tpu.memory_space<vmem>> -> memref<128xi32, #tpu.memory_space<vmem>>
      %dma_start3A_240 = arith.constant 0 : i32
      %dma_start3A_241 = arith.constant 0 : i32
      %dma_start3A_242 = tpu.memref_slice %arg11[%dma_start3A_240, %dma_start3A_241] : memref<102400x16xf32, #tpu.memory_space<vmem_shared>> -> memref<102400x16xf32, #tpu.memory_space<vmem_shared>>
      tpu.enqueue_indirect_dma source(%dma_start3A_236 : memref<128x16xf32, #tpu.memory_space<vmem>>) target(%dma_start3A_242 : memref<102400x16xf32, #tpu.memory_space<vmem_shared>>) offsets(%dma_start3A_239 : memref<128xi32, #tpu.memory_space<vmem>>) semaphore(%arg13 : memref<!tpu.dma_semaphore, #tpu.memory_space<semaphore_mem>>) {add = true}
      %dma_wait3A_243 = arith.constant 1 : i32
      %dma_wait3A_244 = arith.constant 128 : i32
      %dma_wait3A_245 = arith.constant 0 : i32
      %dma_wait3A_246 = tpu.memref_slice %arg9[%dma_wait3A_244, %dma_wait3A_245] : memref<512x16xf32, #tpu.memory_space<vmem>> -> memref<128x16xf32, #tpu.memory_space<vmem>>
      %dma_wait3A_247 = arith.constant 0 : i32
      %dma_wait3A_248 = tpu.memref_slice %arg7[%dma_wait3A_243, %dma_wait3A_247] : memref<4x128xi32, #tpu.memory_space<vmem>> -> memref<1x128xi32, #tpu.memory_space<vmem>>
      %dma_wait3A_249 = tpu.memref_squeeze %dma_wait3A_248 : memref<1x128xi32, #tpu.memory_space<vmem>> -> memref<128xi32, #tpu.memory_space<vmem>>
      %dma_wait3A_250 = arith.constant 0 : i32
      %dma_wait3A_251 = arith.constant 0 : i32
      %dma_wait3A_252 = tpu.memref_slice %arg5[%dma_wait3A_250, %dma_wait3A_251] : memref<102400x16xf32, #tpu.memory_space<hbm>> -> memref<102400x16xf32, #tpu.memory_space<hbm>>
      tpu.wait_indirect_dma semaphore(%arg12 : memref<!tpu.dma_semaphore, #tpu.memory_space<semaphore_mem>>) src(%dma_wait3A_252 : memref<102400x16xf32, #tpu.memory_space<hbm>>) dst(%dma_wait3A_246 : memref<128x16xf32, #tpu.memory_space<vmem>>)
      %scan3A_253 = arith.constant 0 : i32
      %scan3A_254 = arith.constant 128 : i32
      %scan3A_255 = arith.addi %scan3A_253, %scan3A_254 : i32
      %scan3A_256 = arith.constant 8 : i32
      scf.for %scan3A_358 = %scan3A_253 to %scan3A_255 step %scan3A_256  : i32 {
        %mul3A_359 = arith.constant 1 : i32
        %mul3A_360 = arith.muli %scan3A_358, %mul3A_359 : i32
        %add3A_361 = arith.constant 0 : i32
        %add3A_362 = arith.addi %add3A_361, %mul3A_360 : i32
        %add3A_363 = arith.constant 128 : i32
        %add3A_364 = arith.addi %add3A_363, %add3A_362 : i32
        %get3A = arith.index_cast %add3A_364 : i32 to index
        %get3A_365 = arith.constant 0 : index
        %get3A_366 = tpu.vector_load %arg9[%get3A, %get3A_365] {strides = array<i32>} : memref<512x16xf32, #tpu.memory_space<vmem>>, vector<1x16xf32>,
        %get3A_367 = vector.shape_cast %get3A_366 : vector<1x16xf32> to vector<16xf32>
        %add3A_368 = arith.constant 128 : i32
        %add3A_369 = arith.addi %add3A_368, %add3A_362 : i32
        %get3A_370 = arith.index_cast %add3A_369 : i32 to index
        %get3A_371 = arith.constant 0 : index
        %get3A_372 = tpu.vector_load %arg10[%get3A_370, %get3A_371] {strides = array<i32>} : memref<512x16xf32, #tpu.memory_space<vmem>>, vector<1x16xf32>,
        %get3A_373 = vector.shape_cast %get3A_372 : vector<1x16xf32> to vector<16xf32>
        %mul3A_374 = arith.mulf %get3A_367, %get3A_373 : vector<16xf32>
        %add3A_375 = arith.constant 128 : i32
        %add3A_376 = arith.addi %add3A_375, %add3A_362 : i32
        %swap3A = arith.index_cast %add3A_376 : i32 to index
        %swap3A_377 = arith.constant 0 : index
        %swap3A_378 = tpu.vector_load %arg9[%swap3A, %swap3A_377] {strides = array<i32>} : memref<512x16xf32, #tpu.memory_space<vmem>>, vector<1x16xf32>,
        %swap3A_379 = vector.shape_cast %swap3A_378 : vector<1x16xf32> to vector<16xf32>
        %swap3A_380 = vector.shape_cast %mul3A_374 : vector<16xf32> to vector<1x16xf32>
        tpu.vector_store %arg9[%swap3A, %swap3A_377], %swap3A_380 {strides = array<i32>} : memref<512x16xf32, #tpu.memory_space<vmem>>, vector<1x16xf32>,
        %scan3A_381 = arith.constant 1 : i32
        %scan3A_382 = arith.addi %scan3A_358, %scan3A_381 : i32
        %mul3A_383 = arith.constant 1 : i32
        %mul3A_384 = arith.muli %scan3A_382, %mul3A_383 : i32
        %add3A_385 = arith.constant 0 : i32
        %add3A_386 = arith.addi %add3A_385, %mul3A_384 : i32
        %add3A_387 = arith.constant 128 : i32
        %add3A_388 = arith.addi %add3A_387, %add3A_386 : i32
        %get3A_389 = arith.index_cast %add3A_388 : i32 to index
        %get3A_390 = arith.constant 0 : index
        %get3A_391 = tpu.vector_load %arg9[%get3A_389, %get3A_390] {strides = array<i32>} : memref<512x16xf32, #tpu.memory_space<vmem>>, vector<1x16xf32>,
        %get3A_392 = vector.shape_cast %get3A_391 : vector<1x16xf32> to vector<16xf32>
        %add3A_393 = arith.constant 128 : i32
        %add3A_394 = arith.addi %add3A_393, %add3A_386 : i32
        %get3A_395 = arith.index_cast %add3A_394 : i32 to index
        %get3A_396 = arith.constant 0 : index
        %get3A_397 = tpu.vector_load %arg10[%get3A_395, %get3A_396] {strides = array<i32>} : memref<512x16xf32, #tpu.memory_space<vmem>>, vector<1x16xf32>,
        %get3A_398 = vector.shape_cast %get3A_397 : vector<1x16xf32> to vector<16xf32>
        %mul3A_399 = arith.mulf %get3A_392, %get3A_398 : vector<16xf32>
        %add3A_400 = arith.constant 128 : i32
        %add3A_401 = arith.addi %add3A_400, %add3A_386 : i32
        %swap3A_402 = arith.index_cast %add3A_401 : i32 to index
        %swap3A_403 = arith.constant 0 : index
        %swap3A_404 = tpu.vector_load %arg9[%swap3A_402, %swap3A_403] {strides = array<i32>} : memref<512x16xf32, #tpu.memory_space<vmem>>, vector<1x16xf32>,
        %swap3A_405 = vector.shape_cast %swap3A_404 : vector<1x16xf32> to vector<16xf32>
        %swap3A_406 = vector.shape_cast %mul3A_399 : vector<16xf32> to vector<1x16xf32>
        tpu.vector_store %arg9[%swap3A_402, %swap3A_403], %swap3A_406 {strides = array<i32>} : memref<512x16xf32, #tpu.memory_space<vmem>>, vector<1x16xf32>,
        %scan3A_407 = arith.constant 2 : i32
        %scan3A_408 = arith.addi %scan3A_358, %scan3A_407 : i32
        %mul3A_409 = arith.constant 1 : i32
        %mul3A_410 = arith.muli %scan3A_408, %mul3A_409 : i32
        %add3A_411 = arith.constant 0 : i32
        %add3A_412 = arith.addi %add3A_411, %mul3A_410 : i32
        %add3A_413 = arith.constant 128 : i32
        %add3A_414 = arith.addi %add3A_413, %add3A_412 : i32
        %get3A_415 = arith.index_cast %add3A_414 : i32 to index
        %get3A_416 = arith.constant 0 : index
        %get3A_417 = tpu.vector_load %arg9[%get3A_415, %get3A_416] {strides = array<i32>} : memref<512x16xf32, #tpu.memory_space<vmem>>, vector<1x16xf32>,
        %get3A_418 = vector.shape_cast %get3A_417 : vector<1x16xf32> to vector<16xf32>
        %add3A_419 = arith.constant 128 : i32
        %add3A_420 = arith.addi %add3A_419, %add3A_412 : i32
        %get3A_421 = arith.index_cast %add3A_420 : i32 to index
        %get3A_422 = arith.constant 0 : index
        %get3A_423 = tpu.vector_load %arg10[%get3A_421, %get3A_422] {strides = array<i32>} : memref<512x16xf32, #tpu.memory_space<vmem>>, vector<1x16xf32>,
        %get3A_424 = vector.shape_cast %get3A_423 : vector<1x16xf32> to vector<16xf32>
        %mul3A_425 = arith.mulf %get3A_418, %get3A_424 : vector<16xf32>
        %add3A_426 = arith.constant 128 : i32
        %add3A_427 = arith.addi %add3A_426, %add3A_412 : i32
        %swap3A_428 = arith.index_cast %add3A_427 : i32 to index
        %swap3A_429 = arith.constant 0 : index
        %swap3A_430 = tpu.vector_load %arg9[%swap3A_428, %swap3A_429] {strides = array<i32>} : memref<512x16xf32, #tpu.memory_space<vmem>>, vector<1x16xf32>,
        %swap3A_431 = vector.shape_cast %swap3A_430 : vector<1x16xf32> to vector<16xf32>
        %swap3A_432 = vector.shape_cast %mul3A_425 : vector<16xf32> to vector<1x16xf32>
        tpu.vector_store %arg9[%swap3A_428, %swap3A_429], %swap3A_432 {strides = array<i32>} : memref<512x16xf32, #tpu.memory_space<vmem>>, vector<1x16xf32>,
        %scan3A_433 = arith.constant 3 : i32
        %scan3A_434 = arith.addi %scan3A_358, %scan3A_433 : i32
        %mul3A_435 = arith.constant 1 : i32
        %mul3A_436 = arith.muli %scan3A_434, %mul3A_435 : i32
        %add3A_437 = arith.constant 0 : i32
        %add3A_438 = arith.addi %add3A_437, %mul3A_436 : i32
        %add3A_439 = arith.constant 128 : i32
        %add3A_440 = arith.addi %add3A_439, %add3A_438 : i32
        %get3A_441 = arith.index_cast %add3A_440 : i32 to index
        %get3A_442 = arith.constant 0 : index
        %get3A_443 = tpu.vector_load %arg9[%get3A_441, %get3A_442] {strides = array<i32>} : memref<512x16xf32, #tpu.memory_space<vmem>>, vector<1x16xf32>,
        %get3A_444 = vector.shape_cast %get3A_443 : vector<1x16xf32> to vector<16xf32>
        %add3A_445 = arith.constant 128 : i32
        %add3A_446 = arith.addi %add3A_445, %add3A_438 : i32
        %get3A_447 = arith.index_cast %add3A_446 : i32 to index
        %get3A_448 = arith.constant 0 : index
        %get3A_449 = tpu.vector_load %arg10[%get3A_447, %get3A_448] {strides = array<i32>} : memref<512x16xf32, #tpu.memory_space<vmem>>, vector<1x16xf32>,
        %get3A_450 = vector.shape_cast %get3A_449 : vector<1x16xf32> to vector<16xf32>
        %mul3A_451 = arith.mulf %get3A_444, %get3A_450 : vector<16xf32>
        %add3A_452 = arith.constant 128 : i32
        %add3A_453 = arith.addi %add3A_452, %add3A_438 : i32
        %swap3A_454 = arith.index_cast %add3A_453 : i32 to index
        %swap3A_455 = arith.constant 0 : index
        %swap3A_456 = tpu.vector_load %arg9[%swap3A_454, %swap3A_455] {strides = array<i32>} : memref<512x16xf32, #tpu.memory_space<vmem>>, vector<1x16xf32>,
        %swap3A_457 = vector.shape_cast %swap3A_456 : vector<1x16xf32> to vector<16xf32>
        %swap3A_458 = vector.shape_cast %mul3A_451 : vector<16xf32> to vector<1x16xf32>
        tpu.vector_store %arg9[%swap3A_454, %swap3A_455], %swap3A_458 {strides = array<i32>} : memref<512x16xf32, #tpu.memory_space<vmem>>, vector<1x16xf32>,
        %scan3A_459 = arith.constant 4 : i32
        %scan3A_460 = arith.addi %scan3A_358, %scan3A_459 : i32
        %mul3A_461 = arith.constant 1 : i32
        %mul3A_462 = arith.muli %scan3A_460, %mul3A_461 : i32
        %add3A_463 = arith.constant 0 : i32
        %add3A_464 = arith.addi %add3A_463, %mul3A_462 : i32
        %add3A_465 = arith.constant 128 : i32
        %add3A_466 = arith.addi %add3A_465, %add3A_464 : i32
        %get3A_467 = arith.index_cast %add3A_466 : i32 to index
        %get3A_468 = arith.constant 0 : index
        %get3A_469 = tpu.vector_load %arg9[%get3A_467, %get3A_468] {strides = array<i32>} : memref<512x16xf32, #tpu.memory_space<vmem>>, vector<1x16xf32>,
        %get3A_470 = vector.shape_cast %get3A_469 : vector<1x16xf32> to vector<16xf32>
        %add3A_471 = arith.constant 128 : i32
        %add3A_472 = arith.addi %add3A_471, %add3A_464 : i32
        %get3A_473 = arith.index_cast %add3A_472 : i32 to index
        %get3A_474 = arith.constant 0 : index
        %get3A_475 = tpu.vector_load %arg10[%get3A_473, %get3A_474] {strides = array<i32>} : memref<512x16xf32, #tpu.memory_space<vmem>>, vector<1x16xf32>,
        %get3A_476 = vector.shape_cast %get3A_475 : vector<1x16xf32> to vector<16xf32>
        %mul3A_477 = arith.mulf %get3A_470, %get3A_476 : vector<16xf32>
        %add3A_478 = arith.constant 128 : i32
        %add3A_479 = arith.addi %add3A_478, %add3A_464 : i32
        %swap3A_480 = arith.index_cast %add3A_479 : i32 to index
        %swap3A_481 = arith.constant 0 : index
        %swap3A_482 = tpu.vector_load %arg9[%swap3A_480, %swap3A_481] {strides = array<i32>} : memref<512x16xf32, #tpu.memory_space<vmem>>, vector<1x16xf32>,
        %swap3A_483 = vector.shape_cast %swap3A_482 : vector<1x16xf32> to vector<16xf32>
        %swap3A_484 = vector.shape_cast %mul3A_477 : vector<16xf32> to vector<1x16xf32>
        tpu.vector_store %arg9[%swap3A_480, %swap3A_481], %swap3A_484 {strides = array<i32>} : memref<512x16xf32, #tpu.memory_space<vmem>>, vector<1x16xf32>,
        %scan3A_485 = arith.constant 5 : i32
        %scan3A_486 = arith.addi %scan3A_358, %scan3A_485 : i32
        %mul3A_487 = arith.constant 1 : i32
        %mul3A_488 = arith.muli %scan3A_486, %mul3A_487 : i32
        %add3A_489 = arith.constant 0 : i32
        %add3A_490 = arith.addi %add3A_489, %mul3A_488 : i32
        %add3A_491 = arith.constant 128 : i32
        %add3A_492 = arith.addi %add3A_491, %add3A_490 : i32
        %get3A_493 = arith.index_cast %add3A_492 : i32 to index
        %get3A_494 = arith.constant 0 : index
        %get3A_495 = tpu.vector_load %arg9[%get3A_493, %get3A_494] {strides = array<i32>} : memref<512x16xf32, #tpu.memory_space<vmem>>, vector<1x16xf32>,
        %get3A_496 = vector.shape_cast %get3A_495 : vector<1x16xf32> to vector<16xf32>
        %add3A_497 = arith.constant 128 : i32
        %add3A_498 = arith.addi %add3A_497, %add3A_490 : i32
        %get3A_499 = arith.index_cast %add3A_498 : i32 to index
        %get3A_500 = arith.constant 0 : index
        %get3A_501 = tpu.vector_load %arg10[%get3A_499, %get3A_500] {strides = array<i32>} : memref<512x16xf32, #tpu.memory_space<vmem>>, vector<1x16xf32>,
        %get3A_502 = vector.shape_cast %get3A_501 : vector<1x16xf32> to vector<16xf32>
        %mul3A_503 = arith.mulf %get3A_496, %get3A_502 : vector<16xf32>
        %add3A_504 = arith.constant 128 : i32
        %add3A_505 = arith.addi %add3A_504, %add3A_490 : i32
        %swap3A_506 = arith.index_cast %add3A_505 : i32 to index
        %swap3A_507 = arith.constant 0 : index
        %swap3A_508 = tpu.vector_load %arg9[%swap3A_506, %swap3A_507] {strides = array<i32>} : memref<512x16xf32, #tpu.memory_space<vmem>>, vector<1x16xf32>,
        %swap3A_509 = vector.shape_cast %swap3A_508 : vector<1x16xf32> to vector<16xf32>
        %swap3A_510 = vector.shape_cast %mul3A_503 : vector<16xf32> to vector<1x16xf32>
        tpu.vector_store %arg9[%swap3A_506, %swap3A_507], %swap3A_510 {strides = array<i32>} : memref<512x16xf32, #tpu.memory_space<vmem>>, vector<1x16xf32>,
        %scan3A_511 = arith.constant 6 : i32
        %scan3A_512 = arith.addi %scan3A_358, %scan3A_511 : i32
        %mul3A_513 = arith.constant 1 : i32
        %mul3A_514 = arith.muli %scan3A_512, %mul3A_513 : i32
        %add3A_515 = arith.constant 0 : i32
        %add3A_516 = arith.addi %add3A_515, %mul3A_514 : i32
        %add3A_517 = arith.constant 128 : i32
        %add3A_518 = arith.addi %add3A_517, %add3A_516 : i32
        %get3A_519 = arith.index_cast %add3A_518 : i32 to index
        %get3A_520 = arith.constant 0 : index
        %get3A_521 = tpu.vector_load %arg9[%get3A_519, %get3A_520] {strides = array<i32>} : memref<512x16xf32, #tpu.memory_space<vmem>>, vector<1x16xf32>,
        %get3A_522 = vector.shape_cast %get3A_521 : vector<1x16xf32> to vector<16xf32>
        %add3A_523 = arith.constant 128 : i32
        %add3A_524 = arith.addi %add3A_523, %add3A_516 : i32
        %get3A_525 = arith.index_cast %add3A_524 : i32 to index
        %get3A_526 = arith.constant 0 : index
        %get3A_527 = tpu.vector_load %arg10[%get3A_525, %get3A_526] {strides = array<i32>} : memref<512x16xf32, #tpu.memory_space<vmem>>, vector<1x16xf32>,
        %get3A_528 = vector.shape_cast %get3A_527 : vector<1x16xf32> to vector<16xf32>
        %mul3A_529 = arith.mulf %get3A_522, %get3A_528 : vector<16xf32>
        %add3A_530 = arith.constant 128 : i32
        %add3A_531 = arith.addi %add3A_530, %add3A_516 : i32
        %swap3A_532 = arith.index_cast %add3A_531 : i32 to index
        %swap3A_533 = arith.constant 0 : index
        %swap3A_534 = tpu.vector_load %arg9[%swap3A_532, %swap3A_533] {strides = array<i32>} : memref<512x16xf32, #tpu.memory_space<vmem>>, vector<1x16xf32>,
        %swap3A_535 = vector.shape_cast %swap3A_534 : vector<1x16xf32> to vector<16xf32>
        %swap3A_536 = vector.shape_cast %mul3A_529 : vector<16xf32> to vector<1x16xf32>
        tpu.vector_store %arg9[%swap3A_532, %swap3A_533], %swap3A_536 {strides = array<i32>} : memref<512x16xf32, #tpu.memory_space<vmem>>, vector<1x16xf32>,
        %scan3A_537 = arith.constant 7 : i32
        %scan3A_538 = arith.addi %scan3A_358, %scan3A_537 : i32
        %mul3A_539 = arith.constant 1 : i32
        %mul3A_540 = arith.muli %scan3A_538, %mul3A_539 : i32
        %add3A_541 = arith.constant 0 : i32
        %add3A_542 = arith.addi %add3A_541, %mul3A_540 : i32
        %add3A_543 = arith.constant 128 : i32
        %add3A_544 = arith.addi %add3A_543, %add3A_542 : i32
        %get3A_545 = arith.index_cast %add3A_544 : i32 to index
        %get3A_546 = arith.constant 0 : index
        %get3A_547 = tpu.vector_load %arg9[%get3A_545, %get3A_546] {strides = array<i32>} : memref<512x16xf32, #tpu.memory_space<vmem>>, vector<1x16xf32>,
        %get3A_548 = vector.shape_cast %get3A_547 : vector<1x16xf32> to vector<16xf32>
        %add3A_549 = arith.constant 128 : i32
        %add3A_550 = arith.addi %add3A_549, %add3A_542 : i32
        %get3A_551 = arith.index_cast %add3A_550 : i32 to index
        %get3A_552 = arith.constant 0 : index
        %get3A_553 = tpu.vector_load %arg10[%get3A_551, %get3A_552] {strides = array<i32>} : memref<512x16xf32, #tpu.memory_space<vmem>>, vector<1x16xf32>,
        %get3A_554 = vector.shape_cast %get3A_553 : vector<1x16xf32> to vector<16xf32>
        %mul3A_555 = arith.mulf %get3A_548, %get3A_554 : vector<16xf32>
        %add3A_556 = arith.constant 128 : i32
        %add3A_557 = arith.addi %add3A_556, %add3A_542 : i32
        %swap3A_558 = arith.index_cast %add3A_557 : i32 to index
        %swap3A_559 = arith.constant 0 : index
        %swap3A_560 = tpu.vector_load %arg9[%swap3A_558, %swap3A_559] {strides = array<i32>} : memref<512x16xf32, #tpu.memory_space<vmem>>, vector<1x16xf32>,
        %swap3A_561 = vector.shape_cast %swap3A_560 : vector<1x16xf32> to vector<16xf32>
        %swap3A_562 = vector.shape_cast %mul3A_555 : vector<16xf32> to vector<1x16xf32>
        tpu.vector_store %arg9[%swap3A_558, %swap3A_559], %swap3A_562 {strides = array<i32>} : memref<512x16xf32, #tpu.memory_space<vmem>>, vector<1x16xf32>,
      }
      %scan3A_257 = arith.constant 128 : i32
      %dma_start3A_258 = arith.constant 1 : i32
      %dma_start3A_259 = arith.constant 128 : i32
      %dma_start3A_260 = arith.constant 0 : i32
      %dma_start3A_261 = tpu.memref_slice %arg9[%dma_start3A_259, %dma_start3A_260] : memref<512x16xf32, #tpu.memory_space<vmem>> -> memref<128x16xf32, #tpu.memory_space<vmem>>
      %dma_start3A_262 = arith.constant 0 : i32
      %dma_start3A_263 = tpu.memref_slice %arg8[%dma_start3A_258, %dma_start3A_262] : memref<4x128xi32, #tpu.memory_space<vmem>> -> memref<1x128xi32, #tpu.memory_space<vmem>>
      %dma_start3A_264 = tpu.memref_squeeze %dma_start3A_263 : memref<1x128xi32, #tpu.memory_space<vmem>> -> memref<128xi32, #tpu.memory_space<vmem>>
      %dma_start3A_265 = arith.constant 0 : i32
      %dma_start3A_266 = arith.constant 0 : i32
      %dma_start3A_267 = tpu.memref_slice %arg11[%dma_start3A_265, %dma_start3A_266] : memref<102400x16xf32, #tpu.memory_space<vmem_shared>> -> memref<102400x16xf32, #tpu.memory_space<vmem_shared>>
      tpu.enqueue_indirect_dma source(%dma_start3A_261 : memref<128x16xf32, #tpu.memory_space<vmem>>) target(%dma_start3A_267 : memref<102400x16xf32, #tpu.memory_space<vmem_shared>>) offsets(%dma_start3A_264 : memref<128xi32, #tpu.memory_space<vmem>>) semaphore(%arg13 : memref<!tpu.dma_semaphore, #tpu.memory_space<semaphore_mem>>) {add = true}
      %dma_wait3A_268 = arith.constant 2 : i32
      %dma_wait3A_269 = arith.constant 256 : i32
      %dma_wait3A_270 = arith.constant 0 : i32
      %dma_wait3A_271 = tpu.memref_slice %arg9[%dma_wait3A_269, %dma_wait3A_270] : memref<512x16xf32, #tpu.memory_space<vmem>> -> memref<128x16xf32, #tpu.memory_space<vmem>>
      %dma_wait3A_272 = arith.constant 0 : i32
      %dma_wait3A_273 = tpu.memref_slice %arg7[%dma_wait3A_268, %dma_wait3A_272] : memref<4x128xi32, #tpu.memory_space<vmem>> -> memref<1x128xi32, #tpu.memory_space<vmem>>
      %dma_wait3A_274 = tpu.memref_squeeze %dma_wait3A_273 : memref<1x128xi32, #tpu.memory_space<vmem>> -> memref<128xi32, #tpu.memory_space<vmem>>
      %dma_wait3A_275 = arith.constant 0 : i32
      %dma_wait3A_276 = arith.constant 0 : i32
      %dma_wait3A_277 = tpu.memref_slice %arg5[%dma_wait3A_275, %dma_wait3A_276] : memref<102400x16xf32, #tpu.memory_space<hbm>> -> memref<102400x16xf32, #tpu.memory_space<hbm>>
      tpu.wait_indirect_dma semaphore(%arg12 : memref<!tpu.dma_semaphore, #tpu.memory_space<semaphore_mem>>) src(%dma_wait3A_277 : memref<102400x16xf32, #tpu.memory_space<hbm>>) dst(%dma_wait3A_271 : memref<128x16xf32, #tpu.memory_space<vmem>>)
      %scan3A_278 = arith.constant 0 : i32
      %scan3A_279 = arith.constant 128 : i32
      %scan3A_280 = arith.addi %scan3A_278, %scan3A_279 : i32
      %scan3A_281 = arith.constant 8 : i32
      scf.for %scan3A_358 = %scan3A_278 to %scan3A_280 step %scan3A_281  : i32 {
        %mul3A_359 = arith.constant 1 : i32
        %mul3A_360 = arith.muli %scan3A_358, %mul3A_359 : i32
        %add3A_361 = arith.constant 0 : i32
        %add3A_362 = arith.addi %add3A_361, %mul3A_360 : i32
        %add3A_363 = arith.constant 256 : i32
        %add3A_364 = arith.addi %add3A_363, %add3A_362 : i32
        %get3A = arith.index_cast %add3A_364 : i32 to index
        %get3A_365 = arith.constant 0 : index
        %get3A_366 = tpu.vector_load %arg9[%get3A, %get3A_365] {strides = array<i32>} : memref<512x16xf32, #tpu.memory_space<vmem>>, vector<1x16xf32>,
        %get3A_367 = vector.shape_cast %get3A_366 : vector<1x16xf32> to vector<16xf32>
        %add3A_368 = arith.constant 256 : i32
        %add3A_369 = arith.addi %add3A_368, %add3A_362 : i32
        %get3A_370 = arith.index_cast %add3A_369 : i32 to index
        %get3A_371 = arith.constant 0 : index
        %get3A_372 = tpu.vector_load %arg10[%get3A_370, %get3A_371] {strides = array<i32>} : memref<512x16xf32, #tpu.memory_space<vmem>>, vector<1x16xf32>,
        %get3A_373 = vector.shape_cast %get3A_372 : vector<1x16xf32> to vector<16xf32>
        %mul3A_374 = arith.mulf %get3A_367, %get3A_373 : vector<16xf32>
        %add3A_375 = arith.constant 256 : i32
        %add3A_376 = arith.addi %add3A_375, %add3A_362 : i32
        %swap3A = arith.index_cast %add3A_376 : i32 to index
        %swap3A_377 = arith.constant 0 : index
        %swap3A_378 = tpu.vector_load %arg9[%swap3A, %swap3A_377] {strides = array<i32>} : memref<512x16xf32, #tpu.memory_space<vmem>>, vector<1x16xf32>,
        %swap3A_379 = vector.shape_cast %swap3A_378 : vector<1x16xf32> to vector<16xf32>
        %swap3A_380 = vector.shape_cast %mul3A_374 : vector<16xf32> to vector<1x16xf32>
        tpu.vector_store %arg9[%swap3A, %swap3A_377], %swap3A_380 {strides = array<i32>} : memref<512x16xf32, #tpu.memory_space<vmem>>, vector<1x16xf32>,
        %scan3A_381 = arith.constant 1 : i32
        %scan3A_382 = arith.addi %scan3A_358, %scan3A_381 : i32
        %mul3A_383 = arith.constant 1 : i32
        %mul3A_384 = arith.muli %scan3A_382, %mul3A_383 : i32
        %add3A_385 = arith.constant 0 : i32
        %add3A_386 = arith.addi %add3A_385, %mul3A_384 : i32
        %add3A_387 = arith.constant 256 : i32
        %add3A_388 = arith.addi %add3A_387, %add3A_386 : i32
        %get3A_389 = arith.index_cast %add3A_388 : i32 to index
        %get3A_390 = arith.constant 0 : index
        %get3A_391 = tpu.vector_load %arg9[%get3A_389, %get3A_390] {strides = array<i32>} : memref<512x16xf32, #tpu.memory_space<vmem>>, vector<1x16xf32>,
        %get3A_392 = vector.shape_cast %get3A_391 : vector<1x16xf32> to vector<16xf32>
        %add3A_393 = arith.constant 256 : i32
        %add3A_394 = arith.addi %add3A_393, %add3A_386 : i32
        %get3A_395 = arith.index_cast %add3A_394 : i32 to index
        %get3A_396 = arith.constant 0 : index
        %get3A_397 = tpu.vector_load %arg10[%get3A_395, %get3A_396] {strides = array<i32>} : memref<512x16xf32, #tpu.memory_space<vmem>>, vector<1x16xf32>,
        %get3A_398 = vector.shape_cast %get3A_397 : vector<1x16xf32> to vector<16xf32>
        %mul3A_399 = arith.mulf %get3A_392, %get3A_398 : vector<16xf32>
        %add3A_400 = arith.constant 256 : i32
        %add3A_401 = arith.addi %add3A_400, %add3A_386 : i32
        %swap3A_402 = arith.index_cast %add3A_401 : i32 to index
        %swap3A_403 = arith.constant 0 : index
        %swap3A_404 = tpu.vector_load %arg9[%swap3A_402, %swap3A_403] {strides = array<i32>} : memref<512x16xf32, #tpu.memory_space<vmem>>, vector<1x16xf32>,
        %swap3A_405 = vector.shape_cast %swap3A_404 : vector<1x16xf32> to vector<16xf32>
        %swap3A_406 = vector.shape_cast %mul3A_399 : vector<16xf32> to vector<1x16xf32>
        tpu.vector_store %arg9[%swap3A_402, %swap3A_403], %swap3A_406 {strides = array<i32>} : memref<512x16xf32, #tpu.memory_space<vmem>>, vector<1x16xf32>,
        %scan3A_407 = arith.constant 2 : i32
        %scan3A_408 = arith.addi %scan3A_358, %scan3A_407 : i32
        %mul3A_409 = arith.constant 1 : i32
        %mul3A_410 = arith.muli %scan3A_408, %mul3A_409 : i32
        %add3A_411 = arith.constant 0 : i32
        %add3A_412 = arith.addi %add3A_411, %mul3A_410 : i32
        %add3A_413 = arith.constant 256 : i32
        %add3A_414 = arith.addi %add3A_413, %add3A_412 : i32
        %get3A_415 = arith.index_cast %add3A_414 : i32 to index
        %get3A_416 = arith.constant 0 : index
        %get3A_417 = tpu.vector_load %arg9[%get3A_415, %get3A_416] {strides = array<i32>} : memref<512x16xf32, #tpu.memory_space<vmem>>, vector<1x16xf32>,
        %get3A_418 = vector.shape_cast %get3A_417 : vector<1x16xf32> to vector<16xf32>
        %add3A_419 = arith.constant 256 : i32
        %add3A_420 = arith.addi %add3A_419, %add3A_412 : i32
        %get3A_421 = arith.index_cast %add3A_420 : i32 to index
        %get3A_422 = arith.constant 0 : index
        %get3A_423 = tpu.vector_load %arg10[%get3A_421, %get3A_422] {strides = array<i32>} : memref<512x16xf32, #tpu.memory_space<vmem>>, vector<1x16xf32>,
        %get3A_424 = vector.shape_cast %get3A_423 : vector<1x16xf32> to vector<16xf32>
        %mul3A_425 = arith.mulf %get3A_418, %get3A_424 : vector<16xf32>
        %add3A_426 = arith.constant 256 : i32
        %add3A_427 = arith.addi %add3A_426, %add3A_412 : i32
        %swap3A_428 = arith.index_cast %add3A_427 : i32 to index
        %swap3A_429 = arith.constant 0 : index
        %swap3A_430 = tpu.vector_load %arg9[%swap3A_428, %swap3A_429] {strides = array<i32>} : memref<512x16xf32, #tpu.memory_space<vmem>>, vector<1x16xf32>,
        %swap3A_431 = vector.shape_cast %swap3A_430 : vector<1x16xf32> to vector<16xf32>
        %swap3A_432 = vector.shape_cast %mul3A_425 : vector<16xf32> to vector<1x16xf32>
        tpu.vector_store %arg9[%swap3A_428, %swap3A_429], %swap3A_432 {strides = array<i32>} : memref<512x16xf32, #tpu.memory_space<vmem>>, vector<1x16xf32>,
        %scan3A_433 = arith.constant 3 : i32
        %scan3A_434 = arith.addi %scan3A_358, %scan3A_433 : i32
        %mul3A_435 = arith.constant 1 : i32
        %mul3A_436 = arith.muli %scan3A_434, %mul3A_435 : i32
        %add3A_437 = arith.constant 0 : i32
        %add3A_438 = arith.addi %add3A_437, %mul3A_436 : i32
        %add3A_439 = arith.constant 256 : i32
        %add3A_440 = arith.addi %add3A_439, %add3A_438 : i32
        %get3A_441 = arith.index_cast %add3A_440 : i32 to index
        %get3A_442 = arith.constant 0 : index
        %get3A_443 = tpu.vector_load %arg9[%get3A_441, %get3A_442] {strides = array<i32>} : memref<512x16xf32, #tpu.memory_space<vmem>>, vector<1x16xf32>,
        %get3A_444 = vector.shape_cast %get3A_443 : vector<1x16xf32> to vector<16xf32>
        %add3A_445 = arith.constant 256 : i32
        %add3A_446 = arith.addi %add3A_445, %add3A_438 : i32
        %get3A_447 = arith.index_cast %add3A_446 : i32 to index
        %get3A_448 = arith.constant 0 : index
        %get3A_449 = tpu.vector_load %arg10[%get3A_447, %get3A_448] {strides = array<i32>} : memref<512x16xf32, #tpu.memory_space<vmem>>, vector<1x16xf32>,
        %get3A_450 = vector.shape_cast %get3A_449 : vector<1x16xf32> to vector<16xf32>
        %mul3A_451 = arith.mulf %get3A_444, %get3A_450 : vector<16xf32>
        %add3A_452 = arith.constant 256 : i32
        %add3A_453 = arith.addi %add3A_452, %add3A_438 : i32
        %swap3A_454 = arith.index_cast %add3A_453 : i32 to index
        %swap3A_455 = arith.constant 0 : index
        %swap3A_456 = tpu.vector_load %arg9[%swap3A_454, %swap3A_455] {strides = array<i32>} : memref<512x16xf32, #tpu.memory_space<vmem>>, vector<1x16xf32>,
        %swap3A_457 = vector.shape_cast %swap3A_456 : vector<1x16xf32> to vector<16xf32>
        %swap3A_458 = vector.shape_cast %mul3A_451 : vector<16xf32> to vector<1x16xf32>
        tpu.vector_store %arg9[%swap3A_454, %swap3A_455], %swap3A_458 {strides = array<i32>} : memref<512x16xf32, #tpu.memory_space<vmem>>, vector<1x16xf32>,
        %scan3A_459 = arith.constant 4 : i32
        %scan3A_460 = arith.addi %scan3A_358, %scan3A_459 : i32
        %mul3A_461 = arith.constant 1 : i32
        %mul3A_462 = arith.muli %scan3A_460, %mul3A_461 : i32
        %add3A_463 = arith.constant 0 : i32
        %add3A_464 = arith.addi %add3A_463, %mul3A_462 : i32
        %add3A_465 = arith.constant 256 : i32
        %add3A_466 = arith.addi %add3A_465, %add3A_464 : i32
        %get3A_467 = arith.index_cast %add3A_466 : i32 to index
        %get3A_468 = arith.constant 0 : index
        %get3A_469 = tpu.vector_load %arg9[%get3A_467, %get3A_468] {strides = array<i32>} : memref<512x16xf32, #tpu.memory_space<vmem>>, vector<1x16xf32>,
        %get3A_470 = vector.shape_cast %get3A_469 : vector<1x16xf32> to vector<16xf32>
        %add3A_471 = arith.constant 256 : i32
        %add3A_472 = arith.addi %add3A_471, %add3A_464 : i32
        %get3A_473 = arith.index_cast %add3A_472 : i32 to index
        %get3A_474 = arith.constant 0 : index
        %get3A_475 = tpu.vector_load %arg10[%get3A_473, %get3A_474] {strides = array<i32>} : memref<512x16xf32, #tpu.memory_space<vmem>>, vector<1x16xf32>,
        %get3A_476 = vector.shape_cast %get3A_475 : vector<1x16xf32> to vector<16xf32>
        %mul3A_477 = arith.mulf %get3A_470, %get3A_476 : vector<16xf32>
        %add3A_478 = arith.constant 256 : i32
        %add3A_479 = arith.addi %add3A_478, %add3A_464 : i32
        %swap3A_480 = arith.index_cast %add3A_479 : i32 to index
        %swap3A_481 = arith.constant 0 : index
        %swap3A_482 = tpu.vector_load %arg9[%swap3A_480, %swap3A_481] {strides = array<i32>} : memref<512x16xf32, #tpu.memory_space<vmem>>, vector<1x16xf32>,
        %swap3A_483 = vector.shape_cast %swap3A_482 : vector<1x16xf32> to vector<16xf32>
        %swap3A_484 = vector.shape_cast %mul3A_477 : vector<16xf32> to vector<1x16xf32>
        tpu.vector_store %arg9[%swap3A_480, %swap3A_481], %swap3A_484 {strides = array<i32>} : memref<512x16xf32, #tpu.memory_space<vmem>>, vector<1x16xf32>,
        %scan3A_485 = arith.constant 5 : i32
        %scan3A_486 = arith.addi %scan3A_358, %scan3A_485 : i32
        %mul3A_487 = arith.constant 1 : i32
        %mul3A_488 = arith.muli %scan3A_486, %mul3A_487 : i32
        %add3A_489 = arith.constant 0 : i32
        %add3A_490 = arith.addi %add3A_489, %mul3A_488 : i32
        %add3A_491 = arith.constant 256 : i32
        %add3A_492 = arith.addi %add3A_491, %add3A_490 : i32
        %get3A_493 = arith.index_cast %add3A_492 : i32 to index
        %get3A_494 = arith.constant 0 : index
        %get3A_495 = tpu.vector_load %arg9[%get3A_493, %get3A_494] {strides = array<i32>} : memref<512x16xf32, #tpu.memory_space<vmem>>, vector<1x16xf32>,
        %get3A_496 = vector.shape_cast %get3A_495 : vector<1x16xf32> to vector<16xf32>
        %add3A_497 = arith.constant 256 : i32
        %add3A_498 = arith.addi %add3A_497, %add3A_490 : i32
        %get3A_499 = arith.index_cast %add3A_498 : i32 to index
        %get3A_500 = arith.constant 0 : index
        %get3A_501 = tpu.vector_load %arg10[%get3A_499, %get3A_500] {strides = array<i32>} : memref<512x16xf32, #tpu.memory_space<vmem>>, vector<1x16xf32>,
        %get3A_502 = vector.shape_cast %get3A_501 : vector<1x16xf32> to vector<16xf32>
        %mul3A_503 = arith.mulf %get3A_496, %get3A_502 : vector<16xf32>
        %add3A_504 = arith.constant 256 : i32
        %add3A_505 = arith.addi %add3A_504, %add3A_490 : i32
        %swap3A_506 = arith.index_cast %add3A_505 : i32 to index
        %swap3A_507 = arith.constant 0 : index
        %swap3A_508 = tpu.vector_load %arg9[%swap3A_506, %swap3A_507] {strides = array<i32>} : memref<512x16xf32, #tpu.memory_space<vmem>>, vector<1x16xf32>,
        %swap3A_509 = vector.shape_cast %swap3A_508 : vector<1x16xf32> to vector<16xf32>
        %swap3A_510 = vector.shape_cast %mul3A_503 : vector<16xf32> to vector<1x16xf32>
        tpu.vector_store %arg9[%swap3A_506, %swap3A_507], %swap3A_510 {strides = array<i32>} : memref<512x16xf32, #tpu.memory_space<vmem>>, vector<1x16xf32>,
        %scan3A_511 = arith.constant 6 : i32
        %scan3A_512 = arith.addi %scan3A_358, %scan3A_511 : i32
        %mul3A_513 = arith.constant 1 : i32
        %mul3A_514 = arith.muli %scan3A_512, %mul3A_513 : i32
        %add3A_515 = arith.constant 0 : i32
        %add3A_516 = arith.addi %add3A_515, %mul3A_514 : i32
        %add3A_517 = arith.constant 256 : i32
        %add3A_518 = arith.addi %add3A_517, %add3A_516 : i32
        %get3A_519 = arith.index_cast %add3A_518 : i32 to index
        %get3A_520 = arith.constant 0 : index
        %get3A_521 = tpu.vector_load %arg9[%get3A_519, %get3A_520] {strides = array<i32>} : memref<512x16xf32, #tpu.memory_space<vmem>>, vector<1x16xf32>,
        %get3A_522 = vector.shape_cast %get3A_521 : vector<1x16xf32> to vector<16xf32>
        %add3A_523 = arith.constant 256 : i32
        %add3A_524 = arith.addi %add3A_523, %add3A_516 : i32
        %get3A_525 = arith.index_cast %add3A_524 : i32 to index
        %get3A_526 = arith.constant 0 : index
        %get3A_527 = tpu.vector_load %arg10[%get3A_525, %get3A_526] {strides = array<i32>} : memref<512x16xf32, #tpu.memory_space<vmem>>, vector<1x16xf32>,
        %get3A_528 = vector.shape_cast %get3A_527 : vector<1x16xf32> to vector<16xf32>
        %mul3A_529 = arith.mulf %get3A_522, %get3A_528 : vector<16xf32>
        %add3A_530 = arith.constant 256 : i32
        %add3A_531 = arith.addi %add3A_530, %add3A_516 : i32
        %swap3A_532 = arith.index_cast %add3A_531 : i32 to index
        %swap3A_533 = arith.constant 0 : index
        %swap3A_534 = tpu.vector_load %arg9[%swap3A_532, %swap3A_533] {strides = array<i32>} : memref<512x16xf32, #tpu.memory_space<vmem>>, vector<1x16xf32>,
        %swap3A_535 = vector.shape_cast %swap3A_534 : vector<1x16xf32> to vector<16xf32>
        %swap3A_536 = vector.shape_cast %mul3A_529 : vector<16xf32> to vector<1x16xf32>
        tpu.vector_store %arg9[%swap3A_532, %swap3A_533], %swap3A_536 {strides = array<i32>} : memref<512x16xf32, #tpu.memory_space<vmem>>, vector<1x16xf32>,
        %scan3A_537 = arith.constant 7 : i32
        %scan3A_538 = arith.addi %scan3A_358, %scan3A_537 : i32
        %mul3A_539 = arith.constant 1 : i32
        %mul3A_540 = arith.muli %scan3A_538, %mul3A_539 : i32
        %add3A_541 = arith.constant 0 : i32
        %add3A_542 = arith.addi %add3A_541, %mul3A_540 : i32
        %add3A_543 = arith.constant 256 : i32
        %add3A_544 = arith.addi %add3A_543, %add3A_542 : i32
        %get3A_545 = arith.index_cast %add3A_544 : i32 to index
        %get3A_546 = arith.constant 0 : index
        %get3A_547 = tpu.vector_load %arg9[%get3A_545, %get3A_546] {strides = array<i32>} : memref<512x16xf32, #tpu.memory_space<vmem>>, vector<1x16xf32>,
        %get3A_548 = vector.shape_cast %get3A_547 : vector<1x16xf32> to vector<16xf32>
        %add3A_549 = arith.constant 256 : i32
        %add3A_550 = arith.addi %add3A_549, %add3A_542 : i32
        %get3A_551 = arith.index_cast %add3A_550 : i32 to index
        %get3A_552 = arith.constant 0 : index
        %get3A_553 = tpu.vector_load %arg10[%get3A_551, %get3A_552] {strides = array<i32>} : memref<512x16xf32, #tpu.memory_space<vmem>>, vector<1x16xf32>,
        %get3A_554 = vector.shape_cast %get3A_553 : vector<1x16xf32> to vector<16xf32>
        %mul3A_555 = arith.mulf %get3A_548, %get3A_554 : vector<16xf32>
        %add3A_556 = arith.constant 256 : i32
        %add3A_557 = arith.addi %add3A_556, %add3A_542 : i32
        %swap3A_558 = arith.index_cast %add3A_557 : i32 to index
        %swap3A_559 = arith.constant 0 : index
        %swap3A_560 = tpu.vector_load %arg9[%swap3A_558, %swap3A_559] {strides = array<i32>} : memref<512x16xf32, #tpu.memory_space<vmem>>, vector<1x16xf32>,
        %swap3A_561 = vector.shape_cast %swap3A_560 : vector<1x16xf32> to vector<16xf32>
        %swap3A_562 = vector.shape_cast %mul3A_555 : vector<16xf32> to vector<1x16xf32>
        tpu.vector_store %arg9[%swap3A_558, %swap3A_559], %swap3A_562 {strides = array<i32>} : memref<512x16xf32, #tpu.memory_space<vmem>>, vector<1x16xf32>,
      }
      %scan3A_282 = arith.constant 128 : i32
      %dma_start3A_283 = arith.constant 2 : i32
      %dma_start3A_284 = arith.constant 256 : i32
      %dma_start3A_285 = arith.constant 0 : i32
      %dma_start3A_286 = tpu.memref_slice %arg9[%dma_start3A_284, %dma_start3A_285] : memref<512x16xf32, #tpu.memory_space<vmem>> -> memref<128x16xf32, #tpu.memory_space<vmem>>
      %dma_start3A_287 = arith.constant 0 : i32
      %dma_start3A_288 = tpu.memref_slice %arg8[%dma_start3A_283, %dma_start3A_287] : memref<4x128xi32, #tpu.memory_space<vmem>> -> memref<1x128xi32, #tpu.memory_space<vmem>>
      %dma_start3A_289 = tpu.memref_squeeze %dma_start3A_288 : memref<1x128xi32, #tpu.memory_space<vmem>> -> memref<128xi32, #tpu.memory_space<vmem>>
      %dma_start3A_290 = arith.constant 0 : i32
      %dma_start3A_291 = arith.constant 0 : i32
      %dma_start3A_292 = tpu.memref_slice %arg11[%dma_start3A_290, %dma_start3A_291] : memref<102400x16xf32, #tpu.memory_space<vmem_shared>> -> memref<102400x16xf32, #tpu.memory_space<vmem_shared>>
      tpu.enqueue_indirect_dma source(%dma_start3A_286 : memref<128x16xf32, #tpu.memory_space<vmem>>) target(%dma_start3A_292 : memref<102400x16xf32, #tpu.memory_space<vmem_shared>>) offsets(%dma_start3A_289 : memref<128xi32, #tpu.memory_space<vmem>>) semaphore(%arg13 : memref<!tpu.dma_semaphore, #tpu.memory_space<semaphore_mem>>) {add = true}
      %dma_wait3A_293 = arith.constant 3 : i32
      %dma_wait3A_294 = arith.constant 384 : i32
      %dma_wait3A_295 = arith.constant 0 : i32
      %dma_wait3A_296 = tpu.memref_slice %arg9[%dma_wait3A_294, %dma_wait3A_295] : memref<512x16xf32, #tpu.memory_space<vmem>> -> memref<128x16xf32, #tpu.memory_space<vmem>>
      %dma_wait3A_297 = arith.constant 0 : i32
      %dma_wait3A_298 = tpu.memref_slice %arg7[%dma_wait3A_293, %dma_wait3A_297] : memref<4x128xi32, #tpu.memory_space<vmem>> -> memref<1x128xi32, #tpu.memory_space<vmem>>
      %dma_wait3A_299 = tpu.memref_squeeze %dma_wait3A_298 : memref<1x128xi32, #tpu.memory_space<vmem>> -> memref<128xi32, #tpu.memory_space<vmem>>
      %dma_wait3A_300 = arith.constant 0 : i32
      %dma_wait3A_301 = arith.constant 0 : i32
      %dma_wait3A_302 = tpu.memref_slice %arg5[%dma_wait3A_300, %dma_wait3A_301] : memref<102400x16xf32, #tpu.memory_space<hbm>> -> memref<102400x16xf32, #tpu.memory_space<hbm>>
      tpu.wait_indirect_dma semaphore(%arg12 : memref<!tpu.dma_semaphore, #tpu.memory_space<semaphore_mem>>) src(%dma_wait3A_302 : memref<102400x16xf32, #tpu.memory_space<hbm>>) dst(%dma_wait3A_296 : memref<128x16xf32, #tpu.memory_space<vmem>>)
      %scan3A_303 = arith.constant 0 : i32
      %scan3A_304 = arith.constant 128 : i32
      %scan3A_305 = arith.addi %scan3A_303, %scan3A_304 : i32
      %scan3A_306 = arith.constant 8 : i32
      scf.for %scan3A_358 = %scan3A_303 to %scan3A_305 step %scan3A_306  : i32 {
        %mul3A_359 = arith.constant 1 : i32
        %mul3A_360 = arith.muli %scan3A_358, %mul3A_359 : i32
        %add3A_361 = arith.constant 0 : i32
        %add3A_362 = arith.addi %add3A_361, %mul3A_360 : i32
        %add3A_363 = arith.constant 384 : i32
        %add3A_364 = arith.addi %add3A_363, %add3A_362 : i32
        %get3A = arith.index_cast %add3A_364 : i32 to index
        %get3A_365 = arith.constant 0 : index
        %get3A_366 = tpu.vector_load %arg9[%get3A, %get3A_365] {strides = array<i32>} : memref<512x16xf32, #tpu.memory_space<vmem>>, vector<1x16xf32>,
        %get3A_367 = vector.shape_cast %get3A_366 : vector<1x16xf32> to vector<16xf32>
        %add3A_368 = arith.constant 384 : i32
        %add3A_369 = arith.addi %add3A_368, %add3A_362 : i32
        %get3A_370 = arith.index_cast %add3A_369 : i32 to index
        %get3A_371 = arith.constant 0 : index
        %get3A_372 = tpu.vector_load %arg10[%get3A_370, %get3A_371] {strides = array<i32>} : memref<512x16xf32, #tpu.memory_space<vmem>>, vector<1x16xf32>,
        %get3A_373 = vector.shape_cast %get3A_372 : vector<1x16xf32> to vector<16xf32>
        %mul3A_374 = arith.mulf %get3A_367, %get3A_373 : vector<16xf32>
        %add3A_375 = arith.constant 384 : i32
        %add3A_376 = arith.addi %add3A_375, %add3A_362 : i32
        %swap3A = arith.index_cast %add3A_376 : i32 to index
        %swap3A_377 = arith.constant 0 : index
        %swap3A_378 = tpu.vector_load %arg9[%swap3A, %swap3A_377] {strides = array<i32>} : memref<512x16xf32, #tpu.memory_space<vmem>>, vector<1x16xf32>,
        %swap3A_379 = vector.shape_cast %swap3A_378 : vector<1x16xf32> to vector<16xf32>
        %swap3A_380 = vector.shape_cast %mul3A_374 : vector<16xf32> to vector<1x16xf32>
        tpu.vector_store %arg9[%swap3A, %swap3A_377], %swap3A_380 {strides = array<i32>} : memref<512x16xf32, #tpu.memory_space<vmem>>, vector<1x16xf32>,
        %scan3A_381 = arith.constant 1 : i32
        %scan3A_382 = arith.addi %scan3A_358, %scan3A_381 : i32
        %mul3A_383 = arith.constant 1 : i32
        %mul3A_384 = arith.muli %scan3A_382, %mul3A_383 : i32
        %add3A_385 = arith.constant 0 : i32
        %add3A_386 = arith.addi %add3A_385, %mul3A_384 : i32
        %add3A_387 = arith.constant 384 : i32
        %add3A_388 = arith.addi %add3A_387, %add3A_386 : i32
        %get3A_389 = arith.index_cast %add3A_388 : i32 to index
        %get3A_390 = arith.constant 0 : index
        %get3A_391 = tpu.vector_load %arg9[%get3A_389, %get3A_390] {strides = array<i32>} : memref<512x16xf32, #tpu.memory_space<vmem>>, vector<1x16xf32>,
        %get3A_392 = vector.shape_cast %get3A_391 : vector<1x16xf32> to vector<16xf32>
        %add3A_393 = arith.constant 384 : i32
        %add3A_394 = arith.addi %add3A_393, %add3A_386 : i32
        %get3A_395 = arith.index_cast %add3A_394 : i32 to index
        %get3A_396 = arith.constant 0 : index
        %get3A_397 = tpu.vector_load %arg10[%get3A_395, %get3A_396] {strides = array<i32>} : memref<512x16xf32, #tpu.memory_space<vmem>>, vector<1x16xf32>,
        %get3A_398 = vector.shape_cast %get3A_397 : vector<1x16xf32> to vector<16xf32>
        %mul3A_399 = arith.mulf %get3A_392, %get3A_398 : vector<16xf32>
        %add3A_400 = arith.constant 384 : i32
        %add3A_401 = arith.addi %add3A_400, %add3A_386 : i32
        %swap3A_402 = arith.index_cast %add3A_401 : i32 to index
        %swap3A_403 = arith.constant 0 : index
        %swap3A_404 = tpu.vector_load %arg9[%swap3A_402, %swap3A_403] {strides = array<i32>} : memref<512x16xf32, #tpu.memory_space<vmem>>, vector<1x16xf32>,
        %swap3A_405 = vector.shape_cast %swap3A_404 : vector<1x16xf32> to vector<16xf32>
        %swap3A_406 = vector.shape_cast %mul3A_399 : vector<16xf32> to vector<1x16xf32>
        tpu.vector_store %arg9[%swap3A_402, %swap3A_403], %swap3A_406 {strides = array<i32>} : memref<512x16xf32, #tpu.memory_space<vmem>>, vector<1x16xf32>,
        %scan3A_407 = arith.constant 2 : i32
        %scan3A_408 = arith.addi %scan3A_358, %scan3A_407 : i32
        %mul3A_409 = arith.constant 1 : i32
        %mul3A_410 = arith.muli %scan3A_408, %mul3A_409 : i32
        %add3A_411 = arith.constant 0 : i32
        %add3A_412 = arith.addi %add3A_411, %mul3A_410 : i32
        %add3A_413 = arith.constant 384 : i32
        %add3A_414 = arith.addi %add3A_413, %add3A_412 : i32
        %get3A_415 = arith.index_cast %add3A_414 : i32 to index
        %get3A_416 = arith.constant 0 : index
        %get3A_417 = tpu.vector_load %arg9[%get3A_415, %get3A_416] {strides = array<i32>} : memref<512x16xf32, #tpu.memory_space<vmem>>, vector<1x16xf32>,
        %get3A_418 = vector.shape_cast %get3A_417 : vector<1x16xf32> to vector<16xf32>
        %add3A_419 = arith.constant 384 : i32
        %add3A_420 = arith.addi %add3A_419, %add3A_412 : i32
        %get3A_421 = arith.index_cast %add3A_420 : i32 to index
        %get3A_422 = arith.constant 0 : index
        %get3A_423 = tpu.vector_load %arg10[%get3A_421, %get3A_422] {strides = array<i32>} : memref<512x16xf32, #tpu.memory_space<vmem>>, vector<1x16xf32>,
        %get3A_424 = vector.shape_cast %get3A_423 : vector<1x16xf32> to vector<16xf32>
        %mul3A_425 = arith.mulf %get3A_418, %get3A_424 : vector<16xf32>
        %add3A_426 = arith.constant 384 : i32
        %add3A_427 = arith.addi %add3A_426, %add3A_412 : i32
        %swap3A_428 = arith.index_cast %add3A_427 : i32 to index
        %swap3A_429 = arith.constant 0 : index
        %swap3A_430 = tpu.vector_load %arg9[%swap3A_428, %swap3A_429] {strides = array<i32>} : memref<512x16xf32, #tpu.memory_space<vmem>>, vector<1x16xf32>,
        %swap3A_431 = vector.shape_cast %swap3A_430 : vector<1x16xf32> to vector<16xf32>
        %swap3A_432 = vector.shape_cast %mul3A_425 : vector<16xf32> to vector<1x16xf32>
        tpu.vector_store %arg9[%swap3A_428, %swap3A_429], %swap3A_432 {strides = array<i32>} : memref<512x16xf32, #tpu.memory_space<vmem>>, vector<1x16xf32>,
        %scan3A_433 = arith.constant 3 : i32
        %scan3A_434 = arith.addi %scan3A_358, %scan3A_433 : i32
        %mul3A_435 = arith.constant 1 : i32
        %mul3A_436 = arith.muli %scan3A_434, %mul3A_435 : i32
        %add3A_437 = arith.constant 0 : i32
        %add3A_438 = arith.addi %add3A_437, %mul3A_436 : i32
        %add3A_439 = arith.constant 384 : i32
        %add3A_440 = arith.addi %add3A_439, %add3A_438 : i32
        %get3A_441 = arith.index_cast %add3A_440 : i32 to index
        %get3A_442 = arith.constant 0 : index
        %get3A_443 = tpu.vector_load %arg9[%get3A_441, %get3A_442] {strides = array<i32>} : memref<512x16xf32, #tpu.memory_space<vmem>>, vector<1x16xf32>,
        %get3A_444 = vector.shape_cast %get3A_443 : vector<1x16xf32> to vector<16xf32>
        %add3A_445 = arith.constant 384 : i32
        %add3A_446 = arith.addi %add3A_445, %add3A_438 : i32
        %get3A_447 = arith.index_cast %add3A_446 : i32 to index
        %get3A_448 = arith.constant 0 : index
        %get3A_449 = tpu.vector_load %arg10[%get3A_447, %get3A_448] {strides = array<i32>} : memref<512x16xf32, #tpu.memory_space<vmem>>, vector<1x16xf32>,
        %get3A_450 = vector.shape_cast %get3A_449 : vector<1x16xf32> to vector<16xf32>
        %mul3A_451 = arith.mulf %get3A_444, %get3A_450 : vector<16xf32>
        %add3A_452 = arith.constant 384 : i32
        %add3A_453 = arith.addi %add3A_452, %add3A_438 : i32
        %swap3A_454 = arith.index_cast %add3A_453 : i32 to index
        %swap3A_455 = arith.constant 0 : index
        %swap3A_456 = tpu.vector_load %arg9[%swap3A_454, %swap3A_455] {strides = array<i32>} : memref<512x16xf32, #tpu.memory_space<vmem>>, vector<1x16xf32>,
        %swap3A_457 = vector.shape_cast %swap3A_456 : vector<1x16xf32> to vector<16xf32>
        %swap3A_458 = vector.shape_cast %mul3A_451 : vector<16xf32> to vector<1x16xf32>
        tpu.vector_store %arg9[%swap3A_454, %swap3A_455], %swap3A_458 {strides = array<i32>} : memref<512x16xf32, #tpu.memory_space<vmem>>, vector<1x16xf32>,
        %scan3A_459 = arith.constant 4 : i32
        %scan3A_460 = arith.addi %scan3A_358, %scan3A_459 : i32
        %mul3A_461 = arith.constant 1 : i32
        %mul3A_462 = arith.muli %scan3A_460, %mul3A_461 : i32
        %add3A_463 = arith.constant 0 : i32
        %add3A_464 = arith.addi %add3A_463, %mul3A_462 : i32
        %add3A_465 = arith.constant 384 : i32
        %add3A_466 = arith.addi %add3A_465, %add3A_464 : i32
        %get3A_467 = arith.index_cast %add3A_466 : i32 to index
        %get3A_468 = arith.constant 0 : index
        %get3A_469 = tpu.vector_load %arg9[%get3A_467, %get3A_468] {strides = array<i32>} : memref<512x16xf32, #tpu.memory_space<vmem>>, vector<1x16xf32>,
        %get3A_470 = vector.shape_cast %get3A_469 : vector<1x16xf32> to vector<16xf32>
        %add3A_471 = arith.constant 384 : i32
        %add3A_472 = arith.addi %add3A_471, %add3A_464 : i32
        %get3A_473 = arith.index_cast %add3A_472 : i32 to index
        %get3A_474 = arith.constant 0 : index
        %get3A_475 = tpu.vector_load %arg10[%get3A_473, %get3A_474] {strides = array<i32>} : memref<512x16xf32, #tpu.memory_space<vmem>>, vector<1x16xf32>,
        %get3A_476 = vector.shape_cast %get3A_475 : vector<1x16xf32> to vector<16xf32>
        %mul3A_477 = arith.mulf %get3A_470, %get3A_476 : vector<16xf32>
        %add3A_478 = arith.constant 384 : i32
        %add3A_479 = arith.addi %add3A_478, %add3A_464 : i32
        %swap3A_480 = arith.index_cast %add3A_479 : i32 to index
        %swap3A_481 = arith.constant 0 : index
        %swap3A_482 = tpu.vector_load %arg9[%swap3A_480, %swap3A_481] {strides = array<i32>} : memref<512x16xf32, #tpu.memory_space<vmem>>, vector<1x16xf32>,
        %swap3A_483 = vector.shape_cast %swap3A_482 : vector<1x16xf32> to vector<16xf32>
        %swap3A_484 = vector.shape_cast %mul3A_477 : vector<16xf32> to vector<1x16xf32>
        tpu.vector_store %arg9[%swap3A_480, %swap3A_481], %swap3A_484 {strides = array<i32>} : memref<512x16xf32, #tpu.memory_space<vmem>>, vector<1x16xf32>,
        %scan3A_485 = arith.constant 5 : i32
        %scan3A_486 = arith.addi %scan3A_358, %scan3A_485 : i32
        %mul3A_487 = arith.constant 1 : i32
        %mul3A_488 = arith.muli %scan3A_486, %mul3A_487 : i32
        %add3A_489 = arith.constant 0 : i32
        %add3A_490 = arith.addi %add3A_489, %mul3A_488 : i32
        %add3A_491 = arith.constant 384 : i32
        %add3A_492 = arith.addi %add3A_491, %add3A_490 : i32
        %get3A_493 = arith.index_cast %add3A_492 : i32 to index
        %get3A_494 = arith.constant 0 : index
        %get3A_495 = tpu.vector_load %arg9[%get3A_493, %get3A_494] {strides = array<i32>} : memref<512x16xf32, #tpu.memory_space<vmem>>, vector<1x16xf32>,
        %get3A_496 = vector.shape_cast %get3A_495 : vector<1x16xf32> to vector<16xf32>
        %add3A_497 = arith.constant 384 : i32
        %add3A_498 = arith.addi %add3A_497, %add3A_490 : i32
        %get3A_499 = arith.index_cast %add3A_498 : i32 to index
        %get3A_500 = arith.constant 0 : index
        %get3A_501 = tpu.vector_load %arg10[%get3A_499, %get3A_500] {strides = array<i32>} : memref<512x16xf32, #tpu.memory_space<vmem>>, vector<1x16xf32>,
        %get3A_502 = vector.shape_cast %get3A_501 : vector<1x16xf32> to vector<16xf32>
        %mul3A_503 = arith.mulf %get3A_496, %get3A_502 : vector<16xf32>
        %add3A_504 = arith.constant 384 : i32
        %add3A_505 = arith.addi %add3A_504, %add3A_490 : i32
        %swap3A_506 = arith.index_cast %add3A_505 : i32 to index
        %swap3A_507 = arith.constant 0 : index
        %swap3A_508 = tpu.vector_load %arg9[%swap3A_506, %swap3A_507] {strides = array<i32>} : memref<512x16xf32, #tpu.memory_space<vmem>>, vector<1x16xf32>,
        %swap3A_509 = vector.shape_cast %swap3A_508 : vector<1x16xf32> to vector<16xf32>
        %swap3A_510 = vector.shape_cast %mul3A_503 : vector<16xf32> to vector<1x16xf32>
        tpu.vector_store %arg9[%swap3A_506, %swap3A_507], %swap3A_510 {strides = array<i32>} : memref<512x16xf32, #tpu.memory_space<vmem>>, vector<1x16xf32>,
        %scan3A_511 = arith.constant 6 : i32
        %scan3A_512 = arith.addi %scan3A_358, %scan3A_511 : i32
        %mul3A_513 = arith.constant 1 : i32
        %mul3A_514 = arith.muli %scan3A_512, %mul3A_513 : i32
        %add3A_515 = arith.constant 0 : i32
        %add3A_516 = arith.addi %add3A_515, %mul3A_514 : i32
        %add3A_517 = arith.constant 384 : i32
        %add3A_518 = arith.addi %add3A_517, %add3A_516 : i32
        %get3A_519 = arith.index_cast %add3A_518 : i32 to index
        %get3A_520 = arith.constant 0 : index
        %get3A_521 = tpu.vector_load %arg9[%get3A_519, %get3A_520] {strides = array<i32>} : memref<512x16xf32, #tpu.memory_space<vmem>>, vector<1x16xf32>,
        %get3A_522 = vector.shape_cast %get3A_521 : vector<1x16xf32> to vector<16xf32>
        %add3A_523 = arith.constant 384 : i32
        %add3A_524 = arith.addi %add3A_523, %add3A_516 : i32
        %get3A_525 = arith.index_cast %add3A_524 : i32 to index
        %get3A_526 = arith.constant 0 : index
        %get3A_527 = tpu.vector_load %arg10[%get3A_525, %get3A_526] {strides = array<i32>} : memref<512x16xf32, #tpu.memory_space<vmem>>, vector<1x16xf32>,
        %get3A_528 = vector.shape_cast %get3A_527 : vector<1x16xf32> to vector<16xf32>
        %mul3A_529 = arith.mulf %get3A_522, %get3A_528 : vector<16xf32>
        %add3A_530 = arith.constant 384 : i32
        %add3A_531 = arith.addi %add3A_530, %add3A_516 : i32
        %swap3A_532 = arith.index_cast %add3A_531 : i32 to index
        %swap3A_533 = arith.constant 0 : index
        %swap3A_534 = tpu.vector_load %arg9[%swap3A_532, %swap3A_533] {strides = array<i32>} : memref<512x16xf32, #tpu.memory_space<vmem>>, vector<1x16xf32>,
        %swap3A_535 = vector.shape_cast %swap3A_534 : vector<1x16xf32> to vector<16xf32>
        %swap3A_536 = vector.shape_cast %mul3A_529 : vector<16xf32> to vector<1x16xf32>
        tpu.vector_store %arg9[%swap3A_532, %swap3A_533], %swap3A_536 {strides = array<i32>} : memref<512x16xf32, #tpu.memory_space<vmem>>, vector<1x16xf32>,
        %scan3A_537 = arith.constant 7 : i32
        %scan3A_538 = arith.addi %scan3A_358, %scan3A_537 : i32
        %mul3A_539 = arith.constant 1 : i32
        %mul3A_540 = arith.muli %scan3A_538, %mul3A_539 : i32
        %add3A_541 = arith.constant 0 : i32
        %add3A_542 = arith.addi %add3A_541, %mul3A_540 : i32
        %add3A_543 = arith.constant 384 : i32
        %add3A_544 = arith.addi %add3A_543, %add3A_542 : i32
        %get3A_545 = arith.index_cast %add3A_544 : i32 to index
        %get3A_546 = arith.constant 0 : index
        %get3A_547 = tpu.vector_load %arg9[%get3A_545, %get3A_546] {strides = array<i32>} : memref<512x16xf32, #tpu.memory_space<vmem>>, vector<1x16xf32>,
        %get3A_548 = vector.shape_cast %get3A_547 : vector<1x16xf32> to vector<16xf32>
        %add3A_549 = arith.constant 384 : i32
        %add3A_550 = arith.addi %add3A_549, %add3A_542 : i32
        %get3A_551 = arith.index_cast %add3A_550 : i32 to index
        %get3A_552 = arith.constant 0 : index
        %get3A_553 = tpu.vector_load %arg10[%get3A_551, %get3A_552] {strides = array<i32>} : memref<512x16xf32, #tpu.memory_space<vmem>>, vector<1x16xf32>,
        %get3A_554 = vector.shape_cast %get3A_553 : vector<1x16xf32> to vector<16xf32>
        %mul3A_555 = arith.mulf %get3A_548, %get3A_554 : vector<16xf32>
        %add3A_556 = arith.constant 384 : i32
        %add3A_557 = arith.addi %add3A_556, %add3A_542 : i32
        %swap3A_558 = arith.index_cast %add3A_557 : i32 to index
        %swap3A_559 = arith.constant 0 : index
        %swap3A_560 = tpu.vector_load %arg9[%swap3A_558, %swap3A_559] {strides = array<i32>} : memref<512x16xf32, #tpu.memory_space<vmem>>, vector<1x16xf32>,
        %swap3A_561 = vector.shape_cast %swap3A_560 : vector<1x16xf32> to vector<16xf32>
        %swap3A_562 = vector.shape_cast %mul3A_555 : vector<16xf32> to vector<1x16xf32>
        tpu.vector_store %arg9[%swap3A_558, %swap3A_559], %swap3A_562 {strides = array<i32>} : memref<512x16xf32, #tpu.memory_space<vmem>>, vector<1x16xf32>,
      }
      %scan3A_307 = arith.constant 128 : i32
      %dma_start3A_308 = arith.constant 3 : i32
      %dma_start3A_309 = arith.constant 384 : i32
      %dma_start3A_310 = arith.constant 0 : i32
      %dma_start3A_311 = tpu.memref_slice %arg9[%dma_start3A_309, %dma_start3A_310] : memref<512x16xf32, #tpu.memory_space<vmem>> -> memref<128x16xf32, #tpu.memory_space<vmem>>
      %dma_start3A_312 = arith.constant 0 : i32
      %dma_start3A_313 = tpu.memref_slice %arg8[%dma_start3A_308, %dma_start3A_312] : memref<4x128xi32, #tpu.memory_space<vmem>> -> memref<1x128xi32, #tpu.memory_space<vmem>>
      %dma_start3A_314 = tpu.memref_squeeze %dma_start3A_313 : memref<1x128xi32, #tpu.memory_space<vmem>> -> memref<128xi32, #tpu.memory_space<vmem>>
      %dma_start3A_315 = arith.constant 0 : i32
      %dma_start3A_316 = arith.constant 0 : i32
      %dma_start3A_317 = tpu.memref_slice %arg11[%dma_start3A_315, %dma_start3A_316] : memref<102400x16xf32, #tpu.memory_space<vmem_shared>> -> memref<102400x16xf32, #tpu.memory_space<vmem_shared>>
      tpu.enqueue_indirect_dma source(%dma_start3A_311 : memref<128x16xf32, #tpu.memory_space<vmem>>) target(%dma_start3A_317 : memref<102400x16xf32, #tpu.memory_space<vmem_shared>>) offsets(%dma_start3A_314 : memref<128xi32, #tpu.memory_space<vmem>>) semaphore(%arg13 : memref<!tpu.dma_semaphore, #tpu.memory_space<semaphore_mem>>) {add = true}
      %dma_wait3A_318 = arith.constant 0 : i32
      %dma_wait3A_319 = arith.constant 0 : i32
      %dma_wait3A_320 = arith.constant 0 : i32
      %dma_wait3A_321 = tpu.memref_slice %arg9[%dma_wait3A_319, %dma_wait3A_320] : memref<512x16xf32, #tpu.memory_space<vmem>> -> memref<128x16xf32, #tpu.memory_space<vmem>>
      %dma_wait3A_322 = arith.constant 0 : i32
      %dma_wait3A_323 = tpu.memref_slice %arg8[%dma_wait3A_318, %dma_wait3A_322] : memref<4x128xi32, #tpu.memory_space<vmem>> -> memref<1x128xi32, #tpu.memory_space<vmem>>
      %dma_wait3A_324 = tpu.memref_squeeze %dma_wait3A_323 : memref<1x128xi32, #tpu.memory_space<vmem>> -> memref<128xi32, #tpu.memory_space<vmem>>
      %dma_wait3A_325 = arith.constant 0 : i32
      %dma_wait3A_326 = arith.constant 0 : i32
      %dma_wait3A_327 = tpu.memref_slice %arg11[%dma_wait3A_325, %dma_wait3A_326] : memref<102400x16xf32, #tpu.memory_space<vmem_shared>> -> memref<102400x16xf32, #tpu.memory_space<vmem_shared>>
      tpu.wait_indirect_dma semaphore(%arg13 : memref<!tpu.dma_semaphore, #tpu.memory_space<semaphore_mem>>) src(%dma_wait3A_321 : memref<128x16xf32, #tpu.memory_space<vmem>>) dst(%dma_wait3A_327 : memref<102400x16xf32, #tpu.memory_space<vmem_shared>>)
      %dma_wait3A_328 = arith.constant 1 : i32
      %dma_wait3A_329 = arith.constant 128 : i32
      %dma_wait3A_330 = arith.constant 0 : i32
      %dma_wait3A_331 = tpu.memref_slice %arg9[%dma_wait3A_329, %dma_wait3A_330] : memref<512x16xf32, #tpu.memory_space<vmem>> -> memref<128x16xf32, #tpu.memory_space<vmem>>
      %dma_wait3A_332 = arith.constant 0 : i32
      %dma_wait3A_333 = tpu.memref_slice %arg8[%dma_wait3A_328, %dma_wait3A_332] : memref<4x128xi32, #tpu.memory_space<vmem>> -> memref<1x128xi32, #tpu.memory_space<vmem>>
      %dma_wait3A_334 = tpu.memref_squeeze %dma_wait3A_333 : memref<1x128xi32, #tpu.memory_space<vmem>> -> memref<128xi32, #tpu.memory_space<vmem>>
      %dma_wait3A_335 = arith.constant 0 : i32
      %dma_wait3A_336 = arith.constant 0 : i32
      %dma_wait3A_337 = tpu.memref_slice %arg11[%dma_wait3A_335, %dma_wait3A_336] : memref<102400x16xf32, #tpu.memory_space<vmem_shared>> -> memref<102400x16xf32, #tpu.memory_space<vmem_shared>>
      tpu.wait_indirect_dma semaphore(%arg13 : memref<!tpu.dma_semaphore, #tpu.memory_space<semaphore_mem>>) src(%dma_wait3A_331 : memref<128x16xf32, #tpu.memory_space<vmem>>) dst(%dma_wait3A_337 : memref<102400x16xf32, #tpu.memory_space<vmem_shared>>)
      %dma_wait3A_338 = arith.constant 2 : i32
      %dma_wait3A_339 = arith.constant 256 : i32
      %dma_wait3A_340 = arith.constant 0 : i32
      %dma_wait3A_341 = tpu.memref_slice %arg9[%dma_wait3A_339, %dma_wait3A_340] : memref<512x16xf32, #tpu.memory_space<vmem>> -> memref<128x16xf32, #tpu.memory_space<vmem>>
      %dma_wait3A_342 = arith.constant 0 : i32
      %dma_wait3A_343 = tpu.memref_slice %arg8[%dma_wait3A_338, %dma_wait3A_342] : memref<4x128xi32, #tpu.memory_space<vmem>> -> memref<1x128xi32, #tpu.memory_space<vmem>>
      %dma_wait3A_344 = tpu.memref_squeeze %dma_wait3A_343 : memref<1x128xi32, #tpu.memory_space<vmem>> -> memref<128xi32, #tpu.memory_space<vmem>>
      %dma_wait3A_345 = arith.constant 0 : i32
      %dma_wait3A_346 = arith.constant 0 : i32
      %dma_wait3A_347 = tpu.memref_slice %arg11[%dma_wait3A_345, %dma_wait3A_346] : memref<102400x16xf32, #tpu.memory_space<vmem_shared>> -> memref<102400x16xf32, #tpu.memory_space<vmem_shared>>
      tpu.wait_indirect_dma semaphore(%arg13 : memref<!tpu.dma_semaphore, #tpu.memory_space<semaphore_mem>>) src(%dma_wait3A_341 : memref<128x16xf32, #tpu.memory_space<vmem>>) dst(%dma_wait3A_347 : memref<102400x16xf32, #tpu.memory_space<vmem_shared>>)
      %dma_wait3A_348 = arith.constant 3 : i32
      %dma_wait3A_349 = arith.constant 384 : i32
      %dma_wait3A_350 = arith.constant 0 : i32
      %dma_wait3A_351 = tpu.memref_slice %arg9[%dma_wait3A_349, %dma_wait3A_350] : memref<512x16xf32, #tpu.memory_space<vmem>> -> memref<128x16xf32, #tpu.memory_space<vmem>>
      %dma_wait3A_352 = arith.constant 0 : i32
      %dma_wait3A_353 = tpu.memref_slice %arg8[%dma_wait3A_348, %dma_wait3A_352] : memref<4x128xi32, #tpu.memory_space<vmem>> -> memref<1x128xi32, #tpu.memory_space<vmem>>
      %dma_wait3A_354 = tpu.memref_squeeze %dma_wait3A_353 : memref<1x128xi32, #tpu.memory_space<vmem>> -> memref<128xi32, #tpu.memory_space<vmem>>
      %dma_wait3A_355 = arith.constant 0 : i32
      %dma_wait3A_356 = arith.constant 0 : i32
      %dma_wait3A_357 = tpu.memref_slice %arg11[%dma_wait3A_355, %dma_wait3A_356] : memref<102400x16xf32, #tpu.memory_space<vmem_shared>> -> memref<102400x16xf32, #tpu.memory_space<vmem_shared>>
      tpu.wait_indirect_dma semaphore(%arg13 : memref<!tpu.dma_semaphore, #tpu.memory_space<semaphore_mem>>) src(%dma_wait3A_351 : memref<128x16xf32, #tpu.memory_space<vmem>>) dst(%dma_wait3A_357 : memref<102400x16xf32, #tpu.memory_space<vmem_shared>>)
    }
    %scan3A_64 = arith.constant 196 : i32
    %barrier3A_65 = arith.constant 0 : index
    tpu.barrier barrier_id(%barrier3A_65)
    %mul3A_66 = arith.constant 6400 : i32
    %mul3A_67 = arith.muli %arg1, %mul3A_66 : i32
    %add3A_68 = arith.constant 0 : i32
    %add3A_69 = arith.addi %mul3A_67, %add3A_68 : i32
    "tpu.region"() ({
      %run_scoped3A = tpu.sem_alloc : memref<!tpu.dma_semaphore, #tpu.memory_space<semaphore_mem>>
      %dma_start3A = arith.constant 0 : i32
      %dma_start3A_170 = arith.constant 0 : i32
      %dma_start3A_171 = tpu.memref_slice %arg9[%dma_start3A, %dma_start3A_170] : memref<512x16xf32, #tpu.memory_space<vmem>> -> memref<512x16xf32, #tpu.memory_space<vmem>>
      %dma_start3A_172 = arith.constant 0 : i32
      %dma_start3A_173 = tpu.memref_slice %arg11[%add3A_69, %dma_start3A_172] : memref<102400x16xf32, #tpu.memory_space<vmem_shared>> -> memref<512x16xf32, #tpu.memory_space<vmem_shared>>
      %dma_start3A_174 = arith.constant 0 : i32
      %dma_start3A_175 = arith.constant 0 : i32
      %dma_start3A_176 = tpu.memref_slice %arg9[%dma_start3A_174, %dma_start3A_175] : memref<512x16xf32, #tpu.memory_space<vmem>> -> memref<512x16xf32, #tpu.memory_space<vmem>>
      %dma_start3A_177 = arith.constant 0 : i32
      %dma_start3A_178 = tpu.memref_slice %arg11[%add3A_69, %dma_start3A_177] : memref<102400x16xf32, #tpu.memory_space<vmem_shared>> -> memref<512x16xf32, #tpu.memory_space<vmem_shared>>
      tpu.enqueue_dma source(%dma_start3A_178 : memref<512x16xf32, #tpu.memory_space<vmem_shared>>) target(%dma_start3A_176 : memref<512x16xf32, #tpu.memory_space<vmem>>) target_semaphore(%run_scoped3A : memref<!tpu.dma_semaphore, #tpu.memory_space<semaphore_mem>>)
      %dma_wait3A = arith.constant 0 : i32
      %dma_wait3A_179 = arith.constant 0 : i32
      %dma_wait3A_180 = tpu.memref_slice %arg9[%dma_wait3A, %dma_wait3A_179] : memref<512x16xf32, #tpu.memory_space<vmem>> -> memref<512x16xf32, #tpu.memory_space<vmem>>
      %dma_wait3A_181 = arith.constant 0 : i32
      %dma_wait3A_182 = tpu.memref_slice %arg11[%add3A_69, %dma_wait3A_181] : memref<102400x16xf32, #tpu.memory_space<vmem_shared>> -> memref<512x16xf32, #tpu.memory_space<vmem_shared>>
      %dma_wait3A_183 = arith.constant 0 : i32
      %dma_wait3A_184 = arith.constant 0 : i32
      %dma_wait3A_185 = tpu.memref_slice %arg9[%dma_wait3A_183, %dma_wait3A_184] : memref<512x16xf32, #tpu.memory_space<vmem>> -> memref<512x16xf32, #tpu.memory_space<vmem>>
      %dma_wait3A_186 = arith.constant 0 : i32
      %dma_wait3A_187 = tpu.memref_slice %arg11[%add3A_69, %dma_wait3A_186] : memref<102400x16xf32, #tpu.memory_space<vmem_shared>> -> memref<512x16xf32, #tpu.memory_space<vmem_shared>>
      tpu.wait_dma2 semaphore(%run_scoped3A : memref<!tpu.dma_semaphore, #tpu.memory_space<semaphore_mem>>) src(%dma_wait3A_187 : memref<512x16xf32, #tpu.memory_space<vmem_shared>>) dst(%dma_wait3A_185 : memref<512x16xf32, #tpu.memory_space<vmem>>)
      tpu.yield
    }) : () -> ()
    %mul3A_70 = arith.constant 6400 : i32
    %mul3A_71 = arith.muli %arg1, %mul3A_70 : i32
    %add3A_72 = arith.constant 0 : i32
    %add3A_73 = arith.addi %mul3A_71, %add3A_72 : i32
    "tpu.region"() ({
      %run_scoped3A = tpu.sem_alloc : memref<!tpu.dma_semaphore, #tpu.memory_space<semaphore_mem>>
      %dma_start3A = arith.constant 0 : i32
      %dma_start3A_170 = arith.constant 0 : i32
      %dma_start3A_171 = tpu.memref_slice %arg9[%dma_start3A, %dma_start3A_170] : memref<512x16xf32, #tpu.memory_space<vmem>> -> memref<512x16xf32, #tpu.memory_space<vmem>>
      %dma_start3A_172 = arith.constant 0 : i32
      %dma_start3A_173 = tpu.memref_slice %arg6[%arg0, %add3A_73, %dma_start3A_172] : memref<2x102400x16xf32, #tpu.memory_space<hbm>> -> memref<1x512x16xf32, #tpu.memory_space<hbm>>
      %dma_start3A_174 = tpu.memref_squeeze %dma_start3A_173 : memref<1x512x16xf32, #tpu.memory_space<hbm>> -> memref<512x16xf32, #tpu.memory_space<hbm>>
      %dma_start3A_175 = arith.constant 0 : i32
      %dma_start3A_176 = tpu.memref_slice %arg6[%arg0, %add3A_73, %dma_start3A_175] : memref<2x102400x16xf32, #tpu.memory_space<hbm>> -> memref<1x512x16xf32, #tpu.memory_space<hbm>>
      %dma_start3A_177 = tpu.memref_squeeze %dma_start3A_176 : memref<1x512x16xf32, #tpu.memory_space<hbm>> -> memref<512x16xf32, #tpu.memory_space<hbm>>
      %dma_start3A_178 = arith.constant 0 : i32
      %dma_start3A_179 = arith.constant 0 : i32
      %dma_start3A_180 = tpu.memref_slice %arg9[%dma_start3A_178, %dma_start3A_179] : memref<512x16xf32, #tpu.memory_space<vmem>> -> memref<512x16xf32, #tpu.memory_space<vmem>>
      tpu.enqueue_dma source(%dma_start3A_180 : memref<512x16xf32, #tpu.memory_space<vmem>>) target(%dma_start3A_177 : memref<512x16xf32, #tpu.memory_space<hbm>>) target_semaphore(%run_scoped3A : memref<!tpu.dma_semaphore, #tpu.memory_space<semaphore_mem>>)
      %dma_wait3A = arith.constant 0 : i32
      %dma_wait3A_181 = arith.constant 0 : i32
      %dma_wait3A_182 = tpu.memref_slice %arg9[%dma_wait3A, %dma_wait3A_181] : memref<512x16xf32, #tpu.memory_space<vmem>> -> memref<512x16xf32, #tpu.memory_space<vmem>>
      %dma_wait3A_183 = arith.constant 0 : i32
      %dma_wait3A_184 = tpu.memref_slice %arg6[%arg0, %add3A_73, %dma_wait3A_183] : memref<2x102400x16xf32, #tpu.memory_space<hbm>> -> memref<1x512x16xf32, #tpu.memory_space<hbm>>
      %dma_wait3A_185 = tpu.memref_squeeze %dma_wait3A_184 : memref<1x512x16xf32, #tpu.memory_space<hbm>> -> memref<512x16xf32, #tpu.memory_space<hbm>>
      %dma_wait3A_186 = arith.constant 0 : i32
      %dma_wait3A_187 = tpu.memref_slice %arg6[%arg0, %add3A_73, %dma_wait3A_186] : memref<2x102400x16xf32, #tpu.memory_space<hbm>> -> memref<1x512x16xf32, #tpu.memory_space<hbm>>
      %dma_wait3A_188 = tpu.memref_squeeze %dma_wait3A_187 : memref<1x512x16xf32, #tpu.memory_space<hbm>> -> memref<512x16xf32, #tpu.memory_space<hbm>>
      %dma_wait3A_189 = arith.constant 0 : i32
      %dma_wait3A_190 = arith.constant 0 : i32
      %dma_wait3A_191 = tpu.memref_slice %arg9[%dma_wait3A_189, %dma_wait3A_190] : memref<512x16xf32, #tpu.memory_space<vmem>> -> memref<512x16xf32, #tpu.memory_space<vmem>>
      tpu.wait_dma2 semaphore(%run_scoped3A : memref<!tpu.dma_semaphore, #tpu.memory_space<semaphore_mem>>) src(%dma_wait3A_191 : memref<512x16xf32, #tpu.memory_space<vmem>>) dst(%dma_wait3A_188 : memref<512x16xf32, #tpu.memory_space<hbm>>)
      tpu.yield
    }) : () -> ()
    %mul3A_74 = arith.constant 6400 : i32
    %mul3A_75 = arith.muli %arg1, %mul3A_74 : i32
    %add3A_76 = arith.constant 512 : i32
    %add3A_77 = arith.addi %mul3A_75, %add3A_76 : i32
    "tpu.region"() ({
      %run_scoped3A = tpu.sem_alloc : memref<!tpu.dma_semaphore, #tpu.memory_space<semaphore_mem>>
      %dma_start3A = arith.constant 0 : i32
      %dma_start3A_170 = arith.constant 0 : i32
      %dma_start3A_171 = tpu.memref_slice %arg9[%dma_start3A, %dma_start3A_170] : memref<512x16xf32, #tpu.memory_space<vmem>> -> memref<512x16xf32, #tpu.memory_space<vmem>>
      %dma_start3A_172 = arith.constant 0 : i32
      %dma_start3A_173 = tpu.memref_slice %arg11[%add3A_77, %dma_start3A_172] : memref<102400x16xf32, #tpu.memory_space<vmem_shared>> -> memref<512x16xf32, #tpu.memory_space<vmem_shared>>
      %dma_start3A_174 = arith.constant 0 : i32
      %dma_start3A_175 = arith.constant 0 : i32
      %dma_start3A_176 = tpu.memref_slice %arg9[%dma_start3A_174, %dma_start3A_175] : memref<512x16xf32, #tpu.memory_space<vmem>> -> memref<512x16xf32, #tpu.memory_space<vmem>>
      %dma_start3A_177 = arith.constant 0 : i32
      %dma_start3A_178 = tpu.memref_slice %arg11[%add3A_77, %dma_start3A_177] : memref<102400x16xf32, #tpu.memory_space<vmem_shared>> -> memref<512x16xf32, #tpu.memory_space<vmem_shared>>
      tpu.enqueue_dma source(%dma_start3A_178 : memref<512x16xf32, #tpu.memory_space<vmem_shared>>) target(%dma_start3A_176 : memref<512x16xf32, #tpu.memory_space<vmem>>) target_semaphore(%run_scoped3A : memref<!tpu.dma_semaphore, #tpu.memory_space<semaphore_mem>>)
      %dma_wait3A = arith.constant 0 : i32
      %dma_wait3A_179 = arith.constant 0 : i32
      %dma_wait3A_180 = tpu.memref_slice %arg9[%dma_wait3A, %dma_wait3A_179] : memref<512x16xf32, #tpu.memory_space<vmem>> -> memref<512x16xf32, #tpu.memory_space<vmem>>
      %dma_wait3A_181 = arith.constant 0 : i32
      %dma_wait3A_182 = tpu.memref_slice %arg11[%add3A_77, %dma_wait3A_181] : memref<102400x16xf32, #tpu.memory_space<vmem_shared>> -> memref<512x16xf32, #tpu.memory_space<vmem_shared>>
      %dma_wait3A_183 = arith.constant 0 : i32
      %dma_wait3A_184 = arith.constant 0 : i32
      %dma_wait3A_185 = tpu.memref_slice %arg9[%dma_wait3A_183, %dma_wait3A_184] : memref<512x16xf32, #tpu.memory_space<vmem>> -> memref<512x16xf32, #tpu.memory_space<vmem>>
      %dma_wait3A_186 = arith.constant 0 : i32
      %dma_wait3A_187 = tpu.memref_slice %arg11[%add3A_77, %dma_wait3A_186] : memref<102400x16xf32, #tpu.memory_space<vmem_shared>> -> memref<512x16xf32, #tpu.memory_space<vmem_shared>>
      tpu.wait_dma2 semaphore(%run_scoped3A : memref<!tpu.dma_semaphore, #tpu.memory_space<semaphore_mem>>) src(%dma_wait3A_187 : memref<512x16xf32, #tpu.memory_space<vmem_shared>>) dst(%dma_wait3A_185 : memref<512x16xf32, #tpu.memory_space<vmem>>)
      tpu.yield
    }) : () -> ()
    %mul3A_78 = arith.constant 6400 : i32
    %mul3A_79 = arith.muli %arg1, %mul3A_78 : i32
    %add3A_80 = arith.constant 512 : i32
    %add3A_81 = arith.addi %mul3A_79, %add3A_80 : i32
    "tpu.region"() ({
      %run_scoped3A = tpu.sem_alloc : memref<!tpu.dma_semaphore, #tpu.memory_space<semaphore_mem>>
      %dma_start3A = arith.constant 0 : i32
      %dma_start3A_170 = arith.constant 0 : i32
      %dma_start3A_171 = tpu.memref_slice %arg9[%dma_start3A, %dma_start3A_170] : memref<512x16xf32, #tpu.memory_space<vmem>> -> memref<512x16xf32, #tpu.memory_space<vmem>>
      %dma_start3A_172 = arith.constant 0 : i32
      %dma_start3A_173 = tpu.memref_slice %arg6[%arg0, %add3A_81, %dma_start3A_172] : memref<2x102400x16xf32, #tpu.memory_space<hbm>> -> memref<1x512x16xf32, #tpu.memory_space<hbm>>
      %dma_start3A_174 = tpu.memref_squeeze %dma_start3A_173 : memref<1x512x16xf32, #tpu.memory_space<hbm>> -> memref<512x16xf32, #tpu.memory_space<hbm>>
      %dma_start3A_175 = arith.constant 0 : i32
      %dma_start3A_176 = tpu.memref_slice %arg6[%arg0, %add3A_81, %dma_start3A_175] : memref<2x102400x16xf32, #tpu.memory_space<hbm>> -> memref<1x512x16xf32, #tpu.memory_space<hbm>>
      %dma_start3A_177 = tpu.memref_squeeze %dma_start3A_176 : memref<1x512x16xf32, #tpu.memory_space<hbm>> -> memref<512x16xf32, #tpu.memory_space<hbm>>
      %dma_start3A_178 = arith.constant 0 : i32
      %dma_start3A_179 = arith.constant 0 : i32
      %dma_start3A_180 = tpu.memref_slice %arg9[%dma_start3A_178, %dma_start3A_179] : memref<512x16xf32, #tpu.memory_space<vmem>> -> memref<512x16xf32, #tpu.memory_space<vmem>>
      tpu.enqueue_dma source(%dma_start3A_180 : memref<512x16xf32, #tpu.memory_space<vmem>>) target(%dma_start3A_177 : memref<512x16xf32, #tpu.memory_space<hbm>>) target_semaphore(%run_scoped3A : memref<!tpu.dma_semaphore, #tpu.memory_space<semaphore_mem>>)
      %dma_wait3A = arith.constant 0 : i32
      %dma_wait3A_181 = arith.constant 0 : i32
      %dma_wait3A_182 = tpu.memref_slice %arg9[%dma_wait3A, %dma_wait3A_181] : memref<512x16xf32, #tpu.memory_space<vmem>> -> memref<512x16xf32, #tpu.memory_space<vmem>>
      %dma_wait3A_183 = arith.constant 0 : i32
      %dma_wait3A_184 = tpu.memref_slice %arg6[%arg0, %add3A_81, %dma_wait3A_183] : memref<2x102400x16xf32, #tpu.memory_space<hbm>> -> memref<1x512x16xf32, #tpu.memory_space<hbm>>
      %dma_wait3A_185 = tpu.memref_squeeze %dma_wait3A_184 : memref<1x512x16xf32, #tpu.memory_space<hbm>> -> memref<512x16xf32, #tpu.memory_space<hbm>>
      %dma_wait3A_186 = arith.constant 0 : i32
      %dma_wait3A_187 = tpu.memref_slice %arg6[%arg0, %add3A_81, %dma_wait3A_186] : memref<2x102400x16xf32, #tpu.memory_space<hbm>> -> memref<1x512x16xf32, #tpu.memory_space<hbm>>
      %dma_wait3A_188 = tpu.memref_squeeze %dma_wait3A_187 : memref<1x512x16xf32, #tpu.memory_space<hbm>> -> memref<512x16xf32, #tpu.memory_space<hbm>>
      %dma_wait3A_189 = arith.constant 0 : i32
      %dma_wait3A_190 = arith.constant 0 : i32
      %dma_wait3A_191 = tpu.memref_slice %arg9[%dma_wait3A_189, %dma_wait3A_190] : memref<512x16xf32, #tpu.memory_space<vmem>> -> memref<512x16xf32, #tpu.memory_space<vmem>>
      tpu.wait_dma2 semaphore(%run_scoped3A : memref<!tpu.dma_semaphore, #tpu.memory_space<semaphore_mem>>) src(%dma_wait3A_191 : memref<512x16xf32, #tpu.memory_space<vmem>>) dst(%dma_wait3A_188 : memref<512x16xf32, #tpu.memory_space<hbm>>)
      tpu.yield
    }) : () -> ()
    %mul3A_82 = arith.constant 6400 : i32
    %mul3A_83 = arith.muli %arg1, %mul3A_82 : i32
    %add3A_84 = arith.constant 1024 : i32
    %add3A_85 = arith.addi %mul3A_83, %add3A_84 : i32
    "tpu.region"() ({
      %run_scoped3A = tpu.sem_alloc : memref<!tpu.dma_semaphore, #tpu.memory_space<semaphore_mem>>
      %dma_start3A = arith.constant 0 : i32
      %dma_start3A_170 = arith.constant 0 : i32
      %dma_start3A_171 = tpu.memref_slice %arg9[%dma_start3A, %dma_start3A_170] : memref<512x16xf32, #tpu.memory_space<vmem>> -> memref<512x16xf32, #tpu.memory_space<vmem>>
      %dma_start3A_172 = arith.constant 0 : i32
      %dma_start3A_173 = tpu.memref_slice %arg11[%add3A_85, %dma_start3A_172] : memref<102400x16xf32, #tpu.memory_space<vmem_shared>> -> memref<512x16xf32, #tpu.memory_space<vmem_shared>>
      %dma_start3A_174 = arith.constant 0 : i32
      %dma_start3A_175 = arith.constant 0 : i32
      %dma_start3A_176 = tpu.memref_slice %arg9[%dma_start3A_174, %dma_start3A_175] : memref<512x16xf32, #tpu.memory_space<vmem>> -> memref<512x16xf32, #tpu.memory_space<vmem>>
      %dma_start3A_177 = arith.constant 0 : i32
      %dma_start3A_178 = tpu.memref_slice %arg11[%add3A_85, %dma_start3A_177] : memref<102400x16xf32, #tpu.memory_space<vmem_shared>> -> memref<512x16xf32, #tpu.memory_space<vmem_shared>>
      tpu.enqueue_dma source(%dma_start3A_178 : memref<512x16xf32, #tpu.memory_space<vmem_shared>>) target(%dma_start3A_176 : memref<512x16xf32, #tpu.memory_space<vmem>>) target_semaphore(%run_scoped3A : memref<!tpu.dma_semaphore, #tpu.memory_space<semaphore_mem>>)
      %dma_wait3A = arith.constant 0 : i32
      %dma_wait3A_179 = arith.constant 0 : i32
      %dma_wait3A_180 = tpu.memref_slice %arg9[%dma_wait3A, %dma_wait3A_179] : memref<512x16xf32, #tpu.memory_space<vmem>> -> memref<512x16xf32, #tpu.memory_space<vmem>>
      %dma_wait3A_181 = arith.constant 0 : i32
      %dma_wait3A_182 = tpu.memref_slice %arg11[%add3A_85, %dma_wait3A_181] : memref<102400x16xf32, #tpu.memory_space<vmem_shared>> -> memref<512x16xf32, #tpu.memory_space<vmem_shared>>
      %dma_wait3A_183 = arith.constant 0 : i32
      %dma_wait3A_184 = arith.constant 0 : i32
      %dma_wait3A_185 = tpu.memref_slice %arg9[%dma_wait3A_183, %dma_wait3A_184] : memref<512x16xf32, #tpu.memory_space<vmem>> -> memref<512x16xf32, #tpu.memory_space<vmem>>
      %dma_wait3A_186 = arith.constant 0 : i32
      %dma_wait3A_187 = tpu.memref_slice %arg11[%add3A_85, %dma_wait3A_186] : memref<102400x16xf32, #tpu.memory_space<vmem_shared>> -> memref<512x16xf32, #tpu.memory_space<vmem_shared>>
      tpu.wait_dma2 semaphore(%run_scoped3A : memref<!tpu.dma_semaphore, #tpu.memory_space<semaphore_mem>>) src(%dma_wait3A_187 : memref<512x16xf32, #tpu.memory_space<vmem_shared>>) dst(%dma_wait3A_185 : memref<512x16xf32, #tpu.memory_space<vmem>>)
      tpu.yield
    }) : () -> ()
    %mul3A_86 = arith.constant 6400 : i32
    %mul3A_87 = arith.muli %arg1, %mul3A_86 : i32
    %add3A_88 = arith.constant 1024 : i32
    %add3A_89 = arith.addi %mul3A_87, %add3A_88 : i32
    "tpu.region"() ({
      %run_scoped3A = tpu.sem_alloc : memref<!tpu.dma_semaphore, #tpu.memory_space<semaphore_mem>>
      %dma_start3A = arith.constant 0 : i32
      %dma_start3A_170 = arith.constant 0 : i32
      %dma_start3A_171 = tpu.memref_slice %arg9[%dma_start3A, %dma_start3A_170] : memref<512x16xf32, #tpu.memory_space<vmem>> -> memref<512x16xf32, #tpu.memory_space<vmem>>
      %dma_start3A_172 = arith.constant 0 : i32
      %dma_start3A_173 = tpu.memref_slice %arg6[%arg0, %add3A_89, %dma_start3A_172] : memref<2x102400x16xf32, #tpu.memory_space<hbm>> -> memref<1x512x16xf32, #tpu.memory_space<hbm>>
      %dma_start3A_174 = tpu.memref_squeeze %dma_start3A_173 : memref<1x512x16xf32, #tpu.memory_space<hbm>> -> memref<512x16xf32, #tpu.memory_space<hbm>>
      %dma_start3A_175 = arith.constant 0 : i32
      %dma_start3A_176 = tpu.memref_slice %arg6[%arg0, %add3A_89, %dma_start3A_175] : memref<2x102400x16xf32, #tpu.memory_space<hbm>> -> memref<1x512x16xf32, #tpu.memory_space<hbm>>
      %dma_start3A_177 = tpu.memref_squeeze %dma_start3A_176 : memref<1x512x16xf32, #tpu.memory_space<hbm>> -> memref<512x16xf32, #tpu.memory_space<hbm>>
      %dma_start3A_178 = arith.constant 0 : i32
      %dma_start3A_179 = arith.constant 0 : i32
      %dma_start3A_180 = tpu.memref_slice %arg9[%dma_start3A_178, %dma_start3A_179] : memref<512x16xf32, #tpu.memory_space<vmem>> -> memref<512x16xf32, #tpu.memory_space<vmem>>
      tpu.enqueue_dma source(%dma_start3A_180 : memref<512x16xf32, #tpu.memory_space<vmem>>) target(%dma_start3A_177 : memref<512x16xf32, #tpu.memory_space<hbm>>) target_semaphore(%run_scoped3A : memref<!tpu.dma_semaphore, #tpu.memory_space<semaphore_mem>>)
      %dma_wait3A = arith.constant 0 : i32
      %dma_wait3A_181 = arith.constant 0 : i32
      %dma_wait3A_182 = tpu.memref_slice %arg9[%dma_wait3A, %dma_wait3A_181] : memref<512x16xf32, #tpu.memory_space<vmem>> -> memref<512x16xf32, #tpu.memory_space<vmem>>
      %dma_wait3A_183 = arith.constant 0 : i32
      %dma_wait3A_184 = tpu.memref_slice %arg6[%arg0, %add3A_89, %dma_wait3A_183] : memref<2x102400x16xf32, #tpu.memory_space<hbm>> -> memref<1x512x16xf32, #tpu.memory_space<hbm>>
      %dma_wait3A_185 = tpu.memref_squeeze %dma_wait3A_184 : memref<1x512x16xf32, #tpu.memory_space<hbm>> -> memref<512x16xf32, #tpu.memory_space<hbm>>
      %dma_wait3A_186 = arith.constant 0 : i32
      %dma_wait3A_187 = tpu.memref_slice %arg6[%arg0, %add3A_89, %dma_wait3A_186] : memref<2x102400x16xf32, #tpu.memory_space<hbm>> -> memref<1x512x16xf32, #tpu.memory_space<hbm>>
      %dma_wait3A_188 = tpu.memref_squeeze %dma_wait3A_187 : memref<1x512x16xf32, #tpu.memory_space<hbm>> -> memref<512x16xf32, #tpu.memory_space<hbm>>
      %dma_wait3A_189 = arith.constant 0 : i32
      %dma_wait3A_190 = arith.constant 0 : i32
      %dma_wait3A_191 = tpu.memref_slice %arg9[%dma_wait3A_189, %dma_wait3A_190] : memref<512x16xf32, #tpu.memory_space<vmem>> -> memref<512x16xf32, #tpu.memory_space<vmem>>
      tpu.wait_dma2 semaphore(%run_scoped3A : memref<!tpu.dma_semaphore, #tpu.memory_space<semaphore_mem>>) src(%dma_wait3A_191 : memref<512x16xf32, #tpu.memory_space<vmem>>) dst(%dma_wait3A_188 : memref<512x16xf32, #tpu.memory_space<hbm>>)
      tpu.yield
    }) : () -> ()
    %mul3A_90 = arith.constant 6400 : i32
    %mul3A_91 = arith.muli %arg1, %mul3A_90 : i32
    %add3A_92 = arith.constant 1536 : i32
    %add3A_93 = arith.addi %mul3A_91, %add3A_92 : i32
    "tpu.region"() ({
      %run_scoped3A = tpu.sem_alloc : memref<!tpu.dma_semaphore, #tpu.memory_space<semaphore_mem>>
      %dma_start3A = arith.constant 0 : i32
      %dma_start3A_170 = arith.constant 0 : i32
      %dma_start3A_171 = tpu.memref_slice %arg9[%dma_start3A, %dma_start3A_170] : memref<512x16xf32, #tpu.memory_space<vmem>> -> memref<512x16xf32, #tpu.memory_space<vmem>>
      %dma_start3A_172 = arith.constant 0 : i32
      %dma_start3A_173 = tpu.memref_slice %arg11[%add3A_93, %dma_start3A_172] : memref<102400x16xf32, #tpu.memory_space<vmem_shared>> -> memref<512x16xf32, #tpu.memory_space<vmem_shared>>
      %dma_start3A_174 = arith.constant 0 : i32
      %dma_start3A_175 = arith.constant 0 : i32
      %dma_start3A_176 = tpu.memref_slice %arg9[%dma_start3A_174, %dma_start3A_175] : memref<512x16xf32, #tpu.memory_space<vmem>> -> memref<512x16xf32, #tpu.memory_space<vmem>>
      %dma_start3A_177 = arith.constant 0 : i32
      %dma_start3A_178 = tpu.memref_slice %arg11[%add3A_93, %dma_start3A_177] : memref<102400x16xf32, #tpu.memory_space<vmem_shared>> -> memref<512x16xf32, #tpu.memory_space<vmem_shared>>
      tpu.enqueue_dma source(%dma_start3A_178 : memref<512x16xf32, #tpu.memory_space<vmem_shared>>) target(%dma_start3A_176 : memref<512x16xf32, #tpu.memory_space<vmem>>) target_semaphore(%run_scoped3A : memref<!tpu.dma_semaphore, #tpu.memory_space<semaphore_mem>>)
      %dma_wait3A = arith.constant 0 : i32
      %dma_wait3A_179 = arith.constant 0 : i32
      %dma_wait3A_180 = tpu.memref_slice %arg9[%dma_wait3A, %dma_wait3A_179] : memref<512x16xf32, #tpu.memory_space<vmem>> -> memref<512x16xf32, #tpu.memory_space<vmem>>
      %dma_wait3A_181 = arith.constant 0 : i32
      %dma_wait3A_182 = tpu.memref_slice %arg11[%add3A_93, %dma_wait3A_181] : memref<102400x16xf32, #tpu.memory_space<vmem_shared>> -> memref<512x16xf32, #tpu.memory_space<vmem_shared>>
      %dma_wait3A_183 = arith.constant 0 : i32
      %dma_wait3A_184 = arith.constant 0 : i32
      %dma_wait3A_185 = tpu.memref_slice %arg9[%dma_wait3A_183, %dma_wait3A_184] : memref<512x16xf32, #tpu.memory_space<vmem>> -> memref<512x16xf32, #tpu.memory_space<vmem>>
      %dma_wait3A_186 = arith.constant 0 : i32
      %dma_wait3A_187 = tpu.memref_slice %arg11[%add3A_93, %dma_wait3A_186] : memref<102400x16xf32, #tpu.memory_space<vmem_shared>> -> memref<512x16xf32, #tpu.memory_space<vmem_shared>>
      tpu.wait_dma2 semaphore(%run_scoped3A : memref<!tpu.dma_semaphore, #tpu.memory_space<semaphore_mem>>) src(%dma_wait3A_187 : memref<512x16xf32, #tpu.memory_space<vmem_shared>>) dst(%dma_wait3A_185 : memref<512x16xf32, #tpu.memory_space<vmem>>)
      tpu.yield
    }) : () -> ()
    %mul3A_94 = arith.constant 6400 : i32
    %mul3A_95 = arith.muli %arg1, %mul3A_94 : i32
    %add3A_96 = arith.constant 1536 : i32
    %add3A_97 = arith.addi %mul3A_95, %add3A_96 : i32
    "tpu.region"() ({
      %run_scoped3A = tpu.sem_alloc : memref<!tpu.dma_semaphore, #tpu.memory_space<semaphore_mem>>
      %dma_start3A = arith.constant 0 : i32
      %dma_start3A_170 = arith.constant 0 : i32
      %dma_start3A_171 = tpu.memref_slice %arg9[%dma_start3A, %dma_start3A_170] : memref<512x16xf32, #tpu.memory_space<vmem>> -> memref<512x16xf32, #tpu.memory_space<vmem>>
      %dma_start3A_172 = arith.constant 0 : i32
      %dma_start3A_173 = tpu.memref_slice %arg6[%arg0, %add3A_97, %dma_start3A_172] : memref<2x102400x16xf32, #tpu.memory_space<hbm>> -> memref<1x512x16xf32, #tpu.memory_space<hbm>>
      %dma_start3A_174 = tpu.memref_squeeze %dma_start3A_173 : memref<1x512x16xf32, #tpu.memory_space<hbm>> -> memref<512x16xf32, #tpu.memory_space<hbm>>
      %dma_start3A_175 = arith.constant 0 : i32
      %dma_start3A_176 = tpu.memref_slice %arg6[%arg0, %add3A_97, %dma_start3A_175] : memref<2x102400x16xf32, #tpu.memory_space<hbm>> -> memref<1x512x16xf32, #tpu.memory_space<hbm>>
      %dma_start3A_177 = tpu.memref_squeeze %dma_start3A_176 : memref<1x512x16xf32, #tpu.memory_space<hbm>> -> memref<512x16xf32, #tpu.memory_space<hbm>>
      %dma_start3A_178 = arith.constant 0 : i32
      %dma_start3A_179 = arith.constant 0 : i32
      %dma_start3A_180 = tpu.memref_slice %arg9[%dma_start3A_178, %dma_start3A_179] : memref<512x16xf32, #tpu.memory_space<vmem>> -> memref<512x16xf32, #tpu.memory_space<vmem>>
      tpu.enqueue_dma source(%dma_start3A_180 : memref<512x16xf32, #tpu.memory_space<vmem>>) target(%dma_start3A_177 : memref<512x16xf32, #tpu.memory_space<hbm>>) target_semaphore(%run_scoped3A : memref<!tpu.dma_semaphore, #tpu.memory_space<semaphore_mem>>)
      %dma_wait3A = arith.constant 0 : i32
      %dma_wait3A_181 = arith.constant 0 : i32
      %dma_wait3A_182 = tpu.memref_slice %arg9[%dma_wait3A, %dma_wait3A_181] : memref<512x16xf32, #tpu.memory_space<vmem>> -> memref<512x16xf32, #tpu.memory_space<vmem>>
      %dma_wait3A_183 = arith.constant 0 : i32
      %dma_wait3A_184 = tpu.memref_slice %arg6[%arg0, %add3A_97, %dma_wait3A_183] : memref<2x102400x16xf32, #tpu.memory_space<hbm>> -> memref<1x512x16xf32, #tpu.memory_space<hbm>>
      %dma_wait3A_185 = tpu.memref_squeeze %dma_wait3A_184 : memref<1x512x16xf32, #tpu.memory_space<hbm>> -> memref<512x16xf32, #tpu.memory_space<hbm>>
      %dma_wait3A_186 = arith.constant 0 : i32
      %dma_wait3A_187 = tpu.memref_slice %arg6[%arg0, %add3A_97, %dma_wait3A_186] : memref<2x102400x16xf32, #tpu.memory_space<hbm>> -> memref<1x512x16xf32, #tpu.memory_space<hbm>>
      %dma_wait3A_188 = tpu.memref_squeeze %dma_wait3A_187 : memref<1x512x16xf32, #tpu.memory_space<hbm>> -> memref<512x16xf32, #tpu.memory_space<hbm>>
      %dma_wait3A_189 = arith.constant 0 : i32
      %dma_wait3A_190 = arith.constant 0 : i32
      %dma_wait3A_191 = tpu.memref_slice %arg9[%dma_wait3A_189, %dma_wait3A_190] : memref<512x16xf32, #tpu.memory_space<vmem>> -> memref<512x16xf32, #tpu.memory_space<vmem>>
      tpu.wait_dma2 semaphore(%run_scoped3A : memref<!tpu.dma_semaphore, #tpu.memory_space<semaphore_mem>>) src(%dma_wait3A_191 : memref<512x16xf32, #tpu.memory_space<vmem>>) dst(%dma_wait3A_188 : memref<512x16xf32, #tpu.memory_space<hbm>>)
      tpu.yield
    }) : () -> ()
    %mul3A_98 = arith.constant 6400 : i32
    %mul3A_99 = arith.muli %arg1, %mul3A_98 : i32
    %add3A_100 = arith.constant 2048 : i32
    %add3A_101 = arith.addi %mul3A_99, %add3A_100 : i32
    "tpu.region"() ({
      %run_scoped3A = tpu.sem_alloc : memref<!tpu.dma_semaphore, #tpu.memory_space<semaphore_mem>>
      %dma_start3A = arith.constant 0 : i32
      %dma_start3A_170 = arith.constant 0 : i32
      %dma_start3A_171 = tpu.memref_slice %arg9[%dma_start3A, %dma_start3A_170] : memref<512x16xf32, #tpu.memory_space<vmem>> -> memref<512x16xf32, #tpu.memory_space<vmem>>
      %dma_start3A_172 = arith.constant 0 : i32
      %dma_start3A_173 = tpu.memref_slice %arg11[%add3A_101, %dma_start3A_172] : memref<102400x16xf32, #tpu.memory_space<vmem_shared>> -> memref<512x16xf32, #tpu.memory_space<vmem_shared>>
      %dma_start3A_174 = arith.constant 0 : i32
      %dma_start3A_175 = arith.constant 0 : i32
      %dma_start3A_176 = tpu.memref_slice %arg9[%dma_start3A_174, %dma_start3A_175] : memref<512x16xf32, #tpu.memory_space<vmem>> -> memref<512x16xf32, #tpu.memory_space<vmem>>
      %dma_start3A_177 = arith.constant 0 : i32
      %dma_start3A_178 = tpu.memref_slice %arg11[%add3A_101, %dma_start3A_177] : memref<102400x16xf32, #tpu.memory_space<vmem_shared>> -> memref<512x16xf32, #tpu.memory_space<vmem_shared>>
      tpu.enqueue_dma source(%dma_start3A_178 : memref<512x16xf32, #tpu.memory_space<vmem_shared>>) target(%dma_start3A_176 : memref<512x16xf32, #tpu.memory_space<vmem>>) target_semaphore(%run_scoped3A : memref<!tpu.dma_semaphore, #tpu.memory_space<semaphore_mem>>)
      %dma_wait3A = arith.constant 0 : i32
      %dma_wait3A_179 = arith.constant 0 : i32
      %dma_wait3A_180 = tpu.memref_slice %arg9[%dma_wait3A, %dma_wait3A_179] : memref<512x16xf32, #tpu.memory_space<vmem>> -> memref<512x16xf32, #tpu.memory_space<vmem>>
      %dma_wait3A_181 = arith.constant 0 : i32
      %dma_wait3A_182 = tpu.memref_slice %arg11[%add3A_101, %dma_wait3A_181] : memref<102400x16xf32, #tpu.memory_space<vmem_shared>> -> memref<512x16xf32, #tpu.memory_space<vmem_shared>>
      %dma_wait3A_183 = arith.constant 0 : i32
      %dma_wait3A_184 = arith.constant 0 : i32
      %dma_wait3A_185 = tpu.memref_slice %arg9[%dma_wait3A_183, %dma_wait3A_184] : memref<512x16xf32, #tpu.memory_space<vmem>> -> memref<512x16xf32, #tpu.memory_space<vmem>>
      %dma_wait3A_186 = arith.constant 0 : i32
      %dma_wait3A_187 = tpu.memref_slice %arg11[%add3A_101, %dma_wait3A_186] : memref<102400x16xf32, #tpu.memory_space<vmem_shared>> -> memref<512x16xf32, #tpu.memory_space<vmem_shared>>
      tpu.wait_dma2 semaphore(%run_scoped3A : memref<!tpu.dma_semaphore, #tpu.memory_space<semaphore_mem>>) src(%dma_wait3A_187 : memref<512x16xf32, #tpu.memory_space<vmem_shared>>) dst(%dma_wait3A_185 : memref<512x16xf32, #tpu.memory_space<vmem>>)
      tpu.yield
    }) : () -> ()
    %mul3A_102 = arith.constant 6400 : i32
    %mul3A_103 = arith.muli %arg1, %mul3A_102 : i32
    %add3A_104 = arith.constant 2048 : i32
    %add3A_105 = arith.addi %mul3A_103, %add3A_104 : i32
    "tpu.region"() ({
      %run_scoped3A = tpu.sem_alloc : memref<!tpu.dma_semaphore, #tpu.memory_space<semaphore_mem>>
      %dma_start3A = arith.constant 0 : i32
      %dma_start3A_170 = arith.constant 0 : i32
      %dma_start3A_171 = tpu.memref_slice %arg9[%dma_start3A, %dma_start3A_170] : memref<512x16xf32, #tpu.memory_space<vmem>> -> memref<512x16xf32, #tpu.memory_space<vmem>>
      %dma_start3A_172 = arith.constant 0 : i32
      %dma_start3A_173 = tpu.memref_slice %arg6[%arg0, %add3A_105, %dma_start3A_172] : memref<2x102400x16xf32, #tpu.memory_space<hbm>> -> memref<1x512x16xf32, #tpu.memory_space<hbm>>
      %dma_start3A_174 = tpu.memref_squeeze %dma_start3A_173 : memref<1x512x16xf32, #tpu.memory_space<hbm>> -> memref<512x16xf32, #tpu.memory_space<hbm>>
      %dma_start3A_175 = arith.constant 0 : i32
      %dma_start3A_176 = tpu.memref_slice %arg6[%arg0, %add3A_105, %dma_start3A_175] : memref<2x102400x16xf32, #tpu.memory_space<hbm>> -> memref<1x512x16xf32, #tpu.memory_space<hbm>>
      %dma_start3A_177 = tpu.memref_squeeze %dma_start3A_176 : memref<1x512x16xf32, #tpu.memory_space<hbm>> -> memref<512x16xf32, #tpu.memory_space<hbm>>
      %dma_start3A_178 = arith.constant 0 : i32
      %dma_start3A_179 = arith.constant 0 : i32
      %dma_start3A_180 = tpu.memref_slice %arg9[%dma_start3A_178, %dma_start3A_179] : memref<512x16xf32, #tpu.memory_space<vmem>> -> memref<512x16xf32, #tpu.memory_space<vmem>>
      tpu.enqueue_dma source(%dma_start3A_180 : memref<512x16xf32, #tpu.memory_space<vmem>>) target(%dma_start3A_177 : memref<512x16xf32, #tpu.memory_space<hbm>>) target_semaphore(%run_scoped3A : memref<!tpu.dma_semaphore, #tpu.memory_space<semaphore_mem>>)
      %dma_wait3A = arith.constant 0 : i32
      %dma_wait3A_181 = arith.constant 0 : i32
      %dma_wait3A_182 = tpu.memref_slice %arg9[%dma_wait3A, %dma_wait3A_181] : memref<512x16xf32, #tpu.memory_space<vmem>> -> memref<512x16xf32, #tpu.memory_space<vmem>>
      %dma_wait3A_183 = arith.constant 0 : i32
      %dma_wait3A_184 = tpu.memref_slice %arg6[%arg0, %add3A_105, %dma_wait3A_183] : memref<2x102400x16xf32, #tpu.memory_space<hbm>> -> memref<1x512x16xf32, #tpu.memory_space<hbm>>
      %dma_wait3A_185 = tpu.memref_squeeze %dma_wait3A_184 : memref<1x512x16xf32, #tpu.memory_space<hbm>> -> memref<512x16xf32, #tpu.memory_space<hbm>>
      %dma_wait3A_186 = arith.constant 0 : i32
      %dma_wait3A_187 = tpu.memref_slice %arg6[%arg0, %add3A_105, %dma_wait3A_186] : memref<2x102400x16xf32, #tpu.memory_space<hbm>> -> memref<1x512x16xf32, #tpu.memory_space<hbm>>
      %dma_wait3A_188 = tpu.memref_squeeze %dma_wait3A_187 : memref<1x512x16xf32, #tpu.memory_space<hbm>> -> memref<512x16xf32, #tpu.memory_space<hbm>>
      %dma_wait3A_189 = arith.constant 0 : i32
      %dma_wait3A_190 = arith.constant 0 : i32
      %dma_wait3A_191 = tpu.memref_slice %arg9[%dma_wait3A_189, %dma_wait3A_190] : memref<512x16xf32, #tpu.memory_space<vmem>> -> memref<512x16xf32, #tpu.memory_space<vmem>>
      tpu.wait_dma2 semaphore(%run_scoped3A : memref<!tpu.dma_semaphore, #tpu.memory_space<semaphore_mem>>) src(%dma_wait3A_191 : memref<512x16xf32, #tpu.memory_space<vmem>>) dst(%dma_wait3A_188 : memref<512x16xf32, #tpu.memory_space<hbm>>)
      tpu.yield
    }) : () -> ()
    %mul3A_106 = arith.constant 6400 : i32
    %mul3A_107 = arith.muli %arg1, %mul3A_106 : i32
    %add3A_108 = arith.constant 2560 : i32
    %add3A_109 = arith.addi %mul3A_107, %add3A_108 : i32
    "tpu.region"() ({
      %run_scoped3A = tpu.sem_alloc : memref<!tpu.dma_semaphore, #tpu.memory_space<semaphore_mem>>
      %dma_start3A = arith.constant 0 : i32
      %dma_start3A_170 = arith.constant 0 : i32
      %dma_start3A_171 = tpu.memref_slice %arg9[%dma_start3A, %dma_start3A_170] : memref<512x16xf32, #tpu.memory_space<vmem>> -> memref<512x16xf32, #tpu.memory_space<vmem>>
      %dma_start3A_172 = arith.constant 0 : i32
      %dma_start3A_173 = tpu.memref_slice %arg11[%add3A_109, %dma_start3A_172] : memref<102400x16xf32, #tpu.memory_space<vmem_shared>> -> memref<512x16xf32, #tpu.memory_space<vmem_shared>>
      %dma_start3A_174 = arith.constant 0 : i32
      %dma_start3A_175 = arith.constant 0 : i32
      %dma_start3A_176 = tpu.memref_slice %arg9[%dma_start3A_174, %dma_start3A_175] : memref<512x16xf32, #tpu.memory_space<vmem>> -> memref<512x16xf32, #tpu.memory_space<vmem>>
      %dma_start3A_177 = arith.constant 0 : i32
      %dma_start3A_178 = tpu.memref_slice %arg11[%add3A_109, %dma_start3A_177] : memref<102400x16xf32, #tpu.memory_space<vmem_shared>> -> memref<512x16xf32, #tpu.memory_space<vmem_shared>>
      tpu.enqueue_dma source(%dma_start3A_178 : memref<512x16xf32, #tpu.memory_space<vmem_shared>>) target(%dma_start3A_176 : memref<512x16xf32, #tpu.memory_space<vmem>>) target_semaphore(%run_scoped3A : memref<!tpu.dma_semaphore, #tpu.memory_space<semaphore_mem>>)
      %dma_wait3A = arith.constant 0 : i32
      %dma_wait3A_179 = arith.constant 0 : i32
      %dma_wait3A_180 = tpu.memref_slice %arg9[%dma_wait3A, %dma_wait3A_179] : memref<512x16xf32, #tpu.memory_space<vmem>> -> memref<512x16xf32, #tpu.memory_space<vmem>>
      %dma_wait3A_181 = arith.constant 0 : i32
      %dma_wait3A_182 = tpu.memref_slice %arg11[%add3A_109, %dma_wait3A_181] : memref<102400x16xf32, #tpu.memory_space<vmem_shared>> -> memref<512x16xf32, #tpu.memory_space<vmem_shared>>
      %dma_wait3A_183 = arith.constant 0 : i32
      %dma_wait3A_184 = arith.constant 0 : i32
      %dma_wait3A_185 = tpu.memref_slice %arg9[%dma_wait3A_183, %dma_wait3A_184] : memref<512x16xf32, #tpu.memory_space<vmem>> -> memref<512x16xf32, #tpu.memory_space<vmem>>
      %dma_wait3A_186 = arith.constant 0 : i32
      %dma_wait3A_187 = tpu.memref_slice %arg11[%add3A_109, %dma_wait3A_186] : memref<102400x16xf32, #tpu.memory_space<vmem_shared>> -> memref<512x16xf32, #tpu.memory_space<vmem_shared>>
      tpu.wait_dma2 semaphore(%run_scoped3A : memref<!tpu.dma_semaphore, #tpu.memory_space<semaphore_mem>>) src(%dma_wait3A_187 : memref<512x16xf32, #tpu.memory_space<vmem_shared>>) dst(%dma_wait3A_185 : memref<512x16xf32, #tpu.memory_space<vmem>>)
      tpu.yield
    }) : () -> ()
    %mul3A_110 = arith.constant 6400 : i32
    %mul3A_111 = arith.muli %arg1, %mul3A_110 : i32
    %add3A_112 = arith.constant 2560 : i32
    %add3A_113 = arith.addi %mul3A_111, %add3A_112 : i32
    "tpu.region"() ({
      %run_scoped3A = tpu.sem_alloc : memref<!tpu.dma_semaphore, #tpu.memory_space<semaphore_mem>>
      %dma_start3A = arith.constant 0 : i32
      %dma_start3A_170 = arith.constant 0 : i32
      %dma_start3A_171 = tpu.memref_slice %arg9[%dma_start3A, %dma_start3A_170] : memref<512x16xf32, #tpu.memory_space<vmem>> -> memref<512x16xf32, #tpu.memory_space<vmem>>
      %dma_start3A_172 = arith.constant 0 : i32
      %dma_start3A_173 = tpu.memref_slice %arg6[%arg0, %add3A_113, %dma_start3A_172] : memref<2x102400x16xf32, #tpu.memory_space<hbm>> -> memref<1x512x16xf32, #tpu.memory_space<hbm>>
      %dma_start3A_174 = tpu.memref_squeeze %dma_start3A_173 : memref<1x512x16xf32, #tpu.memory_space<hbm>> -> memref<512x16xf32, #tpu.memory_space<hbm>>
      %dma_start3A_175 = arith.constant 0 : i32
      %dma_start3A_176 = tpu.memref_slice %arg6[%arg0, %add3A_113, %dma_start3A_175] : memref<2x102400x16xf32, #tpu.memory_space<hbm>> -> memref<1x512x16xf32, #tpu.memory_space<hbm>>
      %dma_start3A_177 = tpu.memref_squeeze %dma_start3A_176 : memref<1x512x16xf32, #tpu.memory_space<hbm>> -> memref<512x16xf32, #tpu.memory_space<hbm>>
      %dma_start3A_178 = arith.constant 0 : i32
      %dma_start3A_179 = arith.constant 0 : i32
      %dma_start3A_180 = tpu.memref_slice %arg9[%dma_start3A_178, %dma_start3A_179] : memref<512x16xf32, #tpu.memory_space<vmem>> -> memref<512x16xf32, #tpu.memory_space<vmem>>
      tpu.enqueue_dma source(%dma_start3A_180 : memref<512x16xf32, #tpu.memory_space<vmem>>) target(%dma_start3A_177 : memref<512x16xf32, #tpu.memory_space<hbm>>) target_semaphore(%run_scoped3A : memref<!tpu.dma_semaphore, #tpu.memory_space<semaphore_mem>>)
      %dma_wait3A = arith.constant 0 : i32
      %dma_wait3A_181 = arith.constant 0 : i32
      %dma_wait3A_182 = tpu.memref_slice %arg9[%dma_wait3A, %dma_wait3A_181] : memref<512x16xf32, #tpu.memory_space<vmem>> -> memref<512x16xf32, #tpu.memory_space<vmem>>
      %dma_wait3A_183 = arith.constant 0 : i32
      %dma_wait3A_184 = tpu.memref_slice %arg6[%arg0, %add3A_113, %dma_wait3A_183] : memref<2x102400x16xf32, #tpu.memory_space<hbm>> -> memref<1x512x16xf32, #tpu.memory_space<hbm>>
      %dma_wait3A_185 = tpu.memref_squeeze %dma_wait3A_184 : memref<1x512x16xf32, #tpu.memory_space<hbm>> -> memref<512x16xf32, #tpu.memory_space<hbm>>
      %dma_wait3A_186 = arith.constant 0 : i32
      %dma_wait3A_187 = tpu.memref_slice %arg6[%arg0, %add3A_113, %dma_wait3A_186] : memref<2x102400x16xf32, #tpu.memory_space<hbm>> -> memref<1x512x16xf32, #tpu.memory_space<hbm>>
      %dma_wait3A_188 = tpu.memref_squeeze %dma_wait3A_187 : memref<1x512x16xf32, #tpu.memory_space<hbm>> -> memref<512x16xf32, #tpu.memory_space<hbm>>
      %dma_wait3A_189 = arith.constant 0 : i32
      %dma_wait3A_190 = arith.constant 0 : i32
      %dma_wait3A_191 = tpu.memref_slice %arg9[%dma_wait3A_189, %dma_wait3A_190] : memref<512x16xf32, #tpu.memory_space<vmem>> -> memref<512x16xf32, #tpu.memory_space<vmem>>
      tpu.wait_dma2 semaphore(%run_scoped3A : memref<!tpu.dma_semaphore, #tpu.memory_space<semaphore_mem>>) src(%dma_wait3A_191 : memref<512x16xf32, #tpu.memory_space<vmem>>) dst(%dma_wait3A_188 : memref<512x16xf32, #tpu.memory_space<hbm>>)
      tpu.yield
    }) : () -> ()
    %mul3A_114 = arith.constant 6400 : i32
    %mul3A_115 = arith.muli %arg1, %mul3A_114 : i32
    %add3A_116 = arith.constant 3072 : i32
    %add3A_117 = arith.addi %mul3A_115, %add3A_116 : i32
    "tpu.region"() ({
      %run_scoped3A = tpu.sem_alloc : memref<!tpu.dma_semaphore, #tpu.memory_space<semaphore_mem>>
      %dma_start3A = arith.constant 0 : i32
      %dma_start3A_170 = arith.constant 0 : i32
      %dma_start3A_171 = tpu.memref_slice %arg9[%dma_start3A, %dma_start3A_170] : memref<512x16xf32, #tpu.memory_space<vmem>> -> memref<512x16xf32, #tpu.memory_space<vmem>>
      %dma_start3A_172 = arith.constant 0 : i32
      %dma_start3A_173 = tpu.memref_slice %arg11[%add3A_117, %dma_start3A_172] : memref<102400x16xf32, #tpu.memory_space<vmem_shared>> -> memref<512x16xf32, #tpu.memory_space<vmem_shared>>
      %dma_start3A_174 = arith.constant 0 : i32
      %dma_start3A_175 = arith.constant 0 : i32
      %dma_start3A_176 = tpu.memref_slice %arg9[%dma_start3A_174, %dma_start3A_175] : memref<512x16xf32, #tpu.memory_space<vmem>> -> memref<512x16xf32, #tpu.memory_space<vmem>>
      %dma_start3A_177 = arith.constant 0 : i32
      %dma_start3A_178 = tpu.memref_slice %arg11[%add3A_117, %dma_start3A_177] : memref<102400x16xf32, #tpu.memory_space<vmem_shared>> -> memref<512x16xf32, #tpu.memory_space<vmem_shared>>
      tpu.enqueue_dma source(%dma_start3A_178 : memref<512x16xf32, #tpu.memory_space<vmem_shared>>) target(%dma_start3A_176 : memref<512x16xf32, #tpu.memory_space<vmem>>) target_semaphore(%run_scoped3A : memref<!tpu.dma_semaphore, #tpu.memory_space<semaphore_mem>>)
      %dma_wait3A = arith.constant 0 : i32
      %dma_wait3A_179 = arith.constant 0 : i32
      %dma_wait3A_180 = tpu.memref_slice %arg9[%dma_wait3A, %dma_wait3A_179] : memref<512x16xf32, #tpu.memory_space<vmem>> -> memref<512x16xf32, #tpu.memory_space<vmem>>
      %dma_wait3A_181 = arith.constant 0 : i32
      %dma_wait3A_182 = tpu.memref_slice %arg11[%add3A_117, %dma_wait3A_181] : memref<102400x16xf32, #tpu.memory_space<vmem_shared>> -> memref<512x16xf32, #tpu.memory_space<vmem_shared>>
      %dma_wait3A_183 = arith.constant 0 : i32
      %dma_wait3A_184 = arith.constant 0 : i32
      %dma_wait3A_185 = tpu.memref_slice %arg9[%dma_wait3A_183, %dma_wait3A_184] : memref<512x16xf32, #tpu.memory_space<vmem>> -> memref<512x16xf32, #tpu.memory_space<vmem>>
      %dma_wait3A_186 = arith.constant 0 : i32
      %dma_wait3A_187 = tpu.memref_slice %arg11[%add3A_117, %dma_wait3A_186] : memref<102400x16xf32, #tpu.memory_space<vmem_shared>> -> memref<512x16xf32, #tpu.memory_space<vmem_shared>>
      tpu.wait_dma2 semaphore(%run_scoped3A : memref<!tpu.dma_semaphore, #tpu.memory_space<semaphore_mem>>) src(%dma_wait3A_187 : memref<512x16xf32, #tpu.memory_space<vmem_shared>>) dst(%dma_wait3A_185 : memref<512x16xf32, #tpu.memory_space<vmem>>)
      tpu.yield
    }) : () -> ()
    %mul3A_118 = arith.constant 6400 : i32
    %mul3A_119 = arith.muli %arg1, %mul3A_118 : i32
    %add3A_120 = arith.constant 3072 : i32
    %add3A_121 = arith.addi %mul3A_119, %add3A_120 : i32
    "tpu.region"() ({
      %run_scoped3A = tpu.sem_alloc : memref<!tpu.dma_semaphore, #tpu.memory_space<semaphore_mem>>
      %dma_start3A = arith.constant 0 : i32
      %dma_start3A_170 = arith.constant 0 : i32
      %dma_start3A_171 = tpu.memref_slice %arg9[%dma_start3A, %dma_start3A_170] : memref<512x16xf32, #tpu.memory_space<vmem>> -> memref<512x16xf32, #tpu.memory_space<vmem>>
      %dma_start3A_172 = arith.constant 0 : i32
      %dma_start3A_173 = tpu.memref_slice %arg6[%arg0, %add3A_121, %dma_start3A_172] : memref<2x102400x16xf32, #tpu.memory_space<hbm>> -> memref<1x512x16xf32, #tpu.memory_space<hbm>>
      %dma_start3A_174 = tpu.memref_squeeze %dma_start3A_173 : memref<1x512x16xf32, #tpu.memory_space<hbm>> -> memref<512x16xf32, #tpu.memory_space<hbm>>
      %dma_start3A_175 = arith.constant 0 : i32
      %dma_start3A_176 = tpu.memref_slice %arg6[%arg0, %add3A_121, %dma_start3A_175] : memref<2x102400x16xf32, #tpu.memory_space<hbm>> -> memref<1x512x16xf32, #tpu.memory_space<hbm>>
      %dma_start3A_177 = tpu.memref_squeeze %dma_start3A_176 : memref<1x512x16xf32, #tpu.memory_space<hbm>> -> memref<512x16xf32, #tpu.memory_space<hbm>>
      %dma_start3A_178 = arith.constant 0 : i32
      %dma_start3A_179 = arith.constant 0 : i32
      %dma_start3A_180 = tpu.memref_slice %arg9[%dma_start3A_178, %dma_start3A_179] : memref<512x16xf32, #tpu.memory_space<vmem>> -> memref<512x16xf32, #tpu.memory_space<vmem>>
      tpu.enqueue_dma source(%dma_start3A_180 : memref<512x16xf32, #tpu.memory_space<vmem>>) target(%dma_start3A_177 : memref<512x16xf32, #tpu.memory_space<hbm>>) target_semaphore(%run_scoped3A : memref<!tpu.dma_semaphore, #tpu.memory_space<semaphore_mem>>)
      %dma_wait3A = arith.constant 0 : i32
      %dma_wait3A_181 = arith.constant 0 : i32
      %dma_wait3A_182 = tpu.memref_slice %arg9[%dma_wait3A, %dma_wait3A_181] : memref<512x16xf32, #tpu.memory_space<vmem>> -> memref<512x16xf32, #tpu.memory_space<vmem>>
      %dma_wait3A_183 = arith.constant 0 : i32
      %dma_wait3A_184 = tpu.memref_slice %arg6[%arg0, %add3A_121, %dma_wait3A_183] : memref<2x102400x16xf32, #tpu.memory_space<hbm>> -> memref<1x512x16xf32, #tpu.memory_space<hbm>>
      %dma_wait3A_185 = tpu.memref_squeeze %dma_wait3A_184 : memref<1x512x16xf32, #tpu.memory_space<hbm>> -> memref<512x16xf32, #tpu.memory_space<hbm>>
      %dma_wait3A_186 = arith.constant 0 : i32
      %dma_wait3A_187 = tpu.memref_slice %arg6[%arg0, %add3A_121, %dma_wait3A_186] : memref<2x102400x16xf32, #tpu.memory_space<hbm>> -> memref<1x512x16xf32, #tpu.memory_space<hbm>>
      %dma_wait3A_188 = tpu.memref_squeeze %dma_wait3A_187 : memref<1x512x16xf32, #tpu.memory_space<hbm>> -> memref<512x16xf32, #tpu.memory_space<hbm>>
      %dma_wait3A_189 = arith.constant 0 : i32
      %dma_wait3A_190 = arith.constant 0 : i32
      %dma_wait3A_191 = tpu.memref_slice %arg9[%dma_wait3A_189, %dma_wait3A_190] : memref<512x16xf32, #tpu.memory_space<vmem>> -> memref<512x16xf32, #tpu.memory_space<vmem>>
      tpu.wait_dma2 semaphore(%run_scoped3A : memref<!tpu.dma_semaphore, #tpu.memory_space<semaphore_mem>>) src(%dma_wait3A_191 : memref<512x16xf32, #tpu.memory_space<vmem>>) dst(%dma_wait3A_188 : memref<512x16xf32, #tpu.memory_space<hbm>>)
      tpu.yield
    }) : () -> ()
    %mul3A_122 = arith.constant 6400 : i32
    %mul3A_123 = arith.muli %arg1, %mul3A_122 : i32
    %add3A_124 = arith.constant 3584 : i32
    %add3A_125 = arith.addi %mul3A_123, %add3A_124 : i32
    "tpu.region"() ({
      %run_scoped3A = tpu.sem_alloc : memref<!tpu.dma_semaphore, #tpu.memory_space<semaphore_mem>>
      %dma_start3A = arith.constant 0 : i32
      %dma_start3A_170 = arith.constant 0 : i32
      %dma_start3A_171 = tpu.memref_slice %arg9[%dma_start3A, %dma_start3A_170] : memref<512x16xf32, #tpu.memory_space<vmem>> -> memref<512x16xf32, #tpu.memory_space<vmem>>
      %dma_start3A_172 = arith.constant 0 : i32
      %dma_start3A_173 = tpu.memref_slice %arg11[%add3A_125, %dma_start3A_172] : memref<102400x16xf32, #tpu.memory_space<vmem_shared>> -> memref<512x16xf32, #tpu.memory_space<vmem_shared>>
      %dma_start3A_174 = arith.constant 0 : i32
      %dma_start3A_175 = arith.constant 0 : i32
      %dma_start3A_176 = tpu.memref_slice %arg9[%dma_start3A_174, %dma_start3A_175] : memref<512x16xf32, #tpu.memory_space<vmem>> -> memref<512x16xf32, #tpu.memory_space<vmem>>
      %dma_start3A_177 = arith.constant 0 : i32
      %dma_start3A_178 = tpu.memref_slice %arg11[%add3A_125, %dma_start3A_177] : memref<102400x16xf32, #tpu.memory_space<vmem_shared>> -> memref<512x16xf32, #tpu.memory_space<vmem_shared>>
      tpu.enqueue_dma source(%dma_start3A_178 : memref<512x16xf32, #tpu.memory_space<vmem_shared>>) target(%dma_start3A_176 : memref<512x16xf32, #tpu.memory_space<vmem>>) target_semaphore(%run_scoped3A : memref<!tpu.dma_semaphore, #tpu.memory_space<semaphore_mem>>)
      %dma_wait3A = arith.constant 0 : i32
      %dma_wait3A_179 = arith.constant 0 : i32
      %dma_wait3A_180 = tpu.memref_slice %arg9[%dma_wait3A, %dma_wait3A_179] : memref<512x16xf32, #tpu.memory_space<vmem>> -> memref<512x16xf32, #tpu.memory_space<vmem>>
      %dma_wait3A_181 = arith.constant 0 : i32
      %dma_wait3A_182 = tpu.memref_slice %arg11[%add3A_125, %dma_wait3A_181] : memref<102400x16xf32, #tpu.memory_space<vmem_shared>> -> memref<512x16xf32, #tpu.memory_space<vmem_shared>>
      %dma_wait3A_183 = arith.constant 0 : i32
      %dma_wait3A_184 = arith.constant 0 : i32
      %dma_wait3A_185 = tpu.memref_slice %arg9[%dma_wait3A_183, %dma_wait3A_184] : memref<512x16xf32, #tpu.memory_space<vmem>> -> memref<512x16xf32, #tpu.memory_space<vmem>>
      %dma_wait3A_186 = arith.constant 0 : i32
      %dma_wait3A_187 = tpu.memref_slice %arg11[%add3A_125, %dma_wait3A_186] : memref<102400x16xf32, #tpu.memory_space<vmem_shared>> -> memref<512x16xf32, #tpu.memory_space<vmem_shared>>
      tpu.wait_dma2 semaphore(%run_scoped3A : memref<!tpu.dma_semaphore, #tpu.memory_space<semaphore_mem>>) src(%dma_wait3A_187 : memref<512x16xf32, #tpu.memory_space<vmem_shared>>) dst(%dma_wait3A_185 : memref<512x16xf32, #tpu.memory_space<vmem>>)
      tpu.yield
    }) : () -> ()
    %mul3A_126 = arith.constant 6400 : i32
    %mul3A_127 = arith.muli %arg1, %mul3A_126 : i32
    %add3A_128 = arith.constant 3584 : i32
    %add3A_129 = arith.addi %mul3A_127, %add3A_128 : i32
    "tpu.region"() ({
      %run_scoped3A = tpu.sem_alloc : memref<!tpu.dma_semaphore, #tpu.memory_space<semaphore_mem>>
      %dma_start3A = arith.constant 0 : i32
      %dma_start3A_170 = arith.constant 0 : i32
      %dma_start3A_171 = tpu.memref_slice %arg9[%dma_start3A, %dma_start3A_170] : memref<512x16xf32, #tpu.memory_space<vmem>> -> memref<512x16xf32, #tpu.memory_space<vmem>>
      %dma_start3A_172 = arith.constant 0 : i32
      %dma_start3A_173 = tpu.memref_slice %arg6[%arg0, %add3A_129, %dma_start3A_172] : memref<2x102400x16xf32, #tpu.memory_space<hbm>> -> memref<1x512x16xf32, #tpu.memory_space<hbm>>
      %dma_start3A_174 = tpu.memref_squeeze %dma_start3A_173 : memref<1x512x16xf32, #tpu.memory_space<hbm>> -> memref<512x16xf32, #tpu.memory_space<hbm>>
      %dma_start3A_175 = arith.constant 0 : i32
      %dma_start3A_176 = tpu.memref_slice %arg6[%arg0, %add3A_129, %dma_start3A_175] : memref<2x102400x16xf32, #tpu.memory_space<hbm>> -> memref<1x512x16xf32, #tpu.memory_space<hbm>>
      %dma_start3A_177 = tpu.memref_squeeze %dma_start3A_176 : memref<1x512x16xf32, #tpu.memory_space<hbm>> -> memref<512x16xf32, #tpu.memory_space<hbm>>
      %dma_start3A_178 = arith.constant 0 : i32
      %dma_start3A_179 = arith.constant 0 : i32
      %dma_start3A_180 = tpu.memref_slice %arg9[%dma_start3A_178, %dma_start3A_179] : memref<512x16xf32, #tpu.memory_space<vmem>> -> memref<512x16xf32, #tpu.memory_space<vmem>>
      tpu.enqueue_dma source(%dma_start3A_180 : memref<512x16xf32, #tpu.memory_space<vmem>>) target(%dma_start3A_177 : memref<512x16xf32, #tpu.memory_space<hbm>>) target_semaphore(%run_scoped3A : memref<!tpu.dma_semaphore, #tpu.memory_space<semaphore_mem>>)
      %dma_wait3A = arith.constant 0 : i32
      %dma_wait3A_181 = arith.constant 0 : i32
      %dma_wait3A_182 = tpu.memref_slice %arg9[%dma_wait3A, %dma_wait3A_181] : memref<512x16xf32, #tpu.memory_space<vmem>> -> memref<512x16xf32, #tpu.memory_space<vmem>>
      %dma_wait3A_183 = arith.constant 0 : i32
      %dma_wait3A_184 = tpu.memref_slice %arg6[%arg0, %add3A_129, %dma_wait3A_183] : memref<2x102400x16xf32, #tpu.memory_space<hbm>> -> memref<1x512x16xf32, #tpu.memory_space<hbm>>
      %dma_wait3A_185 = tpu.memref_squeeze %dma_wait3A_184 : memref<1x512x16xf32, #tpu.memory_space<hbm>> -> memref<512x16xf32, #tpu.memory_space<hbm>>
      %dma_wait3A_186 = arith.constant 0 : i32
      %dma_wait3A_187 = tpu.memref_slice %arg6[%arg0, %add3A_129, %dma_wait3A_186] : memref<2x102400x16xf32, #tpu.memory_space<hbm>> -> memref<1x512x16xf32, #tpu.memory_space<hbm>>
      %dma_wait3A_188 = tpu.memref_squeeze %dma_wait3A_187 : memref<1x512x16xf32, #tpu.memory_space<hbm>> -> memref<512x16xf32, #tpu.memory_space<hbm>>
      %dma_wait3A_189 = arith.constant 0 : i32
      %dma_wait3A_190 = arith.constant 0 : i32
      %dma_wait3A_191 = tpu.memref_slice %arg9[%dma_wait3A_189, %dma_wait3A_190] : memref<512x16xf32, #tpu.memory_space<vmem>> -> memref<512x16xf32, #tpu.memory_space<vmem>>
      tpu.wait_dma2 semaphore(%run_scoped3A : memref<!tpu.dma_semaphore, #tpu.memory_space<semaphore_mem>>) src(%dma_wait3A_191 : memref<512x16xf32, #tpu.memory_space<vmem>>) dst(%dma_wait3A_188 : memref<512x16xf32, #tpu.memory_space<hbm>>)
      tpu.yield
    }) : () -> ()
    %mul3A_130 = arith.constant 6400 : i32
    %mul3A_131 = arith.muli %arg1, %mul3A_130 : i32
    %add3A_132 = arith.constant 4096 : i32
    %add3A_133 = arith.addi %mul3A_131, %add3A_132 : i32
    "tpu.region"() ({
      %run_scoped3A = tpu.sem_alloc : memref<!tpu.dma_semaphore, #tpu.memory_space<semaphore_mem>>
      %dma_start3A = arith.constant 0 : i32
      %dma_start3A_170 = arith.constant 0 : i32
      %dma_start3A_171 = tpu.memref_slice %arg9[%dma_start3A, %dma_start3A_170] : memref<512x16xf32, #tpu.memory_space<vmem>> -> memref<512x16xf32, #tpu.memory_space<vmem>>
      %dma_start3A_172 = arith.constant 0 : i32
      %dma_start3A_173 = tpu.memref_slice %arg11[%add3A_133, %dma_start3A_172] : memref<102400x16xf32, #tpu.memory_space<vmem_shared>> -> memref<512x16xf32, #tpu.memory_space<vmem_shared>>
      %dma_start3A_174 = arith.constant 0 : i32
      %dma_start3A_175 = arith.constant 0 : i32
      %dma_start3A_176 = tpu.memref_slice %arg9[%dma_start3A_174, %dma_start3A_175] : memref<512x16xf32, #tpu.memory_space<vmem>> -> memref<512x16xf32, #tpu.memory_space<vmem>>
      %dma_start3A_177 = arith.constant 0 : i32
      %dma_start3A_178 = tpu.memref_slice %arg11[%add3A_133, %dma_start3A_177] : memref<102400x16xf32, #tpu.memory_space<vmem_shared>> -> memref<512x16xf32, #tpu.memory_space<vmem_shared>>
      tpu.enqueue_dma source(%dma_start3A_178 : memref<512x16xf32, #tpu.memory_space<vmem_shared>>) target(%dma_start3A_176 : memref<512x16xf32, #tpu.memory_space<vmem>>) target_semaphore(%run_scoped3A : memref<!tpu.dma_semaphore, #tpu.memory_space<semaphore_mem>>)
      %dma_wait3A = arith.constant 0 : i32
      %dma_wait3A_179 = arith.constant 0 : i32
      %dma_wait3A_180 = tpu.memref_slice %arg9[%dma_wait3A, %dma_wait3A_179] : memref<512x16xf32, #tpu.memory_space<vmem>> -> memref<512x16xf32, #tpu.memory_space<vmem>>
      %dma_wait3A_181 = arith.constant 0 : i32
      %dma_wait3A_182 = tpu.memref_slice %arg11[%add3A_133, %dma_wait3A_181] : memref<102400x16xf32, #tpu.memory_space<vmem_shared>> -> memref<512x16xf32, #tpu.memory_space<vmem_shared>>
      %dma_wait3A_183 = arith.constant 0 : i32
      %dma_wait3A_184 = arith.constant 0 : i32
      %dma_wait3A_185 = tpu.memref_slice %arg9[%dma_wait3A_183, %dma_wait3A_184] : memref<512x16xf32, #tpu.memory_space<vmem>> -> memref<512x16xf32, #tpu.memory_space<vmem>>
      %dma_wait3A_186 = arith.constant 0 : i32
      %dma_wait3A_187 = tpu.memref_slice %arg11[%add3A_133, %dma_wait3A_186] : memref<102400x16xf32, #tpu.memory_space<vmem_shared>> -> memref<512x16xf32, #tpu.memory_space<vmem_shared>>
      tpu.wait_dma2 semaphore(%run_scoped3A : memref<!tpu.dma_semaphore, #tpu.memory_space<semaphore_mem>>) src(%dma_wait3A_187 : memref<512x16xf32, #tpu.memory_space<vmem_shared>>) dst(%dma_wait3A_185 : memref<512x16xf32, #tpu.memory_space<vmem>>)
      tpu.yield
    }) : () -> ()
    %mul3A_134 = arith.constant 6400 : i32
    %mul3A_135 = arith.muli %arg1, %mul3A_134 : i32
    %add3A_136 = arith.constant 4096 : i32
    %add3A_137 = arith.addi %mul3A_135, %add3A_136 : i32
    "tpu.region"() ({
      %run_scoped3A = tpu.sem_alloc : memref<!tpu.dma_semaphore, #tpu.memory_space<semaphore_mem>>
      %dma_start3A = arith.constant 0 : i32
      %dma_start3A_170 = arith.constant 0 : i32
      %dma_start3A_171 = tpu.memref_slice %arg9[%dma_start3A, %dma_start3A_170] : memref<512x16xf32, #tpu.memory_space<vmem>> -> memref<512x16xf32, #tpu.memory_space<vmem>>
      %dma_start3A_172 = arith.constant 0 : i32
      %dma_start3A_173 = tpu.memref_slice %arg6[%arg0, %add3A_137, %dma_start3A_172] : memref<2x102400x16xf32, #tpu.memory_space<hbm>> -> memref<1x512x16xf32, #tpu.memory_space<hbm>>
      %dma_start3A_174 = tpu.memref_squeeze %dma_start3A_173 : memref<1x512x16xf32, #tpu.memory_space<hbm>> -> memref<512x16xf32, #tpu.memory_space<hbm>>
      %dma_start3A_175 = arith.constant 0 : i32
      %dma_start3A_176 = tpu.memref_slice %arg6[%arg0, %add3A_137, %dma_start3A_175] : memref<2x102400x16xf32, #tpu.memory_space<hbm>> -> memref<1x512x16xf32, #tpu.memory_space<hbm>>
      %dma_start3A_177 = tpu.memref_squeeze %dma_start3A_176 : memref<1x512x16xf32, #tpu.memory_space<hbm>> -> memref<512x16xf32, #tpu.memory_space<hbm>>
      %dma_start3A_178 = arith.constant 0 : i32
      %dma_start3A_179 = arith.constant 0 : i32
      %dma_start3A_180 = tpu.memref_slice %arg9[%dma_start3A_178, %dma_start3A_179] : memref<512x16xf32, #tpu.memory_space<vmem>> -> memref<512x16xf32, #tpu.memory_space<vmem>>
      tpu.enqueue_dma source(%dma_start3A_180 : memref<512x16xf32, #tpu.memory_space<vmem>>) target(%dma_start3A_177 : memref<512x16xf32, #tpu.memory_space<hbm>>) target_semaphore(%run_scoped3A : memref<!tpu.dma_semaphore, #tpu.memory_space<semaphore_mem>>)
      %dma_wait3A = arith.constant 0 : i32
      %dma_wait3A_181 = arith.constant 0 : i32
      %dma_wait3A_182 = tpu.memref_slice %arg9[%dma_wait3A, %dma_wait3A_181] : memref<512x16xf32, #tpu.memory_space<vmem>> -> memref<512x16xf32, #tpu.memory_space<vmem>>
      %dma_wait3A_183 = arith.constant 0 : i32
      %dma_wait3A_184 = tpu.memref_slice %arg6[%arg0, %add3A_137, %dma_wait3A_183] : memref<2x102400x16xf32, #tpu.memory_space<hbm>> -> memref<1x512x16xf32, #tpu.memory_space<hbm>>
      %dma_wait3A_185 = tpu.memref_squeeze %dma_wait3A_184 : memref<1x512x16xf32, #tpu.memory_space<hbm>> -> memref<512x16xf32, #tpu.memory_space<hbm>>
      %dma_wait3A_186 = arith.constant 0 : i32
      %dma_wait3A_187 = tpu.memref_slice %arg6[%arg0, %add3A_137, %dma_wait3A_186] : memref<2x102400x16xf32, #tpu.memory_space<hbm>> -> memref<1x512x16xf32, #tpu.memory_space<hbm>>
      %dma_wait3A_188 = tpu.memref_squeeze %dma_wait3A_187 : memref<1x512x16xf32, #tpu.memory_space<hbm>> -> memref<512x16xf32, #tpu.memory_space<hbm>>
      %dma_wait3A_189 = arith.constant 0 : i32
      %dma_wait3A_190 = arith.constant 0 : i32
      %dma_wait3A_191 = tpu.memref_slice %arg9[%dma_wait3A_189, %dma_wait3A_190] : memref<512x16xf32, #tpu.memory_space<vmem>> -> memref<512x16xf32, #tpu.memory_space<vmem>>
      tpu.wait_dma2 semaphore(%run_scoped3A : memref<!tpu.dma_semaphore, #tpu.memory_space<semaphore_mem>>) src(%dma_wait3A_191 : memref<512x16xf32, #tpu.memory_space<vmem>>) dst(%dma_wait3A_188 : memref<512x16xf32, #tpu.memory_space<hbm>>)
      tpu.yield
    }) : () -> ()
    %mul3A_138 = arith.constant 6400 : i32
    %mul3A_139 = arith.muli %arg1, %mul3A_138 : i32
    %add3A_140 = arith.constant 4608 : i32
    %add3A_141 = arith.addi %mul3A_139, %add3A_140 : i32
    "tpu.region"() ({
      %run_scoped3A = tpu.sem_alloc : memref<!tpu.dma_semaphore, #tpu.memory_space<semaphore_mem>>
      %dma_start3A = arith.constant 0 : i32
      %dma_start3A_170 = arith.constant 0 : i32
      %dma_start3A_171 = tpu.memref_slice %arg9[%dma_start3A, %dma_start3A_170] : memref<512x16xf32, #tpu.memory_space<vmem>> -> memref<512x16xf32, #tpu.memory_space<vmem>>
      %dma_start3A_172 = arith.constant 0 : i32
      %dma_start3A_173 = tpu.memref_slice %arg11[%add3A_141, %dma_start3A_172] : memref<102400x16xf32, #tpu.memory_space<vmem_shared>> -> memref<512x16xf32, #tpu.memory_space<vmem_shared>>
      %dma_start3A_174 = arith.constant 0 : i32
      %dma_start3A_175 = arith.constant 0 : i32
      %dma_start3A_176 = tpu.memref_slice %arg9[%dma_start3A_174, %dma_start3A_175] : memref<512x16xf32, #tpu.memory_space<vmem>> -> memref<512x16xf32, #tpu.memory_space<vmem>>
      %dma_start3A_177 = arith.constant 0 : i32
      %dma_start3A_178 = tpu.memref_slice %arg11[%add3A_141, %dma_start3A_177] : memref<102400x16xf32, #tpu.memory_space<vmem_shared>> -> memref<512x16xf32, #tpu.memory_space<vmem_shared>>
      tpu.enqueue_dma source(%dma_start3A_178 : memref<512x16xf32, #tpu.memory_space<vmem_shared>>) target(%dma_start3A_176 : memref<512x16xf32, #tpu.memory_space<vmem>>) target_semaphore(%run_scoped3A : memref<!tpu.dma_semaphore, #tpu.memory_space<semaphore_mem>>)
      %dma_wait3A = arith.constant 0 : i32
      %dma_wait3A_179 = arith.constant 0 : i32
      %dma_wait3A_180 = tpu.memref_slice %arg9[%dma_wait3A, %dma_wait3A_179] : memref<512x16xf32, #tpu.memory_space<vmem>> -> memref<512x16xf32, #tpu.memory_space<vmem>>
      %dma_wait3A_181 = arith.constant 0 : i32
      %dma_wait3A_182 = tpu.memref_slice %arg11[%add3A_141, %dma_wait3A_181] : memref<102400x16xf32, #tpu.memory_space<vmem_shared>> -> memref<512x16xf32, #tpu.memory_space<vmem_shared>>
      %dma_wait3A_183 = arith.constant 0 : i32
      %dma_wait3A_184 = arith.constant 0 : i32
      %dma_wait3A_185 = tpu.memref_slice %arg9[%dma_wait3A_183, %dma_wait3A_184] : memref<512x16xf32, #tpu.memory_space<vmem>> -> memref<512x16xf32, #tpu.memory_space<vmem>>
      %dma_wait3A_186 = arith.constant 0 : i32
      %dma_wait3A_187 = tpu.memref_slice %arg11[%add3A_141, %dma_wait3A_186] : memref<102400x16xf32, #tpu.memory_space<vmem_shared>> -> memref<512x16xf32, #tpu.memory_space<vmem_shared>>
      tpu.wait_dma2 semaphore(%run_scoped3A : memref<!tpu.dma_semaphore, #tpu.memory_space<semaphore_mem>>) src(%dma_wait3A_187 : memref<512x16xf32, #tpu.memory_space<vmem_shared>>) dst(%dma_wait3A_185 : memref<512x16xf32, #tpu.memory_space<vmem>>)
      tpu.yield
    }) : () -> ()
    %mul3A_142 = arith.constant 6400 : i32
    %mul3A_143 = arith.muli %arg1, %mul3A_142 : i32
    %add3A_144 = arith.constant 4608 : i32
    %add3A_145 = arith.addi %mul3A_143, %add3A_144 : i32
    "tpu.region"() ({
      %run_scoped3A = tpu.sem_alloc : memref<!tpu.dma_semaphore, #tpu.memory_space<semaphore_mem>>
      %dma_start3A = arith.constant 0 : i32
      %dma_start3A_170 = arith.constant 0 : i32
      %dma_start3A_171 = tpu.memref_slice %arg9[%dma_start3A, %dma_start3A_170] : memref<512x16xf32, #tpu.memory_space<vmem>> -> memref<512x16xf32, #tpu.memory_space<vmem>>
      %dma_start3A_172 = arith.constant 0 : i32
      %dma_start3A_173 = tpu.memref_slice %arg6[%arg0, %add3A_145, %dma_start3A_172] : memref<2x102400x16xf32, #tpu.memory_space<hbm>> -> memref<1x512x16xf32, #tpu.memory_space<hbm>>
      %dma_start3A_174 = tpu.memref_squeeze %dma_start3A_173 : memref<1x512x16xf32, #tpu.memory_space<hbm>> -> memref<512x16xf32, #tpu.memory_space<hbm>>
      %dma_start3A_175 = arith.constant 0 : i32
      %dma_start3A_176 = tpu.memref_slice %arg6[%arg0, %add3A_145, %dma_start3A_175] : memref<2x102400x16xf32, #tpu.memory_space<hbm>> -> memref<1x512x16xf32, #tpu.memory_space<hbm>>
      %dma_start3A_177 = tpu.memref_squeeze %dma_start3A_176 : memref<1x512x16xf32, #tpu.memory_space<hbm>> -> memref<512x16xf32, #tpu.memory_space<hbm>>
      %dma_start3A_178 = arith.constant 0 : i32
      %dma_start3A_179 = arith.constant 0 : i32
      %dma_start3A_180 = tpu.memref_slice %arg9[%dma_start3A_178, %dma_start3A_179] : memref<512x16xf32, #tpu.memory_space<vmem>> -> memref<512x16xf32, #tpu.memory_space<vmem>>
      tpu.enqueue_dma source(%dma_start3A_180 : memref<512x16xf32, #tpu.memory_space<vmem>>) target(%dma_start3A_177 : memref<512x16xf32, #tpu.memory_space<hbm>>) target_semaphore(%run_scoped3A : memref<!tpu.dma_semaphore, #tpu.memory_space<semaphore_mem>>)
      %dma_wait3A = arith.constant 0 : i32
      %dma_wait3A_181 = arith.constant 0 : i32
      %dma_wait3A_182 = tpu.memref_slice %arg9[%dma_wait3A, %dma_wait3A_181] : memref<512x16xf32, #tpu.memory_space<vmem>> -> memref<512x16xf32, #tpu.memory_space<vmem>>
      %dma_wait3A_183 = arith.constant 0 : i32
      %dma_wait3A_184 = tpu.memref_slice %arg6[%arg0, %add3A_145, %dma_wait3A_183] : memref<2x102400x16xf32, #tpu.memory_space<hbm>> -> memref<1x512x16xf32, #tpu.memory_space<hbm>>
      %dma_wait3A_185 = tpu.memref_squeeze %dma_wait3A_184 : memref<1x512x16xf32, #tpu.memory_space<hbm>> -> memref<512x16xf32, #tpu.memory_space<hbm>>
      %dma_wait3A_186 = arith.constant 0 : i32
      %dma_wait3A_187 = tpu.memref_slice %arg6[%arg0, %add3A_145, %dma_wait3A_186] : memref<2x102400x16xf32, #tpu.memory_space<hbm>> -> memref<1x512x16xf32, #tpu.memory_space<hbm>>
      %dma_wait3A_188 = tpu.memref_squeeze %dma_wait3A_187 : memref<1x512x16xf32, #tpu.memory_space<hbm>> -> memref<512x16xf32, #tpu.memory_space<hbm>>
      %dma_wait3A_189 = arith.constant 0 : i32
      %dma_wait3A_190 = arith.constant 0 : i32
      %dma_wait3A_191 = tpu.memref_slice %arg9[%dma_wait3A_189, %dma_wait3A_190] : memref<512x16xf32, #tpu.memory_space<vmem>> -> memref<512x16xf32, #tpu.memory_space<vmem>>
      tpu.wait_dma2 semaphore(%run_scoped3A : memref<!tpu.dma_semaphore, #tpu.memory_space<semaphore_mem>>) src(%dma_wait3A_191 : memref<512x16xf32, #tpu.memory_space<vmem>>) dst(%dma_wait3A_188 : memref<512x16xf32, #tpu.memory_space<hbm>>)
      tpu.yield
    }) : () -> ()
    %mul3A_146 = arith.constant 6400 : i32
    %mul3A_147 = arith.muli %arg1, %mul3A_146 : i32
    %add3A_148 = arith.constant 5120 : i32
    %add3A_149 = arith.addi %mul3A_147, %add3A_148 : i32
    "tpu.region"() ({
      %run_scoped3A = tpu.sem_alloc : memref<!tpu.dma_semaphore, #tpu.memory_space<semaphore_mem>>
      %dma_start3A = arith.constant 0 : i32
      %dma_start3A_170 = arith.constant 0 : i32
      %dma_start3A_171 = tpu.memref_slice %arg9[%dma_start3A, %dma_start3A_170] : memref<512x16xf32, #tpu.memory_space<vmem>> -> memref<512x16xf32, #tpu.memory_space<vmem>>
      %dma_start3A_172 = arith.constant 0 : i32
      %dma_start3A_173 = tpu.memref_slice %arg11[%add3A_149, %dma_start3A_172] : memref<102400x16xf32, #tpu.memory_space<vmem_shared>> -> memref<512x16xf32, #tpu.memory_space<vmem_shared>>
      %dma_start3A_174 = arith.constant 0 : i32
      %dma_start3A_175 = arith.constant 0 : i32
      %dma_start3A_176 = tpu.memref_slice %arg9[%dma_start3A_174, %dma_start3A_175] : memref<512x16xf32, #tpu.memory_space<vmem>> -> memref<512x16xf32, #tpu.memory_space<vmem>>
      %dma_start3A_177 = arith.constant 0 : i32
      %dma_start3A_178 = tpu.memref_slice %arg11[%add3A_149, %dma_start3A_177] : memref<102400x16xf32, #tpu.memory_space<vmem_shared>> -> memref<512x16xf32, #tpu.memory_space<vmem_shared>>
      tpu.enqueue_dma source(%dma_start3A_178 : memref<512x16xf32, #tpu.memory_space<vmem_shared>>) target(%dma_start3A_176 : memref<512x16xf32, #tpu.memory_space<vmem>>) target_semaphore(%run_scoped3A : memref<!tpu.dma_semaphore, #tpu.memory_space<semaphore_mem>>)
      %dma_wait3A = arith.constant 0 : i32
      %dma_wait3A_179 = arith.constant 0 : i32
      %dma_wait3A_180 = tpu.memref_slice %arg9[%dma_wait3A, %dma_wait3A_179] : memref<512x16xf32, #tpu.memory_space<vmem>> -> memref<512x16xf32, #tpu.memory_space<vmem>>
      %dma_wait3A_181 = arith.constant 0 : i32
      %dma_wait3A_182 = tpu.memref_slice %arg11[%add3A_149, %dma_wait3A_181] : memref<102400x16xf32, #tpu.memory_space<vmem_shared>> -> memref<512x16xf32, #tpu.memory_space<vmem_shared>>
      %dma_wait3A_183 = arith.constant 0 : i32
      %dma_wait3A_184 = arith.constant 0 : i32
      %dma_wait3A_185 = tpu.memref_slice %arg9[%dma_wait3A_183, %dma_wait3A_184] : memref<512x16xf32, #tpu.memory_space<vmem>> -> memref<512x16xf32, #tpu.memory_space<vmem>>
      %dma_wait3A_186 = arith.constant 0 : i32
      %dma_wait3A_187 = tpu.memref_slice %arg11[%add3A_149, %dma_wait3A_186] : memref<102400x16xf32, #tpu.memory_space<vmem_shared>> -> memref<512x16xf32, #tpu.memory_space<vmem_shared>>
      tpu.wait_dma2 semaphore(%run_scoped3A : memref<!tpu.dma_semaphore, #tpu.memory_space<semaphore_mem>>) src(%dma_wait3A_187 : memref<512x16xf32, #tpu.memory_space<vmem_shared>>) dst(%dma_wait3A_185 : memref<512x16xf32, #tpu.memory_space<vmem>>)
      tpu.yield
    }) : () -> ()
    %mul3A_150 = arith.constant 6400 : i32
    %mul3A_151 = arith.muli %arg1, %mul3A_150 : i32
    %add3A_152 = arith.constant 5120 : i32
    %add3A_153 = arith.addi %mul3A_151, %add3A_152 : i32
    "tpu.region"() ({
      %run_scoped3A = tpu.sem_alloc : memref<!tpu.dma_semaphore, #tpu.memory_space<semaphore_mem>>
      %dma_start3A = arith.constant 0 : i32
      %dma_start3A_170 = arith.constant 0 : i32
      %dma_start3A_171 = tpu.memref_slice %arg9[%dma_start3A, %dma_start3A_170] : memref<512x16xf32, #tpu.memory_space<vmem>> -> memref<512x16xf32, #tpu.memory_space<vmem>>
      %dma_start3A_172 = arith.constant 0 : i32
      %dma_start3A_173 = tpu.memref_slice %arg6[%arg0, %add3A_153, %dma_start3A_172] : memref<2x102400x16xf32, #tpu.memory_space<hbm>> -> memref<1x512x16xf32, #tpu.memory_space<hbm>>
      %dma_start3A_174 = tpu.memref_squeeze %dma_start3A_173 : memref<1x512x16xf32, #tpu.memory_space<hbm>> -> memref<512x16xf32, #tpu.memory_space<hbm>>
      %dma_start3A_175 = arith.constant 0 : i32
      %dma_start3A_176 = tpu.memref_slice %arg6[%arg0, %add3A_153, %dma_start3A_175] : memref<2x102400x16xf32, #tpu.memory_space<hbm>> -> memref<1x512x16xf32, #tpu.memory_space<hbm>>
      %dma_start3A_177 = tpu.memref_squeeze %dma_start3A_176 : memref<1x512x16xf32, #tpu.memory_space<hbm>> -> memref<512x16xf32, #tpu.memory_space<hbm>>
      %dma_start3A_178 = arith.constant 0 : i32
      %dma_start3A_179 = arith.constant 0 : i32
      %dma_start3A_180 = tpu.memref_slice %arg9[%dma_start3A_178, %dma_start3A_179] : memref<512x16xf32, #tpu.memory_space<vmem>> -> memref<512x16xf32, #tpu.memory_space<vmem>>
      tpu.enqueue_dma source(%dma_start3A_180 : memref<512x16xf32, #tpu.memory_space<vmem>>) target(%dma_start3A_177 : memref<512x16xf32, #tpu.memory_space<hbm>>) target_semaphore(%run_scoped3A : memref<!tpu.dma_semaphore, #tpu.memory_space<semaphore_mem>>)
      %dma_wait3A = arith.constant 0 : i32
      %dma_wait3A_181 = arith.constant 0 : i32
      %dma_wait3A_182 = tpu.memref_slice %arg9[%dma_wait3A, %dma_wait3A_181] : memref<512x16xf32, #tpu.memory_space<vmem>> -> memref<512x16xf32, #tpu.memory_space<vmem>>
      %dma_wait3A_183 = arith.constant 0 : i32
      %dma_wait3A_184 = tpu.memref_slice %arg6[%arg0, %add3A_153, %dma_wait3A_183] : memref<2x102400x16xf32, #tpu.memory_space<hbm>> -> memref<1x512x16xf32, #tpu.memory_space<hbm>>
      %dma_wait3A_185 = tpu.memref_squeeze %dma_wait3A_184 : memref<1x512x16xf32, #tpu.memory_space<hbm>> -> memref<512x16xf32, #tpu.memory_space<hbm>>
      %dma_wait3A_186 = arith.constant 0 : i32
      %dma_wait3A_187 = tpu.memref_slice %arg6[%arg0, %add3A_153, %dma_wait3A_186] : memref<2x102400x16xf32, #tpu.memory_space<hbm>> -> memref<1x512x16xf32, #tpu.memory_space<hbm>>
      %dma_wait3A_188 = tpu.memref_squeeze %dma_wait3A_187 : memref<1x512x16xf32, #tpu.memory_space<hbm>> -> memref<512x16xf32, #tpu.memory_space<hbm>>
      %dma_wait3A_189 = arith.constant 0 : i32
      %dma_wait3A_190 = arith.constant 0 : i32
      %dma_wait3A_191 = tpu.memref_slice %arg9[%dma_wait3A_189, %dma_wait3A_190] : memref<512x16xf32, #tpu.memory_space<vmem>> -> memref<512x16xf32, #tpu.memory_space<vmem>>
      tpu.wait_dma2 semaphore(%run_scoped3A : memref<!tpu.dma_semaphore, #tpu.memory_space<semaphore_mem>>) src(%dma_wait3A_191 : memref<512x16xf32, #tpu.memory_space<vmem>>) dst(%dma_wait3A_188 : memref<512x16xf32, #tpu.memory_space<hbm>>)
      tpu.yield
    }) : () -> ()
    %mul3A_154 = arith.constant 6400 : i32
    %mul3A_155 = arith.muli %arg1, %mul3A_154 : i32
    %add3A_156 = arith.constant 5632 : i32
    %add3A_157 = arith.addi %mul3A_155, %add3A_156 : i32
    "tpu.region"() ({
      %run_scoped3A = tpu.sem_alloc : memref<!tpu.dma_semaphore, #tpu.memory_space<semaphore_mem>>
      %dma_start3A = arith.constant 0 : i32
      %dma_start3A_170 = arith.constant 0 : i32
      %dma_start3A_171 = tpu.memref_slice %arg9[%dma_start3A, %dma_start3A_170] : memref<512x16xf32, #tpu.memory_space<vmem>> -> memref<512x16xf32, #tpu.memory_space<vmem>>
      %dma_start3A_172 = arith.constant 0 : i32
      %dma_start3A_173 = tpu.memref_slice %arg11[%add3A_157, %dma_start3A_172] : memref<102400x16xf32, #tpu.memory_space<vmem_shared>> -> memref<512x16xf32, #tpu.memory_space<vmem_shared>>
      %dma_start3A_174 = arith.constant 0 : i32
      %dma_start3A_175 = arith.constant 0 : i32
      %dma_start3A_176 = tpu.memref_slice %arg9[%dma_start3A_174, %dma_start3A_175] : memref<512x16xf32, #tpu.memory_space<vmem>> -> memref<512x16xf32, #tpu.memory_space<vmem>>
      %dma_start3A_177 = arith.constant 0 : i32
      %dma_start3A_178 = tpu.memref_slice %arg11[%add3A_157, %dma_start3A_177] : memref<102400x16xf32, #tpu.memory_space<vmem_shared>> -> memref<512x16xf32, #tpu.memory_space<vmem_shared>>
      tpu.enqueue_dma source(%dma_start3A_178 : memref<512x16xf32, #tpu.memory_space<vmem_shared>>) target(%dma_start3A_176 : memref<512x16xf32, #tpu.memory_space<vmem>>) target_semaphore(%run_scoped3A : memref<!tpu.dma_semaphore, #tpu.memory_space<semaphore_mem>>)
      %dma_wait3A = arith.constant 0 : i32
      %dma_wait3A_179 = arith.constant 0 : i32
      %dma_wait3A_180 = tpu.memref_slice %arg9[%dma_wait3A, %dma_wait3A_179] : memref<512x16xf32, #tpu.memory_space<vmem>> -> memref<512x16xf32, #tpu.memory_space<vmem>>
      %dma_wait3A_181 = arith.constant 0 : i32
      %dma_wait3A_182 = tpu.memref_slice %arg11[%add3A_157, %dma_wait3A_181] : memref<102400x16xf32, #tpu.memory_space<vmem_shared>> -> memref<512x16xf32, #tpu.memory_space<vmem_shared>>
      %dma_wait3A_183 = arith.constant 0 : i32
      %dma_wait3A_184 = arith.constant 0 : i32
      %dma_wait3A_185 = tpu.memref_slice %arg9[%dma_wait3A_183, %dma_wait3A_184] : memref<512x16xf32, #tpu.memory_space<vmem>> -> memref<512x16xf32, #tpu.memory_space<vmem>>
      %dma_wait3A_186 = arith.constant 0 : i32
      %dma_wait3A_187 = tpu.memref_slice %arg11[%add3A_157, %dma_wait3A_186] : memref<102400x16xf32, #tpu.memory_space<vmem_shared>> -> memref<512x16xf32, #tpu.memory_space<vmem_shared>>
      tpu.wait_dma2 semaphore(%run_scoped3A : memref<!tpu.dma_semaphore, #tpu.memory_space<semaphore_mem>>) src(%dma_wait3A_187 : memref<512x16xf32, #tpu.memory_space<vmem_shared>>) dst(%dma_wait3A_185 : memref<512x16xf32, #tpu.memory_space<vmem>>)
      tpu.yield
    }) : () -> ()
    %mul3A_158 = arith.constant 6400 : i32
    %mul3A_159 = arith.muli %arg1, %mul3A_158 : i32
    %add3A_160 = arith.constant 5632 : i32
    %add3A_161 = arith.addi %mul3A_159, %add3A_160 : i32
    "tpu.region"() ({
      %run_scoped3A = tpu.sem_alloc : memref<!tpu.dma_semaphore, #tpu.memory_space<semaphore_mem>>
      %dma_start3A = arith.constant 0 : i32
      %dma_start3A_170 = arith.constant 0 : i32
      %dma_start3A_171 = tpu.memref_slice %arg9[%dma_start3A, %dma_start3A_170] : memref<512x16xf32, #tpu.memory_space<vmem>> -> memref<512x16xf32, #tpu.memory_space<vmem>>
      %dma_start3A_172 = arith.constant 0 : i32
      %dma_start3A_173 = tpu.memref_slice %arg6[%arg0, %add3A_161, %dma_start3A_172] : memref<2x102400x16xf32, #tpu.memory_space<hbm>> -> memref<1x512x16xf32, #tpu.memory_space<hbm>>
      %dma_start3A_174 = tpu.memref_squeeze %dma_start3A_173 : memref<1x512x16xf32, #tpu.memory_space<hbm>> -> memref<512x16xf32, #tpu.memory_space<hbm>>
      %dma_start3A_175 = arith.constant 0 : i32
      %dma_start3A_176 = tpu.memref_slice %arg6[%arg0, %add3A_161, %dma_start3A_175] : memref<2x102400x16xf32, #tpu.memory_space<hbm>> -> memref<1x512x16xf32, #tpu.memory_space<hbm>>
      %dma_start3A_177 = tpu.memref_squeeze %dma_start3A_176 : memref<1x512x16xf32, #tpu.memory_space<hbm>> -> memref<512x16xf32, #tpu.memory_space<hbm>>
      %dma_start3A_178 = arith.constant 0 : i32
      %dma_start3A_179 = arith.constant 0 : i32
      %dma_start3A_180 = tpu.memref_slice %arg9[%dma_start3A_178, %dma_start3A_179] : memref<512x16xf32, #tpu.memory_space<vmem>> -> memref<512x16xf32, #tpu.memory_space<vmem>>
      tpu.enqueue_dma source(%dma_start3A_180 : memref<512x16xf32, #tpu.memory_space<vmem>>) target(%dma_start3A_177 : memref<512x16xf32, #tpu.memory_space<hbm>>) target_semaphore(%run_scoped3A : memref<!tpu.dma_semaphore, #tpu.memory_space<semaphore_mem>>)
      %dma_wait3A = arith.constant 0 : i32
      %dma_wait3A_181 = arith.constant 0 : i32
      %dma_wait3A_182 = tpu.memref_slice %arg9[%dma_wait3A, %dma_wait3A_181] : memref<512x16xf32, #tpu.memory_space<vmem>> -> memref<512x16xf32, #tpu.memory_space<vmem>>
      %dma_wait3A_183 = arith.constant 0 : i32
      %dma_wait3A_184 = tpu.memref_slice %arg6[%arg0, %add3A_161, %dma_wait3A_183] : memref<2x102400x16xf32, #tpu.memory_space<hbm>> -> memref<1x512x16xf32, #tpu.memory_space<hbm>>
      %dma_wait3A_185 = tpu.memref_squeeze %dma_wait3A_184 : memref<1x512x16xf32, #tpu.memory_space<hbm>> -> memref<512x16xf32, #tpu.memory_space<hbm>>
      %dma_wait3A_186 = arith.constant 0 : i32
      %dma_wait3A_187 = tpu.memref_slice %arg6[%arg0, %add3A_161, %dma_wait3A_186] : memref<2x102400x16xf32, #tpu.memory_space<hbm>> -> memref<1x512x16xf32, #tpu.memory_space<hbm>>
      %dma_wait3A_188 = tpu.memref_squeeze %dma_wait3A_187 : memref<1x512x16xf32, #tpu.memory_space<hbm>> -> memref<512x16xf32, #tpu.memory_space<hbm>>
      %dma_wait3A_189 = arith.constant 0 : i32
      %dma_wait3A_190 = arith.constant 0 : i32
      %dma_wait3A_191 = tpu.memref_slice %arg9[%dma_wait3A_189, %dma_wait3A_190] : memref<512x16xf32, #tpu.memory_space<vmem>> -> memref<512x16xf32, #tpu.memory_space<vmem>>
      tpu.wait_dma2 semaphore(%run_scoped3A : memref<!tpu.dma_semaphore, #tpu.memory_space<semaphore_mem>>) src(%dma_wait3A_191 : memref<512x16xf32, #tpu.memory_space<vmem>>) dst(%dma_wait3A_188 : memref<512x16xf32, #tpu.memory_space<hbm>>)
      tpu.yield
    }) : () -> ()
    %mul3A_162 = arith.constant 6400 : i32
    %mul3A_163 = arith.muli %arg1, %mul3A_162 : i32
    %add3A_164 = arith.constant 6144 : i32
    %add3A_165 = arith.addi %mul3A_163, %add3A_164 : i32
    "tpu.region"() ({
      %run_scoped3A = tpu.sem_alloc : memref<!tpu.dma_semaphore, #tpu.memory_space<semaphore_mem>>
      %dma_start3A = arith.constant 0 : i32
      %dma_start3A_170 = arith.constant 0 : i32
      %dma_start3A_171 = tpu.memref_slice %arg9[%dma_start3A, %dma_start3A_170] : memref<512x16xf32, #tpu.memory_space<vmem>> -> memref<256x16xf32, #tpu.memory_space<vmem>>
      %dma_start3A_172 = arith.constant 0 : i32
      %dma_start3A_173 = tpu.memref_slice %arg11[%add3A_165, %dma_start3A_172] : memref<102400x16xf32, #tpu.memory_space<vmem_shared>> -> memref<256x16xf32, #tpu.memory_space<vmem_shared>>
      %dma_start3A_174 = arith.constant 0 : i32
      %dma_start3A_175 = arith.constant 0 : i32
      %dma_start3A_176 = tpu.memref_slice %arg9[%dma_start3A_174, %dma_start3A_175] : memref<512x16xf32, #tpu.memory_space<vmem>> -> memref<256x16xf32, #tpu.memory_space<vmem>>
      %dma_start3A_177 = arith.constant 0 : i32
      %dma_start3A_178 = tpu.memref_slice %arg11[%add3A_165, %dma_start3A_177] : memref<102400x16xf32, #tpu.memory_space<vmem_shared>> -> memref<256x16xf32, #tpu.memory_space<vmem_shared>>
      tpu.enqueue_dma source(%dma_start3A_178 : memref<256x16xf32, #tpu.memory_space<vmem_shared>>) target(%dma_start3A_176 : memref<256x16xf32, #tpu.memory_space<vmem>>) target_semaphore(%run_scoped3A : memref<!tpu.dma_semaphore, #tpu.memory_space<semaphore_mem>>)
      %dma_wait3A = arith.constant 0 : i32
      %dma_wait3A_179 = arith.constant 0 : i32
      %dma_wait3A_180 = tpu.memref_slice %arg9[%dma_wait3A, %dma_wait3A_179] : memref<512x16xf32, #tpu.memory_space<vmem>> -> memref<256x16xf32, #tpu.memory_space<vmem>>
      %dma_wait3A_181 = arith.constant 0 : i32
      %dma_wait3A_182 = tpu.memref_slice %arg11[%add3A_165, %dma_wait3A_181] : memref<102400x16xf32, #tpu.memory_space<vmem_shared>> -> memref<256x16xf32, #tpu.memory_space<vmem_shared>>
      %dma_wait3A_183 = arith.constant 0 : i32
      %dma_wait3A_184 = arith.constant 0 : i32
      %dma_wait3A_185 = tpu.memref_slice %arg9[%dma_wait3A_183, %dma_wait3A_184] : memref<512x16xf32, #tpu.memory_space<vmem>> -> memref<256x16xf32, #tpu.memory_space<vmem>>
      %dma_wait3A_186 = arith.constant 0 : i32
      %dma_wait3A_187 = tpu.memref_slice %arg11[%add3A_165, %dma_wait3A_186] : memref<102400x16xf32, #tpu.memory_space<vmem_shared>> -> memref<256x16xf32, #tpu.memory_space<vmem_shared>>
      tpu.wait_dma2 semaphore(%run_scoped3A : memref<!tpu.dma_semaphore, #tpu.memory_space<semaphore_mem>>) src(%dma_wait3A_187 : memref<256x16xf32, #tpu.memory_space<vmem_shared>>) dst(%dma_wait3A_185 : memref<256x16xf32, #tpu.memory_space<vmem>>)
      tpu.yield
    }) : () -> ()
    %mul3A_166 = arith.constant 6400 : i32
    %mul3A_167 = arith.muli %arg1, %mul3A_166 : i32
    %add3A_168 = arith.constant 6144 : i32
    %add3A_169 = arith.addi %mul3A_167, %add3A_168 : i32
    "tpu.region"() ({
      %run_scoped3A = tpu.sem_alloc : memref<!tpu.dma_semaphore, #tpu.memory_space<semaphore_mem>>
      %dma_start3A = arith.constant 0 : i32
      %dma_start3A_170 = arith.constant 0 : i32
      %dma_start3A_171 = tpu.memref_slice %arg9[%dma_start3A, %dma_start3A_170] : memref<512x16xf32, #tpu.memory_space<vmem>> -> memref<256x16xf32, #tpu.memory_space<vmem>>
      %dma_start3A_172 = arith.constant 0 : i32
      %dma_start3A_173 = tpu.memref_slice %arg6[%arg0, %add3A_169, %dma_start3A_172] : memref<2x102400x16xf32, #tpu.memory_space<hbm>> -> memref<1x256x16xf32, #tpu.memory_space<hbm>>
      %dma_start3A_174 = tpu.memref_squeeze %dma_start3A_173 : memref<1x256x16xf32, #tpu.memory_space<hbm>> -> memref<256x16xf32, #tpu.memory_space<hbm>>
      %dma_start3A_175 = arith.constant 0 : i32
      %dma_start3A_176 = tpu.memref_slice %arg6[%arg0, %add3A_169, %dma_start3A_175] : memref<2x102400x16xf32, #tpu.memory_space<hbm>> -> memref<1x256x16xf32, #tpu.memory_space<hbm>>
      %dma_start3A_177 = tpu.memref_squeeze %dma_start3A_176 : memref<1x256x16xf32, #tpu.memory_space<hbm>> -> memref<256x16xf32, #tpu.memory_space<hbm>>
      %dma_start3A_178 = arith.constant 0 : i32
      %dma_start3A_179 = arith.constant 0 : i32
      %dma_start3A_180 = tpu.memref_slice %arg9[%dma_start3A_178, %dma_start3A_179] : memref<512x16xf32, #tpu.memory_space<vmem>> -> memref<256x16xf32, #tpu.memory_space<vmem>>
      tpu.enqueue_dma source(%dma_start3A_180 : memref<256x16xf32, #tpu.memory_space<vmem>>) target(%dma_start3A_177 : memref<256x16xf32, #tpu.memory_space<hbm>>) target_semaphore(%run_scoped3A : memref<!tpu.dma_semaphore, #tpu.memory_space<semaphore_mem>>)
      %dma_wait3A = arith.constant 0 : i32
      %dma_wait3A_181 = arith.constant 0 : i32
      %dma_wait3A_182 = tpu.memref_slice %arg9[%dma_wait3A, %dma_wait3A_181] : memref<512x16xf32, #tpu.memory_space<vmem>> -> memref<256x16xf32, #tpu.memory_space<vmem>>
      %dma_wait3A_183 = arith.constant 0 : i32
      %dma_wait3A_184 = tpu.memref_slice %arg6[%arg0, %add3A_169, %dma_wait3A_183] : memref<2x102400x16xf32, #tpu.memory_space<hbm>> -> memref<1x256x16xf32, #tpu.memory_space<hbm>>
      %dma_wait3A_185 = tpu.memref_squeeze %dma_wait3A_184 : memref<1x256x16xf32, #tpu.memory_space<hbm>> -> memref<256x16xf32, #tpu.memory_space<hbm>>
      %dma_wait3A_186 = arith.constant 0 : i32
      %dma_wait3A_187 = tpu.memref_slice %arg6[%arg0, %add3A_169, %dma_wait3A_186] : memref<2x102400x16xf32, #tpu.memory_space<hbm>> -> memref<1x256x16xf32, #tpu.memory_space<hbm>>
      %dma_wait3A_188 = tpu.memref_squeeze %dma_wait3A_187 : memref<1x256x16xf32, #tpu.memory_space<hbm>> -> memref<256x16xf32, #tpu.memory_space<hbm>>
      %dma_wait3A_189 = arith.constant 0 : i32
      %dma_wait3A_190 = arith.constant 0 : i32
      %dma_wait3A_191 = tpu.memref_slice %arg9[%dma_wait3A_189, %dma_wait3A_190] : memref<512x16xf32, #tpu.memory_space<vmem>> -> memref<256x16xf32, #tpu.memory_space<vmem>>
      tpu.wait_dma2 semaphore(%run_scoped3A : memref<!tpu.dma_semaphore, #tpu.memory_space<semaphore_mem>>) src(%dma_wait3A_191 : memref<256x16xf32, #tpu.memory_space<vmem>>) dst(%dma_wait3A_188 : memref<256x16xf32, #tpu.memory_space<hbm>>)
      tpu.yield
    }) : () -> ()
    return
  }
}

#map = affine_map<(d0, d1) -> (0)>
#map1 = affine_map<(d0, d1) -> (0, 0)>
module attributes {stable_mosaic.version = 14 : i64} {
  func.func @_h_gather_body(%arg0: i32, %arg1: i32, %arg2: memref<102400xi32, #tpu.memory_space<hbm>>, %arg3: memref<100x16xf32, #tpu.memory_space<hbm>>, %arg4: memref<102400x16xf32, #tpu.memory_space<hbm>>, %arg5: memref<128xi32, #tpu.memory_space<vmem>>, %arg6: memref<128xi32, #tpu.memory_space<vmem>>, %arg7: memref<3200x16xf32, #tpu.memory_space<vmem>>, %arg8: memref<!tpu.dma_semaphore, #tpu.memory_space<semaphore_mem>>) attributes {dimension_semantics = [#tpu.dimension_semantics<core_parallel>, #tpu.dimension_semantics<subcore_parallel>], iteration_bounds = array<i64: 2, 16>, scalar_prefetch = 0 : i64, scratch_operands = 4 : i64, tpu.core_type = #tpu.core_type<sc_vector_subcore>, window_params = [{transform_indices = #map}, {transform_indices = #map1}, {transform_indices = #map1}]} {
    %mul3A = arith.constant 16 : i32
    %mul3A_0 = arith.muli %arg0, %mul3A : i32
    %add3A = arith.addi %mul3A_0, %arg1 : i32
    %mul3A_1 = arith.constant 3200 : i32
    %mul3A_2 = arith.muli %add3A, %mul3A_1 : i32
    %multiple_of3A = tpu.assume_multiple %mul3A_2, 128 : i32
    "tpu.region"() ({
      %run_scoped3A = tpu.sem_alloc : memref<!tpu.dma_semaphore, #tpu.memory_space<semaphore_mem>>
      %dma_start3A_349 = tpu.memref_slice %arg2[%multiple_of3A] : memref<102400xi32, #tpu.memory_space<hbm>> -> memref<128xi32, #tpu.memory_space<hbm>>
      %dma_start3A_350 = tpu.memref_slice %arg2[%multiple_of3A] : memref<102400xi32, #tpu.memory_space<hbm>> -> memref<128xi32, #tpu.memory_space<hbm>>
      tpu.enqueue_dma source(%dma_start3A_350 : memref<128xi32, #tpu.memory_space<hbm>>) target(%arg5 : memref<128xi32, #tpu.memory_space<vmem>>) target_semaphore(%run_scoped3A : memref<!tpu.dma_semaphore, #tpu.memory_space<semaphore_mem>>)
      %dma_wait3A_351 = tpu.memref_slice %arg2[%multiple_of3A] : memref<102400xi32, #tpu.memory_space<hbm>> -> memref<128xi32, #tpu.memory_space<hbm>>
      %dma_wait3A_352 = tpu.memref_slice %arg2[%multiple_of3A] : memref<102400xi32, #tpu.memory_space<hbm>> -> memref<128xi32, #tpu.memory_space<hbm>>
      tpu.wait_dma2 semaphore(%run_scoped3A : memref<!tpu.dma_semaphore, #tpu.memory_space<semaphore_mem>>) src(%dma_wait3A_352 : memref<128xi32, #tpu.memory_space<hbm>>) dst(%arg5 : memref<128xi32, #tpu.memory_space<vmem>>)
      tpu.yield
    }) : () -> ()
    %add3A_3 = arith.constant 128 : i32
    %add3A_4 = arith.addi %multiple_of3A, %add3A_3 : i32
    "tpu.region"() ({
      %run_scoped3A = tpu.sem_alloc : memref<!tpu.dma_semaphore, #tpu.memory_space<semaphore_mem>>
      %dma_start3A_349 = tpu.memref_slice %arg2[%add3A_4] : memref<102400xi32, #tpu.memory_space<hbm>> -> memref<128xi32, #tpu.memory_space<hbm>>
      %dma_start3A_350 = tpu.memref_slice %arg2[%add3A_4] : memref<102400xi32, #tpu.memory_space<hbm>> -> memref<128xi32, #tpu.memory_space<hbm>>
      tpu.enqueue_dma source(%dma_start3A_350 : memref<128xi32, #tpu.memory_space<hbm>>) target(%arg6 : memref<128xi32, #tpu.memory_space<vmem>>) target_semaphore(%run_scoped3A : memref<!tpu.dma_semaphore, #tpu.memory_space<semaphore_mem>>)
      %dma_wait3A_351 = tpu.memref_slice %arg2[%add3A_4] : memref<102400xi32, #tpu.memory_space<hbm>> -> memref<128xi32, #tpu.memory_space<hbm>>
      %dma_wait3A_352 = tpu.memref_slice %arg2[%add3A_4] : memref<102400xi32, #tpu.memory_space<hbm>> -> memref<128xi32, #tpu.memory_space<hbm>>
      tpu.wait_dma2 semaphore(%run_scoped3A : memref<!tpu.dma_semaphore, #tpu.memory_space<semaphore_mem>>) src(%dma_wait3A_352 : memref<128xi32, #tpu.memory_space<hbm>>) dst(%arg6 : memref<128xi32, #tpu.memory_space<vmem>>)
      tpu.yield
    }) : () -> ()
    %dma_start3A = arith.constant 0 : i32
    %dma_start3A_5 = arith.constant 0 : i32
    %dma_start3A_6 = tpu.memref_slice %arg7[%dma_start3A, %dma_start3A_5] : memref<3200x16xf32, #tpu.memory_space<vmem>> -> memref<128x16xf32, #tpu.memory_space<vmem>>
    %dma_start3A_7 = arith.constant 0 : i32
    %dma_start3A_8 = arith.constant 0 : i32
    %dma_start3A_9 = tpu.memref_slice %arg3[%dma_start3A_7, %dma_start3A_8] : memref<100x16xf32, #tpu.memory_space<hbm>> -> memref<100x16xf32, #tpu.memory_space<hbm>>
    tpu.enqueue_indirect_dma source(%dma_start3A_9 : memref<100x16xf32, #tpu.memory_space<hbm>>) target(%dma_start3A_6 : memref<128x16xf32, #tpu.memory_space<vmem>>) offsets(%arg5 : memref<128xi32, #tpu.memory_space<vmem>>) semaphore(%arg8 : memref<!tpu.dma_semaphore, #tpu.memory_space<semaphore_mem>>)
    %dma_wait3A = arith.constant 0 : i32
    %dma_wait3A_10 = arith.constant 0 : i32
    %dma_wait3A_11 = tpu.memref_slice %arg7[%dma_wait3A, %dma_wait3A_10] : memref<3200x16xf32, #tpu.memory_space<vmem>> -> memref<128x16xf32, #tpu.memory_space<vmem>>
    %dma_wait3A_12 = arith.constant 0 : i32
    %dma_wait3A_13 = arith.constant 0 : i32
    %dma_wait3A_14 = tpu.memref_slice %arg3[%dma_wait3A_12, %dma_wait3A_13] : memref<100x16xf32, #tpu.memory_space<hbm>> -> memref<100x16xf32, #tpu.memory_space<hbm>>
    tpu.wait_indirect_dma semaphore(%arg8 : memref<!tpu.dma_semaphore, #tpu.memory_space<semaphore_mem>>) src(%dma_wait3A_14 : memref<100x16xf32, #tpu.memory_space<hbm>>) dst(%dma_wait3A_11 : memref<128x16xf32, #tpu.memory_space<vmem>>)
    %add3A_15 = arith.constant 256 : i32
    %add3A_16 = arith.addi %multiple_of3A, %add3A_15 : i32
    "tpu.region"() ({
      %run_scoped3A = tpu.sem_alloc : memref<!tpu.dma_semaphore, #tpu.memory_space<semaphore_mem>>
      %dma_start3A_349 = tpu.memref_slice %arg2[%add3A_16] : memref<102400xi32, #tpu.memory_space<hbm>> -> memref<128xi32, #tpu.memory_space<hbm>>
      %dma_start3A_350 = tpu.memref_slice %arg2[%add3A_16] : memref<102400xi32, #tpu.memory_space<hbm>> -> memref<128xi32, #tpu.memory_space<hbm>>
      tpu.enqueue_dma source(%dma_start3A_350 : memref<128xi32, #tpu.memory_space<hbm>>) target(%arg5 : memref<128xi32, #tpu.memory_space<vmem>>) target_semaphore(%run_scoped3A : memref<!tpu.dma_semaphore, #tpu.memory_space<semaphore_mem>>)
      %dma_wait3A_351 = tpu.memref_slice %arg2[%add3A_16] : memref<102400xi32, #tpu.memory_space<hbm>> -> memref<128xi32, #tpu.memory_space<hbm>>
      %dma_wait3A_352 = tpu.memref_slice %arg2[%add3A_16] : memref<102400xi32, #tpu.memory_space<hbm>> -> memref<128xi32, #tpu.memory_space<hbm>>
      tpu.wait_dma2 semaphore(%run_scoped3A : memref<!tpu.dma_semaphore, #tpu.memory_space<semaphore_mem>>) src(%dma_wait3A_352 : memref<128xi32, #tpu.memory_space<hbm>>) dst(%arg5 : memref<128xi32, #tpu.memory_space<vmem>>)
      tpu.yield
    }) : () -> ()
    %dma_start3A_17 = arith.constant 128 : i32
    %dma_start3A_18 = arith.constant 0 : i32
    %dma_start3A_19 = tpu.memref_slice %arg7[%dma_start3A_17, %dma_start3A_18] : memref<3200x16xf32, #tpu.memory_space<vmem>> -> memref<128x16xf32, #tpu.memory_space<vmem>>
    %dma_start3A_20 = arith.constant 0 : i32
    %dma_start3A_21 = arith.constant 0 : i32
    %dma_start3A_22 = tpu.memref_slice %arg3[%dma_start3A_20, %dma_start3A_21] : memref<100x16xf32, #tpu.memory_space<hbm>> -> memref<100x16xf32, #tpu.memory_space<hbm>>
    tpu.enqueue_indirect_dma source(%dma_start3A_22 : memref<100x16xf32, #tpu.memory_space<hbm>>) target(%dma_start3A_19 : memref<128x16xf32, #tpu.memory_space<vmem>>) offsets(%arg6 : memref<128xi32, #tpu.memory_space<vmem>>) semaphore(%arg8 : memref<!tpu.dma_semaphore, #tpu.memory_space<semaphore_mem>>)
    %dma_wait3A_23 = arith.constant 128 : i32
    %dma_wait3A_24 = arith.constant 0 : i32
    %dma_wait3A_25 = tpu.memref_slice %arg7[%dma_wait3A_23, %dma_wait3A_24] : memref<3200x16xf32, #tpu.memory_space<vmem>> -> memref<128x16xf32, #tpu.memory_space<vmem>>
    %dma_wait3A_26 = arith.constant 0 : i32
    %dma_wait3A_27 = arith.constant 0 : i32
    %dma_wait3A_28 = tpu.memref_slice %arg3[%dma_wait3A_26, %dma_wait3A_27] : memref<100x16xf32, #tpu.memory_space<hbm>> -> memref<100x16xf32, #tpu.memory_space<hbm>>
    tpu.wait_indirect_dma semaphore(%arg8 : memref<!tpu.dma_semaphore, #tpu.memory_space<semaphore_mem>>) src(%dma_wait3A_28 : memref<100x16xf32, #tpu.memory_space<hbm>>) dst(%dma_wait3A_25 : memref<128x16xf32, #tpu.memory_space<vmem>>)
    %add3A_29 = arith.constant 384 : i32
    %add3A_30 = arith.addi %multiple_of3A, %add3A_29 : i32
    "tpu.region"() ({
      %run_scoped3A = tpu.sem_alloc : memref<!tpu.dma_semaphore, #tpu.memory_space<semaphore_mem>>
      %dma_start3A_349 = tpu.memref_slice %arg2[%add3A_30] : memref<102400xi32, #tpu.memory_space<hbm>> -> memref<128xi32, #tpu.memory_space<hbm>>
      %dma_start3A_350 = tpu.memref_slice %arg2[%add3A_30] : memref<102400xi32, #tpu.memory_space<hbm>> -> memref<128xi32, #tpu.memory_space<hbm>>
      tpu.enqueue_dma source(%dma_start3A_350 : memref<128xi32, #tpu.memory_space<hbm>>) target(%arg6 : memref<128xi32, #tpu.memory_space<vmem>>) target_semaphore(%run_scoped3A : memref<!tpu.dma_semaphore, #tpu.memory_space<semaphore_mem>>)
      %dma_wait3A_351 = tpu.memref_slice %arg2[%add3A_30] : memref<102400xi32, #tpu.memory_space<hbm>> -> memref<128xi32, #tpu.memory_space<hbm>>
      %dma_wait3A_352 = tpu.memref_slice %arg2[%add3A_30] : memref<102400xi32, #tpu.memory_space<hbm>> -> memref<128xi32, #tpu.memory_space<hbm>>
      tpu.wait_dma2 semaphore(%run_scoped3A : memref<!tpu.dma_semaphore, #tpu.memory_space<semaphore_mem>>) src(%dma_wait3A_352 : memref<128xi32, #tpu.memory_space<hbm>>) dst(%arg6 : memref<128xi32, #tpu.memory_space<vmem>>)
      tpu.yield
    }) : () -> ()
    %dma_start3A_31 = arith.constant 256 : i32
    %dma_start3A_32 = arith.constant 0 : i32
    %dma_start3A_33 = tpu.memref_slice %arg7[%dma_start3A_31, %dma_start3A_32] : memref<3200x16xf32, #tpu.memory_space<vmem>> -> memref<128x16xf32, #tpu.memory_space<vmem>>
    %dma_start3A_34 = arith.constant 0 : i32
    %dma_start3A_35 = arith.constant 0 : i32
    %dma_start3A_36 = tpu.memref_slice %arg3[%dma_start3A_34, %dma_start3A_35] : memref<100x16xf32, #tpu.memory_space<hbm>> -> memref<100x16xf32, #tpu.memory_space<hbm>>
    tpu.enqueue_indirect_dma source(%dma_start3A_36 : memref<100x16xf32, #tpu.memory_space<hbm>>) target(%dma_start3A_33 : memref<128x16xf32, #tpu.memory_space<vmem>>) offsets(%arg5 : memref<128xi32, #tpu.memory_space<vmem>>) semaphore(%arg8 : memref<!tpu.dma_semaphore, #tpu.memory_space<semaphore_mem>>)
    %dma_wait3A_37 = arith.constant 256 : i32
    %dma_wait3A_38 = arith.constant 0 : i32
    %dma_wait3A_39 = tpu.memref_slice %arg7[%dma_wait3A_37, %dma_wait3A_38] : memref<3200x16xf32, #tpu.memory_space<vmem>> -> memref<128x16xf32, #tpu.memory_space<vmem>>
    %dma_wait3A_40 = arith.constant 0 : i32
    %dma_wait3A_41 = arith.constant 0 : i32
    %dma_wait3A_42 = tpu.memref_slice %arg3[%dma_wait3A_40, %dma_wait3A_41] : memref<100x16xf32, #tpu.memory_space<hbm>> -> memref<100x16xf32, #tpu.memory_space<hbm>>
    tpu.wait_indirect_dma semaphore(%arg8 : memref<!tpu.dma_semaphore, #tpu.memory_space<semaphore_mem>>) src(%dma_wait3A_42 : memref<100x16xf32, #tpu.memory_space<hbm>>) dst(%dma_wait3A_39 : memref<128x16xf32, #tpu.memory_space<vmem>>)
    %add3A_43 = arith.constant 512 : i32
    %add3A_44 = arith.addi %multiple_of3A, %add3A_43 : i32
    "tpu.region"() ({
      %run_scoped3A = tpu.sem_alloc : memref<!tpu.dma_semaphore, #tpu.memory_space<semaphore_mem>>
      %dma_start3A_349 = tpu.memref_slice %arg2[%add3A_44] : memref<102400xi32, #tpu.memory_space<hbm>> -> memref<128xi32, #tpu.memory_space<hbm>>
      %dma_start3A_350 = tpu.memref_slice %arg2[%add3A_44] : memref<102400xi32, #tpu.memory_space<hbm>> -> memref<128xi32, #tpu.memory_space<hbm>>
      tpu.enqueue_dma source(%dma_start3A_350 : memref<128xi32, #tpu.memory_space<hbm>>) target(%arg5 : memref<128xi32, #tpu.memory_space<vmem>>) target_semaphore(%run_scoped3A : memref<!tpu.dma_semaphore, #tpu.memory_space<semaphore_mem>>)
      %dma_wait3A_351 = tpu.memref_slice %arg2[%add3A_44] : memref<102400xi32, #tpu.memory_space<hbm>> -> memref<128xi32, #tpu.memory_space<hbm>>
      %dma_wait3A_352 = tpu.memref_slice %arg2[%add3A_44] : memref<102400xi32, #tpu.memory_space<hbm>> -> memref<128xi32, #tpu.memory_space<hbm>>
      tpu.wait_dma2 semaphore(%run_scoped3A : memref<!tpu.dma_semaphore, #tpu.memory_space<semaphore_mem>>) src(%dma_wait3A_352 : memref<128xi32, #tpu.memory_space<hbm>>) dst(%arg5 : memref<128xi32, #tpu.memory_space<vmem>>)
      tpu.yield
    }) : () -> ()
    %dma_start3A_45 = arith.constant 384 : i32
    %dma_start3A_46 = arith.constant 0 : i32
    %dma_start3A_47 = tpu.memref_slice %arg7[%dma_start3A_45, %dma_start3A_46] : memref<3200x16xf32, #tpu.memory_space<vmem>> -> memref<128x16xf32, #tpu.memory_space<vmem>>
    %dma_start3A_48 = arith.constant 0 : i32
    %dma_start3A_49 = arith.constant 0 : i32
    %dma_start3A_50 = tpu.memref_slice %arg3[%dma_start3A_48, %dma_start3A_49] : memref<100x16xf32, #tpu.memory_space<hbm>> -> memref<100x16xf32, #tpu.memory_space<hbm>>
    tpu.enqueue_indirect_dma source(%dma_start3A_50 : memref<100x16xf32, #tpu.memory_space<hbm>>) target(%dma_start3A_47 : memref<128x16xf32, #tpu.memory_space<vmem>>) offsets(%arg6 : memref<128xi32, #tpu.memory_space<vmem>>) semaphore(%arg8 : memref<!tpu.dma_semaphore, #tpu.memory_space<semaphore_mem>>)
    %dma_wait3A_51 = arith.constant 384 : i32
    %dma_wait3A_52 = arith.constant 0 : i32
    %dma_wait3A_53 = tpu.memref_slice %arg7[%dma_wait3A_51, %dma_wait3A_52] : memref<3200x16xf32, #tpu.memory_space<vmem>> -> memref<128x16xf32, #tpu.memory_space<vmem>>
    %dma_wait3A_54 = arith.constant 0 : i32
    %dma_wait3A_55 = arith.constant 0 : i32
    %dma_wait3A_56 = tpu.memref_slice %arg3[%dma_wait3A_54, %dma_wait3A_55] : memref<100x16xf32, #tpu.memory_space<hbm>> -> memref<100x16xf32, #tpu.memory_space<hbm>>
    tpu.wait_indirect_dma semaphore(%arg8 : memref<!tpu.dma_semaphore, #tpu.memory_space<semaphore_mem>>) src(%dma_wait3A_56 : memref<100x16xf32, #tpu.memory_space<hbm>>) dst(%dma_wait3A_53 : memref<128x16xf32, #tpu.memory_space<vmem>>)
    %add3A_57 = arith.constant 640 : i32
    %add3A_58 = arith.addi %multiple_of3A, %add3A_57 : i32
    "tpu.region"() ({
      %run_scoped3A = tpu.sem_alloc : memref<!tpu.dma_semaphore, #tpu.memory_space<semaphore_mem>>
      %dma_start3A_349 = tpu.memref_slice %arg2[%add3A_58] : memref<102400xi32, #tpu.memory_space<hbm>> -> memref<128xi32, #tpu.memory_space<hbm>>
      %dma_start3A_350 = tpu.memref_slice %arg2[%add3A_58] : memref<102400xi32, #tpu.memory_space<hbm>> -> memref<128xi32, #tpu.memory_space<hbm>>
      tpu.enqueue_dma source(%dma_start3A_350 : memref<128xi32, #tpu.memory_space<hbm>>) target(%arg6 : memref<128xi32, #tpu.memory_space<vmem>>) target_semaphore(%run_scoped3A : memref<!tpu.dma_semaphore, #tpu.memory_space<semaphore_mem>>)
      %dma_wait3A_351 = tpu.memref_slice %arg2[%add3A_58] : memref<102400xi32, #tpu.memory_space<hbm>> -> memref<128xi32, #tpu.memory_space<hbm>>
      %dma_wait3A_352 = tpu.memref_slice %arg2[%add3A_58] : memref<102400xi32, #tpu.memory_space<hbm>> -> memref<128xi32, #tpu.memory_space<hbm>>
      tpu.wait_dma2 semaphore(%run_scoped3A : memref<!tpu.dma_semaphore, #tpu.memory_space<semaphore_mem>>) src(%dma_wait3A_352 : memref<128xi32, #tpu.memory_space<hbm>>) dst(%arg6 : memref<128xi32, #tpu.memory_space<vmem>>)
      tpu.yield
    }) : () -> ()
    %dma_start3A_59 = arith.constant 512 : i32
    %dma_start3A_60 = arith.constant 0 : i32
    %dma_start3A_61 = tpu.memref_slice %arg7[%dma_start3A_59, %dma_start3A_60] : memref<3200x16xf32, #tpu.memory_space<vmem>> -> memref<128x16xf32, #tpu.memory_space<vmem>>
    %dma_start3A_62 = arith.constant 0 : i32
    %dma_start3A_63 = arith.constant 0 : i32
    %dma_start3A_64 = tpu.memref_slice %arg3[%dma_start3A_62, %dma_start3A_63] : memref<100x16xf32, #tpu.memory_space<hbm>> -> memref<100x16xf32, #tpu.memory_space<hbm>>
    tpu.enqueue_indirect_dma source(%dma_start3A_64 : memref<100x16xf32, #tpu.memory_space<hbm>>) target(%dma_start3A_61 : memref<128x16xf32, #tpu.memory_space<vmem>>) offsets(%arg5 : memref<128xi32, #tpu.memory_space<vmem>>) semaphore(%arg8 : memref<!tpu.dma_semaphore, #tpu.memory_space<semaphore_mem>>)
    %dma_wait3A_65 = arith.constant 512 : i32
    %dma_wait3A_66 = arith.constant 0 : i32
    %dma_wait3A_67 = tpu.memref_slice %arg7[%dma_wait3A_65, %dma_wait3A_66] : memref<3200x16xf32, #tpu.memory_space<vmem>> -> memref<128x16xf32, #tpu.memory_space<vmem>>
    %dma_wait3A_68 = arith.constant 0 : i32
    %dma_wait3A_69 = arith.constant 0 : i32
    %dma_wait3A_70 = tpu.memref_slice %arg3[%dma_wait3A_68, %dma_wait3A_69] : memref<100x16xf32, #tpu.memory_space<hbm>> -> memref<100x16xf32, #tpu.memory_space<hbm>>
    tpu.wait_indirect_dma semaphore(%arg8 : memref<!tpu.dma_semaphore, #tpu.memory_space<semaphore_mem>>) src(%dma_wait3A_70 : memref<100x16xf32, #tpu.memory_space<hbm>>) dst(%dma_wait3A_67 : memref<128x16xf32, #tpu.memory_space<vmem>>)
    %add3A_71 = arith.constant 768 : i32
    %add3A_72 = arith.addi %multiple_of3A, %add3A_71 : i32
    "tpu.region"() ({
      %run_scoped3A = tpu.sem_alloc : memref<!tpu.dma_semaphore, #tpu.memory_space<semaphore_mem>>
      %dma_start3A_349 = tpu.memref_slice %arg2[%add3A_72] : memref<102400xi32, #tpu.memory_space<hbm>> -> memref<128xi32, #tpu.memory_space<hbm>>
      %dma_start3A_350 = tpu.memref_slice %arg2[%add3A_72] : memref<102400xi32, #tpu.memory_space<hbm>> -> memref<128xi32, #tpu.memory_space<hbm>>
      tpu.enqueue_dma source(%dma_start3A_350 : memref<128xi32, #tpu.memory_space<hbm>>) target(%arg5 : memref<128xi32, #tpu.memory_space<vmem>>) target_semaphore(%run_scoped3A : memref<!tpu.dma_semaphore, #tpu.memory_space<semaphore_mem>>)
      %dma_wait3A_351 = tpu.memref_slice %arg2[%add3A_72] : memref<102400xi32, #tpu.memory_space<hbm>> -> memref<128xi32, #tpu.memory_space<hbm>>
      %dma_wait3A_352 = tpu.memref_slice %arg2[%add3A_72] : memref<102400xi32, #tpu.memory_space<hbm>> -> memref<128xi32, #tpu.memory_space<hbm>>
      tpu.wait_dma2 semaphore(%run_scoped3A : memref<!tpu.dma_semaphore, #tpu.memory_space<semaphore_mem>>) src(%dma_wait3A_352 : memref<128xi32, #tpu.memory_space<hbm>>) dst(%arg5 : memref<128xi32, #tpu.memory_space<vmem>>)
      tpu.yield
    }) : () -> ()
    %dma_start3A_73 = arith.constant 640 : i32
    %dma_start3A_74 = arith.constant 0 : i32
    %dma_start3A_75 = tpu.memref_slice %arg7[%dma_start3A_73, %dma_start3A_74] : memref<3200x16xf32, #tpu.memory_space<vmem>> -> memref<128x16xf32, #tpu.memory_space<vmem>>
    %dma_start3A_76 = arith.constant 0 : i32
    %dma_start3A_77 = arith.constant 0 : i32
    %dma_start3A_78 = tpu.memref_slice %arg3[%dma_start3A_76, %dma_start3A_77] : memref<100x16xf32, #tpu.memory_space<hbm>> -> memref<100x16xf32, #tpu.memory_space<hbm>>
    tpu.enqueue_indirect_dma source(%dma_start3A_78 : memref<100x16xf32, #tpu.memory_space<hbm>>) target(%dma_start3A_75 : memref<128x16xf32, #tpu.memory_space<vmem>>) offsets(%arg6 : memref<128xi32, #tpu.memory_space<vmem>>) semaphore(%arg8 : memref<!tpu.dma_semaphore, #tpu.memory_space<semaphore_mem>>)
    %dma_wait3A_79 = arith.constant 640 : i32
    %dma_wait3A_80 = arith.constant 0 : i32
    %dma_wait3A_81 = tpu.memref_slice %arg7[%dma_wait3A_79, %dma_wait3A_80] : memref<3200x16xf32, #tpu.memory_space<vmem>> -> memref<128x16xf32, #tpu.memory_space<vmem>>
    %dma_wait3A_82 = arith.constant 0 : i32
    %dma_wait3A_83 = arith.constant 0 : i32
    %dma_wait3A_84 = tpu.memref_slice %arg3[%dma_wait3A_82, %dma_wait3A_83] : memref<100x16xf32, #tpu.memory_space<hbm>> -> memref<100x16xf32, #tpu.memory_space<hbm>>
    tpu.wait_indirect_dma semaphore(%arg8 : memref<!tpu.dma_semaphore, #tpu.memory_space<semaphore_mem>>) src(%dma_wait3A_84 : memref<100x16xf32, #tpu.memory_space<hbm>>) dst(%dma_wait3A_81 : memref<128x16xf32, #tpu.memory_space<vmem>>)
    %add3A_85 = arith.constant 896 : i32
    %add3A_86 = arith.addi %multiple_of3A, %add3A_85 : i32
    "tpu.region"() ({
      %run_scoped3A = tpu.sem_alloc : memref<!tpu.dma_semaphore, #tpu.memory_space<semaphore_mem>>
      %dma_start3A_349 = tpu.memref_slice %arg2[%add3A_86] : memref<102400xi32, #tpu.memory_space<hbm>> -> memref<128xi32, #tpu.memory_space<hbm>>
      %dma_start3A_350 = tpu.memref_slice %arg2[%add3A_86] : memref<102400xi32, #tpu.memory_space<hbm>> -> memref<128xi32, #tpu.memory_space<hbm>>
      tpu.enqueue_dma source(%dma_start3A_350 : memref<128xi32, #tpu.memory_space<hbm>>) target(%arg6 : memref<128xi32, #tpu.memory_space<vmem>>) target_semaphore(%run_scoped3A : memref<!tpu.dma_semaphore, #tpu.memory_space<semaphore_mem>>)
      %dma_wait3A_351 = tpu.memref_slice %arg2[%add3A_86] : memref<102400xi32, #tpu.memory_space<hbm>> -> memref<128xi32, #tpu.memory_space<hbm>>
      %dma_wait3A_352 = tpu.memref_slice %arg2[%add3A_86] : memref<102400xi32, #tpu.memory_space<hbm>> -> memref<128xi32, #tpu.memory_space<hbm>>
      tpu.wait_dma2 semaphore(%run_scoped3A : memref<!tpu.dma_semaphore, #tpu.memory_space<semaphore_mem>>) src(%dma_wait3A_352 : memref<128xi32, #tpu.memory_space<hbm>>) dst(%arg6 : memref<128xi32, #tpu.memory_space<vmem>>)
      tpu.yield
    }) : () -> ()
    %dma_start3A_87 = arith.constant 768 : i32
    %dma_start3A_88 = arith.constant 0 : i32
    %dma_start3A_89 = tpu.memref_slice %arg7[%dma_start3A_87, %dma_start3A_88] : memref<3200x16xf32, #tpu.memory_space<vmem>> -> memref<128x16xf32, #tpu.memory_space<vmem>>
    %dma_start3A_90 = arith.constant 0 : i32
    %dma_start3A_91 = arith.constant 0 : i32
    %dma_start3A_92 = tpu.memref_slice %arg3[%dma_start3A_90, %dma_start3A_91] : memref<100x16xf32, #tpu.memory_space<hbm>> -> memref<100x16xf32, #tpu.memory_space<hbm>>
    tpu.enqueue_indirect_dma source(%dma_start3A_92 : memref<100x16xf32, #tpu.memory_space<hbm>>) target(%dma_start3A_89 : memref<128x16xf32, #tpu.memory_space<vmem>>) offsets(%arg5 : memref<128xi32, #tpu.memory_space<vmem>>) semaphore(%arg8 : memref<!tpu.dma_semaphore, #tpu.memory_space<semaphore_mem>>)
    %dma_wait3A_93 = arith.constant 768 : i32
    %dma_wait3A_94 = arith.constant 0 : i32
    %dma_wait3A_95 = tpu.memref_slice %arg7[%dma_wait3A_93, %dma_wait3A_94] : memref<3200x16xf32, #tpu.memory_space<vmem>> -> memref<128x16xf32, #tpu.memory_space<vmem>>
    %dma_wait3A_96 = arith.constant 0 : i32
    %dma_wait3A_97 = arith.constant 0 : i32
    %dma_wait3A_98 = tpu.memref_slice %arg3[%dma_wait3A_96, %dma_wait3A_97] : memref<100x16xf32, #tpu.memory_space<hbm>> -> memref<100x16xf32, #tpu.memory_space<hbm>>
    tpu.wait_indirect_dma semaphore(%arg8 : memref<!tpu.dma_semaphore, #tpu.memory_space<semaphore_mem>>) src(%dma_wait3A_98 : memref<100x16xf32, #tpu.memory_space<hbm>>) dst(%dma_wait3A_95 : memref<128x16xf32, #tpu.memory_space<vmem>>)
    %add3A_99 = arith.constant 1024 : i32
    %add3A_100 = arith.addi %multiple_of3A, %add3A_99 : i32
    "tpu.region"() ({
      %run_scoped3A = tpu.sem_alloc : memref<!tpu.dma_semaphore, #tpu.memory_space<semaphore_mem>>
      %dma_start3A_349 = tpu.memref_slice %arg2[%add3A_100] : memref<102400xi32, #tpu.memory_space<hbm>> -> memref<128xi32, #tpu.memory_space<hbm>>
      %dma_start3A_350 = tpu.memref_slice %arg2[%add3A_100] : memref<102400xi32, #tpu.memory_space<hbm>> -> memref<128xi32, #tpu.memory_space<hbm>>
      tpu.enqueue_dma source(%dma_start3A_350 : memref<128xi32, #tpu.memory_space<hbm>>) target(%arg5 : memref<128xi32, #tpu.memory_space<vmem>>) target_semaphore(%run_scoped3A : memref<!tpu.dma_semaphore, #tpu.memory_space<semaphore_mem>>)
      %dma_wait3A_351 = tpu.memref_slice %arg2[%add3A_100] : memref<102400xi32, #tpu.memory_space<hbm>> -> memref<128xi32, #tpu.memory_space<hbm>>
      %dma_wait3A_352 = tpu.memref_slice %arg2[%add3A_100] : memref<102400xi32, #tpu.memory_space<hbm>> -> memref<128xi32, #tpu.memory_space<hbm>>
      tpu.wait_dma2 semaphore(%run_scoped3A : memref<!tpu.dma_semaphore, #tpu.memory_space<semaphore_mem>>) src(%dma_wait3A_352 : memref<128xi32, #tpu.memory_space<hbm>>) dst(%arg5 : memref<128xi32, #tpu.memory_space<vmem>>)
      tpu.yield
    }) : () -> ()
    %dma_start3A_101 = arith.constant 896 : i32
    %dma_start3A_102 = arith.constant 0 : i32
    %dma_start3A_103 = tpu.memref_slice %arg7[%dma_start3A_101, %dma_start3A_102] : memref<3200x16xf32, #tpu.memory_space<vmem>> -> memref<128x16xf32, #tpu.memory_space<vmem>>
    %dma_start3A_104 = arith.constant 0 : i32
    %dma_start3A_105 = arith.constant 0 : i32
    %dma_start3A_106 = tpu.memref_slice %arg3[%dma_start3A_104, %dma_start3A_105] : memref<100x16xf32, #tpu.memory_space<hbm>> -> memref<100x16xf32, #tpu.memory_space<hbm>>
    tpu.enqueue_indirect_dma source(%dma_start3A_106 : memref<100x16xf32, #tpu.memory_space<hbm>>) target(%dma_start3A_103 : memref<128x16xf32, #tpu.memory_space<vmem>>) offsets(%arg6 : memref<128xi32, #tpu.memory_space<vmem>>) semaphore(%arg8 : memref<!tpu.dma_semaphore, #tpu.memory_space<semaphore_mem>>)
    %dma_wait3A_107 = arith.constant 896 : i32
    %dma_wait3A_108 = arith.constant 0 : i32
    %dma_wait3A_109 = tpu.memref_slice %arg7[%dma_wait3A_107, %dma_wait3A_108] : memref<3200x16xf32, #tpu.memory_space<vmem>> -> memref<128x16xf32, #tpu.memory_space<vmem>>
    %dma_wait3A_110 = arith.constant 0 : i32
    %dma_wait3A_111 = arith.constant 0 : i32
    %dma_wait3A_112 = tpu.memref_slice %arg3[%dma_wait3A_110, %dma_wait3A_111] : memref<100x16xf32, #tpu.memory_space<hbm>> -> memref<100x16xf32, #tpu.memory_space<hbm>>
    tpu.wait_indirect_dma semaphore(%arg8 : memref<!tpu.dma_semaphore, #tpu.memory_space<semaphore_mem>>) src(%dma_wait3A_112 : memref<100x16xf32, #tpu.memory_space<hbm>>) dst(%dma_wait3A_109 : memref<128x16xf32, #tpu.memory_space<vmem>>)
    %add3A_113 = arith.constant 1152 : i32
    %add3A_114 = arith.addi %multiple_of3A, %add3A_113 : i32
    "tpu.region"() ({
      %run_scoped3A = tpu.sem_alloc : memref<!tpu.dma_semaphore, #tpu.memory_space<semaphore_mem>>
      %dma_start3A_349 = tpu.memref_slice %arg2[%add3A_114] : memref<102400xi32, #tpu.memory_space<hbm>> -> memref<128xi32, #tpu.memory_space<hbm>>
      %dma_start3A_350 = tpu.memref_slice %arg2[%add3A_114] : memref<102400xi32, #tpu.memory_space<hbm>> -> memref<128xi32, #tpu.memory_space<hbm>>
      tpu.enqueue_dma source(%dma_start3A_350 : memref<128xi32, #tpu.memory_space<hbm>>) target(%arg6 : memref<128xi32, #tpu.memory_space<vmem>>) target_semaphore(%run_scoped3A : memref<!tpu.dma_semaphore, #tpu.memory_space<semaphore_mem>>)
      %dma_wait3A_351 = tpu.memref_slice %arg2[%add3A_114] : memref<102400xi32, #tpu.memory_space<hbm>> -> memref<128xi32, #tpu.memory_space<hbm>>
      %dma_wait3A_352 = tpu.memref_slice %arg2[%add3A_114] : memref<102400xi32, #tpu.memory_space<hbm>> -> memref<128xi32, #tpu.memory_space<hbm>>
      tpu.wait_dma2 semaphore(%run_scoped3A : memref<!tpu.dma_semaphore, #tpu.memory_space<semaphore_mem>>) src(%dma_wait3A_352 : memref<128xi32, #tpu.memory_space<hbm>>) dst(%arg6 : memref<128xi32, #tpu.memory_space<vmem>>)
      tpu.yield
    }) : () -> ()
    %dma_start3A_115 = arith.constant 1024 : i32
    %dma_start3A_116 = arith.constant 0 : i32
    %dma_start3A_117 = tpu.memref_slice %arg7[%dma_start3A_115, %dma_start3A_116] : memref<3200x16xf32, #tpu.memory_space<vmem>> -> memref<128x16xf32, #tpu.memory_space<vmem>>
    %dma_start3A_118 = arith.constant 0 : i32
    %dma_start3A_119 = arith.constant 0 : i32
    %dma_start3A_120 = tpu.memref_slice %arg3[%dma_start3A_118, %dma_start3A_119] : memref<100x16xf32, #tpu.memory_space<hbm>> -> memref<100x16xf32, #tpu.memory_space<hbm>>
    tpu.enqueue_indirect_dma source(%dma_start3A_120 : memref<100x16xf32, #tpu.memory_space<hbm>>) target(%dma_start3A_117 : memref<128x16xf32, #tpu.memory_space<vmem>>) offsets(%arg5 : memref<128xi32, #tpu.memory_space<vmem>>) semaphore(%arg8 : memref<!tpu.dma_semaphore, #tpu.memory_space<semaphore_mem>>)
    %dma_wait3A_121 = arith.constant 1024 : i32
    %dma_wait3A_122 = arith.constant 0 : i32
    %dma_wait3A_123 = tpu.memref_slice %arg7[%dma_wait3A_121, %dma_wait3A_122] : memref<3200x16xf32, #tpu.memory_space<vmem>> -> memref<128x16xf32, #tpu.memory_space<vmem>>
    %dma_wait3A_124 = arith.constant 0 : i32
    %dma_wait3A_125 = arith.constant 0 : i32
    %dma_wait3A_126 = tpu.memref_slice %arg3[%dma_wait3A_124, %dma_wait3A_125] : memref<100x16xf32, #tpu.memory_space<hbm>> -> memref<100x16xf32, #tpu.memory_space<hbm>>
    tpu.wait_indirect_dma semaphore(%arg8 : memref<!tpu.dma_semaphore, #tpu.memory_space<semaphore_mem>>) src(%dma_wait3A_126 : memref<100x16xf32, #tpu.memory_space<hbm>>) dst(%dma_wait3A_123 : memref<128x16xf32, #tpu.memory_space<vmem>>)
    %add3A_127 = arith.constant 1280 : i32
    %add3A_128 = arith.addi %multiple_of3A, %add3A_127 : i32
    "tpu.region"() ({
      %run_scoped3A = tpu.sem_alloc : memref<!tpu.dma_semaphore, #tpu.memory_space<semaphore_mem>>
      %dma_start3A_349 = tpu.memref_slice %arg2[%add3A_128] : memref<102400xi32, #tpu.memory_space<hbm>> -> memref<128xi32, #tpu.memory_space<hbm>>
      %dma_start3A_350 = tpu.memref_slice %arg2[%add3A_128] : memref<102400xi32, #tpu.memory_space<hbm>> -> memref<128xi32, #tpu.memory_space<hbm>>
      tpu.enqueue_dma source(%dma_start3A_350 : memref<128xi32, #tpu.memory_space<hbm>>) target(%arg5 : memref<128xi32, #tpu.memory_space<vmem>>) target_semaphore(%run_scoped3A : memref<!tpu.dma_semaphore, #tpu.memory_space<semaphore_mem>>)
      %dma_wait3A_351 = tpu.memref_slice %arg2[%add3A_128] : memref<102400xi32, #tpu.memory_space<hbm>> -> memref<128xi32, #tpu.memory_space<hbm>>
      %dma_wait3A_352 = tpu.memref_slice %arg2[%add3A_128] : memref<102400xi32, #tpu.memory_space<hbm>> -> memref<128xi32, #tpu.memory_space<hbm>>
      tpu.wait_dma2 semaphore(%run_scoped3A : memref<!tpu.dma_semaphore, #tpu.memory_space<semaphore_mem>>) src(%dma_wait3A_352 : memref<128xi32, #tpu.memory_space<hbm>>) dst(%arg5 : memref<128xi32, #tpu.memory_space<vmem>>)
      tpu.yield
    }) : () -> ()
    %dma_start3A_129 = arith.constant 1152 : i32
    %dma_start3A_130 = arith.constant 0 : i32
    %dma_start3A_131 = tpu.memref_slice %arg7[%dma_start3A_129, %dma_start3A_130] : memref<3200x16xf32, #tpu.memory_space<vmem>> -> memref<128x16xf32, #tpu.memory_space<vmem>>
    %dma_start3A_132 = arith.constant 0 : i32
    %dma_start3A_133 = arith.constant 0 : i32
    %dma_start3A_134 = tpu.memref_slice %arg3[%dma_start3A_132, %dma_start3A_133] : memref<100x16xf32, #tpu.memory_space<hbm>> -> memref<100x16xf32, #tpu.memory_space<hbm>>
    tpu.enqueue_indirect_dma source(%dma_start3A_134 : memref<100x16xf32, #tpu.memory_space<hbm>>) target(%dma_start3A_131 : memref<128x16xf32, #tpu.memory_space<vmem>>) offsets(%arg6 : memref<128xi32, #tpu.memory_space<vmem>>) semaphore(%arg8 : memref<!tpu.dma_semaphore, #tpu.memory_space<semaphore_mem>>)
    %dma_wait3A_135 = arith.constant 1152 : i32
    %dma_wait3A_136 = arith.constant 0 : i32
    %dma_wait3A_137 = tpu.memref_slice %arg7[%dma_wait3A_135, %dma_wait3A_136] : memref<3200x16xf32, #tpu.memory_space<vmem>> -> memref<128x16xf32, #tpu.memory_space<vmem>>
    %dma_wait3A_138 = arith.constant 0 : i32
    %dma_wait3A_139 = arith.constant 0 : i32
    %dma_wait3A_140 = tpu.memref_slice %arg3[%dma_wait3A_138, %dma_wait3A_139] : memref<100x16xf32, #tpu.memory_space<hbm>> -> memref<100x16xf32, #tpu.memory_space<hbm>>
    tpu.wait_indirect_dma semaphore(%arg8 : memref<!tpu.dma_semaphore, #tpu.memory_space<semaphore_mem>>) src(%dma_wait3A_140 : memref<100x16xf32, #tpu.memory_space<hbm>>) dst(%dma_wait3A_137 : memref<128x16xf32, #tpu.memory_space<vmem>>)
    %add3A_141 = arith.constant 1408 : i32
    %add3A_142 = arith.addi %multiple_of3A, %add3A_141 : i32
    "tpu.region"() ({
      %run_scoped3A = tpu.sem_alloc : memref<!tpu.dma_semaphore, #tpu.memory_space<semaphore_mem>>
      %dma_start3A_349 = tpu.memref_slice %arg2[%add3A_142] : memref<102400xi32, #tpu.memory_space<hbm>> -> memref<128xi32, #tpu.memory_space<hbm>>
      %dma_start3A_350 = tpu.memref_slice %arg2[%add3A_142] : memref<102400xi32, #tpu.memory_space<hbm>> -> memref<128xi32, #tpu.memory_space<hbm>>
      tpu.enqueue_dma source(%dma_start3A_350 : memref<128xi32, #tpu.memory_space<hbm>>) target(%arg6 : memref<128xi32, #tpu.memory_space<vmem>>) target_semaphore(%run_scoped3A : memref<!tpu.dma_semaphore, #tpu.memory_space<semaphore_mem>>)
      %dma_wait3A_351 = tpu.memref_slice %arg2[%add3A_142] : memref<102400xi32, #tpu.memory_space<hbm>> -> memref<128xi32, #tpu.memory_space<hbm>>
      %dma_wait3A_352 = tpu.memref_slice %arg2[%add3A_142] : memref<102400xi32, #tpu.memory_space<hbm>> -> memref<128xi32, #tpu.memory_space<hbm>>
      tpu.wait_dma2 semaphore(%run_scoped3A : memref<!tpu.dma_semaphore, #tpu.memory_space<semaphore_mem>>) src(%dma_wait3A_352 : memref<128xi32, #tpu.memory_space<hbm>>) dst(%arg6 : memref<128xi32, #tpu.memory_space<vmem>>)
      tpu.yield
    }) : () -> ()
    %dma_start3A_143 = arith.constant 1280 : i32
    %dma_start3A_144 = arith.constant 0 : i32
    %dma_start3A_145 = tpu.memref_slice %arg7[%dma_start3A_143, %dma_start3A_144] : memref<3200x16xf32, #tpu.memory_space<vmem>> -> memref<128x16xf32, #tpu.memory_space<vmem>>
    %dma_start3A_146 = arith.constant 0 : i32
    %dma_start3A_147 = arith.constant 0 : i32
    %dma_start3A_148 = tpu.memref_slice %arg3[%dma_start3A_146, %dma_start3A_147] : memref<100x16xf32, #tpu.memory_space<hbm>> -> memref<100x16xf32, #tpu.memory_space<hbm>>
    tpu.enqueue_indirect_dma source(%dma_start3A_148 : memref<100x16xf32, #tpu.memory_space<hbm>>) target(%dma_start3A_145 : memref<128x16xf32, #tpu.memory_space<vmem>>) offsets(%arg5 : memref<128xi32, #tpu.memory_space<vmem>>) semaphore(%arg8 : memref<!tpu.dma_semaphore, #tpu.memory_space<semaphore_mem>>)
    %dma_wait3A_149 = arith.constant 1280 : i32
    %dma_wait3A_150 = arith.constant 0 : i32
    %dma_wait3A_151 = tpu.memref_slice %arg7[%dma_wait3A_149, %dma_wait3A_150] : memref<3200x16xf32, #tpu.memory_space<vmem>> -> memref<128x16xf32, #tpu.memory_space<vmem>>
    %dma_wait3A_152 = arith.constant 0 : i32
    %dma_wait3A_153 = arith.constant 0 : i32
    %dma_wait3A_154 = tpu.memref_slice %arg3[%dma_wait3A_152, %dma_wait3A_153] : memref<100x16xf32, #tpu.memory_space<hbm>> -> memref<100x16xf32, #tpu.memory_space<hbm>>
    tpu.wait_indirect_dma semaphore(%arg8 : memref<!tpu.dma_semaphore, #tpu.memory_space<semaphore_mem>>) src(%dma_wait3A_154 : memref<100x16xf32, #tpu.memory_space<hbm>>) dst(%dma_wait3A_151 : memref<128x16xf32, #tpu.memory_space<vmem>>)
    %add3A_155 = arith.constant 1536 : i32
    %add3A_156 = arith.addi %multiple_of3A, %add3A_155 : i32
    "tpu.region"() ({
      %run_scoped3A = tpu.sem_alloc : memref<!tpu.dma_semaphore, #tpu.memory_space<semaphore_mem>>
      %dma_start3A_349 = tpu.memref_slice %arg2[%add3A_156] : memref<102400xi32, #tpu.memory_space<hbm>> -> memref<128xi32, #tpu.memory_space<hbm>>
      %dma_start3A_350 = tpu.memref_slice %arg2[%add3A_156] : memref<102400xi32, #tpu.memory_space<hbm>> -> memref<128xi32, #tpu.memory_space<hbm>>
      tpu.enqueue_dma source(%dma_start3A_350 : memref<128xi32, #tpu.memory_space<hbm>>) target(%arg5 : memref<128xi32, #tpu.memory_space<vmem>>) target_semaphore(%run_scoped3A : memref<!tpu.dma_semaphore, #tpu.memory_space<semaphore_mem>>)
      %dma_wait3A_351 = tpu.memref_slice %arg2[%add3A_156] : memref<102400xi32, #tpu.memory_space<hbm>> -> memref<128xi32, #tpu.memory_space<hbm>>
      %dma_wait3A_352 = tpu.memref_slice %arg2[%add3A_156] : memref<102400xi32, #tpu.memory_space<hbm>> -> memref<128xi32, #tpu.memory_space<hbm>>
      tpu.wait_dma2 semaphore(%run_scoped3A : memref<!tpu.dma_semaphore, #tpu.memory_space<semaphore_mem>>) src(%dma_wait3A_352 : memref<128xi32, #tpu.memory_space<hbm>>) dst(%arg5 : memref<128xi32, #tpu.memory_space<vmem>>)
      tpu.yield
    }) : () -> ()
    %dma_start3A_157 = arith.constant 1408 : i32
    %dma_start3A_158 = arith.constant 0 : i32
    %dma_start3A_159 = tpu.memref_slice %arg7[%dma_start3A_157, %dma_start3A_158] : memref<3200x16xf32, #tpu.memory_space<vmem>> -> memref<128x16xf32, #tpu.memory_space<vmem>>
    %dma_start3A_160 = arith.constant 0 : i32
    %dma_start3A_161 = arith.constant 0 : i32
    %dma_start3A_162 = tpu.memref_slice %arg3[%dma_start3A_160, %dma_start3A_161] : memref<100x16xf32, #tpu.memory_space<hbm>> -> memref<100x16xf32, #tpu.memory_space<hbm>>
    tpu.enqueue_indirect_dma source(%dma_start3A_162 : memref<100x16xf32, #tpu.memory_space<hbm>>) target(%dma_start3A_159 : memref<128x16xf32, #tpu.memory_space<vmem>>) offsets(%arg6 : memref<128xi32, #tpu.memory_space<vmem>>) semaphore(%arg8 : memref<!tpu.dma_semaphore, #tpu.memory_space<semaphore_mem>>)
    %dma_wait3A_163 = arith.constant 1408 : i32
    %dma_wait3A_164 = arith.constant 0 : i32
    %dma_wait3A_165 = tpu.memref_slice %arg7[%dma_wait3A_163, %dma_wait3A_164] : memref<3200x16xf32, #tpu.memory_space<vmem>> -> memref<128x16xf32, #tpu.memory_space<vmem>>
    %dma_wait3A_166 = arith.constant 0 : i32
    %dma_wait3A_167 = arith.constant 0 : i32
    %dma_wait3A_168 = tpu.memref_slice %arg3[%dma_wait3A_166, %dma_wait3A_167] : memref<100x16xf32, #tpu.memory_space<hbm>> -> memref<100x16xf32, #tpu.memory_space<hbm>>
    tpu.wait_indirect_dma semaphore(%arg8 : memref<!tpu.dma_semaphore, #tpu.memory_space<semaphore_mem>>) src(%dma_wait3A_168 : memref<100x16xf32, #tpu.memory_space<hbm>>) dst(%dma_wait3A_165 : memref<128x16xf32, #tpu.memory_space<vmem>>)
    %add3A_169 = arith.constant 1664 : i32
    %add3A_170 = arith.addi %multiple_of3A, %add3A_169 : i32
    "tpu.region"() ({
      %run_scoped3A = tpu.sem_alloc : memref<!tpu.dma_semaphore, #tpu.memory_space<semaphore_mem>>
      %dma_start3A_349 = tpu.memref_slice %arg2[%add3A_170] : memref<102400xi32, #tpu.memory_space<hbm>> -> memref<128xi32, #tpu.memory_space<hbm>>
      %dma_start3A_350 = tpu.memref_slice %arg2[%add3A_170] : memref<102400xi32, #tpu.memory_space<hbm>> -> memref<128xi32, #tpu.memory_space<hbm>>
      tpu.enqueue_dma source(%dma_start3A_350 : memref<128xi32, #tpu.memory_space<hbm>>) target(%arg6 : memref<128xi32, #tpu.memory_space<vmem>>) target_semaphore(%run_scoped3A : memref<!tpu.dma_semaphore, #tpu.memory_space<semaphore_mem>>)
      %dma_wait3A_351 = tpu.memref_slice %arg2[%add3A_170] : memref<102400xi32, #tpu.memory_space<hbm>> -> memref<128xi32, #tpu.memory_space<hbm>>
      %dma_wait3A_352 = tpu.memref_slice %arg2[%add3A_170] : memref<102400xi32, #tpu.memory_space<hbm>> -> memref<128xi32, #tpu.memory_space<hbm>>
      tpu.wait_dma2 semaphore(%run_scoped3A : memref<!tpu.dma_semaphore, #tpu.memory_space<semaphore_mem>>) src(%dma_wait3A_352 : memref<128xi32, #tpu.memory_space<hbm>>) dst(%arg6 : memref<128xi32, #tpu.memory_space<vmem>>)
      tpu.yield
    }) : () -> ()
    %dma_start3A_171 = arith.constant 1536 : i32
    %dma_start3A_172 = arith.constant 0 : i32
    %dma_start3A_173 = tpu.memref_slice %arg7[%dma_start3A_171, %dma_start3A_172] : memref<3200x16xf32, #tpu.memory_space<vmem>> -> memref<128x16xf32, #tpu.memory_space<vmem>>
    %dma_start3A_174 = arith.constant 0 : i32
    %dma_start3A_175 = arith.constant 0 : i32
    %dma_start3A_176 = tpu.memref_slice %arg3[%dma_start3A_174, %dma_start3A_175] : memref<100x16xf32, #tpu.memory_space<hbm>> -> memref<100x16xf32, #tpu.memory_space<hbm>>
    tpu.enqueue_indirect_dma source(%dma_start3A_176 : memref<100x16xf32, #tpu.memory_space<hbm>>) target(%dma_start3A_173 : memref<128x16xf32, #tpu.memory_space<vmem>>) offsets(%arg5 : memref<128xi32, #tpu.memory_space<vmem>>) semaphore(%arg8 : memref<!tpu.dma_semaphore, #tpu.memory_space<semaphore_mem>>)
    %dma_wait3A_177 = arith.constant 1536 : i32
    %dma_wait3A_178 = arith.constant 0 : i32
    %dma_wait3A_179 = tpu.memref_slice %arg7[%dma_wait3A_177, %dma_wait3A_178] : memref<3200x16xf32, #tpu.memory_space<vmem>> -> memref<128x16xf32, #tpu.memory_space<vmem>>
    %dma_wait3A_180 = arith.constant 0 : i32
    %dma_wait3A_181 = arith.constant 0 : i32
    %dma_wait3A_182 = tpu.memref_slice %arg3[%dma_wait3A_180, %dma_wait3A_181] : memref<100x16xf32, #tpu.memory_space<hbm>> -> memref<100x16xf32, #tpu.memory_space<hbm>>
    tpu.wait_indirect_dma semaphore(%arg8 : memref<!tpu.dma_semaphore, #tpu.memory_space<semaphore_mem>>) src(%dma_wait3A_182 : memref<100x16xf32, #tpu.memory_space<hbm>>) dst(%dma_wait3A_179 : memref<128x16xf32, #tpu.memory_space<vmem>>)
    %add3A_183 = arith.constant 1792 : i32
    %add3A_184 = arith.addi %multiple_of3A, %add3A_183 : i32
    "tpu.region"() ({
      %run_scoped3A = tpu.sem_alloc : memref<!tpu.dma_semaphore, #tpu.memory_space<semaphore_mem>>
      %dma_start3A_349 = tpu.memref_slice %arg2[%add3A_184] : memref<102400xi32, #tpu.memory_space<hbm>> -> memref<128xi32, #tpu.memory_space<hbm>>
      %dma_start3A_350 = tpu.memref_slice %arg2[%add3A_184] : memref<102400xi32, #tpu.memory_space<hbm>> -> memref<128xi32, #tpu.memory_space<hbm>>
      tpu.enqueue_dma source(%dma_start3A_350 : memref<128xi32, #tpu.memory_space<hbm>>) target(%arg5 : memref<128xi32, #tpu.memory_space<vmem>>) target_semaphore(%run_scoped3A : memref<!tpu.dma_semaphore, #tpu.memory_space<semaphore_mem>>)
      %dma_wait3A_351 = tpu.memref_slice %arg2[%add3A_184] : memref<102400xi32, #tpu.memory_space<hbm>> -> memref<128xi32, #tpu.memory_space<hbm>>
      %dma_wait3A_352 = tpu.memref_slice %arg2[%add3A_184] : memref<102400xi32, #tpu.memory_space<hbm>> -> memref<128xi32, #tpu.memory_space<hbm>>
      tpu.wait_dma2 semaphore(%run_scoped3A : memref<!tpu.dma_semaphore, #tpu.memory_space<semaphore_mem>>) src(%dma_wait3A_352 : memref<128xi32, #tpu.memory_space<hbm>>) dst(%arg5 : memref<128xi32, #tpu.memory_space<vmem>>)
      tpu.yield
    }) : () -> ()
    %dma_start3A_185 = arith.constant 1664 : i32
    %dma_start3A_186 = arith.constant 0 : i32
    %dma_start3A_187 = tpu.memref_slice %arg7[%dma_start3A_185, %dma_start3A_186] : memref<3200x16xf32, #tpu.memory_space<vmem>> -> memref<128x16xf32, #tpu.memory_space<vmem>>
    %dma_start3A_188 = arith.constant 0 : i32
    %dma_start3A_189 = arith.constant 0 : i32
    %dma_start3A_190 = tpu.memref_slice %arg3[%dma_start3A_188, %dma_start3A_189] : memref<100x16xf32, #tpu.memory_space<hbm>> -> memref<100x16xf32, #tpu.memory_space<hbm>>
    tpu.enqueue_indirect_dma source(%dma_start3A_190 : memref<100x16xf32, #tpu.memory_space<hbm>>) target(%dma_start3A_187 : memref<128x16xf32, #tpu.memory_space<vmem>>) offsets(%arg6 : memref<128xi32, #tpu.memory_space<vmem>>) semaphore(%arg8 : memref<!tpu.dma_semaphore, #tpu.memory_space<semaphore_mem>>)
    %dma_wait3A_191 = arith.constant 1664 : i32
    %dma_wait3A_192 = arith.constant 0 : i32
    %dma_wait3A_193 = tpu.memref_slice %arg7[%dma_wait3A_191, %dma_wait3A_192] : memref<3200x16xf32, #tpu.memory_space<vmem>> -> memref<128x16xf32, #tpu.memory_space<vmem>>
    %dma_wait3A_194 = arith.constant 0 : i32
    %dma_wait3A_195 = arith.constant 0 : i32
    %dma_wait3A_196 = tpu.memref_slice %arg3[%dma_wait3A_194, %dma_wait3A_195] : memref<100x16xf32, #tpu.memory_space<hbm>> -> memref<100x16xf32, #tpu.memory_space<hbm>>
    tpu.wait_indirect_dma semaphore(%arg8 : memref<!tpu.dma_semaphore, #tpu.memory_space<semaphore_mem>>) src(%dma_wait3A_196 : memref<100x16xf32, #tpu.memory_space<hbm>>) dst(%dma_wait3A_193 : memref<128x16xf32, #tpu.memory_space<vmem>>)
    %add3A_197 = arith.constant 1920 : i32
    %add3A_198 = arith.addi %multiple_of3A, %add3A_197 : i32
    "tpu.region"() ({
      %run_scoped3A = tpu.sem_alloc : memref<!tpu.dma_semaphore, #tpu.memory_space<semaphore_mem>>
      %dma_start3A_349 = tpu.memref_slice %arg2[%add3A_198] : memref<102400xi32, #tpu.memory_space<hbm>> -> memref<128xi32, #tpu.memory_space<hbm>>
      %dma_start3A_350 = tpu.memref_slice %arg2[%add3A_198] : memref<102400xi32, #tpu.memory_space<hbm>> -> memref<128xi32, #tpu.memory_space<hbm>>
      tpu.enqueue_dma source(%dma_start3A_350 : memref<128xi32, #tpu.memory_space<hbm>>) target(%arg6 : memref<128xi32, #tpu.memory_space<vmem>>) target_semaphore(%run_scoped3A : memref<!tpu.dma_semaphore, #tpu.memory_space<semaphore_mem>>)
      %dma_wait3A_351 = tpu.memref_slice %arg2[%add3A_198] : memref<102400xi32, #tpu.memory_space<hbm>> -> memref<128xi32, #tpu.memory_space<hbm>>
      %dma_wait3A_352 = tpu.memref_slice %arg2[%add3A_198] : memref<102400xi32, #tpu.memory_space<hbm>> -> memref<128xi32, #tpu.memory_space<hbm>>
      tpu.wait_dma2 semaphore(%run_scoped3A : memref<!tpu.dma_semaphore, #tpu.memory_space<semaphore_mem>>) src(%dma_wait3A_352 : memref<128xi32, #tpu.memory_space<hbm>>) dst(%arg6 : memref<128xi32, #tpu.memory_space<vmem>>)
      tpu.yield
    }) : () -> ()
    %dma_start3A_199 = arith.constant 1792 : i32
    %dma_start3A_200 = arith.constant 0 : i32
    %dma_start3A_201 = tpu.memref_slice %arg7[%dma_start3A_199, %dma_start3A_200] : memref<3200x16xf32, #tpu.memory_space<vmem>> -> memref<128x16xf32, #tpu.memory_space<vmem>>
    %dma_start3A_202 = arith.constant 0 : i32
    %dma_start3A_203 = arith.constant 0 : i32
    %dma_start3A_204 = tpu.memref_slice %arg3[%dma_start3A_202, %dma_start3A_203] : memref<100x16xf32, #tpu.memory_space<hbm>> -> memref<100x16xf32, #tpu.memory_space<hbm>>
    tpu.enqueue_indirect_dma source(%dma_start3A_204 : memref<100x16xf32, #tpu.memory_space<hbm>>) target(%dma_start3A_201 : memref<128x16xf32, #tpu.memory_space<vmem>>) offsets(%arg5 : memref<128xi32, #tpu.memory_space<vmem>>) semaphore(%arg8 : memref<!tpu.dma_semaphore, #tpu.memory_space<semaphore_mem>>)
    %dma_wait3A_205 = arith.constant 1792 : i32
    %dma_wait3A_206 = arith.constant 0 : i32
    %dma_wait3A_207 = tpu.memref_slice %arg7[%dma_wait3A_205, %dma_wait3A_206] : memref<3200x16xf32, #tpu.memory_space<vmem>> -> memref<128x16xf32, #tpu.memory_space<vmem>>
    %dma_wait3A_208 = arith.constant 0 : i32
    %dma_wait3A_209 = arith.constant 0 : i32
    %dma_wait3A_210 = tpu.memref_slice %arg3[%dma_wait3A_208, %dma_wait3A_209] : memref<100x16xf32, #tpu.memory_space<hbm>> -> memref<100x16xf32, #tpu.memory_space<hbm>>
    tpu.wait_indirect_dma semaphore(%arg8 : memref<!tpu.dma_semaphore, #tpu.memory_space<semaphore_mem>>) src(%dma_wait3A_210 : memref<100x16xf32, #tpu.memory_space<hbm>>) dst(%dma_wait3A_207 : memref<128x16xf32, #tpu.memory_space<vmem>>)
    %add3A_211 = arith.constant 2048 : i32
    %add3A_212 = arith.addi %multiple_of3A, %add3A_211 : i32
    "tpu.region"() ({
      %run_scoped3A = tpu.sem_alloc : memref<!tpu.dma_semaphore, #tpu.memory_space<semaphore_mem>>
      %dma_start3A_349 = tpu.memref_slice %arg2[%add3A_212] : memref<102400xi32, #tpu.memory_space<hbm>> -> memref<128xi32, #tpu.memory_space<hbm>>
      %dma_start3A_350 = tpu.memref_slice %arg2[%add3A_212] : memref<102400xi32, #tpu.memory_space<hbm>> -> memref<128xi32, #tpu.memory_space<hbm>>
      tpu.enqueue_dma source(%dma_start3A_350 : memref<128xi32, #tpu.memory_space<hbm>>) target(%arg5 : memref<128xi32, #tpu.memory_space<vmem>>) target_semaphore(%run_scoped3A : memref<!tpu.dma_semaphore, #tpu.memory_space<semaphore_mem>>)
      %dma_wait3A_351 = tpu.memref_slice %arg2[%add3A_212] : memref<102400xi32, #tpu.memory_space<hbm>> -> memref<128xi32, #tpu.memory_space<hbm>>
      %dma_wait3A_352 = tpu.memref_slice %arg2[%add3A_212] : memref<102400xi32, #tpu.memory_space<hbm>> -> memref<128xi32, #tpu.memory_space<hbm>>
      tpu.wait_dma2 semaphore(%run_scoped3A : memref<!tpu.dma_semaphore, #tpu.memory_space<semaphore_mem>>) src(%dma_wait3A_352 : memref<128xi32, #tpu.memory_space<hbm>>) dst(%arg5 : memref<128xi32, #tpu.memory_space<vmem>>)
      tpu.yield
    }) : () -> ()
    %dma_start3A_213 = arith.constant 1920 : i32
    %dma_start3A_214 = arith.constant 0 : i32
    %dma_start3A_215 = tpu.memref_slice %arg7[%dma_start3A_213, %dma_start3A_214] : memref<3200x16xf32, #tpu.memory_space<vmem>> -> memref<128x16xf32, #tpu.memory_space<vmem>>
    %dma_start3A_216 = arith.constant 0 : i32
    %dma_start3A_217 = arith.constant 0 : i32
    %dma_start3A_218 = tpu.memref_slice %arg3[%dma_start3A_216, %dma_start3A_217] : memref<100x16xf32, #tpu.memory_space<hbm>> -> memref<100x16xf32, #tpu.memory_space<hbm>>
    tpu.enqueue_indirect_dma source(%dma_start3A_218 : memref<100x16xf32, #tpu.memory_space<hbm>>) target(%dma_start3A_215 : memref<128x16xf32, #tpu.memory_space<vmem>>) offsets(%arg6 : memref<128xi32, #tpu.memory_space<vmem>>) semaphore(%arg8 : memref<!tpu.dma_semaphore, #tpu.memory_space<semaphore_mem>>)
    %dma_wait3A_219 = arith.constant 1920 : i32
    %dma_wait3A_220 = arith.constant 0 : i32
    %dma_wait3A_221 = tpu.memref_slice %arg7[%dma_wait3A_219, %dma_wait3A_220] : memref<3200x16xf32, #tpu.memory_space<vmem>> -> memref<128x16xf32, #tpu.memory_space<vmem>>
    %dma_wait3A_222 = arith.constant 0 : i32
    %dma_wait3A_223 = arith.constant 0 : i32
    %dma_wait3A_224 = tpu.memref_slice %arg3[%dma_wait3A_222, %dma_wait3A_223] : memref<100x16xf32, #tpu.memory_space<hbm>> -> memref<100x16xf32, #tpu.memory_space<hbm>>
    tpu.wait_indirect_dma semaphore(%arg8 : memref<!tpu.dma_semaphore, #tpu.memory_space<semaphore_mem>>) src(%dma_wait3A_224 : memref<100x16xf32, #tpu.memory_space<hbm>>) dst(%dma_wait3A_221 : memref<128x16xf32, #tpu.memory_space<vmem>>)
    %add3A_225 = arith.constant 2176 : i32
    %add3A_226 = arith.addi %multiple_of3A, %add3A_225 : i32
    "tpu.region"() ({
      %run_scoped3A = tpu.sem_alloc : memref<!tpu.dma_semaphore, #tpu.memory_space<semaphore_mem>>
      %dma_start3A_349 = tpu.memref_slice %arg2[%add3A_226] : memref<102400xi32, #tpu.memory_space<hbm>> -> memref<128xi32, #tpu.memory_space<hbm>>
      %dma_start3A_350 = tpu.memref_slice %arg2[%add3A_226] : memref<102400xi32, #tpu.memory_space<hbm>> -> memref<128xi32, #tpu.memory_space<hbm>>
      tpu.enqueue_dma source(%dma_start3A_350 : memref<128xi32, #tpu.memory_space<hbm>>) target(%arg6 : memref<128xi32, #tpu.memory_space<vmem>>) target_semaphore(%run_scoped3A : memref<!tpu.dma_semaphore, #tpu.memory_space<semaphore_mem>>)
      %dma_wait3A_351 = tpu.memref_slice %arg2[%add3A_226] : memref<102400xi32, #tpu.memory_space<hbm>> -> memref<128xi32, #tpu.memory_space<hbm>>
      %dma_wait3A_352 = tpu.memref_slice %arg2[%add3A_226] : memref<102400xi32, #tpu.memory_space<hbm>> -> memref<128xi32, #tpu.memory_space<hbm>>
      tpu.wait_dma2 semaphore(%run_scoped3A : memref<!tpu.dma_semaphore, #tpu.memory_space<semaphore_mem>>) src(%dma_wait3A_352 : memref<128xi32, #tpu.memory_space<hbm>>) dst(%arg6 : memref<128xi32, #tpu.memory_space<vmem>>)
      tpu.yield
    }) : () -> ()
    %dma_start3A_227 = arith.constant 2048 : i32
    %dma_start3A_228 = arith.constant 0 : i32
    %dma_start3A_229 = tpu.memref_slice %arg7[%dma_start3A_227, %dma_start3A_228] : memref<3200x16xf32, #tpu.memory_space<vmem>> -> memref<128x16xf32, #tpu.memory_space<vmem>>
    %dma_start3A_230 = arith.constant 0 : i32
    %dma_start3A_231 = arith.constant 0 : i32
    %dma_start3A_232 = tpu.memref_slice %arg3[%dma_start3A_230, %dma_start3A_231] : memref<100x16xf32, #tpu.memory_space<hbm>> -> memref<100x16xf32, #tpu.memory_space<hbm>>
    tpu.enqueue_indirect_dma source(%dma_start3A_232 : memref<100x16xf32, #tpu.memory_space<hbm>>) target(%dma_start3A_229 : memref<128x16xf32, #tpu.memory_space<vmem>>) offsets(%arg5 : memref<128xi32, #tpu.memory_space<vmem>>) semaphore(%arg8 : memref<!tpu.dma_semaphore, #tpu.memory_space<semaphore_mem>>)
    %dma_wait3A_233 = arith.constant 2048 : i32
    %dma_wait3A_234 = arith.constant 0 : i32
    %dma_wait3A_235 = tpu.memref_slice %arg7[%dma_wait3A_233, %dma_wait3A_234] : memref<3200x16xf32, #tpu.memory_space<vmem>> -> memref<128x16xf32, #tpu.memory_space<vmem>>
    %dma_wait3A_236 = arith.constant 0 : i32
    %dma_wait3A_237 = arith.constant 0 : i32
    %dma_wait3A_238 = tpu.memref_slice %arg3[%dma_wait3A_236, %dma_wait3A_237] : memref<100x16xf32, #tpu.memory_space<hbm>> -> memref<100x16xf32, #tpu.memory_space<hbm>>
    tpu.wait_indirect_dma semaphore(%arg8 : memref<!tpu.dma_semaphore, #tpu.memory_space<semaphore_mem>>) src(%dma_wait3A_238 : memref<100x16xf32, #tpu.memory_space<hbm>>) dst(%dma_wait3A_235 : memref<128x16xf32, #tpu.memory_space<vmem>>)
    %add3A_239 = arith.constant 2304 : i32
    %add3A_240 = arith.addi %multiple_of3A, %add3A_239 : i32
    "tpu.region"() ({
      %run_scoped3A = tpu.sem_alloc : memref<!tpu.dma_semaphore, #tpu.memory_space<semaphore_mem>>
      %dma_start3A_349 = tpu.memref_slice %arg2[%add3A_240] : memref<102400xi32, #tpu.memory_space<hbm>> -> memref<128xi32, #tpu.memory_space<hbm>>
      %dma_start3A_350 = tpu.memref_slice %arg2[%add3A_240] : memref<102400xi32, #tpu.memory_space<hbm>> -> memref<128xi32, #tpu.memory_space<hbm>>
      tpu.enqueue_dma source(%dma_start3A_350 : memref<128xi32, #tpu.memory_space<hbm>>) target(%arg5 : memref<128xi32, #tpu.memory_space<vmem>>) target_semaphore(%run_scoped3A : memref<!tpu.dma_semaphore, #tpu.memory_space<semaphore_mem>>)
      %dma_wait3A_351 = tpu.memref_slice %arg2[%add3A_240] : memref<102400xi32, #tpu.memory_space<hbm>> -> memref<128xi32, #tpu.memory_space<hbm>>
      %dma_wait3A_352 = tpu.memref_slice %arg2[%add3A_240] : memref<102400xi32, #tpu.memory_space<hbm>> -> memref<128xi32, #tpu.memory_space<hbm>>
      tpu.wait_dma2 semaphore(%run_scoped3A : memref<!tpu.dma_semaphore, #tpu.memory_space<semaphore_mem>>) src(%dma_wait3A_352 : memref<128xi32, #tpu.memory_space<hbm>>) dst(%arg5 : memref<128xi32, #tpu.memory_space<vmem>>)
      tpu.yield
    }) : () -> ()
    %dma_start3A_241 = arith.constant 2176 : i32
    %dma_start3A_242 = arith.constant 0 : i32
    %dma_start3A_243 = tpu.memref_slice %arg7[%dma_start3A_241, %dma_start3A_242] : memref<3200x16xf32, #tpu.memory_space<vmem>> -> memref<128x16xf32, #tpu.memory_space<vmem>>
    %dma_start3A_244 = arith.constant 0 : i32
    %dma_start3A_245 = arith.constant 0 : i32
    %dma_start3A_246 = tpu.memref_slice %arg3[%dma_start3A_244, %dma_start3A_245] : memref<100x16xf32, #tpu.memory_space<hbm>> -> memref<100x16xf32, #tpu.memory_space<hbm>>
    tpu.enqueue_indirect_dma source(%dma_start3A_246 : memref<100x16xf32, #tpu.memory_space<hbm>>) target(%dma_start3A_243 : memref<128x16xf32, #tpu.memory_space<vmem>>) offsets(%arg6 : memref<128xi32, #tpu.memory_space<vmem>>) semaphore(%arg8 : memref<!tpu.dma_semaphore, #tpu.memory_space<semaphore_mem>>)
    %dma_wait3A_247 = arith.constant 2176 : i32
    %dma_wait3A_248 = arith.constant 0 : i32
    %dma_wait3A_249 = tpu.memref_slice %arg7[%dma_wait3A_247, %dma_wait3A_248] : memref<3200x16xf32, #tpu.memory_space<vmem>> -> memref<128x16xf32, #tpu.memory_space<vmem>>
    %dma_wait3A_250 = arith.constant 0 : i32
    %dma_wait3A_251 = arith.constant 0 : i32
    %dma_wait3A_252 = tpu.memref_slice %arg3[%dma_wait3A_250, %dma_wait3A_251] : memref<100x16xf32, #tpu.memory_space<hbm>> -> memref<100x16xf32, #tpu.memory_space<hbm>>
    tpu.wait_indirect_dma semaphore(%arg8 : memref<!tpu.dma_semaphore, #tpu.memory_space<semaphore_mem>>) src(%dma_wait3A_252 : memref<100x16xf32, #tpu.memory_space<hbm>>) dst(%dma_wait3A_249 : memref<128x16xf32, #tpu.memory_space<vmem>>)
    %add3A_253 = arith.constant 2432 : i32
    %add3A_254 = arith.addi %multiple_of3A, %add3A_253 : i32
    "tpu.region"() ({
      %run_scoped3A = tpu.sem_alloc : memref<!tpu.dma_semaphore, #tpu.memory_space<semaphore_mem>>
      %dma_start3A_349 = tpu.memref_slice %arg2[%add3A_254] : memref<102400xi32, #tpu.memory_space<hbm>> -> memref<128xi32, #tpu.memory_space<hbm>>
      %dma_start3A_350 = tpu.memref_slice %arg2[%add3A_254] : memref<102400xi32, #tpu.memory_space<hbm>> -> memref<128xi32, #tpu.memory_space<hbm>>
      tpu.enqueue_dma source(%dma_start3A_350 : memref<128xi32, #tpu.memory_space<hbm>>) target(%arg6 : memref<128xi32, #tpu.memory_space<vmem>>) target_semaphore(%run_scoped3A : memref<!tpu.dma_semaphore, #tpu.memory_space<semaphore_mem>>)
      %dma_wait3A_351 = tpu.memref_slice %arg2[%add3A_254] : memref<102400xi32, #tpu.memory_space<hbm>> -> memref<128xi32, #tpu.memory_space<hbm>>
      %dma_wait3A_352 = tpu.memref_slice %arg2[%add3A_254] : memref<102400xi32, #tpu.memory_space<hbm>> -> memref<128xi32, #tpu.memory_space<hbm>>
      tpu.wait_dma2 semaphore(%run_scoped3A : memref<!tpu.dma_semaphore, #tpu.memory_space<semaphore_mem>>) src(%dma_wait3A_352 : memref<128xi32, #tpu.memory_space<hbm>>) dst(%arg6 : memref<128xi32, #tpu.memory_space<vmem>>)
      tpu.yield
    }) : () -> ()
    %dma_start3A_255 = arith.constant 2304 : i32
    %dma_start3A_256 = arith.constant 0 : i32
    %dma_start3A_257 = tpu.memref_slice %arg7[%dma_start3A_255, %dma_start3A_256] : memref<3200x16xf32, #tpu.memory_space<vmem>> -> memref<128x16xf32, #tpu.memory_space<vmem>>
    %dma_start3A_258 = arith.constant 0 : i32
    %dma_start3A_259 = arith.constant 0 : i32
    %dma_start3A_260 = tpu.memref_slice %arg3[%dma_start3A_258, %dma_start3A_259] : memref<100x16xf32, #tpu.memory_space<hbm>> -> memref<100x16xf32, #tpu.memory_space<hbm>>
    tpu.enqueue_indirect_dma source(%dma_start3A_260 : memref<100x16xf32, #tpu.memory_space<hbm>>) target(%dma_start3A_257 : memref<128x16xf32, #tpu.memory_space<vmem>>) offsets(%arg5 : memref<128xi32, #tpu.memory_space<vmem>>) semaphore(%arg8 : memref<!tpu.dma_semaphore, #tpu.memory_space<semaphore_mem>>)
    %dma_wait3A_261 = arith.constant 2304 : i32
    %dma_wait3A_262 = arith.constant 0 : i32
    %dma_wait3A_263 = tpu.memref_slice %arg7[%dma_wait3A_261, %dma_wait3A_262] : memref<3200x16xf32, #tpu.memory_space<vmem>> -> memref<128x16xf32, #tpu.memory_space<vmem>>
    %dma_wait3A_264 = arith.constant 0 : i32
    %dma_wait3A_265 = arith.constant 0 : i32
    %dma_wait3A_266 = tpu.memref_slice %arg3[%dma_wait3A_264, %dma_wait3A_265] : memref<100x16xf32, #tpu.memory_space<hbm>> -> memref<100x16xf32, #tpu.memory_space<hbm>>
    tpu.wait_indirect_dma semaphore(%arg8 : memref<!tpu.dma_semaphore, #tpu.memory_space<semaphore_mem>>) src(%dma_wait3A_266 : memref<100x16xf32, #tpu.memory_space<hbm>>) dst(%dma_wait3A_263 : memref<128x16xf32, #tpu.memory_space<vmem>>)
    %add3A_267 = arith.constant 2560 : i32
    %add3A_268 = arith.addi %multiple_of3A, %add3A_267 : i32
    "tpu.region"() ({
      %run_scoped3A = tpu.sem_alloc : memref<!tpu.dma_semaphore, #tpu.memory_space<semaphore_mem>>
      %dma_start3A_349 = tpu.memref_slice %arg2[%add3A_268] : memref<102400xi32, #tpu.memory_space<hbm>> -> memref<128xi32, #tpu.memory_space<hbm>>
      %dma_start3A_350 = tpu.memref_slice %arg2[%add3A_268] : memref<102400xi32, #tpu.memory_space<hbm>> -> memref<128xi32, #tpu.memory_space<hbm>>
      tpu.enqueue_dma source(%dma_start3A_350 : memref<128xi32, #tpu.memory_space<hbm>>) target(%arg5 : memref<128xi32, #tpu.memory_space<vmem>>) target_semaphore(%run_scoped3A : memref<!tpu.dma_semaphore, #tpu.memory_space<semaphore_mem>>)
      %dma_wait3A_351 = tpu.memref_slice %arg2[%add3A_268] : memref<102400xi32, #tpu.memory_space<hbm>> -> memref<128xi32, #tpu.memory_space<hbm>>
      %dma_wait3A_352 = tpu.memref_slice %arg2[%add3A_268] : memref<102400xi32, #tpu.memory_space<hbm>> -> memref<128xi32, #tpu.memory_space<hbm>>
      tpu.wait_dma2 semaphore(%run_scoped3A : memref<!tpu.dma_semaphore, #tpu.memory_space<semaphore_mem>>) src(%dma_wait3A_352 : memref<128xi32, #tpu.memory_space<hbm>>) dst(%arg5 : memref<128xi32, #tpu.memory_space<vmem>>)
      tpu.yield
    }) : () -> ()
    %dma_start3A_269 = arith.constant 2432 : i32
    %dma_start3A_270 = arith.constant 0 : i32
    %dma_start3A_271 = tpu.memref_slice %arg7[%dma_start3A_269, %dma_start3A_270] : memref<3200x16xf32, #tpu.memory_space<vmem>> -> memref<128x16xf32, #tpu.memory_space<vmem>>
    %dma_start3A_272 = arith.constant 0 : i32
    %dma_start3A_273 = arith.constant 0 : i32
    %dma_start3A_274 = tpu.memref_slice %arg3[%dma_start3A_272, %dma_start3A_273] : memref<100x16xf32, #tpu.memory_space<hbm>> -> memref<100x16xf32, #tpu.memory_space<hbm>>
    tpu.enqueue_indirect_dma source(%dma_start3A_274 : memref<100x16xf32, #tpu.memory_space<hbm>>) target(%dma_start3A_271 : memref<128x16xf32, #tpu.memory_space<vmem>>) offsets(%arg6 : memref<128xi32, #tpu.memory_space<vmem>>) semaphore(%arg8 : memref<!tpu.dma_semaphore, #tpu.memory_space<semaphore_mem>>)
    %dma_wait3A_275 = arith.constant 2432 : i32
    %dma_wait3A_276 = arith.constant 0 : i32
    %dma_wait3A_277 = tpu.memref_slice %arg7[%dma_wait3A_275, %dma_wait3A_276] : memref<3200x16xf32, #tpu.memory_space<vmem>> -> memref<128x16xf32, #tpu.memory_space<vmem>>
    %dma_wait3A_278 = arith.constant 0 : i32
    %dma_wait3A_279 = arith.constant 0 : i32
    %dma_wait3A_280 = tpu.memref_slice %arg3[%dma_wait3A_278, %dma_wait3A_279] : memref<100x16xf32, #tpu.memory_space<hbm>> -> memref<100x16xf32, #tpu.memory_space<hbm>>
    tpu.wait_indirect_dma semaphore(%arg8 : memref<!tpu.dma_semaphore, #tpu.memory_space<semaphore_mem>>) src(%dma_wait3A_280 : memref<100x16xf32, #tpu.memory_space<hbm>>) dst(%dma_wait3A_277 : memref<128x16xf32, #tpu.memory_space<vmem>>)
    %add3A_281 = arith.constant 2688 : i32
    %add3A_282 = arith.addi %multiple_of3A, %add3A_281 : i32
    "tpu.region"() ({
      %run_scoped3A = tpu.sem_alloc : memref<!tpu.dma_semaphore, #tpu.memory_space<semaphore_mem>>
      %dma_start3A_349 = tpu.memref_slice %arg2[%add3A_282] : memref<102400xi32, #tpu.memory_space<hbm>> -> memref<128xi32, #tpu.memory_space<hbm>>
      %dma_start3A_350 = tpu.memref_slice %arg2[%add3A_282] : memref<102400xi32, #tpu.memory_space<hbm>> -> memref<128xi32, #tpu.memory_space<hbm>>
      tpu.enqueue_dma source(%dma_start3A_350 : memref<128xi32, #tpu.memory_space<hbm>>) target(%arg6 : memref<128xi32, #tpu.memory_space<vmem>>) target_semaphore(%run_scoped3A : memref<!tpu.dma_semaphore, #tpu.memory_space<semaphore_mem>>)
      %dma_wait3A_351 = tpu.memref_slice %arg2[%add3A_282] : memref<102400xi32, #tpu.memory_space<hbm>> -> memref<128xi32, #tpu.memory_space<hbm>>
      %dma_wait3A_352 = tpu.memref_slice %arg2[%add3A_282] : memref<102400xi32, #tpu.memory_space<hbm>> -> memref<128xi32, #tpu.memory_space<hbm>>
      tpu.wait_dma2 semaphore(%run_scoped3A : memref<!tpu.dma_semaphore, #tpu.memory_space<semaphore_mem>>) src(%dma_wait3A_352 : memref<128xi32, #tpu.memory_space<hbm>>) dst(%arg6 : memref<128xi32, #tpu.memory_space<vmem>>)
      tpu.yield
    }) : () -> ()
    %dma_start3A_283 = arith.constant 2560 : i32
    %dma_start3A_284 = arith.constant 0 : i32
    %dma_start3A_285 = tpu.memref_slice %arg7[%dma_start3A_283, %dma_start3A_284] : memref<3200x16xf32, #tpu.memory_space<vmem>> -> memref<128x16xf32, #tpu.memory_space<vmem>>
    %dma_start3A_286 = arith.constant 0 : i32
    %dma_start3A_287 = arith.constant 0 : i32
    %dma_start3A_288 = tpu.memref_slice %arg3[%dma_start3A_286, %dma_start3A_287] : memref<100x16xf32, #tpu.memory_space<hbm>> -> memref<100x16xf32, #tpu.memory_space<hbm>>
    tpu.enqueue_indirect_dma source(%dma_start3A_288 : memref<100x16xf32, #tpu.memory_space<hbm>>) target(%dma_start3A_285 : memref<128x16xf32, #tpu.memory_space<vmem>>) offsets(%arg5 : memref<128xi32, #tpu.memory_space<vmem>>) semaphore(%arg8 : memref<!tpu.dma_semaphore, #tpu.memory_space<semaphore_mem>>)
    %dma_wait3A_289 = arith.constant 2560 : i32
    %dma_wait3A_290 = arith.constant 0 : i32
    %dma_wait3A_291 = tpu.memref_slice %arg7[%dma_wait3A_289, %dma_wait3A_290] : memref<3200x16xf32, #tpu.memory_space<vmem>> -> memref<128x16xf32, #tpu.memory_space<vmem>>
    %dma_wait3A_292 = arith.constant 0 : i32
    %dma_wait3A_293 = arith.constant 0 : i32
    %dma_wait3A_294 = tpu.memref_slice %arg3[%dma_wait3A_292, %dma_wait3A_293] : memref<100x16xf32, #tpu.memory_space<hbm>> -> memref<100x16xf32, #tpu.memory_space<hbm>>
    tpu.wait_indirect_dma semaphore(%arg8 : memref<!tpu.dma_semaphore, #tpu.memory_space<semaphore_mem>>) src(%dma_wait3A_294 : memref<100x16xf32, #tpu.memory_space<hbm>>) dst(%dma_wait3A_291 : memref<128x16xf32, #tpu.memory_space<vmem>>)
    %add3A_295 = arith.constant 2816 : i32
    %add3A_296 = arith.addi %multiple_of3A, %add3A_295 : i32
    "tpu.region"() ({
      %run_scoped3A = tpu.sem_alloc : memref<!tpu.dma_semaphore, #tpu.memory_space<semaphore_mem>>
      %dma_start3A_349 = tpu.memref_slice %arg2[%add3A_296] : memref<102400xi32, #tpu.memory_space<hbm>> -> memref<128xi32, #tpu.memory_space<hbm>>
      %dma_start3A_350 = tpu.memref_slice %arg2[%add3A_296] : memref<102400xi32, #tpu.memory_space<hbm>> -> memref<128xi32, #tpu.memory_space<hbm>>
      tpu.enqueue_dma source(%dma_start3A_350 : memref<128xi32, #tpu.memory_space<hbm>>) target(%arg5 : memref<128xi32, #tpu.memory_space<vmem>>) target_semaphore(%run_scoped3A : memref<!tpu.dma_semaphore, #tpu.memory_space<semaphore_mem>>)
      %dma_wait3A_351 = tpu.memref_slice %arg2[%add3A_296] : memref<102400xi32, #tpu.memory_space<hbm>> -> memref<128xi32, #tpu.memory_space<hbm>>
      %dma_wait3A_352 = tpu.memref_slice %arg2[%add3A_296] : memref<102400xi32, #tpu.memory_space<hbm>> -> memref<128xi32, #tpu.memory_space<hbm>>
      tpu.wait_dma2 semaphore(%run_scoped3A : memref<!tpu.dma_semaphore, #tpu.memory_space<semaphore_mem>>) src(%dma_wait3A_352 : memref<128xi32, #tpu.memory_space<hbm>>) dst(%arg5 : memref<128xi32, #tpu.memory_space<vmem>>)
      tpu.yield
    }) : () -> ()
    %dma_start3A_297 = arith.constant 2688 : i32
    %dma_start3A_298 = arith.constant 0 : i32
    %dma_start3A_299 = tpu.memref_slice %arg7[%dma_start3A_297, %dma_start3A_298] : memref<3200x16xf32, #tpu.memory_space<vmem>> -> memref<128x16xf32, #tpu.memory_space<vmem>>
    %dma_start3A_300 = arith.constant 0 : i32
    %dma_start3A_301 = arith.constant 0 : i32
    %dma_start3A_302 = tpu.memref_slice %arg3[%dma_start3A_300, %dma_start3A_301] : memref<100x16xf32, #tpu.memory_space<hbm>> -> memref<100x16xf32, #tpu.memory_space<hbm>>
    tpu.enqueue_indirect_dma source(%dma_start3A_302 : memref<100x16xf32, #tpu.memory_space<hbm>>) target(%dma_start3A_299 : memref<128x16xf32, #tpu.memory_space<vmem>>) offsets(%arg6 : memref<128xi32, #tpu.memory_space<vmem>>) semaphore(%arg8 : memref<!tpu.dma_semaphore, #tpu.memory_space<semaphore_mem>>)
    %dma_wait3A_303 = arith.constant 2688 : i32
    %dma_wait3A_304 = arith.constant 0 : i32
    %dma_wait3A_305 = tpu.memref_slice %arg7[%dma_wait3A_303, %dma_wait3A_304] : memref<3200x16xf32, #tpu.memory_space<vmem>> -> memref<128x16xf32, #tpu.memory_space<vmem>>
    %dma_wait3A_306 = arith.constant 0 : i32
    %dma_wait3A_307 = arith.constant 0 : i32
    %dma_wait3A_308 = tpu.memref_slice %arg3[%dma_wait3A_306, %dma_wait3A_307] : memref<100x16xf32, #tpu.memory_space<hbm>> -> memref<100x16xf32, #tpu.memory_space<hbm>>
    tpu.wait_indirect_dma semaphore(%arg8 : memref<!tpu.dma_semaphore, #tpu.memory_space<semaphore_mem>>) src(%dma_wait3A_308 : memref<100x16xf32, #tpu.memory_space<hbm>>) dst(%dma_wait3A_305 : memref<128x16xf32, #tpu.memory_space<vmem>>)
    %add3A_309 = arith.constant 2944 : i32
    %add3A_310 = arith.addi %multiple_of3A, %add3A_309 : i32
    "tpu.region"() ({
      %run_scoped3A = tpu.sem_alloc : memref<!tpu.dma_semaphore, #tpu.memory_space<semaphore_mem>>
      %dma_start3A_349 = tpu.memref_slice %arg2[%add3A_310] : memref<102400xi32, #tpu.memory_space<hbm>> -> memref<128xi32, #tpu.memory_space<hbm>>
      %dma_start3A_350 = tpu.memref_slice %arg2[%add3A_310] : memref<102400xi32, #tpu.memory_space<hbm>> -> memref<128xi32, #tpu.memory_space<hbm>>
      tpu.enqueue_dma source(%dma_start3A_350 : memref<128xi32, #tpu.memory_space<hbm>>) target(%arg6 : memref<128xi32, #tpu.memory_space<vmem>>) target_semaphore(%run_scoped3A : memref<!tpu.dma_semaphore, #tpu.memory_space<semaphore_mem>>)
      %dma_wait3A_351 = tpu.memref_slice %arg2[%add3A_310] : memref<102400xi32, #tpu.memory_space<hbm>> -> memref<128xi32, #tpu.memory_space<hbm>>
      %dma_wait3A_352 = tpu.memref_slice %arg2[%add3A_310] : memref<102400xi32, #tpu.memory_space<hbm>> -> memref<128xi32, #tpu.memory_space<hbm>>
      tpu.wait_dma2 semaphore(%run_scoped3A : memref<!tpu.dma_semaphore, #tpu.memory_space<semaphore_mem>>) src(%dma_wait3A_352 : memref<128xi32, #tpu.memory_space<hbm>>) dst(%arg6 : memref<128xi32, #tpu.memory_space<vmem>>)
      tpu.yield
    }) : () -> ()
    %dma_start3A_311 = arith.constant 2816 : i32
    %dma_start3A_312 = arith.constant 0 : i32
    %dma_start3A_313 = tpu.memref_slice %arg7[%dma_start3A_311, %dma_start3A_312] : memref<3200x16xf32, #tpu.memory_space<vmem>> -> memref<128x16xf32, #tpu.memory_space<vmem>>
    %dma_start3A_314 = arith.constant 0 : i32
    %dma_start3A_315 = arith.constant 0 : i32
    %dma_start3A_316 = tpu.memref_slice %arg3[%dma_start3A_314, %dma_start3A_315] : memref<100x16xf32, #tpu.memory_space<hbm>> -> memref<100x16xf32, #tpu.memory_space<hbm>>
    tpu.enqueue_indirect_dma source(%dma_start3A_316 : memref<100x16xf32, #tpu.memory_space<hbm>>) target(%dma_start3A_313 : memref<128x16xf32, #tpu.memory_space<vmem>>) offsets(%arg5 : memref<128xi32, #tpu.memory_space<vmem>>) semaphore(%arg8 : memref<!tpu.dma_semaphore, #tpu.memory_space<semaphore_mem>>)
    %dma_wait3A_317 = arith.constant 2816 : i32
    %dma_wait3A_318 = arith.constant 0 : i32
    %dma_wait3A_319 = tpu.memref_slice %arg7[%dma_wait3A_317, %dma_wait3A_318] : memref<3200x16xf32, #tpu.memory_space<vmem>> -> memref<128x16xf32, #tpu.memory_space<vmem>>
    %dma_wait3A_320 = arith.constant 0 : i32
    %dma_wait3A_321 = arith.constant 0 : i32
    %dma_wait3A_322 = tpu.memref_slice %arg3[%dma_wait3A_320, %dma_wait3A_321] : memref<100x16xf32, #tpu.memory_space<hbm>> -> memref<100x16xf32, #tpu.memory_space<hbm>>
    tpu.wait_indirect_dma semaphore(%arg8 : memref<!tpu.dma_semaphore, #tpu.memory_space<semaphore_mem>>) src(%dma_wait3A_322 : memref<100x16xf32, #tpu.memory_space<hbm>>) dst(%dma_wait3A_319 : memref<128x16xf32, #tpu.memory_space<vmem>>)
    %add3A_323 = arith.constant 3072 : i32
    %add3A_324 = arith.addi %multiple_of3A, %add3A_323 : i32
    "tpu.region"() ({
      %run_scoped3A = tpu.sem_alloc : memref<!tpu.dma_semaphore, #tpu.memory_space<semaphore_mem>>
      %dma_start3A_349 = tpu.memref_slice %arg2[%add3A_324] : memref<102400xi32, #tpu.memory_space<hbm>> -> memref<128xi32, #tpu.memory_space<hbm>>
      %dma_start3A_350 = tpu.memref_slice %arg2[%add3A_324] : memref<102400xi32, #tpu.memory_space<hbm>> -> memref<128xi32, #tpu.memory_space<hbm>>
      tpu.enqueue_dma source(%dma_start3A_350 : memref<128xi32, #tpu.memory_space<hbm>>) target(%arg5 : memref<128xi32, #tpu.memory_space<vmem>>) target_semaphore(%run_scoped3A : memref<!tpu.dma_semaphore, #tpu.memory_space<semaphore_mem>>)
      %dma_wait3A_351 = tpu.memref_slice %arg2[%add3A_324] : memref<102400xi32, #tpu.memory_space<hbm>> -> memref<128xi32, #tpu.memory_space<hbm>>
      %dma_wait3A_352 = tpu.memref_slice %arg2[%add3A_324] : memref<102400xi32, #tpu.memory_space<hbm>> -> memref<128xi32, #tpu.memory_space<hbm>>
      tpu.wait_dma2 semaphore(%run_scoped3A : memref<!tpu.dma_semaphore, #tpu.memory_space<semaphore_mem>>) src(%dma_wait3A_352 : memref<128xi32, #tpu.memory_space<hbm>>) dst(%arg5 : memref<128xi32, #tpu.memory_space<vmem>>)
      tpu.yield
    }) : () -> ()
    %dma_start3A_325 = arith.constant 2944 : i32
    %dma_start3A_326 = arith.constant 0 : i32
    %dma_start3A_327 = tpu.memref_slice %arg7[%dma_start3A_325, %dma_start3A_326] : memref<3200x16xf32, #tpu.memory_space<vmem>> -> memref<128x16xf32, #tpu.memory_space<vmem>>
    %dma_start3A_328 = arith.constant 0 : i32
    %dma_start3A_329 = arith.constant 0 : i32
    %dma_start3A_330 = tpu.memref_slice %arg3[%dma_start3A_328, %dma_start3A_329] : memref<100x16xf32, #tpu.memory_space<hbm>> -> memref<100x16xf32, #tpu.memory_space<hbm>>
    tpu.enqueue_indirect_dma source(%dma_start3A_330 : memref<100x16xf32, #tpu.memory_space<hbm>>) target(%dma_start3A_327 : memref<128x16xf32, #tpu.memory_space<vmem>>) offsets(%arg6 : memref<128xi32, #tpu.memory_space<vmem>>) semaphore(%arg8 : memref<!tpu.dma_semaphore, #tpu.memory_space<semaphore_mem>>)
    %dma_start3A_331 = arith.constant 3072 : i32
    %dma_start3A_332 = arith.constant 0 : i32
    %dma_start3A_333 = tpu.memref_slice %arg7[%dma_start3A_331, %dma_start3A_332] : memref<3200x16xf32, #tpu.memory_space<vmem>> -> memref<128x16xf32, #tpu.memory_space<vmem>>
    %dma_start3A_334 = arith.constant 0 : i32
    %dma_start3A_335 = arith.constant 0 : i32
    %dma_start3A_336 = tpu.memref_slice %arg3[%dma_start3A_334, %dma_start3A_335] : memref<100x16xf32, #tpu.memory_space<hbm>> -> memref<100x16xf32, #tpu.memory_space<hbm>>
    tpu.enqueue_indirect_dma source(%dma_start3A_336 : memref<100x16xf32, #tpu.memory_space<hbm>>) target(%dma_start3A_333 : memref<128x16xf32, #tpu.memory_space<vmem>>) offsets(%arg5 : memref<128xi32, #tpu.memory_space<vmem>>) semaphore(%arg8 : memref<!tpu.dma_semaphore, #tpu.memory_space<semaphore_mem>>)
    %dma_wait3A_337 = arith.constant 3072 : i32
    %dma_wait3A_338 = arith.constant 0 : i32
    %dma_wait3A_339 = tpu.memref_slice %arg7[%dma_wait3A_337, %dma_wait3A_338] : memref<3200x16xf32, #tpu.memory_space<vmem>> -> memref<128x16xf32, #tpu.memory_space<vmem>>
    %dma_wait3A_340 = arith.constant 0 : i32
    %dma_wait3A_341 = arith.constant 0 : i32
    %dma_wait3A_342 = tpu.memref_slice %arg3[%dma_wait3A_340, %dma_wait3A_341] : memref<100x16xf32, #tpu.memory_space<hbm>> -> memref<100x16xf32, #tpu.memory_space<hbm>>
    tpu.wait_indirect_dma semaphore(%arg8 : memref<!tpu.dma_semaphore, #tpu.memory_space<semaphore_mem>>) src(%dma_wait3A_342 : memref<100x16xf32, #tpu.memory_space<hbm>>) dst(%dma_wait3A_339 : memref<128x16xf32, #tpu.memory_space<vmem>>)
    %dma_wait3A_343 = arith.constant 2944 : i32
    %dma_wait3A_344 = arith.constant 0 : i32
    %dma_wait3A_345 = tpu.memref_slice %arg7[%dma_wait3A_343, %dma_wait3A_344] : memref<3200x16xf32, #tpu.memory_space<vmem>> -> memref<128x16xf32, #tpu.memory_space<vmem>>
    %dma_wait3A_346 = arith.constant 0 : i32
    %dma_wait3A_347 = arith.constant 0 : i32
    %dma_wait3A_348 = tpu.memref_slice %arg3[%dma_wait3A_346, %dma_wait3A_347] : memref<100x16xf32, #tpu.memory_space<hbm>> -> memref<100x16xf32, #tpu.memory_space<hbm>>
    tpu.wait_indirect_dma semaphore(%arg8 : memref<!tpu.dma_semaphore, #tpu.memory_space<semaphore_mem>>) src(%dma_wait3A_348 : memref<100x16xf32, #tpu.memory_space<hbm>>) dst(%dma_wait3A_345 : memref<128x16xf32, #tpu.memory_space<vmem>>)
    "tpu.region"() ({
      %run_scoped3A = tpu.sem_alloc : memref<!tpu.dma_semaphore, #tpu.memory_space<semaphore_mem>>
      %dma_start3A_349 = arith.constant 0 : i32
      %dma_start3A_350 = tpu.memref_slice %arg4[%multiple_of3A, %dma_start3A_349] : memref<102400x16xf32, #tpu.memory_space<hbm>> -> memref<3200x16xf32, #tpu.memory_space<hbm>>
      %dma_start3A_351 = arith.constant 0 : i32
      %dma_start3A_352 = tpu.memref_slice %arg4[%multiple_of3A, %dma_start3A_351] : memref<102400x16xf32, #tpu.memory_space<hbm>> -> memref<3200x16xf32, #tpu.memory_space<hbm>>
      tpu.enqueue_dma source(%arg7 : memref<3200x16xf32, #tpu.memory_space<vmem>>) target(%dma_start3A_352 : memref<3200x16xf32, #tpu.memory_space<hbm>>) target_semaphore(%run_scoped3A : memref<!tpu.dma_semaphore, #tpu.memory_space<semaphore_mem>>)
      %dma_wait3A_353 = arith.constant 0 : i32
      %dma_wait3A_354 = tpu.memref_slice %arg4[%multiple_of3A, %dma_wait3A_353] : memref<102400x16xf32, #tpu.memory_space<hbm>> -> memref<3200x16xf32, #tpu.memory_space<hbm>>
      %dma_wait3A_355 = arith.constant 0 : i32
      %dma_wait3A_356 = tpu.memref_slice %arg4[%multiple_of3A, %dma_wait3A_355] : memref<102400x16xf32, #tpu.memory_space<hbm>> -> memref<3200x16xf32, #tpu.memory_space<hbm>>
      tpu.wait_dma2 semaphore(%run_scoped3A : memref<!tpu.dma_semaphore, #tpu.memory_space<semaphore_mem>>) src(%arg7 : memref<3200x16xf32, #tpu.memory_space<vmem>>) dst(%dma_wait3A_356 : memref<3200x16xf32, #tpu.memory_space<hbm>>)
      tpu.yield
    }) : () -> ()
    return
  }
}

module attributes {stable_mosaic.version = 14 : i64} {
  func.func @_filter_body(%arg0: i32, %arg1: memref<1x1x16384xf32, #tpu.memory_space<vmem>>, %arg2: memref<16x16xf32, #tpu.memory_space<vmem>>, %arg3: memref<1x16xf32, #tpu.memory_space<vmem>>, %arg4: memref<16x16xf32, #tpu.memory_space<vmem>>, %arg5: memref<1x16xf32, #tpu.memory_space<vmem>>, %arg6: memref<16384x16xf32, #tpu.memory_space<vmem>>) attributes {dimension_semantics = [#tpu.dimension_semantics<arbitrary>], iteration_bounds = array<i64: 196>, scalar_prefetch = 0 : i64, scratch_operands = 0 : i64, tpu.core_type = #tpu.core_type<tc>, window_params = [{transform_indices = @transform_0, window_bounds = array<i64: 1, 1, 16384>}, {pipeline_mode = #tpu.pipeline_mode<synchronous>, transform_indices = @transform_1, window_bounds = array<i64: 16, 16>}, {pipeline_mode = #tpu.pipeline_mode<synchronous>, transform_indices = @transform_2, window_bounds = array<i64: 1, 16>}, {pipeline_mode = #tpu.pipeline_mode<synchronous>, transform_indices = @transform_3, window_bounds = array<i64: 16, 16>}, {pipeline_mode = #tpu.pipeline_mode<synchronous>, transform_indices = @transform_4, window_bounds = array<i64: 1, 16>}, {transform_indices = @transform_5, window_bounds = array<i64: 16384, 16>}]} {
    %get3A = arith.constant 0 : index
    %get3A_0 = arith.constant 0 : index
    %get3A_1 = arith.constant 0 : index
    %get3A_2 = vector.load %arg1[%get3A, %get3A_0, %get3A_1] : memref<1x1x16384xf32, #tpu.memory_space<vmem>>, vector<1x1x16384xf32>
    %get3A_3 = vector.shape_cast %get3A_2 : vector<1x1x16384xf32> to vector<16384xf32>
    %iota3A = tpu.iota {dimensions = array<i32: 1>} : vector<16384x16xi32>
    %convert_element_type3A = arith.sitofp %iota3A : vector<16384x16xi32> to vector<16384x16xf32>
    %mul3A = arith.constant 0.441009134 : f32
    %mul3A_4 = vector.broadcast %mul3A : f32 to vector<16384x16xf32>
    %mul3A_5 = arith.mulf %convert_element_type3A, %mul3A_4 : vector<16384x16xf32>
    %add3A = arith.constant 0.94486308 : f32
    %add3A_6 = vector.broadcast %add3A : f32 to vector<16384x16xf32>
    %add3A_7 = arith.addf %add3A_6, %mul3A_5 : vector<16384x16xf32>
    %broadcast_in_dim3A = vector.shape_cast %get3A_3 : vector<16384xf32> to vector<16384x1xf32>
    %sub3A = vector.broadcast %broadcast_in_dim3A : vector<16384x1xf32> to vector<16384x16xf32>
    %sub3A_8 = arith.subf %sub3A, %add3A_7 : vector<16384x16xf32>
    %mul3A_9 = arith.constant 2.41869521 : f32
    %mul3A_10 = vector.broadcast %mul3A_9 : f32 to vector<16384x16xf32>
    %mul3A_11 = arith.mulf %sub3A_8, %mul3A_10 : vector<16384x16xf32>
    %mul3A_12 = arith.constant -5.000000e-01 : f32
    %mul3A_13 = vector.broadcast %mul3A_12 : f32 to vector<16384x16xf32>
    %mul3A_14 = arith.mulf %mul3A_13, %mul3A_11 : vector<16384x16xf32>
    %mul3A_15 = arith.mulf %mul3A_14, %mul3A_11 : vector<16384x16xf32>
    %exp3A = math.exp %mul3A_15 : vector<16384x16xf32>
    %get3A_16 = arith.constant 0 : index
    %get3A_17 = arith.constant 0 : index
    %get3A_18 = vector.load %arg2[%get3A_16, %get3A_17] : memref<16x16xf32, #tpu.memory_space<vmem>>, vector<16x16xf32>
    %dot_general3A = arith.constant dense<0.000000e+00> : vector<16384x16xf32>
    %dot_general3A_19 = tpu.matmul %exp3A, %get3A_18, %dot_general3A {dimension_numbers = #tpu.dot_dimension_numbers<[1], [0], [0], [1], [0, 0, 1, 1], [], []>, transpose_lhs_hint = false} : vector<16384x16xf32>, vector<16x16xf32>, vector<16384x16xf32> -> vector<16384x16xf32>
    %get3A_20 = arith.constant 0 : index
    %get3A_21 = arith.constant 0 : index
    %get3A_22 = vector.load %arg3[%get3A_20, %get3A_21] : memref<1x16xf32, #tpu.memory_space<vmem>>, vector<1x16xf32>
    %get3A_23 = vector.shape_cast %get3A_22 : vector<1x16xf32> to vector<16xf32>
    %broadcast_in_dim3A_24 = vector.shape_cast %get3A_23 : vector<16xf32> to vector<1x16xf32>
    %add3A_25 = vector.broadcast %broadcast_in_dim3A_24 : vector<1x16xf32> to vector<16384x16xf32>
    %add3A_26 = arith.addf %dot_general3A_19, %add3A_25 : vector<16384x16xf32>
    %neg3A = arith.constant 0.000000e+00 : f32
    %neg3A_27 = vector.broadcast %neg3A : f32 to vector<16384x16xf32>
    %neg3A_28 = arith.subf %neg3A_27, %add3A_26 : vector<16384x16xf32>
    %exp3A_29 = math.exp %neg3A_28 : vector<16384x16xf32>
    %add3A_30 = arith.constant 1.000000e+00 : f32
    %add3A_31 = vector.broadcast %add3A_30 : f32 to vector<16384x16xf32>
    %add3A_32 = arith.addf %add3A_31, %exp3A_29 : vector<16384x16xf32>
    %div3A = arith.constant 1.000000e+00 : f32
    %div3A_33 = vector.broadcast %div3A : f32 to vector<16384x16xf32>
    %div3A_34 = arith.divf %div3A_33, %add3A_32 : vector<16384x16xf32>
    %mul3A_35 = arith.mulf %add3A_26, %div3A_34 : vector<16384x16xf32>
    %get3A_36 = arith.constant 0 : index
    %get3A_37 = arith.constant 0 : index
    %get3A_38 = vector.load %arg4[%get3A_36, %get3A_37] : memref<16x16xf32, #tpu.memory_space<vmem>>, vector<16x16xf32>
    %dot_general3A_39 = arith.constant dense<0.000000e+00> : vector<16384x16xf32>
    %dot_general3A_40 = tpu.matmul %mul3A_35, %get3A_38, %dot_general3A_39 {dimension_numbers = #tpu.dot_dimension_numbers<[1], [0], [0], [1], [0, 0, 1, 1], [], []>, transpose_lhs_hint = false} : vector<16384x16xf32>, vector<16x16xf32>, vector<16384x16xf32> -> vector<16384x16xf32>
    %get3A_41 = arith.constant 0 : index
    %get3A_42 = arith.constant 0 : index
    %get3A_43 = vector.load %arg5[%get3A_41, %get3A_42] : memref<1x16xf32, #tpu.memory_space<vmem>>, vector<1x16xf32>
    %get3A_44 = vector.shape_cast %get3A_43 : vector<1x16xf32> to vector<16xf32>
    %broadcast_in_dim3A_45 = vector.shape_cast %get3A_44 : vector<16xf32> to vector<1x16xf32>
    %add3A_46 = vector.broadcast %broadcast_in_dim3A_45 : vector<1x16xf32> to vector<16384x16xf32>
    %add3A_47 = arith.addf %dot_general3A_40, %add3A_46 : vector<16384x16xf32>
    %swap3A = arith.constant 0 : index
    %swap3A_48 = arith.constant 0 : index
    %swap3A_49 = vector.load %arg6[%swap3A, %swap3A_48] : memref<16384x16xf32, #tpu.memory_space<vmem>>, vector<16384x16xf32>
    tpu.vector_store %arg6[%swap3A, %swap3A_48], %add3A_47 {strides = array<i32>} : memref<16384x16xf32, #tpu.memory_space<vmem>>, vector<16384x16xf32>,
    return
  }
  func.func @transform_0(%arg0: i32) -> (i32, i32, i32) {
    %c0_i32 = arith.constant 0 : i32
    %c0_i32_0 = arith.constant 0 : i32
    %c0_i32_1 = arith.constant 0 : i32
    return %arg0, %c0_i32, %c0_i32_0 : i32, i32, i32
  }
  func.func @transform_1(%arg0: i32) -> (i32, i32) {
    %c0_i32 = arith.constant 0 : i32
    %c0_i32_0 = arith.constant 0 : i32
    %c0_i32_1 = arith.constant 0 : i32
    return %c0_i32, %c0_i32_0 : i32, i32
  }
  func.func @transform_2(%arg0: i32) -> (i32, i32) {
    %c0_i32 = arith.constant 0 : i32
    %c0_i32_0 = arith.constant 0 : i32
    %c0_i32_1 = arith.constant 0 : i32
    return %c0_i32, %c0_i32_0 : i32, i32
  }
  func.func @transform_3(%arg0: i32) -> (i32, i32) {
    %c0_i32 = arith.constant 0 : i32
    %c0_i32_0 = arith.constant 0 : i32
    %c0_i32_1 = arith.constant 0 : i32
    return %c0_i32, %c0_i32_0 : i32, i32
  }
  func.func @transform_4(%arg0: i32) -> (i32, i32) {
    %c0_i32 = arith.constant 0 : i32
    %c0_i32_0 = arith.constant 0 : i32
    %c0_i32_1 = arith.constant 0 : i32
    return %c0_i32, %c0_i32_0 : i32, i32
  }
  func.func @transform_5(%arg0: i32) -> (i32, i32) {
    %c0_i32 = arith.constant 0 : i32
    %c0_i32_0 = arith.constant 0 : i32
    return %arg0, %c0_i32 : i32, i32
  }
}

module attributes {stable_mosaic.version = 14 : i64} {
  func.func @_combine_body(%arg0: i32, %arg1: memref<1280x128xf32, #tpu.memory_space<vmem>>, %arg2: memref<2x1280x128xf32, #tpu.memory_space<vmem>>, %arg3: memref<1280x128xf32, #tpu.memory_space<vmem>>) attributes {dimension_semantics = [#tpu.dimension_semantics<arbitrary>], iteration_bounds = array<i64: 10>, scalar_prefetch = 0 : i64, scratch_operands = 0 : i64, tpu.core_type = #tpu.core_type<tc>, window_params = [{transform_indices = @transform_0, window_bounds = array<i64: 1280, 128>}, {transform_indices = @transform_1, window_bounds = array<i64: 2, 1280, 128>}, {transform_indices = @transform_2, window_bounds = array<i64: 1280, 128>}]} {
    %get3A = arith.constant 0 : index
    %get3A_0 = arith.constant 0 : index
    %get3A_1 = vector.load %arg1[%get3A, %get3A_0] : memref<1280x128xf32, #tpu.memory_space<vmem>>, vector<1280x128xf32>
    %get3A_2 = arith.constant 0 : index
    %get3A_3 = arith.constant 0 : index
    %get3A_4 = arith.constant 0 : index
    %get3A_5 = vector.load %arg2[%get3A_2, %get3A_3, %get3A_4] : memref<2x1280x128xf32, #tpu.memory_space<vmem>>, vector<1x1280x128xf32>
    %get3A_6 = vector.shape_cast %get3A_5 : vector<1x1280x128xf32> to vector<1280x128xf32>
    %add3A = arith.addf %get3A_1, %get3A_6 : vector<1280x128xf32>
    %get3A_7 = arith.constant 1 : index
    %get3A_8 = arith.constant 0 : index
    %get3A_9 = arith.constant 0 : index
    %get3A_10 = vector.load %arg2[%get3A_7, %get3A_8, %get3A_9] : memref<2x1280x128xf32, #tpu.memory_space<vmem>>, vector<1x1280x128xf32>
    %get3A_11 = vector.shape_cast %get3A_10 : vector<1x1280x128xf32> to vector<1280x128xf32>
    %add3A_12 = arith.addf %add3A, %get3A_11 : vector<1280x128xf32>
    %swap3A = arith.constant 0 : index
    %swap3A_13 = arith.constant 0 : index
    %swap3A_14 = vector.load %arg3[%swap3A, %swap3A_13] : memref<1280x128xf32, #tpu.memory_space<vmem>>, vector<1280x128xf32>
    tpu.vector_store %arg3[%swap3A, %swap3A_13], %add3A_12 {strides = array<i32>} : memref<1280x128xf32, #tpu.memory_space<vmem>>, vector<1280x128xf32>,
    return
  }
  func.func @transform_0(%arg0: i32) -> (i32, i32) {
    %c0_i32 = arith.constant 0 : i32
    %c0_i32_0 = arith.constant 0 : i32
    return %arg0, %c0_i32 : i32, i32
  }
  func.func @transform_1(%arg0: i32) -> (i32, i32, i32) {
    %c0_i32 = arith.constant 0 : i32
    %c0_i32_0 = arith.constant 0 : i32
    %c0_i32_1 = arith.constant 0 : i32
    return %c0_i32, %arg0, %c0_i32_0 : i32, i32, i32
  }
  func.func @transform_2(%arg0: i32) -> (i32, i32) {
    %c0_i32 = arith.constant 0 : i32
    %c0_i32_0 = arith.constant 0 : i32
    return %arg0, %c0_i32 : i32, i32
  }
}

</mosaic_0001>

<sc_bundles>
// kernel: kernel.6.cloned.1.call-start
scs
__scs_entry_jumppad:
0x0: {  	(pc) =	sbr.rel $0x88, $3  }
0x1: {  	(tag) =	ssettag $0x0;
	lr =	simm.s32 $0x1  }
0x2: {  	[smem:$0x3F99] =	sst lr;
	_ =	strace $0xD0000000  }
0x3: {  	_ = 	snop  }
0x4: {  	_ = 	snop  }
0x5: {  	_ = 	snop  }
0x6: {  	_ = 	snop  }
0x7: {  	_ = 	snop  }
__scs_overlays_trampoline_lowered:
0x8: {  	[smem:$0x3FA8] =	sst s0  }
0x9: {  	[smem:$0x3FA9] =	sst s1  }
0xa: {  	[smem:$0x3FAA] =	sst s2  }
0xb: {  	[smem:$0x3FAB] =	sst s3  }
0xc: {  	[smem:$0x3FAC] =	sst s4  }
0xd: {  	[smem:$0x3FAD] =	sst s5  }
0xe: {  	[smem:$0x3FAE] =	sst s6  }
0xf: {  	[smem:$0x3FAF] =	sst s7  }
0x10: {  	[smem:$0x3FB0] =	sst s8  }
0x11: {  	[smem:$0x3FB1] =	sst s9;
	s0 =	simm.s32 @!p0 $0x0  }
0x12: {  	s1 =	sld [smem:$0x3F97];
	s0 =	simm.s32 @p0 $0x1  }
0x13: {  	[smem:$0x3FB2] =	sst s0;
	s0 =	simm.s32 @!p1 $0x0  }
0x14: {  	s2 =	sld [smem:$0x3F96];
	s0 =	simm.s32 @p1 $0x1  }
0x15: {  	[smem:$0x3FB3] =	sst s0;
	s0 =	simm.s32 @!p2 $0x0  }
0x16: {  	s3 =	sld [smem:$0x3FDB];
	s0 =	simm.s32 @p2 $0x1  }
0x17: {  	s4 =	simm.s32 $0x1BF5;
	[smem:$0x3FB5] =	sst s0  }
0x18: {  	s0 =	sld [smem:$0x3F98];
	_ =	swait.ge [sflag:s4], $0x0  }
0x19: {  	s7 =	sld [smem:$0x3F99]  }
0x1a: {  	s8 =	sadd.s32 $0xFFFFE003, lr  }
0x1b: {  	s9 =	sadd.s32 $0xFFFFFEF7, lr;
	s5 =	simm.s32 $0xFFFFFFFF;
	p2 =	slt.u32 s8, $0xFFFFF086  }
0x1c: {  	p1 =	slt.u32 s9, $0xF7A;
	s5 =	simm.s32 @!p2 $0x0  }
0x1d: {  	s5 =	simm.s32 @p1 $0x1;
	p0 =	seq.s32 s7, s2  }
0x1e: {  	s7 =	smul.u32 @!p0 $0xF7A, s2;
	p2 =	seq.s32 @!p0 s5, $0x0  }
0x1f: {  	s9 =	smul.u32 $0xF7A, s1;
	s8 =	simm.s32 @!p0 $0x1BF5;
	p2 =	por !p2, p0  }
0x20: {  	[sflag:s8] =	ssyncset.s32 @!p0 $0xFFFFF086;
	s6 =	sadd.s32 @!p0 s3, s7;
	s7 =	simm.s32 @!p0 $0x108  }
0x21: {  	s3 =	sadd.s32 s3, s9;
	s6 =	sadd.s32 @!p0 $0x88, s6;
	s7 =	simm.s32 @p2 $0x1082  }
0x22: {  	[simem:s7], [sflag:s8] =	dma.local @!p0 [hbm:s6], $0xF7A  }
0x23: {  	s9 =	sor.u32 $0xD0000000, s2;
	s6 =	simm.s32 $0x108;
	_ =	swait.ge @!p0 [sflag:s8], $0x0  }
0x24: {  	s3 =	sadd.s32 $0x88, s3;
	s6 =	simm.s32 @!p1 $0x1082;
	[sflag:s4] =	ssyncset.s32 $0xFFFFF086  }
0x25: {  	[simem:s6], [sflag:s4] =	dma.local [hbm:s3], $0xF7A  }
0x26: {  	[smem:$0x3F99] =	sst s1;
	(tag) =	ssettag s2;
	_ =	strace s9  }
0x27: {  	s1 =	sld [smem:$0x3FA9]  }
0x28: {  	s2 =	sld [smem:$0x3FAA]  }
0x29: {  	s4 =	sld [smem:$0x3FAC]  }
0x2a: {  	p0 =	seq.s32 s5, $0x0;
	s5 =	sld [smem:$0x3FAD]  }
0x2b: {  	s6 =	sld [smem:$0x3FAE]  }
0x2c: {  	s7 =	sld [smem:$0x3FAF]  }
0x2d: {  	s3 =	simm.s32 $0x108;
	s8 =	sld [smem:$0x3FB0]  }
0x2e: {  	s3 =	simm.s32 @!p0 $0x1082;
	s9 =	sld [smem:$0x3FB1]  }
0x2f: {  	lr =	sadd.s32 s0, s3;
	s0 =	sld [smem:$0x3FA8]  }
0x30: {  	s3 =	sld [smem:$0x3FAB]  }
0x31: {  	[smem:$0x3FB4] =	sst s10  }
0x32: {  	s10 =	sld [smem:$0x3FB2];
	_ =	sdelay $0x3  }
0x33: {  	p0 =	seq.s32 s10, $0x1;
	s10 =	sld [smem:$0x3FB4];
	_ =	sdelay $0x3  }
0x34: {  	[smem:$0x3FB4] =	sst s10  }
0x35: {  	s10 =	sld [smem:$0x3FB3];
	_ =	sdelay $0x3  }
0x36: {  	p1 =	seq.s32 s10, $0x1;
	s10 =	sld [smem:$0x3FB4];
	_ =	sdelay $0x3  }
0x37: {  	[smem:$0x3FB4] =	sst s10  }
0x38: {  	s10 =	sld [smem:$0x3FB5]  }
0x39: {  	_ = 	snop;
	(pc) =	sbr.ind lr, $3  }
0x3a: {  	_ = 	snop  }
0x3b: {  	_ = 	snop  }
0x3c: {  	p2 =	seq.s32 s10, $0x1;
	s10 =	sld [smem:$0x3FB4]  }
0x3d: {  	_ =	shalt  }
0x3e: {  	_ =	shalt  }
0x3f: {  	_ =	shalt  }
0x40: {  	_ =	shalt  }
0x41: {  	_ =	shalt  }
0x42: {  	_ =	shalt  }
0x43: {  	_ =	shalt  }
0x44: {  	_ =	shalt  }
0x45: {  	_ =	shalt  }
0x46: {  	_ =	shalt  }
0x47: {  	_ =	shalt  }
0x48: {  	_ =	shalt  }
0x49: {  	_ =	shalt  }
0x4a: {  	_ =	shalt  }
0x4b: {  	_ =	shalt  }
0x4c: {  	_ =	shalt  }
0x4d: {  	_ =	shalt  }
0x4e: {  	_ =	shalt  }
0x4f: {  	_ =	shalt  }
0x50: {  	_ =	shalt  }
0x51: {  	_ =	shalt  }
0x52: {  	_ =	shalt  }
0x53: {  	_ =	shalt  }
0x54: {  	_ =	shalt  }
0x55: {  	_ =	shalt  }
0x56: {  	_ =	shalt  }
0x57: {  	_ =	shalt  }
0x58: {  	_ =	shalt  }
0x59: {  	_ =	shalt  }
0x5a: {  	_ =	shalt  }
0x5b: {  	_ =	shalt  }
0x5c: {  	_ =	shalt  }
0x5d: {  	_ =	shalt  }
0x5e: {  	_ =	shalt  }
0x5f: {  	_ =	shalt  }
0x60: {  	_ =	shalt  }
0x61: {  	_ =	shalt  }
0x62: {  	_ =	shalt  }
0x63: {  	_ =	shalt  }
0x64: {  	_ =	shalt  }
0x65: {  	_ =	shalt  }
0x66: {  	_ =	shalt  }
0x67: {  	_ =	shalt  }
0x68: {  	_ =	shalt  }
0x69: {  	_ =	shalt  }
0x6a: {  	_ =	shalt  }
0x6b: {  	_ =	shalt  }
0x6c: {  	_ =	shalt  }
0x6d: {  	_ =	shalt  }
0x6e: {  	_ =	shalt  }
0x6f: {  	_ =	shalt  }
0x70: {  	_ =	shalt  }
0x71: {  	_ =	shalt  }
0x72: {  	_ =	shalt  }
0x73: {  	_ =	shalt  }
0x74: {  	_ =	shalt  }
0x75: {  	_ =	shalt  }
0x76: {  	_ =	shalt  }
0x77: {  	_ =	shalt  }
0x78: {  	_ =	shalt  }
0x79: {  	_ =	shalt  }
0x7a: {  	_ =	shalt  }
0x7b: {  	_ =	shalt  }
0x7c: {  	_ =	shalt  }
0x7d: {  	_ =	shalt  }
0x7e: {  	_ =	shalt  }
0x7f: {  	_ =	shalt  }
0x80: {  	_ =	shalt  }
0x81: {  	_ =	shalt  }
0x82: {  	_ =	shalt  }
0x83: {  	_ =	shalt  }
0x84: {  	_ =	shalt  }
0x85: {  	_ =	shalt  }
0x86: {  	_ =	shalt  }
0x87: {  	_ =	shalt  }
.Lfunc_end0:
.L_simem_size_0:
called_computation_lowered:
.L_overlay_start_0:
0x88: {  	s2 =	sld [smem:$0x3FD9]  }
0x89: {  	s3 =	sld [smem:$0x3FFE];
	_ =	sdelay $0x1  }
0x8a: {  	s1 =	srdreg.scid  }
0x8b: {  	s0 =	sand.u32 $0x1, s1  }
0x8c: {  	s17 =	sshll.u32 s0, $0xA;
	s2 =	sadd.s32 s3, s2  }
0x8d: {  	s2 =	sadd.s32 s2, s17  }
0x8e: {  	[smem:$0x3FC0] =	sst s2  }
0x8f: {  	_ = 	snop  }
0x90: {  	s2 =	sld [smem:$0x3FD0];
	(tm) =	ssettm $0x1  }
0x91: {  	s18 =	sld [smem:$0x3FFB];
	_ =	sdelay $0x3  }
0x92: {  	_ =	strace s18  }
0x93: {  	s3 =	sld [smem:$0x3FFC];
	_ =	sdelay $0x3  }
0x94: {  	_ =	strace s3  }
0x95: {  	s3 =	sld [smem:$0x3FFD];
	_ =	sdelay $0x3  }
0x96: {  	_ =	strace s3  }
0x97: {  	_ =	strace $0x8FFFFFFF  }
0x98: {  	s19 =	sld [smem:$0x3FDB];
	_ =	sdelay $0x1  }
0x99: {  	s4 =	simm.s32 $_scs_section_size  }
0x9a: {  	s5 =	simm.s32 $_size__tile_overlayer_lowered;
	s6 =	simm.s32 $_tile_overlayer_lowered  }
0x9b: {  	s22 =	simm.s32 $0x1BFF;
	s21 =	sshll.u32 s6, $0x1;
	s3 =	sadd.s32 s4, s19  }
0x9c: {  	s7 =	simm.s32 $0x0;
	s20 =	sshll.u32 s5, $0x1;
	s5 =	sadd.s32 s21, s3  }
0x9d: {  	[timem:s7], [sflag:s22] =	dma.local [hbm:s5], s20  }
0x9e: {  	_ =	swait.ge [sflag:s22], s20  }
0x9f: {  	s4 =	ssub.s32 $0x0, s20;
	[sflag:s22] =	ssyncset.done $0x0  }
0xa0: {  	[sflag:s22] =	ssyncadd.s32 s4;
	_ =	sdelay $0x1  }
0xa1: {  	s23 =	simm.s32 $0x1B8B  }
0xa2: {  	_ =	swait.ge [sflag:s23], $0x1  }
0xa3: {  	[sflag:s23] =	ssyncset.done $0x0  }
0xa4: {  	s25 =	simm.s32 $0x1B8E;
	s24 =	sld [smem:$0x3FFE];
	[sflag:s23] =	ssyncadd.s32 $0xFFFFFFFF  }
0xa5: {  	s26 =	simm.s32 $execute0_lowered;
	[smem:$0x3FD2] =	sst s25  }
0xa6: {  	s5 =	sshll.u32 s26, $0x1;
	_ =	strace $0x80000046;
	[dreg:$0x1] =	wrdreg $0xFFFFFFFF  }
0xa7: {  	s28 =	simm.s32 $_size_execute0_lowered;
	s3 =	sadd.s32 s3, s5;
	[dreg:$0x0] =	wrdreg $0x0  }
0xa8: {  	s5 =	sshll.u32 s28, $0x1;
	[dreg:$0x2] =	wrdreg s3  }
0xa9: {  	[dreg:$0x3] =	wrdreg s5  }
0xaa: {  	[dreg:$0x4] =	wrdreg $0xC0  }
0xab: {  	_ =	task [dreg:s7], $0x5FFFF  }
0xac: {  	[dreg:$0x1] =	wrdreg $0xFFFFFFFF  }
0xad: {  	[dreg:$0x0] =	wrdreg $0x60  }
0xae: {  	[dreg:$0x2] =	wrdreg s2  }
0xaf: {  	[dreg:$0x3] =	wrdreg s24  }
0xb0: {  	[dreg:$0x4] =	wrdreg $0x9  }
0xb1: {  	_ =	task.clear_ibuf [dreg:s7], $0x5FFFF;
	_ =	strace $0x90000046  }
0xb2: {  	s29 =	simm.s32 $0x9;
	_ =	strace $0x80000048  }
0xb3: {  	_ =	swait.ge [sflag:s29], $0x1  }
0xb4: {  	[sflag:s29] =	ssyncadd.s32 $0xFFFFFFFF  }
0xb5: {  	_ =	strace $0x90000048  }
0xb6: {  	_ =	sfence  }
0xb7: {  	s30 =	sld [smem:$0x0];
	_ =	sdelay $0x2  }
0xb8: {  	s31 =	sshll.u32 s1, $0xD;
	s1 =	sshrl.u32 s1, $0x2  }
0xb9: {  	s3 =	sand.u32 $0x4000, s31;
	s1 =	sadd.s32 s1, s30  }
0xba: {  	s0 =	sor.u32 s3, s0;
	s1 =	sshll.u32 s1, $0x11  }
0xbb: {  	s0 =	sor.u32 s1, s0  }
0xbc: {  	s0 =	sadd.s32 $0x8F2B, s0  }
0xbd: {  	[sflag:s0] =	ssyncadd.remote.s32 $0x1  }
0xbe: {  	_ =	sfence.sel $0xFFFF  }
0xbf: {  	[dreg:$0x0] =	wrdreg $0xFFFFFFFF;
	(pc) =	sbr.abs _section_cstart, $3  }
0xc0: {  	[dreg:$0x1] =	wrdreg $0xFFFFFFFF  }
0xc1: {  	_ =	task.clear_ibuf [dreg:s7], $0x2FFFF;
	_ =	strace $0x9FFFFFFF  }
0xc2: {  	(tm) =	ssettm $0x7FFFFFFF  }
0xc3: {  	_ =	shalt  }
tec
execute0_lowered:
.L_overlay_start_1:
0x0: {  	(tag) =	ssettag $0x1  }
0x1: {  	s0 =	srdreg.scid  }
0x2: {  	s1 =	sand.u32 $0x1, s0  }
0x3: {  	s18 =	stileid.u32;
	s2 =	sshll.u32 s1, $0x4  }
0x4: {  	s4 =	sor.u32 s18, s2  }
0x5: {  	s5 =	smul.u32 $0xC80, s4  }
0x6: {  	s3 =	rddreg [dreg:$0x0];
	s4 =	smul.u32 $0x1900, s4  }
0x7: {  	s6 =	rddreg [dreg:$0x1]  }
0x8: {  	s2 =	simm.s32 $0x0;
	s5 =	sshrl.u32 s5, $0x3;
	s4 =	sadd.s32 s4, s6  }
0x9: {  	[smem:$0x7FF] =	sst s2;
	s3 =	sadd.s32 s3, s5;
	s4 =	sadd.s32 $0x2800, s4  }
0xa: {  	_ =	strace $0x80000047;
	s5 =	sadd.s32 $0x10, s3;
	[dreg:$0x1b] =	wrdreg s4  }
0xb: {  	[tilespmem:s2], [sflag:$0x2] =	stream.linear.gather [hbm4b:s3+s2], $0x80, $0x38;
	[tilespmem:$0xC900] =	vst v63  }
0xc: {  	s19 =	sadd.s32 $0x20, s3;
	[dreg:$0x3] =	wrdreg s5  }
0xd: {  	s20 =	sadd.s32 $0x30, s3;
	[dreg:$0x4] =	wrdreg s19  }
0xe: {  	s21 =	sadd.s32 $0x40, s3;
	[dreg:$0x5] =	wrdreg s20  }
0xf: {  	s22 =	sadd.s32 $0x50, s3;
	[dreg:$0x6] =	wrdreg s21  }
0x10: {  	s23 =	sadd.s32 $0x60, s3;
	[dreg:$0x7] =	wrdreg s22  }
0x11: {  	s24 =	sadd.s32 $0x70, s3;
	[dreg:$0x8] =	wrdreg s23  }
0x12: {  	s25 =	sadd.s32 $0x80, s3;
	[dreg:$0x9] =	wrdreg s24  }
0x13: {  	s26 =	sadd.s32 $0x90, s3;
	[dreg:$0xa] =	wrdreg s25  }
0x14: {  	s0 =	sadd.s32 $0xA0, s3;
	[dreg:$0xb] =	wrdreg s26  }
0x15: {  	s7 =	sadd.s32 $0xB0, s3;
	[dreg:$0xc] =	wrdreg s0  }
0x16: {  	s8 =	sadd.s32 $0xC0, s3;
	[dreg:$0xd] =	wrdreg s7  }
0x17: {  	s9 =	sadd.s32 $0xD0, s3;
	[dreg:$0xe] =	wrdreg s8  }
0x18: {  	s10 =	sadd.s32 $0xE0, s3;
	[dreg:$0xf] =	wrdreg s9  }
0x19: {  	s11 =	sadd.s32 $0xF0, s3;
	[dreg:$0x10] =	wrdreg s10  }
0x1a: {  	s12 =	sadd.s32 $0x100, s3;
	[dreg:$0x11] =	wrdreg s11  }
0x1b: {  	s13 =	sadd.s32 $0x110, s3;
	[dreg:$0x12] =	wrdreg s12  }
0x1c: {  	s14 =	sadd.s32 $0x120, s3;
	[dreg:$0x13] =	wrdreg s13  }
0x1d: {  	s15 =	sadd.s32 $0x130, s3;
	[dreg:$0x14] =	wrdreg s14  }
0x1e: {  	s16 =	sadd.s32 $0x140, s3;
	[dreg:$0x15] =	wrdreg s15  }
0x1f: {  	s17 =	sadd.s32 $0x150, s3;
	[dreg:$0x16] =	wrdreg s16  }
0x20: {  	s18 =	sadd.s32 $0x160, s3;
	[dreg:$0x17] =	wrdreg s17  }
0x21: {  	[dreg:$0x18] =	wrdreg s18;
	s19 =	sadd.s32 $0x170, s3  }
0x22: {  	s20 =	sadd.s32 $0x180, s3;
	[dreg:$0x19] =	wrdreg s19  }
0x23: {  	s21 =	simm.s32 $0x900;
	[dreg:$0x1a] =	wrdreg s20  }
0x24: {  	s22 =	simm.s32 $0x1100;
	[dreg:$0x1c] =	wrdreg s21  }
0x25: {  	s4 =	simm.s32 $0x2;
	[dreg:$0x1d] =	wrdreg s22  }
0x26: {  	_ =	swait.ge [sflag:s4], $0x80  }
0x27: {  	[sflag:s4] =	ssyncset.done $0x0  }
0x28: {  	s5 =	simm.s32 $0x80;
	s7 =	rddreg [dreg:$0x3];
	[sflag:s4] =	ssyncadd.s32 $0xFFFFFF80  }
0x29: {  	[tilespmem:s5], [sflag:$0x2] =	stream.linear.gather [hbm4b:s7+s2], $0x80, $0x38;
	[tilespmem:$0xC900] =	vst v63  }
0x2a: {  	_ =	swait.ge [sflag:s4], $0x80  }
0x2b: {  	s6 =	sadd.s32 $0x2600, s6;
	[sflag:s4] =	ssyncset.done $0x0  }
0x2c: {  	s8 =	simm.s32 $0x1;
	s7 =	simm.s32 $0x100;
	[sflag:s4] =	ssyncadd.s32 $0xFFFFFF80  }
0x2d: {  	[tilespmem:s7], [sflag:$0x1] =	stream.indirect.gather [hbm4b:s6+s5], $0x10, s2, s5, $0xb8;
	[tilespmem:$0xC900] =	vst v63  }
0x2e: {  	_ =	swait.ge [sflag:s8], $0x800  }
0x2f: {  	[sflag:s8] =	ssyncset.done $0x0  }
0x30: {  	s9 =	rddreg [dreg:$0x4];
	[sflag:s8] =	ssyncadd.s32 $0xFFFFF800  }
0x31: {  	[tilespmem:s2], [sflag:$0x2] =	stream.linear.gather [hbm4b:s9+s2], $0x80, $0x38;
	[tilespmem:$0xC900] =	vst v63  }
0x32: {  	_ =	swait.ge [sflag:s4], $0x80  }
0x33: {  	[sflag:s4] =	ssyncset.done $0x0  }
0x34: {  	s23 =	rddreg [dreg:$0x1c];
	[sflag:s4] =	ssyncadd.s32 $0xFFFFFF80  }
0x35: {  	[tilespmem:s23], [sflag:$0x1] =	stream.indirect.gather [hbm4b:s6+s5], $0x10, s5, s5, $0xb8;
	[tilespmem:$0xC900] =	vst v63  }
0x36: {  	_ =	swait.ge [sflag:s8], $0x800  }
0x37: {  	[sflag:s8] =	ssyncset.done $0x0  }
0x38: {  	s24 =	rddreg [dreg:$0x5];
	[sflag:s8] =	ssyncadd.s32 $0xFFFFF800  }
0x39: {  	[tilespmem:s5], [sflag:$0x2] =	stream.linear.gather [hbm4b:s24+s2], $0x80, $0x38;
	[tilespmem:$0xC900] =	vst v63  }
0x3a: {  	_ =	swait.ge [sflag:s4], $0x80  }
0x3b: {  	[sflag:s4] =	ssyncset.done $0x0  }
0x3c: {  	s25 =	rddreg [dreg:$0x1d];
	[sflag:s4] =	ssyncadd.s32 $0xFFFFFF80  }
0x3d: {  	[tilespmem:s25], [sflag:$0x1] =	stream.indirect.gather [hbm4b:s6+s5], $0x10, s2, s5, $0xb8;
	[tilespmem:$0xC900] =	vst v63  }
0x3e: {  	_ =	swait.ge [sflag:s8], $0x800  }
0x3f: {  	[sflag:s8] =	ssyncset.done $0x0  }
0x40: {  	s26 =	rddreg [dreg:$0x6];
	[sflag:s8] =	ssyncadd.s32 $0xFFFFF800  }
0x41: {  	[tilespmem:s2], [sflag:$0x2] =	stream.linear.gather [hbm4b:s26+s2], $0x80, $0x38;
	[tilespmem:$0xC900] =	vst v63  }
0x42: {  	_ =	swait.ge [sflag:s4], $0x80  }
0x43: {  	[sflag:s4] =	ssyncset.done $0x0  }
0x44: {  	s9 =	simm.s32 $0x1900;
	[sflag:s4] =	ssyncadd.s32 $0xFFFFFF80  }
0x45: {  	[tilespmem:s9], [sflag:$0x1] =	stream.indirect.gather [hbm4b:s6+s5], $0x10, s5, s5, $0xb8;
	[tilespmem:$0xC900] =	vst v63  }
0x46: {  	_ =	swait.ge [sflag:s8], $0x800  }
0x47: {  	[sflag:s8] =	ssyncset.done $0x0  }
0x48: {  	s10 =	rddreg [dreg:$0x7];
	[sflag:s8] =	ssyncadd.s32 $0xFFFFF800  }
0x49: {  	[tilespmem:s5], [sflag:$0x2] =	stream.linear.gather [hbm4b:s10+s2], $0x80, $0x38;
	[tilespmem:$0xC900] =	vst v63  }
0x4a: {  	_ =	swait.ge [sflag:s4], $0x80  }
0x4b: {  	[sflag:s4] =	ssyncset.done $0x0  }
0x4c: {  	s10 =	simm.s32 $0x2100;
	[sflag:s4] =	ssyncadd.s32 $0xFFFFFF80  }
0x4d: {  	[tilespmem:s10], [sflag:$0x1] =	stream.indirect.gather [hbm4b:s6+s5], $0x10, s2, s5, $0xb8;
	[tilespmem:$0xC900] =	vst v63  }
0x4e: {  	_ =	swait.ge [sflag:s8], $0x800  }
0x4f: {  	[sflag:s8] =	ssyncset.done $0x0  }
0x50: {  	s11 =	rddreg [dreg:$0x8];
	[sflag:s8] =	ssyncadd.s32 $0xFFFFF800  }
0x51: {  	[tilespmem:s2], [sflag:$0x2] =	stream.linear.gather [hbm4b:s11+s2], $0x80, $0x38;
	[tilespmem:$0xC900] =	vst v63  }
0x52: {  	_ =	swait.ge [sflag:s4], $0x80  }
0x53: {  	[sflag:s4] =	ssyncset.done $0x0  }
0x54: {  	s11 =	simm.s32 $0x2900;
	[sflag:s4] =	ssyncadd.s32 $0xFFFFFF80  }
0x55: {  	[tilespmem:s11], [sflag:$0x1] =	stream.indirect.gather [hbm4b:s6+s5], $0x10, s5, s5, $0xb8;
	[tilespmem:$0xC900] =	vst v63  }
0x56: {  	_ =	swait.ge [sflag:s8], $0x800  }
0x57: {  	[sflag:s8] =	ssyncset.done $0x0  }
0x58: {  	s12 =	rddreg [dreg:$0x9];
	[sflag:s8] =	ssyncadd.s32 $0xFFFFF800  }
0x59: {  	[tilespmem:s5], [sflag:$0x2] =	stream.linear.gather [hbm4b:s12+s2], $0x80, $0x38;
	[tilespmem:$0xC900] =	vst v63  }
0x5a: {  	_ =	swait.ge [sflag:s4], $0x80  }
0x5b: {  	[sflag:s4] =	ssyncset.done $0x0  }
0x5c: {  	s12 =	simm.s32 $0x3100;
	[sflag:s4] =	ssyncadd.s32 $0xFFFFFF80  }
0x5d: {  	[tilespmem:s12], [sflag:$0x1] =	stream.indirect.gather [hbm4b:s6+s5], $0x10, s2, s5, $0xb8;
	[tilespmem:$0xC900] =	vst v63  }
0x5e: {  	_ =	swait.ge [sflag:s8], $0x800  }
0x5f: {  	[sflag:s8] =	ssyncset.done $0x0  }
0x60: {  	s13 =	rddreg [dreg:$0xa];
	[sflag:s8] =	ssyncadd.s32 $0xFFFFF800  }
0x61: {  	[tilespmem:s2], [sflag:$0x2] =	stream.linear.gather [hbm4b:s13+s2], $0x80, $0x38;
	[tilespmem:$0xC900] =	vst v63  }
0x62: {  	_ =	swait.ge [sflag:s4], $0x80  }
0x63: {  	[sflag:s4] =	ssyncset.done $0x0  }
0x64: {  	s13 =	simm.s32 $0x3900;
	[sflag:s4] =	ssyncadd.s32 $0xFFFFFF80  }
0x65: {  	[tilespmem:s13], [sflag:$0x1] =	stream.indirect.gather [hbm4b:s6+s5], $0x10, s5, s5, $0xb8;
	[tilespmem:$0xC900] =	vst v63  }
0x66: {  	_ =	swait.ge [sflag:s8], $0x800  }
0x67: {  	[sflag:s8] =	ssyncset.done $0x0  }
0x68: {  	s14 =	rddreg [dreg:$0xb];
	[sflag:s8] =	ssyncadd.s32 $0xFFFFF800  }
0x69: {  	[tilespmem:s5], [sflag:$0x2] =	stream.linear.gather [hbm4b:s14+s2], $0x80, $0x38;
	[tilespmem:$0xC900] =	vst v63  }
0x6a: {  	_ =	swait.ge [sflag:s4], $0x80  }
0x6b: {  	[sflag:s4] =	ssyncset.done $0x0  }
0x6c: {  	s14 =	simm.s32 $0x4100;
	[sflag:s4] =	ssyncadd.s32 $0xFFFFFF80  }
0x6d: {  	[tilespmem:s14], [sflag:$0x1] =	stream.indirect.gather [hbm4b:s6+s5], $0x10, s2, s5, $0xb8;
	[tilespmem:$0xC900] =	vst v63  }
0x6e: {  	_ =	swait.ge [sflag:s8], $0x800  }
0x6f: {  	[sflag:s8] =	ssyncset.done $0x0  }
0x70: {  	s15 =	rddreg [dreg:$0xc];
	[sflag:s8] =	ssyncadd.s32 $0xFFFFF800  }
0x71: {  	[tilespmem:s2], [sflag:$0x2] =	stream.linear.gather [hbm4b:s15+s2], $0x80, $0x38;
	[tilespmem:$0xC900] =	vst v63  }
0x72: {  	_ =	swait.ge [sflag:s4], $0x80  }
0x73: {  	[sflag:s4] =	ssyncset.done $0x0  }
0x74: {  	s15 =	simm.s32 $0x4900;
	[sflag:s4] =	ssyncadd.s32 $0xFFFFFF80  }
0x75: {  	[tilespmem:s15], [sflag:$0x1] =	stream.indirect.gather [hbm4b:s6+s5], $0x10, s5, s5, $0xb8;
	[tilespmem:$0xC900] =	vst v63  }
0x76: {  	_ =	swait.ge [sflag:s8], $0x800  }
0x77: {  	[sflag:s8] =	ssyncset.done $0x0  }
0x78: {  	s16 =	rddreg [dreg:$0xd];
	[sflag:s8] =	ssyncadd.s32 $0xFFFFF800  }
0x79: {  	[tilespmem:s5], [sflag:$0x2] =	stream.linear.gather [hbm4b:s16+s2], $0x80, $0x38;
	[tilespmem:$0xC900] =	vst v63  }
0x7a: {  	_ =	swait.ge [sflag:s4], $0x80  }
0x7b: {  	[sflag:s4] =	ssyncset.done $0x0  }
0x7c: {  	s16 =	simm.s32 $0x5100;
	[sflag:s4] =	ssyncadd.s32 $0xFFFFFF80  }
0x7d: {  	[tilespmem:s16], [sflag:$0x1] =	stream.indirect.gather [hbm4b:s6+s5], $0x10, s2, s5, $0xb8;
	[tilespmem:$0xC900] =	vst v63  }
0x7e: {  	_ =	swait.ge [sflag:s8], $0x800  }
0x7f: {  	[sflag:s8] =	ssyncset.done $0x0  }
0x80: {  	s17 =	rddreg [dreg:$0xe];
	[sflag:s8] =	ssyncadd.s32 $0xFFFFF800  }
0x81: {  	[tilespmem:s2], [sflag:$0x2] =	stream.linear.gather [hbm4b:s17+s2], $0x80, $0x38;
	[tilespmem:$0xC900] =	vst v63  }
0x82: {  	_ =	swait.ge [sflag:s4], $0x80  }
0x83: {  	[sflag:s4] =	ssyncset.done $0x0  }
0x84: {  	s17 =	simm.s32 $0x5900;
	[sflag:s4] =	ssyncadd.s32 $0xFFFFFF80  }
0x85: {  	[tilespmem:s17], [sflag:$0x1] =	stream.indirect.gather [hbm4b:s6+s5], $0x10, s5, s5, $0xb8;
	[tilespmem:$0xC900] =	vst v63  }
0x86: {  	_ =	swait.ge [sflag:s8], $0x800  }
0x87: {  	[sflag:s8] =	ssyncset.done $0x0  }
0x88: {  	s18 =	rddreg [dreg:$0xf];
	[sflag:s8] =	ssyncadd.s32 $0xFFFFF800  }
0x89: {  	[tilespmem:s5], [sflag:$0x2] =	stream.linear.gather [hbm4b:s18+s2], $0x80, $0x38;
	[tilespmem:$0xC900] =	vst v63  }
0x8a: {  	_ =	swait.ge [sflag:s4], $0x80  }
0x8b: {  	[sflag:s4] =	ssyncset.done $0x0  }
0x8c: {  	s18 =	simm.s32 $0x6100;
	[sflag:s4] =	ssyncadd.s32 $0xFFFFFF80  }
0x8d: {  	[tilespmem:s18], [sflag:$0x1] =	stream.indirect.gather [hbm4b:s6+s5], $0x10, s2, s5, $0xb8;
	[tilespmem:$0xC900] =	vst v63  }
0x8e: {  	_ =	swait.ge [sflag:s8], $0x800  }
0x8f: {  	[sflag:s8] =	ssyncset.done $0x0  }
0x90: {  	s19 =	rddreg [dreg:$0x10];
	[sflag:s8] =	ssyncadd.s32 $0xFFFFF800  }
0x91: {  	[tilespmem:s2], [sflag:$0x2] =	stream.linear.gather [hbm4b:s19+s2], $0x80, $0x38;
	[tilespmem:$0xC900] =	vst v63  }
0x92: {  	_ =	swait.ge [sflag:s4], $0x80  }
0x93: {  	[sflag:s4] =	ssyncset.done $0x0  }
0x94: {  	s19 =	simm.s32 $0x6900;
	[sflag:s4] =	ssyncadd.s32 $0xFFFFFF80  }
0x95: {  	[tilespmem:s19], [sflag:$0x1] =	stream.indirect.gather [hbm4b:s6+s5], $0x10, s5, s5, $0xb8;
	[tilespmem:$0xC900] =	vst v63  }
0x96: {  	_ =	swait.ge [sflag:s8], $0x800  }
0x97: {  	[sflag:s8] =	ssyncset.done $0x0  }
0x98: {  	s20 =	rddreg [dreg:$0x11];
	[sflag:s8] =	ssyncadd.s32 $0xFFFFF800  }
0x99: {  	[tilespmem:s5], [sflag:$0x2] =	stream.linear.gather [hbm4b:s20+s2], $0x80, $0x38;
	[tilespmem:$0xC900] =	vst v63  }
0x9a: {  	_ =	swait.ge [sflag:s4], $0x80  }
0x9b: {  	[sflag:s4] =	ssyncset.done $0x0  }
0x9c: {  	s20 =	simm.s32 $0x7100;
	[sflag:s4] =	ssyncadd.s32 $0xFFFFFF80  }
0x9d: {  	[tilespmem:s20], [sflag:$0x1] =	stream.indirect.gather [hbm4b:s6+s5], $0x10, s2, s5, $0xb8;
	[tilespmem:$0xC900] =	vst v63  }
0x9e: {  	_ =	swait.ge [sflag:s8], $0x800  }
0x9f: {  	[sflag:s8] =	ssyncset.done $0x0  }
0xa0: {  	s21 =	rddreg [dreg:$0x12];
	[sflag:s8] =	ssyncadd.s32 $0xFFFFF800  }
0xa1: {  	[tilespmem:s2], [sflag:$0x2] =	stream.linear.gather [hbm4b:s21+s2], $0x80, $0x38;
	[tilespmem:$0xC900] =	vst v63  }
0xa2: {  	_ =	swait.ge [sflag:s4], $0x80  }
0xa3: {  	[sflag:s4] =	ssyncset.done $0x0  }
0xa4: {  	s21 =	simm.s32 $0x7900;
	[sflag:s4] =	ssyncadd.s32 $0xFFFFFF80  }
0xa5: {  	[tilespmem:s21], [sflag:$0x1] =	stream.indirect.gather [hbm4b:s6+s5], $0x10, s5, s5, $0xb8;
	[tilespmem:$0xC900] =	vst v63  }
0xa6: {  	_ =	swait.ge [sflag:s8], $0x800  }
0xa7: {  	[sflag:s8] =	ssyncset.done $0x0  }
0xa8: {  	s22 =	rddreg [dreg:$0x13];
	[sflag:s8] =	ssyncadd.s32 $0xFFFFF800  }
0xa9: {  	[tilespmem:s5], [sflag:$0x2] =	stream.linear.gather [hbm4b:s22+s2], $0x80, $0x38;
	[tilespmem:$0xC900] =	vst v63  }
0xaa: {  	_ =	swait.ge [sflag:s4], $0x80  }
0xab: {  	[sflag:s4] =	ssyncset.done $0x0  }
0xac: {  	s22 =	simm.s32 $0x8100;
	[sflag:s4] =	ssyncadd.s32 $0xFFFFFF80  }
0xad: {  	[tilespmem:s22], [sflag:$0x1] =	stream.indirect.gather [hbm4b:s6+s5], $0x10, s2, s5, $0xb8;
	[tilespmem:$0xC900] =	vst v63  }
0xae: {  	_ =	swait.ge [sflag:s8], $0x800  }
0xaf: {  	[sflag:s8] =	ssyncset.done $0x0  }
0xb0: {  	s23 =	rddreg [dreg:$0x14];
	[sflag:s8] =	ssyncadd.s32 $0xFFFFF800  }
0xb1: {  	[tilespmem:s2], [sflag:$0x2] =	stream.linear.gather [hbm4b:s23+s2], $0x80, $0x38;
	[tilespmem:$0xC900] =	vst v63  }
0xb2: {  	_ =	swait.ge [sflag:s4], $0x80  }
0xb3: {  	[sflag:s4] =	ssyncset.done $0x0  }
0xb4: {  	s23 =	simm.s32 $0x8900;
	[sflag:s4] =	ssyncadd.s32 $0xFFFFFF80  }
0xb5: {  	[tilespmem:s23], [sflag:$0x1] =	stream.indirect.gather [hbm4b:s6+s5], $0x10, s5, s5, $0xb8;
	[tilespmem:$0xC900] =	vst v63  }
0xb6: {  	_ =	swait.ge [sflag:s8], $0x800  }
0xb7: {  	[sflag:s8] =	ssyncset.done $0x0  }
0xb8: {  	s24 =	rddreg [dreg:$0x15];
	[sflag:s8] =	ssyncadd.s32 $0xFFFFF800  }
0xb9: {  	[tilespmem:s5], [sflag:$0x2] =	stream.linear.gather [hbm4b:s24+s2], $0x80, $0x38;
	[tilespmem:$0xC900] =	vst v63  }
0xba: {  	_ =	swait.ge [sflag:s4], $0x80  }
0xbb: {  	[sflag:s4] =	ssyncset.done $0x0  }
0xbc: {  	s24 =	simm.s32 $0x9100;
	[sflag:s4] =	ssyncadd.s32 $0xFFFFFF80  }
0xbd: {  	[tilespmem:s24], [sflag:$0x1] =	stream.indirect.gather [hbm4b:s6+s5], $0x10, s2, s5, $0xb8;
	[tilespmem:$0xC900] =	vst v63  }
0xbe: {  	_ =	swait.ge [sflag:s8], $0x800  }
0xbf: {  	[sflag:s8] =	ssyncset.done $0x0  }
0xc0: {  	s25 =	rddreg [dreg:$0x16];
	[sflag:s8] =	ssyncadd.s32 $0xFFFFF800  }
0xc1: {  	[tilespmem:s2], [sflag:$0x2] =	stream.linear.gather [hbm4b:s25+s2], $0x80, $0x38;
	[tilespmem:$0xC900] =	vst v63  }
0xc2: {  	_ =	swait.ge [sflag:s4], $0x80  }
0xc3: {  	[sflag:s4] =	ssyncset.done $0x0  }
0xc4: {  	s25 =	simm.s32 $0x9900;
	[sflag:s4] =	ssyncadd.s32 $0xFFFFFF80  }
0xc5: {  	[tilespmem:s25], [sflag:$0x1] =	stream.indirect.gather [hbm4b:s6+s5], $0x10, s5, s5, $0xb8;
	[tilespmem:$0xC900] =	vst v63  }
0xc6: {  	_ =	swait.ge [sflag:s8], $0x800  }
0xc7: {  	[sflag:s8] =	ssyncset.done $0x0  }
0xc8: {  	s26 =	rddreg [dreg:$0x17];
	[sflag:s8] =	ssyncadd.s32 $0xFFFFF800  }
0xc9: {  	[tilespmem:s5], [sflag:$0x2] =	stream.linear.gather [hbm4b:s26+s2], $0x80, $0x38;
	[tilespmem:$0xC900] =	vst v63  }
0xca: {  	_ =	swait.ge [sflag:s4], $0x80  }
0xcb: {  	[sflag:s4] =	ssyncset.done $0x0  }
0xcc: {  	s26 =	simm.s32 $0xA100;
	[sflag:s4] =	ssyncadd.s32 $0xFFFFFF80  }
0xcd: {  	[tilespmem:s26], [sflag:$0x1] =	stream.indirect.gather [hbm4b:s6+s5], $0x10, s2, s5, $0xb8;
	[tilespmem:$0xC900] =	vst v63  }
0xce: {  	_ =	swait.ge [sflag:s8], $0x800  }
0xcf: {  	[sflag:s8] =	ssyncset.done $0x0  }
0xd0: {  	s28 =	rddreg [dreg:$0x18];
	[sflag:s8] =	ssyncadd.s32 $0xFFFFF800  }
0xd1: {  	[tilespmem:s2], [sflag:$0x2] =	stream.linear.gather [hbm4b:s28+s2], $0x80, $0x38;
	[tilespmem:$0xC900] =	vst v63  }
0xd2: {  	_ =	swait.ge [sflag:s4], $0x80  }
0xd3: {  	[sflag:s4] =	ssyncset.done $0x0  }
0xd4: {  	s28 =	simm.s32 $0xA900;
	[sflag:s4] =	ssyncadd.s32 $0xFFFFFF80  }
0xd5: {  	[tilespmem:s28], [sflag:$0x1] =	stream.indirect.gather [hbm4b:s6+s5], $0x10, s5, s5, $0xb8;
	[tilespmem:$0xC900] =	vst v63  }
0xd6: {  	_ =	swait.ge [sflag:s8], $0x800  }
0xd7: {  	[sflag:s8] =	ssyncset.done $0x0  }
0xd8: {  	s29 =	rddreg [dreg:$0x19];
	[sflag:s8] =	ssyncadd.s32 $0xFFFFF800  }
0xd9: {  	[tilespmem:s5], [sflag:$0x2] =	stream.linear.gather [hbm4b:s29+s2], $0x80, $0x38;
	[tilespmem:$0xC900] =	vst v63  }
0xda: {  	_ =	swait.ge [sflag:s4], $0x80  }
0xdb: {  	[sflag:s4] =	ssyncset.done $0x0  }
0xdc: {  	s29 =	simm.s32 $0xB100;
	[sflag:s4] =	ssyncadd.s32 $0xFFFFFF80  }
0xdd: {  	[tilespmem:s29], [sflag:$0x1] =	stream.indirect.gather [hbm4b:s6+s5], $0x10, s2, s5, $0xb8;
	[tilespmem:$0xC900] =	vst v63  }
0xde: {  	_ =	swait.ge [sflag:s8], $0x800  }
0xdf: {  	[sflag:s8] =	ssyncset.done $0x0  }
0xe0: {  	s30 =	rddreg [dreg:$0x1a];
	[sflag:s8] =	ssyncadd.s32 $0xFFFFF800  }
0xe1: {  	[tilespmem:s2], [sflag:$0x2] =	stream.linear.gather [hbm4b:s30+s2], $0x80, $0x38;
	[tilespmem:$0xC900] =	vst v63  }
0xe2: {  	_ =	swait.ge [sflag:s4], $0x80  }
0xe3: {  	[sflag:s4] =	ssyncset.done $0x0  }
0xe4: {  	s30 =	simm.s32 $0xB900;
	[sflag:s4] =	ssyncadd.s32 $0xFFFFFF80  }
0xe5: {  	[tilespmem:s30], [sflag:$0x1] =	stream.indirect.gather [hbm4b:s6+s5], $0x10, s5, s5, $0xb8;
	[tilespmem:$0xC900] =	vst v63  }
0xe6: {  	s31 =	simm.s32 $0xC100  }
0xe7: {  	[tilespmem:s31], [sflag:$0x1] =	stream.indirect.gather [hbm4b:s6+s5], $0x10, s2, s5, $0xb8;
	[tilespmem:$0xC900] =	vst v63  }
0xe8: {  	_ =	swait.ge [sflag:s8], $0x800  }
0xe9: {  	[sflag:s8] =	ssyncset.done $0x0  }
0xea: {  	[sflag:s8] =	ssyncadd.s32 $0xFFFFF800  }
0xeb: {  	_ =	swait.ge [sflag:s8], $0x800  }
0xec: {  	s1 =	ssub.s32 $0x2, s1;
	s0 =	rddreg [dreg:$0x1b]  }
0xed: {  	[dreg:$0x1e] =	wrdreg s0;
	s0 =	sshrl.u32 s1, $0x1  }
0xee: {  	s0 =	ssub.s32 s1, s0  }
0xef: {  	s0 =	smax.u32 s0, $0x1  }
0xf0: {  	p0 =	sne.s32 s0, $0x1  }
.Ltmp0:
0xf1: {  	[sflag:s8] =	ssyncset.done $0x0;
	(pc) =	sbr.rel @!p0 .LBB2_2-.Ltmp0, $4  }
0xf2: {  	[sflag:s8] =	ssyncadd.s32 $0xFFFFF800;
	s1 =	rddreg [dreg:$0x1e]  }
0xf3: {  	[hbm4b:s1+s2] =	stream.linear.scatter [tilespmem:s7], [sflag:$0x2], $0xC800, $0x38;
	[tilespmem:$0xC900] =	vst v63  }
0xf4: {  	_ =	swait.ge [sflag:s4], $0xC800  }
0xf5: {  	s1 =	sadd.s32 $0xFFFFFFFF, s0;
	[sflag:s4] =	ssyncset.done $0x0  }
.LBB2_1:
0xf6: {  	[sflag:s4] =	ssyncadd.s32 $0xFFFF3800  }
0xf7: {  	[tilespmem:s2], [sflag:$0x2] =	stream.linear.gather [hbm4b:s3+s2], $0x80, $0x38;
	[tilespmem:$0xC900] =	vst v63  }
0xf8: {  	_ =	swait.ge [sflag:s4], $0x80  }
0xf9: {  	[sflag:s4] =	ssyncset.done $0x0  }
0xfa: {  	s0 =	rddreg [dreg:$0x3];
	[sflag:s4] =	ssyncadd.s32 $0xFFFFFF80  }
0xfb: {  	[tilespmem:s5], [sflag:$0x2] =	stream.linear.gather [hbm4b:s0+s2], $0x80, $0x38;
	[tilespmem:$0xC900] =	vst v63  }
0xfc: {  	_ =	swait.ge [sflag:s4], $0x80  }
0xfd: {  	[sflag:s4] =	ssyncset.done $0x0  }
0xfe: {  	[sflag:s4] =	ssyncadd.s32 $0xFFFFFF80  }
0xff: {  	[tilespmem:s7], [sflag:$0x1] =	stream.indirect.gather [hbm4b:s6+s5], $0x10, s2, s5, $0xb8;
	[tilespmem:$0xC900] =	vst v63  }
0x100: {  	_ =	swait.ge [sflag:s8], $0x800  }
0x101: {  	[sflag:s8] =	ssyncset.done $0x0  }
0x102: {  	s0 =	rddreg [dreg:$0x4];
	[sflag:s8] =	ssyncadd.s32 $0xFFFFF800  }
0x103: {  	[tilespmem:s2], [sflag:$0x2] =	stream.linear.gather [hbm4b:s0+s2], $0x80, $0x38;
	[tilespmem:$0xC900] =	vst v63  }
0x104: {  	_ =	swait.ge [sflag:s4], $0x80  }
0x105: {  	[sflag:s4] =	ssyncset.done $0x0  }
0x106: {  	s0 =	rddreg [dreg:$0x1c];
	[sflag:s4] =	ssyncadd.s32 $0xFFFFFF80  }
0x107: {  	[tilespmem:s0], [sflag:$0x1] =	stream.indirect.gather [hbm4b:s6+s5], $0x10, s5, s5, $0xb8;
	[tilespmem:$0xC900] =	vst v63  }
0x108: {  	_ =	swait.ge [sflag:s8], $0x800  }
0x109: {  	[sflag:s8] =	ssyncset.done $0x0  }
0x10a: {  	s0 =	rddreg [dreg:$0x5];
	[sflag:s8] =	ssyncadd.s32 $0xFFFFF800  }
0x10b: {  	[tilespmem:s5], [sflag:$0x2] =	stream.linear.gather [hbm4b:s0+s2], $0x80, $0x38;
	[tilespmem:$0xC900] =	vst v63  }
0x10c: {  	_ =	swait.ge [sflag:s4], $0x80  }
0x10d: {  	[sflag:s4] =	ssyncset.done $0x0  }
0x10e: {  	s0 =	rddreg [dreg:$0x1d];
	[sflag:s4] =	ssyncadd.s32 $0xFFFFFF80  }
0x10f: {  	[tilespmem:s0], [sflag:$0x1] =	stream.indirect.gather [hbm4b:s6+s5], $0x10, s2, s5, $0xb8;
	[tilespmem:$0xC900] =	vst v63  }
0x110: {  	_ =	swait.ge [sflag:s8], $0x800  }
0x111: {  	[sflag:s8] =	ssyncset.done $0x0  }
0x112: {  	s0 =	rddreg [dreg:$0x6];
	[sflag:s8] =	ssyncadd.s32 $0xFFFFF800  }
0x113: {  	[tilespmem:s2], [sflag:$0x2] =	stream.linear.gather [hbm4b:s0+s2], $0x80, $0x38;
	[tilespmem:$0xC900] =	vst v63  }
0x114: {  	_ =	swait.ge [sflag:s4], $0x80  }
0x115: {  	[sflag:s4] =	ssyncset.done $0x0  }
0x116: {  	[sflag:s4] =	ssyncadd.s32 $0xFFFFFF80  }
0x117: {  	[tilespmem:s9], [sflag:$0x1] =	stream.indirect.gather [hbm4b:s6+s5], $0x10, s5, s5, $0xb8;
	[tilespmem:$0xC900] =	vst v63  }
0x118: {  	_ =	swait.ge [sflag:s8], $0x800  }
0x119: {  	[sflag:s8] =	ssyncset.done $0x0  }
0x11a: {  	s0 =	rddreg [dreg:$0x7];
	[sflag:s8] =	ssyncadd.s32 $0xFFFFF800  }
0x11b: {  	[tilespmem:s5], [sflag:$0x2] =	stream.linear.gather [hbm4b:s0+s2], $0x80, $0x38;
	[tilespmem:$0xC900] =	vst v63  }
0x11c: {  	_ =	swait.ge [sflag:s4], $0x80  }
0x11d: {  	[sflag:s4] =	ssyncset.done $0x0  }
0x11e: {  	[sflag:s4] =	ssyncadd.s32 $0xFFFFFF80  }
0x11f: {  	[tilespmem:s10], [sflag:$0x1] =	stream.indirect.gather [hbm4b:s6+s5], $0x10, s2, s5, $0xb8;
	[tilespmem:$0xC900] =	vst v63  }
0x120: {  	_ =	swait.ge [sflag:s8], $0x800  }
0x121: {  	[sflag:s8] =	ssyncset.done $0x0  }
0x122: {  	s0 =	rddreg [dreg:$0x8];
	[sflag:s8] =	ssyncadd.s32 $0xFFFFF800  }
0x123: {  	[tilespmem:s2], [sflag:$0x2] =	stream.linear.gather [hbm4b:s0+s2], $0x80, $0x38;
	[tilespmem:$0xC900] =	vst v63  }
0x124: {  	_ =	swait.ge [sflag:s4], $0x80  }
0x125: {  	[sflag:s4] =	ssyncset.done $0x0  }
0x126: {  	[sflag:s4] =	ssyncadd.s32 $0xFFFFFF80  }
0x127: {  	[tilespmem:s11], [sflag:$0x1] =	stream.indirect.gather [hbm4b:s6+s5], $0x10, s5, s5, $0xb8;
	[tilespmem:$0xC900] =	vst v63  }
0x128: {  	_ =	swait.ge [sflag:s8], $0x800  }
0x129: {  	[sflag:s8] =	ssyncset.done $0x0  }
0x12a: {  	s0 =	rddreg [dreg:$0x9];
	[sflag:s8] =	ssyncadd.s32 $0xFFFFF800  }
0x12b: {  	[tilespmem:s5], [sflag:$0x2] =	stream.linear.gather [hbm4b:s0+s2], $0x80, $0x38;
	[tilespmem:$0xC900] =	vst v63  }
0x12c: {  	_ =	swait.ge [sflag:s4], $0x80  }
0x12d: {  	[sflag:s4] =	ssyncset.done $0x0  }
0x12e: {  	[sflag:s4] =	ssyncadd.s32 $0xFFFFFF80  }
0x12f: {  	[tilespmem:s12], [sflag:$0x1] =	stream.indirect.gather [hbm4b:s6+s5], $0x10, s2, s5, $0xb8;
	[tilespmem:$0xC900] =	vst v63  }
0x130: {  	_ =	swait.ge [sflag:s8], $0x800  }
0x131: {  	[sflag:s8] =	ssyncset.done $0x0  }
0x132: {  	s0 =	rddreg [dreg:$0xa];
	[sflag:s8] =	ssyncadd.s32 $0xFFFFF800  }
0x133: {  	[tilespmem:s2], [sflag:$0x2] =	stream.linear.gather [hbm4b:s0+s2], $0x80, $0x38;
	[tilespmem:$0xC900] =	vst v63  }
0x134: {  	_ =	swait.ge [sflag:s4], $0x80  }
0x135: {  	[sflag:s4] =	ssyncset.done $0x0  }
0x136: {  	[sflag:s4] =	ssyncadd.s32 $0xFFFFFF80  }
0x137: {  	[tilespmem:s13], [sflag:$0x1] =	stream.indirect.gather [hbm4b:s6+s5], $0x10, s5, s5, $0xb8;
	[tilespmem:$0xC900] =	vst v63  }
0x138: {  	_ =	swait.ge [sflag:s8], $0x800  }
0x139: {  	[sflag:s8] =	ssyncset.done $0x0  }
0x13a: {  	s0 =	rddreg [dreg:$0xb];
	[sflag:s8] =	ssyncadd.s32 $0xFFFFF800  }
0x13b: {  	[tilespmem:s5], [sflag:$0x2] =	stream.linear.gather [hbm4b:s0+s2], $0x80, $0x38;
	[tilespmem:$0xC900] =	vst v63  }
0x13c: {  	_ =	swait.ge [sflag:s4], $0x80  }
0x13d: {  	[sflag:s4] =	ssyncset.done $0x0  }
0x13e: {  	[sflag:s4] =	ssyncadd.s32 $0xFFFFFF80  }
0x13f: {  	[tilespmem:s14], [sflag:$0x1] =	stream.indirect.gather [hbm4b:s6+s5], $0x10, s2, s5, $0xb8;
	[tilespmem:$0xC900] =	vst v63  }
0x140: {  	_ =	swait.ge [sflag:s8], $0x800  }
0x141: {  	[sflag:s8] =	ssyncset.done $0x0  }
0x142: {  	s0 =	rddreg [dreg:$0xc];
	[sflag:s8] =	ssyncadd.s32 $0xFFFFF800  }
0x143: {  	[tilespmem:s2], [sflag:$0x2] =	stream.linear.gather [hbm4b:s0+s2], $0x80, $0x38;
	[tilespmem:$0xC900] =	vst v63  }
0x144: {  	_ =	swait.ge [sflag:s4], $0x80  }
0x145: {  	[sflag:s4] =	ssyncset.done $0x0  }
0x146: {  	[sflag:s4] =	ssyncadd.s32 $0xFFFFFF80  }
0x147: {  	[tilespmem:s15], [sflag:$0x1] =	stream.indirect.gather [hbm4b:s6+s5], $0x10, s5, s5, $0xb8;
	[tilespmem:$0xC900] =	vst v63  }
0x148: {  	_ =	swait.ge [sflag:s8], $0x800  }
0x149: {  	[sflag:s8] =	ssyncset.done $0x0  }
0x14a: {  	s0 =	rddreg [dreg:$0xd];
	[sflag:s8] =	ssyncadd.s32 $0xFFFFF800  }
0x14b: {  	[tilespmem:s5], [sflag:$0x2] =	stream.linear.gather [hbm4b:s0+s2], $0x80, $0x38;
	[tilespmem:$0xC900] =	vst v63  }
0x14c: {  	_ =	swait.ge [sflag:s4], $0x80  }
0x14d: {  	[sflag:s4] =	ssyncset.done $0x0  }
0x14e: {  	[sflag:s4] =	ssyncadd.s32 $0xFFFFFF80  }
0x14f: {  	[tilespmem:s16], [sflag:$0x1] =	stream.indirect.gather [hbm4b:s6+s5], $0x10, s2, s5, $0xb8;
	[tilespmem:$0xC900] =	vst v63  }
0x150: {  	_ =	swait.ge [sflag:s8], $0x800  }
0x151: {  	[sflag:s8] =	ssyncset.done $0x0  }
0x152: {  	s0 =	rddreg [dreg:$0xe];
	[sflag:s8] =	ssyncadd.s32 $0xFFFFF800  }
0x153: {  	[tilespmem:s2], [sflag:$0x2] =	stream.linear.gather [hbm4b:s0+s2], $0x80, $0x38;
	[tilespmem:$0xC900] =	vst v63  }
0x154: {  	_ =	swait.ge [sflag:s4], $0x80  }
0x155: {  	[sflag:s4] =	ssyncset.done $0x0  }
0x156: {  	[sflag:s4] =	ssyncadd.s32 $0xFFFFFF80  }
0x157: {  	[tilespmem:s17], [sflag:$0x1] =	stream.indirect.gather [hbm4b:s6+s5], $0x10, s5, s5, $0xb8;
	[tilespmem:$0xC900] =	vst v63  }
0x158: {  	_ =	swait.ge [sflag:s8], $0x800  }
0x159: {  	[sflag:s8] =	ssyncset.done $0x0  }
0x15a: {  	s0 =	rddreg [dreg:$0xf];
	[sflag:s8] =	ssyncadd.s32 $0xFFFFF800  }
0x15b: {  	[tilespmem:s5], [sflag:$0x2] =	stream.linear.gather [hbm4b:s0+s2], $0x80, $0x38;
	[tilespmem:$0xC900] =	vst v63  }
0x15c: {  	_ =	swait.ge [sflag:s4], $0x80  }
0x15d: {  	[sflag:s4] =	ssyncset.done $0x0  }
0x15e: {  	[sflag:s4] =	ssyncadd.s32 $0xFFFFFF80  }
0x15f: {  	[tilespmem:s18], [sflag:$0x1] =	stream.indirect.gather [hbm4b:s6+s5], $0x10, s2, s5, $0xb8;
	[tilespmem:$0xC900] =	vst v63  }
0x160: {  	_ =	swait.ge [sflag:s8], $0x800  }
0x161: {  	[sflag:s8] =	ssyncset.done $0x0  }
0x162: {  	s0 =	rddreg [dreg:$0x10];
	[sflag:s8] =	ssyncadd.s32 $0xFFFFF800  }
0x163: {  	[tilespmem:s2], [sflag:$0x2] =	stream.linear.gather [hbm4b:s0+s2], $0x80, $0x38;
	[tilespmem:$0xC900] =	vst v63  }
0x164: {  	_ =	swait.ge [sflag:s4], $0x80  }
0x165: {  	[sflag:s4] =	ssyncset.done $0x0  }
0x166: {  	[sflag:s4] =	ssyncadd.s32 $0xFFFFFF80  }
0x167: {  	[tilespmem:s19], [sflag:$0x1] =	stream.indirect.gather [hbm4b:s6+s5], $0x10, s5, s5, $0xb8;
	[tilespmem:$0xC900] =	vst v63  }
0x168: {  	_ =	swait.ge [sflag:s8], $0x800  }
0x169: {  	[sflag:s8] =	ssyncset.done $0x0  }
0x16a: {  	s0 =	rddreg [dreg:$0x11];
	[sflag:s8] =	ssyncadd.s32 $0xFFFFF800  }
0x16b: {  	[tilespmem:s5], [sflag:$0x2] =	stream.linear.gather [hbm4b:s0+s2], $0x80, $0x38;
	[tilespmem:$0xC900] =	vst v63  }
0x16c: {  	_ =	swait.ge [sflag:s4], $0x80  }
0x16d: {  	[sflag:s4] =	ssyncset.done $0x0  }
0x16e: {  	[sflag:s4] =	ssyncadd.s32 $0xFFFFFF80  }
0x16f: {  	[tilespmem:s20], [sflag:$0x1] =	stream.indirect.gather [hbm4b:s6+s5], $0x10, s2, s5, $0xb8;
	[tilespmem:$0xC900] =	vst v63  }
0x170: {  	_ =	swait.ge [sflag:s8], $0x800  }
0x171: {  	[sflag:s8] =	ssyncset.done $0x0  }
0x172: {  	s0 =	rddreg [dreg:$0x12];
	[sflag:s8] =	ssyncadd.s32 $0xFFFFF800  }
0x173: {  	[tilespmem:s2], [sflag:$0x2] =	stream.linear.gather [hbm4b:s0+s2], $0x80, $0x38;
	[tilespmem:$0xC900] =	vst v63  }
0x174: {  	_ =	swait.ge [sflag:s4], $0x80  }
0x175: {  	[sflag:s4] =	ssyncset.done $0x0  }
0x176: {  	[sflag:s4] =	ssyncadd.s32 $0xFFFFFF80  }
0x177: {  	[tilespmem:s21], [sflag:$0x1] =	stream.indirect.gather [hbm4b:s6+s5], $0x10, s5, s5, $0xb8;
	[tilespmem:$0xC900] =	vst v63  }
0x178: {  	_ =	swait.ge [sflag:s8], $0x800  }
0x179: {  	[sflag:s8] =	ssyncset.done $0x0  }
0x17a: {  	s0 =	rddreg [dreg:$0x13];
	[sflag:s8] =	ssyncadd.s32 $0xFFFFF800  }
0x17b: {  	[tilespmem:s5], [sflag:$0x2] =	stream.linear.gather [hbm4b:s0+s2], $0x80, $0x38;
	[tilespmem:$0xC900] =	vst v63  }
0x17c: {  	_ =	swait.ge [sflag:s4], $0x80  }
0x17d: {  	[sflag:s4] =	ssyncset.done $0x0  }
0x17e: {  	[sflag:s4] =	ssyncadd.s32 $0xFFFFFF80  }
0x17f: {  	[tilespmem:s22], [sflag:$0x1] =	stream.indirect.gather [hbm4b:s6+s5], $0x10, s2, s5, $0xb8;
	[tilespmem:$0xC900] =	vst v63  }
0x180: {  	_ =	swait.ge [sflag:s8], $0x800  }
0x181: {  	[sflag:s8] =	ssyncset.done $0x0  }
0x182: {  	s0 =	rddreg [dreg:$0x14];
	[sflag:s8] =	ssyncadd.s32 $0xFFFFF800  }
0x183: {  	[tilespmem:s2], [sflag:$0x2] =	stream.linear.gather [hbm4b:s0+s2], $0x80, $0x38;
	[tilespmem:$0xC900] =	vst v63  }
0x184: {  	_ =	swait.ge [sflag:s4], $0x80  }
0x185: {  	[sflag:s4] =	ssyncset.done $0x0  }
0x186: {  	[sflag:s4] =	ssyncadd.s32 $0xFFFFFF80  }
0x187: {  	[tilespmem:s23], [sflag:$0x1] =	stream.indirect.gather [hbm4b:s6+s5], $0x10, s5, s5, $0xb8;
	[tilespmem:$0xC900] =	vst v63  }
0x188: {  	_ =	swait.ge [sflag:s8], $0x800  }
0x189: {  	[sflag:s8] =	ssyncset.done $0x0  }
0x18a: {  	s0 =	rddreg [dreg:$0x15];
	[sflag:s8] =	ssyncadd.s32 $0xFFFFF800  }
0x18b: {  	[tilespmem:s5], [sflag:$0x2] =	stream.linear.gather [hbm4b:s0+s2], $0x80, $0x38;
	[tilespmem:$0xC900] =	vst v63  }
0x18c: {  	_ =	swait.ge [sflag:s4], $0x80  }
0x18d: {  	[sflag:s4] =	ssyncset.done $0x0  }
0x18e: {  	[sflag:s4] =	ssyncadd.s32 $0xFFFFFF80  }
0x18f: {  	[tilespmem:s24], [sflag:$0x1] =	stream.indirect.gather [hbm4b:s6+s5], $0x10, s2, s5, $0xb8;
	[tilespmem:$0xC900] =	vst v63  }
0x190: {  	_ =	swait.ge [sflag:s8], $0x800  }
0x191: {  	[sflag:s8] =	ssyncset.done $0x0  }
0x192: {  	s0 =	rddreg [dreg:$0x16];
	[sflag:s8] =	ssyncadd.s32 $0xFFFFF800  }
0x193: {  	[tilespmem:s2], [sflag:$0x2] =	stream.linear.gather [hbm4b:s0+s2], $0x80, $0x38;
	[tilespmem:$0xC900] =	vst v63  }
0x194: {  	_ =	swait.ge [sflag:s4], $0x80  }
0x195: {  	[sflag:s4] =	ssyncset.done $0x0  }
0x196: {  	[sflag:s4] =	ssyncadd.s32 $0xFFFFFF80  }
0x197: {  	[tilespmem:s25], [sflag:$0x1] =	stream.indirect.gather [hbm4b:s6+s5], $0x10, s5, s5, $0xb8;
	[tilespmem:$0xC900] =	vst v63  }
0x198: {  	_ =	swait.ge [sflag:s8], $0x800  }
0x199: {  	[sflag:s8] =	ssyncset.done $0x0  }
0x19a: {  	s0 =	rddreg [dreg:$0x17];
	[sflag:s8] =	ssyncadd.s32 $0xFFFFF800  }
0x19b: {  	[tilespmem:s5], [sflag:$0x2] =	stream.linear.gather [hbm4b:s0+s2], $0x80, $0x38;
	[tilespmem:$0xC900] =	vst v63  }
0x19c: {  	_ =	swait.ge [sflag:s4], $0x80  }
0x19d: {  	[sflag:s4] =	ssyncset.done $0x0  }
0x19e: {  	[sflag:s4] =	ssyncadd.s32 $0xFFFFFF80  }
0x19f: {  	[tilespmem:s26], [sflag:$0x1] =	stream.indirect.gather [hbm4b:s6+s5], $0x10, s2, s5, $0xb8;
	[tilespmem:$0xC900] =	vst v63  }
0x1a0: {  	_ =	swait.ge [sflag:s8], $0x800  }
0x1a1: {  	[sflag:s8] =	ssyncset.done $0x0  }
0x1a2: {  	s0 =	rddreg [dreg:$0x18];
	[sflag:s8] =	ssyncadd.s32 $0xFFFFF800  }
0x1a3: {  	[tilespmem:s2], [sflag:$0x2] =	stream.linear.gather [hbm4b:s0+s2], $0x80, $0x38;
	[tilespmem:$0xC900] =	vst v63  }
0x1a4: {  	_ =	swait.ge [sflag:s4], $0x80  }
0x1a5: {  	[sflag:s4] =	ssyncset.done $0x0  }
0x1a6: {  	[sflag:s4] =	ssyncadd.s32 $0xFFFFFF80  }
0x1a7: {  	[tilespmem:s28], [sflag:$0x1] =	stream.indirect.gather [hbm4b:s6+s5], $0x10, s5, s5, $0xb8;
	[tilespmem:$0xC900] =	vst v63  }
0x1a8: {  	_ =	swait.ge [sflag:s8], $0x800  }
0x1a9: {  	[sflag:s8] =	ssyncset.done $0x0  }
0x1aa: {  	s0 =	rddreg [dreg:$0x19];
	[sflag:s8] =	ssyncadd.s32 $0xFFFFF800  }
0x1ab: {  	[tilespmem:s5], [sflag:$0x2] =	stream.linear.gather [hbm4b:s0+s2], $0x80, $0x38;
	[tilespmem:$0xC900] =	vst v63  }
0x1ac: {  	_ =	swait.ge [sflag:s4], $0x80  }
0x1ad: {  	[sflag:s4] =	ssyncset.done $0x0  }
0x1ae: {  	[sflag:s4] =	ssyncadd.s32 $0xFFFFFF80  }
0x1af: {  	[tilespmem:s29], [sflag:$0x1] =	stream.indirect.gather [hbm4b:s6+s5], $0x10, s2, s5, $0xb8;
	[tilespmem:$0xC900] =	vst v63  }
0x1b0: {  	_ =	swait.ge [sflag:s8], $0x800  }
0x1b1: {  	[sflag:s8] =	ssyncset.done $0x0  }
0x1b2: {  	s0 =	rddreg [dreg:$0x1a];
	[sflag:s8] =	ssyncadd.s32 $0xFFFFF800  }
0x1b3: {  	[tilespmem:s2], [sflag:$0x2] =	stream.linear.gather [hbm4b:s0+s2], $0x80, $0x38;
	[tilespmem:$0xC900] =	vst v63  }
0x1b4: {  	_ =	swait.ge [sflag:s4], $0x80  }
0x1b5: {  	[sflag:s4] =	ssyncset.done $0x0  }
0x1b6: {  	[sflag:s4] =	ssyncadd.s32 $0xFFFFFF80  }
0x1b7: {  	[tilespmem:s30], [sflag:$0x1] =	stream.indirect.gather [hbm4b:s6+s5], $0x10, s5, s5, $0xb8;
	[tilespmem:$0xC900] =	vst v63  }
0x1b8: {  	_ = 	snop  }
0x1b9: {  	[tilespmem:s31], [sflag:$0x1] =	stream.indirect.gather [hbm4b:s6+s5], $0x10, s2, s5, $0xb8;
	[tilespmem:$0xC900] =	vst v63  }
0x1ba: {  	_ =	swait.ge [sflag:s8], $0x800  }
0x1bb: {  	[sflag:s8] =	ssyncset.done $0x0  }
0x1bc: {  	[sflag:s8] =	ssyncadd.s32 $0xFFFFF800  }
0x1bd: {  	p0 =	sne.s32 s1, $0x1;
	_ =	swait.ge [sflag:s8], $0x800  }
.Ltmp1:
0x1be: {  	[sflag:s8] =	ssyncset.done $0x0;
	(pc) =	sbr.rel @p0 .LBB2_1-.Ltmp1, $4  }
0x1bf: {  	s0 =	rddreg [dreg:$0x1b];
	[sflag:s8] =	ssyncadd.s32 $0xFFFFF800  }
0x1c0: {  	[hbm4b:s0+s2] =	stream.linear.scatter [tilespmem:s7], [sflag:$0x2], $0xC800, $0x38;
	[tilespmem:$0xC900] =	vst v63  }
0x1c1: {  	_ =	swait.ge [sflag:s4], $0xC800  }
0x1c2: {  	s1 =	sadd.s32 $0xFFFFFFFF, s1;
	[sflag:s4] =	ssyncset.done $0x0  }
.LBB2_2:
0x1c3: {  	[sflag:s4] =	ssyncadd.s32 $0xFFFF3800  }
0x1c4: {  	_ =	sfence.sel $0x180000  }
0x1c5: {  	[bflag:$0x0] =	sbarrier.arrive $0xFFFF  }
0x1c6: {  	_ =	strace $0x90000047  }
0x1c7: {  	s0 =	stileid.u32;
	[bflag:$0x2] =	sbarrier.arrive $0xFFFF  }
0x1c8: {  	p0 =	sne.s32 s0, $0x0;
	s0 =	rddreg [dreg:$0x2]  }
0x1c9: {  	s0 =	sadd.s32 @!p0 $0x100000, s0  }
0x1ca: {  	[sflag:s0] =	ssyncadd.tile.s32 @!p0 $0x1;
	_ =	shalt  }
.Lfunc_end2:
_tile_overlayer_lowered:
.L_overlay_start_2:
0x1cb: {  	(tag) =	ssettag $0x2  }
0x1cc: {  	s0 =	rddreg [dreg:$0x0];
	s2 =	stileid.u32  }
0x1cd: {  	s1 =	rddreg [dreg:$0x1];
	p0 =	sne.s32 s2, $0x0  }
0x1ce: {  	s3 =	rddreg [dreg:$0x2];
	[bflag:$0x3] =	sbarrier.arrive $0xFFFF;
	s2 =	simm.s32 @!p0 $0x1C02  }
0x1cf: {  	[timem:s3], [sflag:s2] =	dma.local @!p0 [hbm:s0], s1  }
0x1d0: {  	s0 =	simm.s32 @!p0 $0x2  }
0x1d1: {  	_ =	swait.ge @!p0 [sflag:s0], s1  }
0x1d2: {  	s1 =	ssub.s32 @!p0 $0x0, s1;
	[sflag:s0] =	ssyncset.done @!p0 $0x0  }
0x1d3: {  	[sflag:s0] =	ssyncadd.s32 @!p0 s1  }
0x1d4: {  	[bflag:$0x3] =	sbarrier.arrive $0xFFFF  }
0x1d5: {  	_ =	shalt  }

// kernel: kernel.9.cloned.1.call-start
scs
__scs_entry_jumppad:
0x0: {  	(pc) =	sbr.rel $0x88, $3  }
0x1: {  	(tag) =	ssettag $0x0;
	lr =	simm.s32 $0x1  }
0x2: {  	[smem:$0x3F99] =	sst lr;
	_ =	strace $0xD0000000  }
0x3: {  	_ = 	snop  }
0x4: {  	_ = 	snop  }
0x5: {  	_ = 	snop  }
0x6: {  	_ = 	snop  }
0x7: {  	_ = 	snop  }
__scs_overlays_trampoline_lowered:
0x8: {  	[smem:$0x3FA8] =	sst s0  }
0x9: {  	[smem:$0x3FA9] =	sst s1  }
0xa: {  	[smem:$0x3FAA] =	sst s2  }
0xb: {  	[smem:$0x3FAB] =	sst s3  }
0xc: {  	[smem:$0x3FAC] =	sst s4  }
0xd: {  	[smem:$0x3FAD] =	sst s5  }
0xe: {  	[smem:$0x3FAE] =	sst s6  }
0xf: {  	[smem:$0x3FAF] =	sst s7  }
0x10: {  	[smem:$0x3FB0] =	sst s8  }
0x11: {  	[smem:$0x3FB1] =	sst s9;
	s0 =	simm.s32 @!p0 $0x0  }
0x12: {  	s1 =	sld [smem:$0x3F97];
	s0 =	simm.s32 @p0 $0x1  }
0x13: {  	[smem:$0x3FB2] =	sst s0;
	s0 =	simm.s32 @!p1 $0x0  }
0x14: {  	s2 =	sld [smem:$0x3F96];
	s0 =	simm.s32 @p1 $0x1  }
0x15: {  	[smem:$0x3FB3] =	sst s0;
	s0 =	simm.s32 @!p2 $0x0  }
0x16: {  	s3 =	sld [smem:$0x3FDB];
	s0 =	simm.s32 @p2 $0x1  }
0x17: {  	s4 =	simm.s32 $0x1BF5;
	[smem:$0x3FB5] =	sst s0  }
0x18: {  	s0 =	sld [smem:$0x3F98];
	_ =	swait.ge [sflag:s4], $0x0  }
0x19: {  	s7 =	sld [smem:$0x3F99]  }
0x1a: {  	s8 =	sadd.s32 $0xFFFFE003, lr  }
0x1b: {  	s9 =	sadd.s32 $0xFFFFFEF7, lr;
	s5 =	simm.s32 $0xFFFFFFFF;
	p2 =	slt.u32 s8, $0xFFFFF086  }
0x1c: {  	p1 =	slt.u32 s9, $0xF7A;
	s5 =	simm.s32 @!p2 $0x0  }
0x1d: {  	s5 =	simm.s32 @p1 $0x1;
	p0 =	seq.s32 s7, s2  }
0x1e: {  	s7 =	smul.u32 @!p0 $0xF7A, s2;
	p2 =	seq.s32 @!p0 s5, $0x0  }
0x1f: {  	s9 =	smul.u32 $0xF7A, s1;
	s8 =	simm.s32 @!p0 $0x1BF5;
	p2 =	por !p2, p0  }
0x20: {  	[sflag:s8] =	ssyncset.s32 @!p0 $0xFFFFF086;
	s6 =	sadd.s32 @!p0 s3, s7;
	s7 =	simm.s32 @!p0 $0x108  }
0x21: {  	s3 =	sadd.s32 s3, s9;
	s6 =	sadd.s32 @!p0 $0x88, s6;
	s7 =	simm.s32 @p2 $0x1082  }
0x22: {  	[simem:s7], [sflag:s8] =	dma.local @!p0 [hbm:s6], $0xF7A  }
0x23: {  	s9 =	sor.u32 $0xD0000000, s2;
	s6 =	simm.s32 $0x108;
	_ =	swait.ge @!p0 [sflag:s8], $0x0  }
0x24: {  	s3 =	sadd.s32 $0x88, s3;
	s6 =	simm.s32 @!p1 $0x1082;
	[sflag:s4] =	ssyncset.s32 $0xFFFFF086  }
0x25: {  	[simem:s6], [sflag:s4] =	dma.local [hbm:s3], $0xF7A  }
0x26: {  	[smem:$0x3F99] =	sst s1;
	(tag) =	ssettag s2;
	_ =	strace s9  }
0x27: {  	s1 =	sld [smem:$0x3FA9]  }
0x28: {  	s2 =	sld [smem:$0x3FAA]  }
0x29: {  	s4 =	sld [smem:$0x3FAC]  }
0x2a: {  	p0 =	seq.s32 s5, $0x0;
	s5 =	sld [smem:$0x3FAD]  }
0x2b: {  	s6 =	sld [smem:$0x3FAE]  }
0x2c: {  	s7 =	sld [smem:$0x3FAF]  }
0x2d: {  	s3 =	simm.s32 $0x108;
	s8 =	sld [smem:$0x3FB0]  }
0x2e: {  	s3 =	simm.s32 @!p0 $0x1082;
	s9 =	sld [smem:$0x3FB1]  }
0x2f: {  	lr =	sadd.s32 s0, s3;
	s0 =	sld [smem:$0x3FA8]  }
0x30: {  	s3 =	sld [smem:$0x3FAB]  }
0x31: {  	[smem:$0x3FB4] =	sst s10  }
0x32: {  	s10 =	sld [smem:$0x3FB2];
	_ =	sdelay $0x3  }
0x33: {  	p0 =	seq.s32 s10, $0x1;
	s10 =	sld [smem:$0x3FB4];
	_ =	sdelay $0x3  }
0x34: {  	[smem:$0x3FB4] =	sst s10  }
0x35: {  	s10 =	sld [smem:$0x3FB3];
	_ =	sdelay $0x3  }
0x36: {  	p1 =	seq.s32 s10, $0x1;
	s10 =	sld [smem:$0x3FB4];
	_ =	sdelay $0x3  }
0x37: {  	[smem:$0x3FB4] =	sst s10  }
0x38: {  	s10 =	sld [smem:$0x3FB5]  }
0x39: {  	_ = 	snop;
	(pc) =	sbr.ind lr, $3  }
0x3a: {  	_ = 	snop  }
0x3b: {  	_ = 	snop  }
0x3c: {  	p2 =	seq.s32 s10, $0x1;
	s10 =	sld [smem:$0x3FB4]  }
0x3d: {  	_ =	shalt  }
0x3e: {  	_ =	shalt  }
0x3f: {  	_ =	shalt  }
0x40: {  	_ =	shalt  }
0x41: {  	_ =	shalt  }
0x42: {  	_ =	shalt  }
0x43: {  	_ =	shalt  }
0x44: {  	_ =	shalt  }
0x45: {  	_ =	shalt  }
0x46: {  	_ =	shalt  }
0x47: {  	_ =	shalt  }
0x48: {  	_ =	shalt  }
0x49: {  	_ =	shalt  }
0x4a: {  	_ =	shalt  }
0x4b: {  	_ =	shalt  }
0x4c: {  	_ =	shalt  }
0x4d: {  	_ =	shalt  }
0x4e: {  	_ =	shalt  }
0x4f: {  	_ =	shalt  }
0x50: {  	_ =	shalt  }
0x51: {  	_ =	shalt  }
0x52: {  	_ =	shalt  }
0x53: {  	_ =	shalt  }
0x54: {  	_ =	shalt  }
0x55: {  	_ =	shalt  }
0x56: {  	_ =	shalt  }
0x57: {  	_ =	shalt  }
0x58: {  	_ =	shalt  }
0x59: {  	_ =	shalt  }
0x5a: {  	_ =	shalt  }
0x5b: {  	_ =	shalt  }
0x5c: {  	_ =	shalt  }
0x5d: {  	_ =	shalt  }
0x5e: {  	_ =	shalt  }
0x5f: {  	_ =	shalt  }
0x60: {  	_ =	shalt  }
0x61: {  	_ =	shalt  }
0x62: {  	_ =	shalt  }
0x63: {  	_ =	shalt  }
0x64: {  	_ =	shalt  }
0x65: {  	_ =	shalt  }
0x66: {  	_ =	shalt  }
0x67: {  	_ =	shalt  }
0x68: {  	_ =	shalt  }
0x69: {  	_ =	shalt  }
0x6a: {  	_ =	shalt  }
0x6b: {  	_ =	shalt  }
0x6c: {  	_ =	shalt  }
0x6d: {  	_ =	shalt  }
0x6e: {  	_ =	shalt  }
0x6f: {  	_ =	shalt  }
0x70: {  	_ =	shalt  }
0x71: {  	_ =	shalt  }
0x72: {  	_ =	shalt  }
0x73: {  	_ =	shalt  }
0x74: {  	_ =	shalt  }
0x75: {  	_ =	shalt  }
0x76: {  	_ =	shalt  }
0x77: {  	_ =	shalt  }
0x78: {  	_ =	shalt  }
0x79: {  	_ =	shalt  }
0x7a: {  	_ =	shalt  }
0x7b: {  	_ =	shalt  }
0x7c: {  	_ =	shalt  }
0x7d: {  	_ =	shalt  }
0x7e: {  	_ =	shalt  }
0x7f: {  	_ =	shalt  }
0x80: {  	_ =	shalt  }
0x81: {  	_ =	shalt  }
0x82: {  	_ =	shalt  }
0x83: {  	_ =	shalt  }
0x84: {  	_ =	shalt  }
0x85: {  	_ =	shalt  }
0x86: {  	_ =	shalt  }
0x87: {  	_ =	shalt  }
.Lfunc_end0:
.L_simem_size_0:
called_computation.1_lowered:
.L_overlay_start_0:
0x88: {  	s2 =	sld [smem:$0x3FD9]  }
0x89: {  	s3 =	sld [smem:$0x3FFE];
	_ =	sdelay $0x1  }
0x8a: {  	s1 =	srdreg.scid  }
0x8b: {  	s0 =	sand.u32 $0x1, s1  }
0x8c: {  	s16 =	sshll.u32 s0, $0xA;
	s2 =	sadd.s32 s3, s2  }
0x8d: {  	s2 =	sadd.s32 s2, s16  }
0x8e: {  	[smem:$0x3FC0] =	sst s2  }
0x8f: {  	_ = 	snop  }
0x90: {  	(tm) =	ssettm $0x1  }
0x91: {  	s17 =	sld [smem:$0x3FFB];
	_ =	sdelay $0x3  }
0x92: {  	_ =	strace s17  }
0x93: {  	s2 =	sld [smem:$0x3FFC];
	_ =	sdelay $0x3  }
0x94: {  	_ =	strace s2  }
0x95: {  	s2 =	sld [smem:$0x3FFD];
	_ =	sdelay $0x3  }
0x96: {  	_ =	strace s2  }
0x97: {  	_ =	strace $0x8FFFFFFF  }
0x98: {  	s18 =	sld [smem:$0x3FDB];
	_ =	sdelay $0x1  }
0x99: {  	s19 =	simm.s32 $_scs_section_size  }
0x9a: {  	s4 =	simm.s32 $_size__tile_overlayer_lowered;
	s5 =	simm.s32 $_tile_overlayer_lowered  }
0x9b: {  	s22 =	simm.s32 $0x1BFF;
	s21 =	sshll.u32 s5, $0x1;
	s2 =	sadd.s32 s19, s18  }
0x9c: {  	s6 =	simm.s32 $0x0;
	s20 =	sshll.u32 s4, $0x1;
	s4 =	sadd.s32 s21, s2  }
0x9d: {  	[timem:s6], [sflag:s22] =	dma.local [hbm:s4], s20  }
0x9e: {  	_ =	swait.ge [sflag:s22], s20  }
0x9f: {  	s3 =	ssub.s32 $0x0, s20;
	[sflag:s22] =	ssyncset.done $0x0  }
0xa0: {  	[sflag:s22] =	ssyncadd.s32 s3;
	_ =	sdelay $0x1  }
0xa1: {  	s23 =	simm.s32 $0x1B8B  }
0xa2: {  	_ =	swait.ge [sflag:s23], $0x1  }
0xa3: {  	[sflag:s23] =	ssyncset.done $0x0  }
0xa4: {  	s25 =	simm.s32 $0x1B8E;
	s24 =	sld [smem:$0x3FFE];
	[sflag:s23] =	ssyncadd.s32 $0xFFFFFFFF  }
0xa5: {  	s26 =	simm.s32 $execute0_lowered;
	[smem:$0x3FD2] =	sst s25  }
0xa6: {  	s4 =	sshll.u32 s26, $0x1;
	_ =	strace $0x80000049;
	[dreg:$0x1] =	wrdreg $0xFFFFFFFF  }
0xa7: {  	s28 =	simm.s32 $_size_execute0_lowered;
	s2 =	sadd.s32 s2, s4;
	[dreg:$0x0] =	wrdreg $0x0  }
0xa8: {  	s4 =	sshll.u32 s28, $0x1;
	[dreg:$0x2] =	wrdreg s2  }
0xa9: {  	[dreg:$0x3] =	wrdreg s4  }
0xaa: {  	[dreg:$0x4] =	wrdreg $0xC0  }
0xab: {  	_ =	task [dreg:s6], $0x5FFFF  }
0xac: {  	[dreg:$0x1] =	wrdreg $0xFFFFFFFF  }
0xad: {  	[dreg:$0x0] =	wrdreg $0x60  }
0xae: {  	[dreg:$0x2] =	wrdreg s24  }
0xaf: {  	[dreg:$0x3] =	wrdreg $0x44000  }
0xb0: {  	[dreg:$0x4] =	wrdreg $0x9  }
0xb1: {  	_ =	task.clear_ibuf [dreg:s6], $0x5FFFF;
	_ =	strace $0x90000049  }
0xb2: {  	s29 =	simm.s32 $0x9;
	_ =	strace $0x8000004B  }
0xb3: {  	_ =	swait.ge [sflag:s29], $0x1  }
0xb4: {  	[sflag:s29] =	ssyncadd.s32 $0xFFFFFFFF  }
0xb5: {  	_ =	strace $0x9000004B  }
0xb6: {  	_ =	sfence  }
0xb7: {  	s30 =	sld [smem:$0x0];
	_ =	sdelay $0x2  }
0xb8: {  	s31 =	sshll.u32 s1, $0xD;
	s1 =	sshrl.u32 s1, $0x2  }
0xb9: {  	s3 =	sand.u32 $0x4000, s31;
	s1 =	sadd.s32 s1, s30  }
0xba: {  	s0 =	sor.u32 s3, s0;
	s1 =	sshll.u32 s1, $0x11  }
0xbb: {  	s0 =	sor.u32 s1, s0  }
0xbc: {  	s0 =	sadd.s32 $0x8F2B, s0  }
0xbd: {  	[sflag:s0] =	ssyncadd.remote.s32 $0x1  }
0xbe: {  	_ =	sfence.sel $0xFFFF  }
0xbf: {  	[dreg:$0x0] =	wrdreg $0xFFFFFFFF;
	(pc) =	sbr.abs _section_cstart, $3  }
0xc0: {  	[dreg:$0x1] =	wrdreg $0xFFFFFFFF  }
0xc1: {  	_ =	task.clear_ibuf [dreg:s6], $0x2FFFF;
	_ =	strace $0x9FFFFFFF  }
0xc2: {  	(tm) =	ssettm $0x7FFFFFFF  }
0xc3: {  	_ =	shalt  }
tec
execute0_lowered:
.L_overlay_start_1:
0x0: {  	(tag) =	ssettag $0x1  }
0x1: {  	s1 =	srdreg.scid  }
0x2: {  	s0 =	rddreg [dreg:$0x0];
	s24 =	stileid.u32  }
0x3: {  	s3 =	sand.u32 $0x1, s1;
	s1 =	simm.s32 $0x0;
	s2 =	smul.u32 $0x19000, s24  }
0x4: {  	s5 =	sadd.s32 $0x15A400, s0;
	s4 =	ssub.s32 $0x2, s3;
	[smem:$0x7FF] =	sst s1  }
0x5: {  	s10 =	smul.u32 $0x190000, s3;
	s3 =	sshll.u32 s3, $0x4;
	s6 =	sshrl.u32 s4, $0x1  }
0x6: {  	s7 =	sadd.s32 $0x4000, s2;
	s8 =	sadd.s32 $0x6000, s2;
	s9 =	sadd.s32 $0x8000, s2  }
0x7: {  	s11 =	sadd.s32 $0xA000, s2;
	s12 =	sadd.s32 $0xC000, s2;
	s13 =	sadd.s32 $0xE000, s2  }
0x8: {  	s15 =	sadd.s32 $0x10000, s2;
	s21 =	sadd.s32 $0x12000, s2;
	s3 =	sor.u32 s24, s3  }
0x9: {  	s4 =	ssub.s32 s4, s6;
	s6 =	sadd.s32 $0x2000, s2;
	s14 =	sadd.s32 s2, s10  }
0xa: {  	s18 =	sadd.s32 s10, s7;
	s19 =	sadd.s32 s10, s8;
	s25 =	sadd.s32 s10, s11  }
0xb: {  	s26 =	sadd.s32 s10, s12;
	s28 =	sadd.s32 s10, s13;
	s3 =	smul.u32 $0x18800, s3  }
0xc: {  	s16 =	sadd.s32 s10, s6;
	s14 =	sshrl.u32 s14, $0x3;
	s20 =	sshrl.u32 s19, $0x3  }
0xd: {  	s19 =	sadd.s32 s10, s15;
	s16 =	sshrl.u32 s16, $0x3;
	s14 =	sadd.s32 s5, s14  }
0xe: {  	[dreg:$0x3] =	wrdreg s14;
	s17 =	sadd.s32 s5, s16;
	s14 =	sshrl.u32 s18, $0x3  }
0xf: {  	[dreg:$0x4] =	wrdreg s17;
	s17 =	sadd.s32 s10, s9;
	s14 =	sadd.s32 s5, s14  }
0x10: {  	s16 =	sshrl.u32 s26, $0x3;
	[dreg:$0x5] =	wrdreg s14;
	s22 =	sshrl.u32 s17, $0x3  }
0x11: {  	s14 =	sadd.s32 s5, s20;
	s17 =	sshrl.u32 s28, $0x3;
	s20 =	sadd.s32 s10, s21  }
0x12: {  	[dreg:$0x6] =	wrdreg s14;
	s23 =	sadd.s32 s5, s22;
	s14 =	sshrl.u32 s25, $0x3  }
0x13: {  	s18 =	sadd.s32 s5, s17;
	s22 =	sshrl.u32 s20, $0x3;
	[dreg:$0x7] =	wrdreg s23  }
0x14: {  	s20 =	sadd.s32 $0x2800, s0;
	s14 =	sadd.s32 s5, s14;
	[dreg:$0xa] =	wrdreg s18  }
0x15: {  	s18 =	sadd.s32 $0x96400, s0;
	[dreg:$0x8] =	wrdreg s14;
	s14 =	sadd.s32 s5, s16  }
0x16: {  	s16 =	sadd.s32 $0x14000, s2;
	[dreg:$0x9] =	wrdreg s14;
	s14 =	sshrl.u32 s19, $0x3  }
0x17: {  	s23 =	sadd.s32 s10, s16;
	s19 =	sadd.s32 $0x31F8400, s0;
	s14 =	sadd.s32 s5, s14  }
0x18: {  	s25 =	sshrl.u32 s23, $0x3;
	[dreg:$0xb] =	wrdreg s14;
	s14 =	sadd.s32 s5, s22  }
0x19: {  	s23 =	sadd.s32 $0x18000, s2;
	s22 =	sadd.s32 $0x16000, s2;
	[dreg:$0xc] =	wrdreg s14  }
0x1a: {  	s14 =	sadd.s32 s5, s25;
	s26 =	sadd.s32 s10, s22;
	s10 =	sadd.s32 s10, s23  }
0x1b: {  	[dreg:$0xd] =	wrdreg s14;
	s28 =	sshrl.u32 s26, $0x3;
	s10 =	sshrl.u32 s10, $0x3  }
0x1c: {  	s14 =	rddreg [dreg:$0x1];
	s17 =	sadd.s32 s5, s28;
	s5 =	sadd.s32 s5, s10  }
0x1d: {  	s29 =	sadd.s32 s2, s14;
	s30 =	sadd.s32 s6, s14;
	[dreg:$0xe] =	wrdreg s17  }
0x1e: {  	s31 =	sadd.s32 s7, s14;
	s8 =	sadd.s32 s8, s14;
	[dreg:$0xf] =	wrdreg s5  }
0x1f: {  	s10 =	sadd.s32 s9, s14;
	_ =	strace $0x8000004A;
	[dreg:$0x10] =	wrdreg s8  }
0x20: {  	s11 =	sadd.s32 s11, s14;
	s12 =	sadd.s32 s12, s14;
	[dreg:$0x11] =	wrdreg s10  }
0x21: {  	s13 =	sadd.s32 s13, s14;
	s15 =	sadd.s32 s15, s14;
	[dreg:$0x12] =	wrdreg s11  }
0x22: {  	s21 =	sadd.s32 s21, s14;
	s24 =	sadd.s32 s16, s14;
	[dreg:$0x13] =	wrdreg s12  }
0x23: {  	s25 =	sadd.s32 s22, s14;
	s26 =	sadd.s32 s23, s14;
	[dreg:$0x14] =	wrdreg s13  }
0x24: {  	s28 =	smax.u32 s4, $0x1;
	s6 =	simm.s32 $0x3;
	[dreg:$0x15] =	wrdreg s15  }
0x25: {  	s7 =	simm.s32 $0x200;
	s9 =	simm.s32 $0x80;
	[dreg:$0x16] =	wrdreg s21  }
0x26: {  	s16 =	simm.s32 $0x1C00;
	s4 =	simm.s32 $0x1;
	[dreg:$0x17] =	wrdreg s24  }
0x27: {  	s22 =	simm.s32 $0x300;
	s23 =	simm.s32 $0x380;
	[dreg:$0x18] =	wrdreg s25  }
0x28: {  	s17 =	sadd.s32 $0xF8400, s0;
	s5 =	simm.s32 $0x400;
	[dreg:$0x19] =	wrdreg s26  }
0x29: {  	[dreg:$0x1a] =	wrdreg s28;
	s8 =	simm.s32 $0x2400;
	s10 =	simm.s32 $0xC00  }
0x2a: {  	s11 =	simm.s32 $0x100;
	s12 =	simm.s32 $0x1400;
	s15 =	simm.s32 $0x180  }
0x2b: {  	v0 =	vimm.f32 $0.0e+00;
	s21 =	simm.s32 $0x280;
	s24 =	simm.s32 $0x2;
	s25 =	simm.s32 $0x0  }
.LBB2_1:
0x2c: {  	s26 =	simm.s32 $0x40;
	s28 =	simm.s32 $0x0  }
.LBB2_2:
0x2d: {  	p0 =	sne.s32 s26, $0x7FC0;
	[tilespmem:s28+$0x400] =	vst v0;
	s28 =	smov.u32 s26;
	s26 =	sadd.s32 $0x40, s26  }
.Ltmp0:
0x2e: {  	(pc) =	sbr.rel @p0 .LBB2_2-.Ltmp0, $2  }
0x2f: {  	_ =	sdelay $0x2  }
0x30: {  	s28 =	sshra.s32 s28, $0x2  }
0x31: {  	[tilespmem:s28+$0x400] =	vst v0  }
0x32: {  	[spmem:s29] =	stream.linear.scatter [tilespmem:s5], [sflag:$0x3], $0x2000, $0x38;
	[tilespmem:$0x1D400] =	vst v63  }
0x33: {  	_ =	swait.ge [sflag:s6], $0x2000  }
0x34: {  	[sflag:s6] =	ssyncset.done $0x0  }
0x35: {  	[sflag:s6] =	ssyncadd.s32 $0xFFFFE000  }
0x36: {  	[spmem:s30] =	stream.linear.scatter [tilespmem:s5], [sflag:$0x3], $0x2000, $0x38;
	[tilespmem:$0x1D400] =	vst v63  }
0x37: {  	_ =	swait.ge [sflag:s6], $0x2000  }
0x38: {  	[sflag:s6] =	ssyncset.done $0x0  }
0x39: {  	[sflag:s6] =	ssyncadd.s32 $0xFFFFE000  }
0x3a: {  	[spmem:s31] =	stream.linear.scatter [tilespmem:s5], [sflag:$0x3], $0x2000, $0x38;
	[tilespmem:$0x1D400] =	vst v63  }
0x3b: {  	_ =	swait.ge [sflag:s6], $0x2000  }
0x3c: {  	[sflag:s6] =	ssyncset.done $0x0  }
0x3d: {  	s26 =	rddreg [dreg:$0x10];
	[sflag:s6] =	ssyncadd.s32 $0xFFFFE000  }
0x3e: {  	[spmem:s26] =	stream.linear.scatter [tilespmem:s5], [sflag:$0x3], $0x2000, $0x38;
	[tilespmem:$0x1D400] =	vst v63  }
0x3f: {  	_ =	swait.ge [sflag:s6], $0x2000  }
0x40: {  	[sflag:s6] =	ssyncset.done $0x0  }
0x41: {  	s2 =	smov.u32 s31;
	s31 =	rddreg [dreg:$0x11];
	[sflag:s6] =	ssyncadd.s32 $0xFFFFE000  }
0x42: {  	[spmem:s31] =	stream.linear.scatter [tilespmem:s5], [sflag:$0x3], $0x2000, $0x38;
	[tilespmem:$0x1D400] =	vst v63  }
0x43: {  	_ =	swait.ge [sflag:s6], $0x2000  }
0x44: {  	[sflag:s6] =	ssyncset.done $0x0  }
0x45: {  	s28 =	rddreg [dreg:$0x12];
	[sflag:s6] =	ssyncadd.s32 $0xFFFFE000  }
0x46: {  	[spmem:s28] =	stream.linear.scatter [tilespmem:s5], [sflag:$0x3], $0x2000, $0x38;
	[tilespmem:$0x1D400] =	vst v63  }
0x47: {  	_ =	swait.ge [sflag:s6], $0x2000  }
0x48: {  	[sflag:s6] =	ssyncset.done $0x0  }
0x49: {  	s13 =	smov.u32 s29;
	s29 =	rddreg [dreg:$0x13];
	[sflag:s6] =	ssyncadd.s32 $0xFFFFE000  }
0x4a: {  	[spmem:s29] =	stream.linear.scatter [tilespmem:s5], [sflag:$0x3], $0x2000, $0x38;
	[tilespmem:$0x1D400] =	vst v63  }
0x4b: {  	_ =	swait.ge [sflag:s6], $0x2000  }
0x4c: {  	[sflag:s6] =	ssyncset.done $0x0  }
0x4d: {  	s0 =	smov.u32 s30;
	s30 =	rddreg [dreg:$0x14];
	[sflag:s6] =	ssyncadd.s32 $0xFFFFE000  }
0x4e: {  	[spmem:s30] =	stream.linear.scatter [tilespmem:s5], [sflag:$0x3], $0x2000, $0x38;
	[tilespmem:$0x1D400] =	vst v63  }
0x4f: {  	_ =	swait.ge [sflag:s6], $0x2000  }
0x50: {  	[sflag:s6] =	ssyncset.done $0x0  }
0x51: {  	s31 =	rddreg [dreg:$0x15];
	[sflag:s6] =	ssyncadd.s32 $0xFFFFE000  }
0x52: {  	[spmem:s31] =	stream.linear.scatter [tilespmem:s5], [sflag:$0x3], $0x2000, $0x38;
	[tilespmem:$0x1D400] =	vst v63  }
0x53: {  	_ =	swait.ge [sflag:s6], $0x2000  }
0x54: {  	[sflag:s6] =	ssyncset.done $0x0  }
0x55: {  	s28 =	rddreg [dreg:$0x16];
	[sflag:s6] =	ssyncadd.s32 $0xFFFFE000  }
0x56: {  	[spmem:s28] =	stream.linear.scatter [tilespmem:s5], [sflag:$0x3], $0x2000, $0x38;
	[tilespmem:$0x1D400] =	vst v63  }
0x57: {  	_ =	swait.ge [sflag:s6], $0x2000  }
0x58: {  	[sflag:s6] =	ssyncset.done $0x0  }
0x59: {  	s29 =	rddreg [dreg:$0x17];
	[sflag:s6] =	ssyncadd.s32 $0xFFFFE000  }
0x5a: {  	[spmem:s29] =	stream.linear.scatter [tilespmem:s5], [sflag:$0x3], $0x2000, $0x38;
	[tilespmem:$0x1D400] =	vst v63  }
0x5b: {  	_ =	swait.ge [sflag:s6], $0x2000  }
0x5c: {  	[sflag:s6] =	ssyncset.done $0x0  }
0x5d: {  	s30 =	rddreg [dreg:$0x18];
	[sflag:s6] =	ssyncadd.s32 $0xFFFFE000  }
0x5e: {  	[spmem:s30] =	stream.linear.scatter [tilespmem:s5], [sflag:$0x3], $0x2000, $0x38;
	[tilespmem:$0x1D400] =	vst v63  }
0x5f: {  	_ =	swait.ge [sflag:s6], $0x2000  }
0x60: {  	[sflag:s6] =	ssyncset.done $0x0  }
0x61: {  	s31 =	rddreg [dreg:$0x19];
	[sflag:s6] =	ssyncadd.s32 $0xFFFFE000  }
0x62: {  	[spmem:s31] =	stream.linear.scatter [tilespmem:s5], [sflag:$0x3], $0x1000, $0x38;
	[tilespmem:$0x1D400] =	vst v63  }
0x63: {  	_ =	swait.ge [sflag:s6], $0x1000  }
0x64: {  	[sflag:s6] =	ssyncset.done $0x0  }
0x65: {  	[sflag:s6] =	ssyncadd.s32 $0xFFFFF000  }
0x66: {  	s26 =	simm.s32 $0x0;
	[bflag:$0x0] =	sbarrier.arrive $0xFFFF  }
.LBB2_4:
0x67: {  	s28 =	sshll.u32 s26, $0x9  }
0x68: {  	s28 =	sadd.s32 s3, s28  }
0x69: {  	s29 =	sshrl.u32 s28, $0x3  }
0x6a: {  	s30 =	sadd.s32 s18, s29  }
0x6b: {  	[tilespmem:s1], [sflag:$0x3] =	stream.linear.gather [hbm4b:s30+s1], $0x200, $0x38;
	[tilespmem:$0x1D400] =	vst v63  }
0x6c: {  	_ =	swait.ge [sflag:s6], $0x200  }
0x6d: {  	[sflag:s6] =	ssyncset.done $0x0  }
0x6e: {  	s29 =	sadd.s32 s17, s29;
	[sflag:s6] =	ssyncadd.s32 $0xFFFFFE00  }
0x6f: {  	[tilespmem:s7], [sflag:$0x3] =	stream.linear.gather [hbm4b:s29+s1], $0x200, $0x38;
	[tilespmem:$0x1D400] =	vst v63  }
0x70: {  	_ =	swait.ge [sflag:s6], $0x200  }
0x71: {  	s28 =	sshll.u32 s28, $0x1;
	[sflag:s6] =	ssyncset.done $0x0  }
0x72: {  	s28 =	sadd.s32 s19, s28;
	[sflag:s6] =	ssyncadd.s32 $0xFFFFFE00  }
0x73: {  	[tilespmem:s8], [sflag:$0x3] =	stream.linear.gather [hbm4b:s28+s1], $0x2000, $0x38;
	[tilespmem:$0x1D400] =	vst v63  }
0x74: {  	_ =	swait.ge [sflag:s6], $0x2000  }
0x75: {  	[sflag:s6] =	ssyncset.done $0x0  }
0x76: {  	[sflag:s6] =	ssyncadd.s32 $0xFFFFE000  }
0x77: {  	[tilespmem:s5], [sflag:$0x1] =	stream.indirect.gather [hbm4b:s20+s9], $0x10, s1, s9, $0xb8;
	[tilespmem:$0x1D400] =	vst v63  }
0x78: {  	_ = 	snop  }
0x79: {  	[tilespmem:s10], [sflag:$0x1] =	stream.indirect.gather [hbm4b:s20+s9], $0x10, s9, s9, $0xb8;
	[tilespmem:$0x1D400] =	vst v63  }
0x7a: {  	_ = 	snop  }
0x7b: {  	[tilespmem:s12], [sflag:$0x1] =	stream.indirect.gather [hbm4b:s20+s9], $0x10, s11, s9, $0xb8;
	[tilespmem:$0x1D400] =	vst v63  }
0x7c: {  	_ = 	snop  }
0x7d: {  	[tilespmem:s16], [sflag:$0x1] =	stream.indirect.gather [hbm4b:s20+s9], $0x10, s15, s9, $0xb8;
	[tilespmem:$0x1D400] =	vst v63  }
0x7e: {  	_ =	swait.ge [sflag:s4], $0x800  }
0x7f: {  	[sflag:s4] =	ssyncset.done $0x0  }
0x80: {  	s28 =	simm.s32 $0x440;
	[sflag:s4] =	ssyncadd.s32 $0xFFFFF800  }
0x81: {  	s29 =	simm.s32 $0x2440;
	v1 =	vld [tilespmem:s28+$0xFFFFFFC0]  }
0x82: {  	v2 =	vld [tilespmem:s29+$0xFFFFFFC0];
	_ =	sdelay $0x4  }
0x83: {  	v1 =	vmul.f32 v2, v1;
	_ =	sdelay $0x1  }
0x84: {  	[tilespmem:s28+$0xFFFFFFC0] =	vst v1;
	v1 =	vld [tilespmem:s28+$0xFFFFFFD0]  }
0x85: {  	v2 =	vld [tilespmem:s29+$0xFFFFFFD0];
	_ =	sdelay $0x4  }
0x86: {  	v1 =	vmul.f32 v2, v1;
	_ =	sdelay $0x1  }
0x87: {  	[tilespmem:s28+$0xFFFFFFD0] =	vst v1;
	v1 =	vld [tilespmem:s28+$0xFFFFFFE0]  }
0x88: {  	v2 =	vld [tilespmem:s29+$0xFFFFFFE0];
	_ =	sdelay $0x4  }
0x89: {  	v1 =	vmul.f32 v2, v1;
	_ =	sdelay $0x1  }
0x8a: {  	[tilespmem:s28+$0xFFFFFFE0] =	vst v1;
	v1 =	vld [tilespmem:s28+$0xFFFFFFF0]  }
0x8b: {  	v2 =	vld [tilespmem:s29+$0xFFFFFFF0];
	_ =	sdelay $0x4  }
0x8c: {  	v1 =	vmul.f32 v2, v1;
	_ =	sdelay $0x1  }
0x8d: {  	[tilespmem:s28+$0xFFFFFFF0] =	vst v1;
	v1 =	vld [tilespmem:s28+$0x0]  }
0x8e: {  	v2 =	vld [tilespmem:s29+$0x0];
	_ =	sdelay $0x4  }
0x8f: {  	v1 =	vmul.f32 v2, v1;
	_ =	sdelay $0x1  }
0x90: {  	[tilespmem:s28+$0x0] =	vst v1;
	v1 =	vld [tilespmem:s28+$0x10]  }
0x91: {  	v2 =	vld [tilespmem:s29+$0x10];
	_ =	sdelay $0x4  }
0x92: {  	v1 =	vmul.f32 v2, v1;
	_ =	sdelay $0x1  }
0x93: {  	[tilespmem:s28+$0x10] =	vst v1;
	v1 =	vld [tilespmem:s28+$0x20]  }
0x94: {  	v2 =	vld [tilespmem:s29+$0x20];
	_ =	sdelay $0x4  }
0x95: {  	v1 =	vmul.f32 v2, v1;
	_ =	sdelay $0x1  }
0x96: {  	[tilespmem:s28+$0x20] =	vst v1;
	v1 =	vld [tilespmem:s28+$0x30]  }
0x97: {  	v2 =	vld [tilespmem:s29+$0x30];
	_ =	sdelay $0x4  }
0x98: {  	v1 =	vmul.f32 v2, v1  }
0x99: {  	s31 =	simm.s32 $0x4C0;
	s30 =	simm.s32 $0x0  }
.LBB2_5:
0x9a: {  	v2 =	vld [tilespmem:s31+$0xFFFFFFC0];
	[tilespmem:s28+$0x30] =	vst v1;
	s29 =	sadd.s32 $0x80, s29;
	s28 =	smov.u32 s31  }
0x9b: {  	s30 =	sadd.s32 $0x8, s30;
	v1 =	vld [tilespmem:s29+$0xFFFFFFC0]  }
0x9c: {  	p0 =	slt.u32 s30, $0x78;
	_ =	sdelay $0x3  }
0x9d: {  	v1 =	vmul.f32 v1, v2;
	_ =	sdelay $0x1  }
0x9e: {  	[tilespmem:s31+$0xFFFFFFC0] =	vst v1;
	v1 =	vld [tilespmem:s31+$0xFFFFFFD0]  }
0x9f: {  	v2 =	vld [tilespmem:s29+$0xFFFFFFD0];
	_ =	sdelay $0x4  }
0xa0: {  	v1 =	vmul.f32 v2, v1;
	_ =	sdelay $0x1  }
0xa1: {  	[tilespmem:s31+$0xFFFFFFD0] =	vst v1;
	v1 =	vld [tilespmem:s31+$0xFFFFFFE0]  }
0xa2: {  	v2 =	vld [tilespmem:s29+$0xFFFFFFE0];
	_ =	sdelay $0x4  }
0xa3: {  	v1 =	vmul.f32 v2, v1;
	_ =	sdelay $0x1  }
0xa4: {  	[tilespmem:s31+$0xFFFFFFE0] =	vst v1;
	v1 =	vld [tilespmem:s31+$0xFFFFFFF0]  }
0xa5: {  	v2 =	vld [tilespmem:s29+$0xFFFFFFF0];
	_ =	sdelay $0x4  }
0xa6: {  	v1 =	vmul.f32 v2, v1;
	_ =	sdelay $0x1  }
0xa7: {  	[tilespmem:s31+$0xFFFFFFF0] =	vst v1;
	v1 =	vld [tilespmem:s31+$0x0]  }
0xa8: {  	v2 =	vld [tilespmem:s29+$0x0];
	_ =	sdelay $0x4  }
0xa9: {  	v1 =	vmul.f32 v2, v1;
	_ =	sdelay $0x1  }
0xaa: {  	[tilespmem:s31+$0x0] =	vst v1;
	v1 =	vld [tilespmem:s31+$0x10]  }
0xab: {  	v2 =	vld [tilespmem:s29+$0x10];
	_ =	sdelay $0x4  }
0xac: {  	v1 =	vmul.f32 v2, v1;
	_ =	sdelay $0x1  }
0xad: {  	[tilespmem:s31+$0x10] =	vst v1;
	v1 =	vld [tilespmem:s31+$0x20]  }
0xae: {  	v2 =	vld [tilespmem:s29+$0x20];
	_ =	sdelay $0x4  }
0xaf: {  	v1 =	vmul.f32 v2, v1;
	_ =	sdelay $0x1  }
0xb0: {  	[tilespmem:s31+$0x20] =	vst v1;
	v1 =	vld [tilespmem:s31+$0x30]  }
0xb1: {  	v2 =	vld [tilespmem:s29+$0x30];
	_ =	sdelay $0x1  }
.Ltmp1:
0xb2: {  	(pc) =	sbr.rel @p0 .LBB2_5-.Ltmp1, $3  }
0xb3: {  	_ =	sdelay $0x1  }
0xb4: {  	v1 =	vmul.f32 v2, v1  }
0xb5: {  	s31 =	sadd.s32 $0x80, s31  }
0xb6: {  	[tilespmem:s28+$0x30] =	vst v1  }
0xb7: {  	[spmem:s14] =	stream.indirect.scatter.add.f32 [tilespmem:s5], [sflag:$0x2], $0x10, s7, s9, $0xb8;
	[tilespmem:$0x1D400] =	vst v63  }
0xb8: {  	_ =	swait.ge [sflag:s4], $0x800  }
0xb9: {  	[sflag:s4] =	ssyncset.done $0x0  }
0xba: {  	s28 =	simm.s32 $0xC70;
	[sflag:s4] =	ssyncadd.s32 $0xFFFFF800  }
0xbb: {  	s29 =	simm.s32 $0x2C70;
	v1 =	vld [tilespmem:s28+$0xFFFFFF90]  }
0xbc: {  	v2 =	vld [tilespmem:s29+$0xFFFFFF90];
	_ =	sdelay $0x4  }
0xbd: {  	v1 =	vmul.f32 v2, v1;
	_ =	sdelay $0x1  }
0xbe: {  	[tilespmem:s28+$0xFFFFFF90] =	vst v1;
	v1 =	vld [tilespmem:s28+$0xFFFFFFA0]  }
0xbf: {  	v2 =	vld [tilespmem:s29+$0xFFFFFFA0];
	_ =	sdelay $0x4  }
0xc0: {  	v1 =	vmul.f32 v2, v1;
	_ =	sdelay $0x1  }
0xc1: {  	[tilespmem:s28+$0xFFFFFFA0] =	vst v1;
	v1 =	vld [tilespmem:s28+$0xFFFFFFB0]  }
0xc2: {  	v2 =	vld [tilespmem:s29+$0xFFFFFFB0];
	_ =	sdelay $0x4  }
0xc3: {  	v1 =	vmul.f32 v2, v1;
	_ =	sdelay $0x1  }
0xc4: {  	[tilespmem:s28+$0xFFFFFFB0] =	vst v1;
	v1 =	vld [tilespmem:s28+$0xFFFFFFC0]  }
0xc5: {  	v2 =	vld [tilespmem:s29+$0xFFFFFFC0];
	_ =	sdelay $0x4  }
0xc6: {  	v1 =	vmul.f32 v2, v1;
	_ =	sdelay $0x1  }
0xc7: {  	[tilespmem:s28+$0xFFFFFFC0] =	vst v1;
	v1 =	vld [tilespmem:s28+$0xFFFFFFD0]  }
0xc8: {  	v2 =	vld [tilespmem:s29+$0xFFFFFFD0];
	_ =	sdelay $0x4  }
0xc9: {  	v1 =	vmul.f32 v2, v1;
	_ =	sdelay $0x1  }
0xca: {  	[tilespmem:s28+$0xFFFFFFD0] =	vst v1;
	v1 =	vld [tilespmem:s28+$0xFFFFFFE0]  }
0xcb: {  	v2 =	vld [tilespmem:s29+$0xFFFFFFE0];
	_ =	sdelay $0x4  }
0xcc: {  	v1 =	vmul.f32 v2, v1;
	_ =	sdelay $0x1  }
0xcd: {  	[tilespmem:s28+$0xFFFFFFE0] =	vst v1;
	v1 =	vld [tilespmem:s28+$0xFFFFFFF0]  }
0xce: {  	v2 =	vld [tilespmem:s29+$0xFFFFFFF0];
	_ =	sdelay $0x4  }
0xcf: {  	v1 =	vmul.f32 v2, v1;
	_ =	sdelay $0x1  }
0xd0: {  	[tilespmem:s28+$0xFFFFFFF0] =	vst v1;
	v1 =	vld [tilespmem:s28+$0x0]  }
0xd1: {  	v2 =	vld [tilespmem:s29+$0x0];
	_ =	sdelay $0x4  }
0xd2: {  	v1 =	vmul.f32 v2, v1  }
0xd3: {  	s30 =	simm.s32 $0x0;
	s31 =	simm.s32 $0xCF0  }
.LBB2_7:
0xd4: {  	v2 =	vld [tilespmem:s31+$0xFFFFFF90];
	[tilespmem:s28+$0x0] =	vst v1;
	s29 =	sadd.s32 $0x80, s29;
	s28 =	smov.u32 s31  }
0xd5: {  	s30 =	sadd.s32 $0x8, s30;
	v1 =	vld [tilespmem:s29+$0xFFFFFF90]  }
0xd6: {  	p0 =	slt.u32 s30, $0x78;
	_ =	sdelay $0x3  }
0xd7: {  	v1 =	vmul.f32 v1, v2;
	_ =	sdelay $0x1  }
0xd8: {  	[tilespmem:s31+$0xFFFFFF90] =	vst v1;
	v1 =	vld [tilespmem:s31+$0xFFFFFFA0]  }
0xd9: {  	v2 =	vld [tilespmem:s29+$0xFFFFFFA0];
	_ =	sdelay $0x4  }
0xda: {  	v1 =	vmul.f32 v2, v1;
	_ =	sdelay $0x1  }
0xdb: {  	[tilespmem:s31+$0xFFFFFFA0] =	vst v1;
	v1 =	vld [tilespmem:s31+$0xFFFFFFB0]  }
0xdc: {  	v2 =	vld [tilespmem:s29+$0xFFFFFFB0];
	_ =	sdelay $0x4  }
0xdd: {  	v1 =	vmul.f32 v2, v1;
	_ =	sdelay $0x1  }
0xde: {  	[tilespmem:s31+$0xFFFFFFB0] =	vst v1;
	v1 =	vld [tilespmem:s31+$0xFFFFFFC0]  }
0xdf: {  	v2 =	vld [tilespmem:s29+$0xFFFFFFC0];
	_ =	sdelay $0x4  }
0xe0: {  	v1 =	vmul.f32 v2, v1;
	_ =	sdelay $0x1  }
0xe1: {  	[tilespmem:s31+$0xFFFFFFC0] =	vst v1;
	v1 =	vld [tilespmem:s31+$0xFFFFFFD0]  }
0xe2: {  	v2 =	vld [tilespmem:s29+$0xFFFFFFD0];
	_ =	sdelay $0x4  }
0xe3: {  	v1 =	vmul.f32 v2, v1;
	_ =	sdelay $0x1  }
0xe4: {  	[tilespmem:s31+$0xFFFFFFD0] =	vst v1;
	v1 =	vld [tilespmem:s31+$0xFFFFFFE0]  }
0xe5: {  	v2 =	vld [tilespmem:s29+$0xFFFFFFE0];
	_ =	sdelay $0x4  }
0xe6: {  	v1 =	vmul.f32 v2, v1;
	_ =	sdelay $0x1  }
0xe7: {  	[tilespmem:s31+$0xFFFFFFE0] =	vst v1;
	v1 =	vld [tilespmem:s31+$0xFFFFFFF0]  }
0xe8: {  	v2 =	vld [tilespmem:s29+$0xFFFFFFF0];
	_ =	sdelay $0x4  }
0xe9: {  	v1 =	vmul.f32 v2, v1;
	_ =	sdelay $0x1  }
0xea: {  	[tilespmem:s31+$0xFFFFFFF0] =	vst v1;
	v1 =	vld [tilespmem:s31+$0x0]  }
0xeb: {  	v2 =	vld [tilespmem:s29+$0x0];
	_ =	sdelay $0x1  }
.Ltmp2:
0xec: {  	(pc) =	sbr.rel @p0 .LBB2_7-.Ltmp2, $3  }
0xed: {  	_ =	sdelay $0x1  }
0xee: {  	v1 =	vmul.f32 v2, v1  }
0xef: {  	s31 =	sadd.s32 $0x80, s31  }
0xf0: {  	[tilespmem:s28+$0x0] =	vst v1  }
0xf1: {  	[spmem:s14] =	stream.indirect.scatter.add.f32 [tilespmem:s10], [sflag:$0x2], $0x10, s21, s9, $0xb8;
	[tilespmem:$0x1D400] =	vst v63  }
0xf2: {  	_ =	swait.ge [sflag:s4], $0x800  }
0xf3: {  	[sflag:s4] =	ssyncset.done $0x0  }
0xf4: {  	s28 =	simm.s32 $0x1470;
	[sflag:s4] =	ssyncadd.s32 $0xFFFFF800  }
0xf5: {  	s29 =	simm.s32 $0x3470;
	v1 =	vld [tilespmem:s28+$0xFFFFFF90]  }
0xf6: {  	v2 =	vld [tilespmem:s29+$0xFFFFFF90];
	_ =	sdelay $0x4  }
0xf7: {  	v1 =	vmul.f32 v2, v1;
	_ =	sdelay $0x1  }
0xf8: {  	[tilespmem:s28+$0xFFFFFF90] =	vst v1;
	v1 =	vld [tilespmem:s28+$0xFFFFFFA0]  }
0xf9: {  	v2 =	vld [tilespmem:s29+$0xFFFFFFA0];
	_ =	sdelay $0x4  }
0xfa: {  	v1 =	vmul.f32 v2, v1;
	_ =	sdelay $0x1  }
0xfb: {  	[tilespmem:s28+$0xFFFFFFA0] =	vst v1;
	v1 =	vld [tilespmem:s28+$0xFFFFFFB0]  }
0xfc: {  	v2 =	vld [tilespmem:s29+$0xFFFFFFB0];
	_ =	sdelay $0x4  }
0xfd: {  	v1 =	vmul.f32 v2, v1;
	_ =	sdelay $0x1  }
0xfe: {  	[tilespmem:s28+$0xFFFFFFB0] =	vst v1;
	v1 =	vld [tilespmem:s28+$0xFFFFFFC0]  }
0xff: {  	v2 =	vld [tilespmem:s29+$0xFFFFFFC0];
	_ =	sdelay $0x4  }
0x100: {  	v1 =	vmul.f32 v2, v1;
	_ =	sdelay $0x1  }
0x101: {  	[tilespmem:s28+$0xFFFFFFC0] =	vst v1;
	v1 =	vld [tilespmem:s28+$0xFFFFFFD0]  }
0x102: {  	v2 =	vld [tilespmem:s29+$0xFFFFFFD0];
	_ =	sdelay $0x4  }
0x103: {  	v1 =	vmul.f32 v2, v1;
	_ =	sdelay $0x1  }
0x104: {  	[tilespmem:s28+$0xFFFFFFD0] =	vst v1;
	v1 =	vld [tilespmem:s28+$0xFFFFFFE0]  }
0x105: {  	v2 =	vld [tilespmem:s29+$0xFFFFFFE0];
	_ =	sdelay $0x4  }
0x106: {  	v1 =	vmul.f32 v2, v1;
	_ =	sdelay $0x1  }
0x107: {  	[tilespmem:s28+$0xFFFFFFE0] =	vst v1;
	v1 =	vld [tilespmem:s28+$0xFFFFFFF0]  }
0x108: {  	v2 =	vld [tilespmem:s29+$0xFFFFFFF0];
	_ =	sdelay $0x4  }
0x109: {  	v1 =	vmul.f32 v2, v1;
	_ =	sdelay $0x1  }
0x10a: {  	[tilespmem:s28+$0xFFFFFFF0] =	vst v1;
	v1 =	vld [tilespmem:s28+$0x0]  }
0x10b: {  	v2 =	vld [tilespmem:s29+$0x0];
	_ =	sdelay $0x4  }
0x10c: {  	v1 =	vmul.f32 v2, v1  }
0x10d: {  	s30 =	simm.s32 $0x0;
	s31 =	simm.s32 $0x14F0  }
.LBB2_9:
0x10e: {  	v2 =	vld [tilespmem:s31+$0xFFFFFF90];
	[tilespmem:s28+$0x0] =	vst v1;
	s29 =	sadd.s32 $0x80, s29;
	s28 =	smov.u32 s31  }
0x10f: {  	s30 =	sadd.s32 $0x8, s30;
	v1 =	vld [tilespmem:s29+$0xFFFFFF90]  }
0x110: {  	p0 =	slt.u32 s30, $0x78;
	_ =	sdelay $0x3  }
0x111: {  	v1 =	vmul.f32 v1, v2;
	_ =	sdelay $0x1  }
0x112: {  	[tilespmem:s31+$0xFFFFFF90] =	vst v1;
	v1 =	vld [tilespmem:s31+$0xFFFFFFA0]  }
0x113: {  	v2 =	vld [tilespmem:s29+$0xFFFFFFA0];
	_ =	sdelay $0x4  }
0x114: {  	v1 =	vmul.f32 v2, v1;
	_ =	sdelay $0x1  }
0x115: {  	[tilespmem:s31+$0xFFFFFFA0] =	vst v1;
	v1 =	vld [tilespmem:s31+$0xFFFFFFB0]  }
0x116: {  	v2 =	vld [tilespmem:s29+$0xFFFFFFB0];
	_ =	sdelay $0x4  }
0x117: {  	v1 =	vmul.f32 v2, v1;
	_ =	sdelay $0x1  }
0x118: {  	[tilespmem:s31+$0xFFFFFFB0] =	vst v1;
	v1 =	vld [tilespmem:s31+$0xFFFFFFC0]  }
0x119: {  	v2 =	vld [tilespmem:s29+$0xFFFFFFC0];
	_ =	sdelay $0x4  }
0x11a: {  	v1 =	vmul.f32 v2, v1;
	_ =	sdelay $0x1  }
0x11b: {  	[tilespmem:s31+$0xFFFFFFC0] =	vst v1;
	v1 =	vld [tilespmem:s31+$0xFFFFFFD0]  }
0x11c: {  	v2 =	vld [tilespmem:s29+$0xFFFFFFD0];
	_ =	sdelay $0x4  }
0x11d: {  	v1 =	vmul.f32 v2, v1;
	_ =	sdelay $0x1  }
0x11e: {  	[tilespmem:s31+$0xFFFFFFD0] =	vst v1;
	v1 =	vld [tilespmem:s31+$0xFFFFFFE0]  }
0x11f: {  	v2 =	vld [tilespmem:s29+$0xFFFFFFE0];
	_ =	sdelay $0x4  }
0x120: {  	v1 =	vmul.f32 v2, v1;
	_ =	sdelay $0x1  }
0x121: {  	[tilespmem:s31+$0xFFFFFFE0] =	vst v1;
	v1 =	vld [tilespmem:s31+$0xFFFFFFF0]  }
0x122: {  	v2 =	vld [tilespmem:s29+$0xFFFFFFF0];
	_ =	sdelay $0x4  }
0x123: {  	v1 =	vmul.f32 v2, v1;
	_ =	sdelay $0x1  }
0x124: {  	[tilespmem:s31+$0xFFFFFFF0] =	vst v1;
	v1 =	vld [tilespmem:s31+$0x0]  }
0x125: {  	v2 =	vld [tilespmem:s29+$0x0];
	_ =	sdelay $0x1  }
.Ltmp3:
0x126: {  	(pc) =	sbr.rel @p0 .LBB2_9-.Ltmp3, $3  }
0x127: {  	_ =	sdelay $0x1  }
0x128: {  	v1 =	vmul.f32 v2, v1  }
0x129: {  	s31 =	sadd.s32 $0x80, s31  }
0x12a: {  	[tilespmem:s28+$0x0] =	vst v1  }
0x12b: {  	[spmem:s14] =	stream.indirect.scatter.add.f32 [tilespmem:s12], [sflag:$0x2], $0x10, s22, s9, $0xb8;
	[tilespmem:$0x1D400] =	vst v63  }
0x12c: {  	_ =	swait.ge [sflag:s4], $0x800  }
0x12d: {  	[sflag:s4] =	ssyncset.done $0x0  }
0x12e: {  	s28 =	simm.s32 $0x1C70;
	[sflag:s4] =	ssyncadd.s32 $0xFFFFF800  }
0x12f: {  	s29 =	simm.s32 $0x3C70;
	v1 =	vld [tilespmem:s28+$0xFFFFFF90]  }
0x130: {  	v2 =	vld [tilespmem:s29+$0xFFFFFF90];
	_ =	sdelay $0x4  }
0x131: {  	v1 =	vmul.f32 v2, v1;
	_ =	sdelay $0x1  }
0x132: {  	[tilespmem:s28+$0xFFFFFF90] =	vst v1;
	v1 =	vld [tilespmem:s28+$0xFFFFFFA0]  }
0x133: {  	v2 =	vld [tilespmem:s29+$0xFFFFFFA0];
	_ =	sdelay $0x4  }
0x134: {  	v1 =	vmul.f32 v2, v1;
	_ =	sdelay $0x1  }
0x135: {  	[tilespmem:s28+$0xFFFFFFA0] =	vst v1;
	v1 =	vld [tilespmem:s28+$0xFFFFFFB0]  }
0x136: {  	v2 =	vld [tilespmem:s29+$0xFFFFFFB0];
	_ =	sdelay $0x4  }
0x137: {  	v1 =	vmul.f32 v2, v1;
	_ =	sdelay $0x1  }
0x138: {  	[tilespmem:s28+$0xFFFFFFB0] =	vst v1;
	v1 =	vld [tilespmem:s28+$0xFFFFFFC0]  }
0x139: {  	v2 =	vld [tilespmem:s29+$0xFFFFFFC0];
	_ =	sdelay $0x4  }
0x13a: {  	v1 =	vmul.f32 v2, v1;
	_ =	sdelay $0x1  }
0x13b: {  	[tilespmem:s28+$0xFFFFFFC0] =	vst v1;
	v1 =	vld [tilespmem:s28+$0xFFFFFFD0]  }
0x13c: {  	v2 =	vld [tilespmem:s29+$0xFFFFFFD0];
	_ =	sdelay $0x4  }
0x13d: {  	v1 =	vmul.f32 v2, v1;
	_ =	sdelay $0x1  }
0x13e: {  	[tilespmem:s28+$0xFFFFFFD0] =	vst v1;
	v1 =	vld [tilespmem:s28+$0xFFFFFFE0]  }
0x13f: {  	v2 =	vld [tilespmem:s29+$0xFFFFFFE0];
	_ =	sdelay $0x4  }
0x140: {  	v1 =	vmul.f32 v2, v1;
	_ =	sdelay $0x1  }
0x141: {  	[tilespmem:s28+$0xFFFFFFE0] =	vst v1;
	v1 =	vld [tilespmem:s28+$0xFFFFFFF0]  }
0x142: {  	v2 =	vld [tilespmem:s29+$0xFFFFFFF0];
	_ =	sdelay $0x4  }
0x143: {  	v1 =	vmul.f32 v2, v1;
	_ =	sdelay $0x1  }
0x144: {  	[tilespmem:s28+$0xFFFFFFF0] =	vst v1;
	v1 =	vld [tilespmem:s28+$0x0]  }
0x145: {  	v2 =	vld [tilespmem:s29+$0x0];
	_ =	sdelay $0x4  }
0x146: {  	v1 =	vmul.f32 v2, v1  }
0x147: {  	s30 =	simm.s32 $0x0;
	s31 =	simm.s32 $0x1CF0  }
.LBB2_11:
0x148: {  	v2 =	vld [tilespmem:s31+$0xFFFFFF90];
	[tilespmem:s28+$0x0] =	vst v1;
	s29 =	sadd.s32 $0x80, s29;
	s28 =	smov.u32 s31  }
0x149: {  	s30 =	sadd.s32 $0x8, s30;
	v1 =	vld [tilespmem:s29+$0xFFFFFF90]  }
0x14a: {  	p0 =	slt.u32 s30, $0x78;
	_ =	sdelay $0x3  }
0x14b: {  	v1 =	vmul.f32 v1, v2;
	_ =	sdelay $0x1  }
0x14c: {  	[tilespmem:s31+$0xFFFFFF90] =	vst v1;
	v1 =	vld [tilespmem:s31+$0xFFFFFFA0]  }
0x14d: {  	v2 =	vld [tilespmem:s29+$0xFFFFFFA0];
	_ =	sdelay $0x4  }
0x14e: {  	v1 =	vmul.f32 v2, v1;
	_ =	sdelay $0x1  }
0x14f: {  	[tilespmem:s31+$0xFFFFFFA0] =	vst v1;
	v1 =	vld [tilespmem:s31+$0xFFFFFFB0]  }
0x150: {  	v2 =	vld [tilespmem:s29+$0xFFFFFFB0];
	_ =	sdelay $0x4  }
0x151: {  	v1 =	vmul.f32 v2, v1;
	_ =	sdelay $0x1  }
0x152: {  	[tilespmem:s31+$0xFFFFFFB0] =	vst v1;
	v1 =	vld [tilespmem:s31+$0xFFFFFFC0]  }
0x153: {  	v2 =	vld [tilespmem:s29+$0xFFFFFFC0];
	_ =	sdelay $0x4  }
0x154: {  	v1 =	vmul.f32 v2, v1;
	_ =	sdelay $0x1  }
0x155: {  	[tilespmem:s31+$0xFFFFFFC0] =	vst v1;
	v1 =	vld [tilespmem:s31+$0xFFFFFFD0]  }
0x156: {  	v2 =	vld [tilespmem:s29+$0xFFFFFFD0];
	_ =	sdelay $0x4  }
0x157: {  	v1 =	vmul.f32 v2, v1;
	_ =	sdelay $0x1  }
0x158: {  	[tilespmem:s31+$0xFFFFFFD0] =	vst v1;
	v1 =	vld [tilespmem:s31+$0xFFFFFFE0]  }
0x159: {  	v2 =	vld [tilespmem:s29+$0xFFFFFFE0];
	_ =	sdelay $0x4  }
0x15a: {  	v1 =	vmul.f32 v2, v1;
	_ =	sdelay $0x1  }
0x15b: {  	[tilespmem:s31+$0xFFFFFFE0] =	vst v1;
	v1 =	vld [tilespmem:s31+$0xFFFFFFF0]  }
0x15c: {  	v2 =	vld [tilespmem:s29+$0xFFFFFFF0];
	_ =	sdelay $0x4  }
0x15d: {  	v1 =	vmul.f32 v2, v1;
	_ =	sdelay $0x1  }
0x15e: {  	[tilespmem:s31+$0xFFFFFFF0] =	vst v1;
	v1 =	vld [tilespmem:s31+$0x0]  }
0x15f: {  	v2 =	vld [tilespmem:s29+$0x0];
	_ =	sdelay $0x1  }
.Ltmp4:
0x160: {  	(pc) =	sbr.rel @p0 .LBB2_11-.Ltmp4, $3  }
0x161: {  	_ =	sdelay $0x1  }
0x162: {  	v1 =	vmul.f32 v2, v1  }
0x163: {  	s31 =	sadd.s32 $0x80, s31  }
0x164: {  	[tilespmem:s28+$0x0] =	vst v1  }
0x165: {  	[spmem:s14] =	stream.indirect.scatter.add.f32 [tilespmem:s16], [sflag:$0x2], $0x10, s23, s9, $0xb8;
	[tilespmem:$0x1D400] =	vst v63  }
0x166: {  	_ =	swait.ge [sflag:s24], $0x800  }
0x167: {  	[sflag:s24] =	ssyncset.done $0x0  }
0x168: {  	[sflag:s24] =	ssyncadd.s32 $0xFFFFF800  }
0x169: {  	_ =	swait.ge [sflag:s24], $0x800  }
0x16a: {  	[sflag:s24] =	ssyncset.done $0x0  }
0x16b: {  	s26 =	sadd.s32 $0x1, s26;
	[sflag:s24] =	ssyncadd.s32 $0xFFFFF800  }
0x16c: {  	p0 =	sne.s32 s26, $0xC4;
	_ =	swait.ge [sflag:s24], $0x800  }
.Ltmp5:
0x16d: {  	[sflag:s24] =	ssyncset.done $0x0;
	(pc) =	sbr.rel @p0 .LBB2_4-.Ltmp5, $4  }
0x16e: {  	[sflag:s24] =	ssyncadd.s32 $0xFFFFF800  }
0x16f: {  	_ =	swait.ge [sflag:s24], $0x800  }
0x170: {  	[sflag:s24] =	ssyncset.done $0x0  }
0x171: {  	[sflag:s24] =	ssyncadd.s32 $0xFFFFF800  }
0x172: {  	[bflag:$0x0] =	sbarrier.arrive $0xFFFF  }
0x173: {  	[tilespmem:s5], [sflag:$0x3] =	stream.linear.gather [spmem:s13], $0x2000, $0x38;
	[tilespmem:$0x1D400] =	vst v63  }
0x174: {  	_ =	swait.ge [sflag:s6], $0x2000  }
0x175: {  	[sflag:s6] =	ssyncset.done $0x0  }
0x176: {  	s26 =	rddreg [dreg:$0x3];
	[sflag:s6] =	ssyncadd.s32 $0xFFFFE000  }
0x177: {  	[hbm4b:s26+s1] =	stream.linear.scatter [tilespmem:s5], [sflag:$0x3], $0x2000, $0x38;
	[tilespmem:$0x1D400] =	vst v63  }
0x178: {  	_ =	swait.ge [sflag:s6], $0x2000  }
0x179: {  	[sflag:s6] =	ssyncset.done $0x0  }
0x17a: {  	[sflag:s6] =	ssyncadd.s32 $0xFFFFE000  }
0x17b: {  	[tilespmem:s5], [sflag:$0x3] =	stream.linear.gather [spmem:s0], $0x2000, $0x38;
	[tilespmem:$0x1D400] =	vst v63  }
0x17c: {  	_ =	swait.ge [sflag:s6], $0x2000  }
0x17d: {  	[sflag:s6] =	ssyncset.done $0x0  }
0x17e: {  	s30 =	smov.u32 s0;
	s0 =	rddreg [dreg:$0x4];
	[sflag:s6] =	ssyncadd.s32 $0xFFFFE000  }
0x17f: {  	[hbm4b:s0+s1] =	stream.linear.scatter [tilespmem:s5], [sflag:$0x3], $0x2000, $0x38;
	[tilespmem:$0x1D400] =	vst v63  }
0x180: {  	_ =	swait.ge [sflag:s6], $0x2000  }
0x181: {  	[sflag:s6] =	ssyncset.done $0x0  }
0x182: {  	[sflag:s6] =	ssyncadd.s32 $0xFFFFE000  }
0x183: {  	[tilespmem:s5], [sflag:$0x3] =	stream.linear.gather [spmem:s2], $0x2000, $0x38;
	[tilespmem:$0x1D400] =	vst v63  }
0x184: {  	_ =	swait.ge [sflag:s6], $0x2000  }
0x185: {  	[sflag:s6] =	ssyncset.done $0x0  }
0x186: {  	s29 =	smov.u32 s13;
	s13 =	rddreg [dreg:$0x5];
	[sflag:s6] =	ssyncadd.s32 $0xFFFFE000  }
0x187: {  	[hbm4b:s13+s1] =	stream.linear.scatter [tilespmem:s5], [sflag:$0x3], $0x2000, $0x38;
	[tilespmem:$0x1D400] =	vst v63  }
0x188: {  	_ =	swait.ge [sflag:s6], $0x2000  }
0x189: {  	[sflag:s6] =	ssyncset.done $0x0  }
0x18a: {  	s28 =	rddreg [dreg:$0x10];
	[sflag:s6] =	ssyncadd.s32 $0xFFFFE000  }
0x18b: {  	[tilespmem:s5], [sflag:$0x3] =	stream.linear.gather [spmem:s28], $0x2000, $0x38;
	[tilespmem:$0x1D400] =	vst v63  }
0x18c: {  	_ =	swait.ge [sflag:s6], $0x2000  }
0x18d: {  	[sflag:s6] =	ssyncset.done $0x0  }
0x18e: {  	s0 =	rddreg [dreg:$0x6];
	[sflag:s6] =	ssyncadd.s32 $0xFFFFE000  }
0x18f: {  	[hbm4b:s0+s1] =	stream.linear.scatter [tilespmem:s5], [sflag:$0x3], $0x2000, $0x38;
	[tilespmem:$0x1D400] =	vst v63  }
0x190: {  	_ =	swait.ge [sflag:s6], $0x2000  }
0x191: {  	[sflag:s6] =	ssyncset.done $0x0  }
0x192: {  	s31 =	smov.u32 s2;
	s2 =	rddreg [dreg:$0x11];
	[sflag:s6] =	ssyncadd.s32 $0xFFFFE000  }
0x193: {  	[tilespmem:s5], [sflag:$0x3] =	stream.linear.gather [spmem:s2], $0x2000, $0x38;
	[tilespmem:$0x1D400] =	vst v63  }
0x194: {  	_ =	swait.ge [sflag:s6], $0x2000  }
0x195: {  	[sflag:s6] =	ssyncset.done $0x0  }
0x196: {  	s13 =	rddreg [dreg:$0x7];
	[sflag:s6] =	ssyncadd.s32 $0xFFFFE000  }
0x197: {  	[hbm4b:s13+s1] =	stream.linear.scatter [tilespmem:s5], [sflag:$0x3], $0x2000, $0x38;
	[tilespmem:$0x1D400] =	vst v63  }
0x198: {  	_ =	swait.ge [sflag:s6], $0x2000  }
0x199: {  	[sflag:s6] =	ssyncset.done $0x0  }
0x19a: {  	s28 =	rddreg [dreg:$0x12];
	[sflag:s6] =	ssyncadd.s32 $0xFFFFE000  }
0x19b: {  	[tilespmem:s5], [sflag:$0x3] =	stream.linear.gather [spmem:s28], $0x2000, $0x38;
	[tilespmem:$0x1D400] =	vst v63  }
0x19c: {  	_ =	swait.ge [sflag:s6], $0x2000  }
0x19d: {  	[sflag:s6] =	ssyncset.done $0x0  }
0x19e: {  	s0 =	rddreg [dreg:$0x8];
	[sflag:s6] =	ssyncadd.s32 $0xFFFFE000  }
0x19f: {  	[hbm4b:s0+s1] =	stream.linear.scatter [tilespmem:s5], [sflag:$0x3], $0x2000, $0x38;
	[tilespmem:$0x1D400] =	vst v63  }
0x1a0: {  	_ =	swait.ge [sflag:s6], $0x2000  }
0x1a1: {  	[sflag:s6] =	ssyncset.done $0x0  }
0x1a2: {  	s2 =	rddreg [dreg:$0x13];
	[sflag:s6] =	ssyncadd.s32 $0xFFFFE000  }
0x1a3: {  	[tilespmem:s5], [sflag:$0x3] =	stream.linear.gather [spmem:s2], $0x2000, $0x38;
	[tilespmem:$0x1D400] =	vst v63  }
0x1a4: {  	_ =	swait.ge [sflag:s6], $0x2000  }
0x1a5: {  	[sflag:s6] =	ssyncset.done $0x0  }
0x1a6: {  	s13 =	rddreg [dreg:$0x9];
	[sflag:s6] =	ssyncadd.s32 $0xFFFFE000  }
0x1a7: {  	[hbm4b:s13+s1] =	stream.linear.scatter [tilespmem:s5], [sflag:$0x3], $0x2000, $0x38;
	[tilespmem:$0x1D400] =	vst v63  }
0x1a8: {  	_ =	swait.ge [sflag:s6], $0x2000  }
0x1a9: {  	[sflag:s6] =	ssyncset.done $0x0  }
0x1aa: {  	s28 =	rddreg [dreg:$0x14];
	[sflag:s6] =	ssyncadd.s32 $0xFFFFE000  }
0x1ab: {  	[tilespmem:s5], [sflag:$0x3] =	stream.linear.gather [spmem:s28], $0x2000, $0x38;
	[tilespmem:$0x1D400] =	vst v63  }
0x1ac: {  	_ =	swait.ge [sflag:s6], $0x2000  }
0x1ad: {  	[sflag:s6] =	ssyncset.done $0x0  }
0x1ae: {  	s0 =	rddreg [dreg:$0xa];
	[sflag:s6] =	ssyncadd.s32 $0xFFFFE000  }
0x1af: {  	[hbm4b:s0+s1] =	stream.linear.scatter [tilespmem:s5], [sflag:$0x3], $0x2000, $0x38;
	[tilespmem:$0x1D400] =	vst v63  }
0x1b0: {  	_ =	swait.ge [sflag:s6], $0x2000  }
0x1b1: {  	[sflag:s6] =	ssyncset.done $0x0  }
0x1b2: {  	s2 =	rddreg [dreg:$0x15];
	[sflag:s6] =	ssyncadd.s32 $0xFFFFE000  }
0x1b3: {  	[tilespmem:s5], [sflag:$0x3] =	stream.linear.gather [spmem:s2], $0x2000, $0x38;
	[tilespmem:$0x1D400] =	vst v63  }
0x1b4: {  	_ =	swait.ge [sflag:s6], $0x2000  }
0x1b5: {  	[sflag:s6] =	ssyncset.done $0x0  }
0x1b6: {  	s13 =	rddreg [dreg:$0xb];
	[sflag:s6] =	ssyncadd.s32 $0xFFFFE000  }
0x1b7: {  	[hbm4b:s13+s1] =	stream.linear.scatter [tilespmem:s5], [sflag:$0x3], $0x2000, $0x38;
	[tilespmem:$0x1D400] =	vst v63  }
0x1b8: {  	_ =	swait.ge [sflag:s6], $0x2000  }
0x1b9: {  	[sflag:s6] =	ssyncset.done $0x0  }
0x1ba: {  	s28 =	rddreg [dreg:$0x16];
	[sflag:s6] =	ssyncadd.s32 $0xFFFFE000  }
0x1bb: {  	[tilespmem:s5], [sflag:$0x3] =	stream.linear.gather [spmem:s28], $0x2000, $0x38;
	[tilespmem:$0x1D400] =	vst v63  }
0x1bc: {  	_ =	swait.ge [sflag:s6], $0x2000  }
0x1bd: {  	[sflag:s6] =	ssyncset.done $0x0  }
0x1be: {  	s0 =	rddreg [dreg:$0xc];
	[sflag:s6] =	ssyncadd.s32 $0xFFFFE000  }
0x1bf: {  	[hbm4b:s0+s1] =	stream.linear.scatter [tilespmem:s5], [sflag:$0x3], $0x2000, $0x38;
	[tilespmem:$0x1D400] =	vst v63  }
0x1c0: {  	_ =	swait.ge [sflag:s6], $0x2000  }
0x1c1: {  	[sflag:s6] =	ssyncset.done $0x0  }
0x1c2: {  	s2 =	rddreg [dreg:$0x17];
	[sflag:s6] =	ssyncadd.s32 $0xFFFFE000  }
0x1c3: {  	[tilespmem:s5], [sflag:$0x3] =	stream.linear.gather [spmem:s2], $0x2000, $0x38;
	[tilespmem:$0x1D400] =	vst v63  }
0x1c4: {  	_ =	swait.ge [sflag:s6], $0x2000  }
0x1c5: {  	[sflag:s6] =	ssyncset.done $0x0  }
0x1c6: {  	s13 =	rddreg [dreg:$0xd];
	[sflag:s6] =	ssyncadd.s32 $0xFFFFE000  }
0x1c7: {  	[hbm4b:s13+s1] =	stream.linear.scatter [tilespmem:s5], [sflag:$0x3], $0x2000, $0x38;
	[tilespmem:$0x1D400] =	vst v63  }
0x1c8: {  	_ =	swait.ge [sflag:s6], $0x2000  }
0x1c9: {  	[sflag:s6] =	ssyncset.done $0x0  }
0x1ca: {  	s28 =	rddreg [dreg:$0x18];
	[sflag:s6] =	ssyncadd.s32 $0xFFFFE000  }
0x1cb: {  	[tilespmem:s5], [sflag:$0x3] =	stream.linear.gather [spmem:s28], $0x2000, $0x38;
	[tilespmem:$0x1D400] =	vst v63  }
0x1cc: {  	_ =	swait.ge [sflag:s6], $0x2000  }
0x1cd: {  	[sflag:s6] =	ssyncset.done $0x0  }
0x1ce: {  	s0 =	rddreg [dreg:$0xe];
	[sflag:s6] =	ssyncadd.s32 $0xFFFFE000  }
0x1cf: {  	[hbm4b:s0+s1] =	stream.linear.scatter [tilespmem:s5], [sflag:$0x3], $0x2000, $0x38;
	[tilespmem:$0x1D400] =	vst v63  }
0x1d0: {  	_ =	swait.ge [sflag:s6], $0x2000  }
0x1d1: {  	[sflag:s6] =	ssyncset.done $0x0  }
0x1d2: {  	s2 =	rddreg [dreg:$0x19];
	[sflag:s6] =	ssyncadd.s32 $0xFFFFE000  }
0x1d3: {  	[tilespmem:s5], [sflag:$0x3] =	stream.linear.gather [spmem:s2], $0x1000, $0x38;
	[tilespmem:$0x1D400] =	vst v63  }
0x1d4: {  	_ =	swait.ge [sflag:s6], $0x1000  }
0x1d5: {  	[sflag:s6] =	ssyncset.done $0x0  }
0x1d6: {  	s13 =	rddreg [dreg:$0xf];
	[sflag:s6] =	ssyncadd.s32 $0xFFFFF000  }
0x1d7: {  	[hbm4b:s13+s1] =	stream.linear.scatter [tilespmem:s5], [sflag:$0x3], $0x1000, $0x38;
	[tilespmem:$0x1D400] =	vst v63  }
0x1d8: {  	_ =	swait.ge [sflag:s6], $0x1000  }
0x1d9: {  	s25 =	sadd.s32 $0x1, s25;
	s28 =	rddreg [dreg:$0x1a]  }
0x1da: {  	p0 =	sne.s32 s25, s28  }
.Ltmp6:
0x1db: {  	_ = 	snop;
	(pc) =	sbr.rel @p0 .LBB2_1-.Ltmp6, $3  }
0x1dc: {  	_ =	sdelay $0x1  }
0x1dd: {  	[sflag:s6] =	ssyncset.done $0x0  }
0x1de: {  	[sflag:s6] =	ssyncadd.s32 $0xFFFFF000  }
0x1df: {  	_ =	sfence.sel $0x180000  }
0x1e0: {  	[bflag:$0x0] =	sbarrier.arrive $0xFFFF  }
0x1e1: {  	_ =	strace $0x9000004A  }
0x1e2: {  	s0 =	stileid.u32;
	[bflag:$0x2] =	sbarrier.arrive $0xFFFF  }
0x1e3: {  	p0 =	sne.s32 s0, $0x0;
	s0 =	rddreg [dreg:$0x2]  }
0x1e4: {  	s0 =	sadd.s32 @!p0 $0x100000, s0  }
0x1e5: {  	[sflag:s0] =	ssyncadd.tile.s32 @!p0 $0x1;
	_ =	shalt  }
.Lfunc_end2:
_tile_overlayer_lowered:
.L_overlay_start_2:
0x1e6: {  	(tag) =	ssettag $0x2  }
0x1e7: {  	s0 =	rddreg [dreg:$0x0];
	s2 =	stileid.u32  }
0x1e8: {  	s1 =	rddreg [dreg:$0x1];
	p0 =	sne.s32 s2, $0x0  }
0x1e9: {  	s3 =	rddreg [dreg:$0x2];
	[bflag:$0x3] =	sbarrier.arrive $0xFFFF;
	s2 =	simm.s32 @!p0 $0x1C03  }
0x1ea: {  	[timem:s3], [sflag:s2] =	dma.local @!p0 [hbm:s0], s1  }
0x1eb: {  	s0 =	simm.s32 @!p0 $0x3  }
0x1ec: {  	_ =	swait.ge @!p0 [sflag:s0], s1  }
0x1ed: {  	s1 =	ssub.s32 @!p0 $0x0, s1;
	[sflag:s0] =	ssyncset.done @!p0 $0x0  }
0x1ee: {  	[sflag:s0] =	ssyncadd.s32 @!p0 s1  }
0x1ef: {  	[bflag:$0x3] =	sbarrier.arrive $0xFFFF  }
0x1f0: {  	_ =	shalt  }

</sc_bundles>
